<compile_context>
chip_gen: v7x
topology: tpu7x:2x2x1
jax: 0.10.2.dev20260603
libtpu: 0.0.44.dev20260713+nightly
codegen_flags: <defaults>
</compile_context>

<pallas_src>
import functools

import jax
import jax.numpy as jnp
from jax import lax
from jax.experimental import pallas as pl
from jax.experimental.pallas import tpu as pltpu
from jax.experimental.pallas import tpu_sc as plsc

NUM_CORES = 2
NUM_SUBCORES = 16
NUM_WORKERS = NUM_CORES * NUM_SUBCORES
LANES = 16


@functools.lru_cache(maxsize=None)
def _build_gather(batch, seq, embed_dim):
    assert embed_dim % 8 == 0 and batch % 128 == 0
    n_et = embed_dim // 8
    n_bt = batch // 128
    assert batch % NUM_WORKERS == 0
    bpw = batch // NUM_WORKERS
    assert bpw % 128 == 0
    tb_per_w = bpw // 128
    assert seq % 2 == 0

    mesh = plsc.VectorSubcoreMesh(
        core_axis_name="c",
        subcore_axis_name="s",
        num_cores=NUM_CORES,
        num_subcores=NUM_SUBCORES,
    )

    @functools.partial(
        pl.kernel,
        out_type=jax.ShapeDtypeStruct((seq, n_et, n_bt * 8, 128), jnp.float32),
        mesh=mesh,
        compiler_params=pltpu.CompilerParams(
            use_tc_tiling_on_sc=False, needs_layout_passes=False
        ),
        scratch_types=[
            pltpu.VMEM((bpw, embed_dim), jnp.float32),
            pltpu.VMEM((bpw, embed_dim), jnp.float32),
            pltpu.VMEM((2 * tb_per_w * 8, 128), jnp.float32),
            pltpu.VMEM((2 * tb_per_w * 8, 128), jnp.float32),
            pltpu.VMEM((bpw,), jnp.int32),
            pltpu.VMEM((bpw,), jnp.int32),
            pltpu.SemaphoreType.DMA,
            pltpu.SemaphoreType.DMA,
            pltpu.SemaphoreType.DMA,
            pltpu.SemaphoreType.DMA,
            pltpu.SemaphoreType.DMA,
            pltpu.SemaphoreType.DMA,
        ],
    )
    def gather_kernel(
        table_hbm, capt_hbm, out_hbm,
        rows0, rows1, tbuf0, tbuf1, idx0, idx1,
        g0, g1, i0, i1, w0, w1,
    ):
        wid = lax.axis_index("s") * NUM_CORES + lax.axis_index("c")
        b0 = wid * bpw
        tb0 = wid * tb_per_w
        rows = (rows0, rows1)
        idxs = (idx0, idx1)
        gsem = (g0, g1)
        isem = (i0, i1)
        iota = lax.iota(jnp.int32, LANES)

        def idx_slice(s):
            return capt_hbm.at[pl.ds(s * batch + b0, bpw)]

        def start_idx(s, b):
            pltpu.async_copy(idx_slice(s), idxs[b], isem[b])

        def wait_idx(s, b):
            pltpu.make_async_copy(idx_slice(s), idxs[b], isem[b]).wait()

        def start_gather(b):
            pltpu.async_copy(table_hbm.at[idxs[b]], rows[b], gsem[b])

        def wait_gather(b):
            pltpu.make_async_copy(table_hbm.at[idxs[b]], rows[b], gsem[b]).wait()

        tbufs = (tbuf0, tbuf1)
        wsems = (w0, w1)

        def transpose_eb(b, eb, p):
            src = rows[b]
            c0 = eb * LANES

            @pl.loop(0, LANES)
            def _(d):
                eg = ((iota + d) & (LANES - 1)) + c0
                rv0 = (((eg >> 3) & 1) * (tb_per_w * 8)) + (eg & 7)
                rvs = [rv0 + tb * 8 for tb in range(tb_per_w)]
                for bg in range(128 // LANES):
                    bv = iota + (bg * LANES)
                    for tb in range(tb_per_w):
                        rowv = bv + tb * 128
                        vals = plsc.load_gather(src, [rowv, eg])
                        plsc.store_scatter(tbufs[p], [rvs[tb], bv], vals)

        def start_writes(s, eb, p):
            for tl in range(2):
                pltpu.async_copy(
                    tbufs[p].at[pl.ds(tl * tb_per_w * 8, tb_per_w * 8)],
                    out_hbm.at[s, 2 * eb + tl, pl.ds(tb0 * 8, tb_per_w * 8)],
                    wsems[p],
                )

        def wait_writes(s, eb, p):
            for tl in range(2):
                pltpu.make_async_copy(
                    tbufs[p].at[pl.ds(tl * tb_per_w * 8, tb_per_w * 8)],
                    out_hbm.at[s, 2 * eb + tl, pl.ds(tb0 * 8, tb_per_w * 8)],
                    wsems[p],
                ).wait()

        start_idx(0, 0)
        start_idx(1, 1)
        wait_idx(0, 0)
        start_gather(0)
        wait_idx(1, 1)
        start_gather(1)

        n_eb = embed_dim // LANES

        def step(s, b):
            wait_gather(b)

            @pl.when(s + 2 < seq)
            def _():
                start_idx(s + 2, b)

            for eb in range(n_eb):
                p = eb % 2
                if eb < 2:
                    @pl.when(s >= 1)
                    def _(eb=eb, p=p):
                        wait_writes(s - 1, eb + 2, p)

                else:
                    wait_writes(s, eb - 2, p)
                transpose_eb(b, eb, p)
                start_writes(s, eb, p)

            @pl.when(s + 2 < seq)
            def _():
                wait_idx(s + 2, b)
                start_gather(b)

        @pl.loop(0, seq, step=2)
        def _(s):
            step(s, 0)
            step(s + 1, 1)

        wait_writes(seq - 1, n_eb - 2, 0)
        wait_writes(seq - 1, n_eb - 1, 1)

    return gather_kernel


def kernel(vis_feat, captions, lengths, table):
    batch, seq = captions.shape
    embed_dim = table.shape[1]
    capt = captions.T.reshape(-1)
    gather = _build_gather(batch, seq, embed_dim)
    out4d = gather(table, capt)
    out5d = out4d.reshape(seq, embed_dim // 8, batch // 128, 8, 128)
    return (
        out5d.transpose(2, 4, 0, 1, 3)
        .reshape(batch, seq, embed_dim // 8, 8)
        .reshape(batch, seq, embed_dim)
    )

# --- scband reference (transcript-rebuilt; emitter-appended) ---
"""Pipeline reference for scband-decoder-91242285236727 (READ-ONLY COPY).

The authoritative reference and input builder live on the scoring server;
editing this copy changes nothing except your own understanding.
"""

import jax, jax.numpy as jnp
import numpy as np

VOCAB = 1000000
EMBED_DIM = 64
HIDDEN_DIM = 512
BATCH = 16384
SEQ = 50

def setup_inputs(seed: int = 0) -> dict:
    key = jax.random.key(seed)
    k1, k2, k3, k4 = jax.random.split(key, 4)
    vis_feat = jax.random.normal(k1, (BATCH, HIDDEN_DIM), dtype=jnp.float32)
    captions = jax.random.randint(k2, (BATCH, SEQ), 0, VOCAB, dtype=jnp.int32)
    lengths = jax.random.randint(k3, (BATCH,), 0, SEQ, dtype=jnp.int32)
    table = jax.random.normal(k4, (VOCAB, EMBED_DIM), dtype=jnp.float32) * 0.02
    return {"vis_feat": vis_feat, "captions": captions, "lengths": lengths, "table": table}

def reference(vis_feat, captions, lengths, table):
    # emb = self.embedding(captions)
    emb = jnp.take(table, captions, axis=0)
    # The original module returns a placeholder constant (out = 1); we return the
    # embedding lookup result, which is the only real computation performed.
    return emb

if __name__ == "__main__":
    import jax
    _d = setup_inputs()
    print(jax.jit(kernel)(*tuple(_d.values())))

</pallas_src>

<mosaic_0001>
#map = affine_map<(d0, d1) -> (0, 0)>
#map1 = affine_map<(d0, d1) -> (0)>
#map2 = affine_map<(d0, d1) -> (0, 0, 0, 0)>
module attributes {stable_mosaic.version = 14 : i64} {
  func.func @gather_kernel(%arg0: i32, %arg1: i32, %arg2: memref<1000000x64xf32, #tpu.memory_space<hbm>>, %arg3: memref<819200xi32, #tpu.memory_space<hbm>>, %arg4: memref<50x8x1024x128xf32, #tpu.memory_space<hbm>>, %arg5: memref<512x64xf32, #tpu.memory_space<vmem>>, %arg6: memref<512x64xf32, #tpu.memory_space<vmem>>, %arg7: memref<64x128xf32, #tpu.memory_space<vmem>>, %arg8: memref<64x128xf32, #tpu.memory_space<vmem>>, %arg9: memref<512xi32, #tpu.memory_space<vmem>>, %arg10: memref<512xi32, #tpu.memory_space<vmem>>, %arg11: memref<!tpu.dma_semaphore, #tpu.memory_space<semaphore_mem>>, %arg12: memref<!tpu.dma_semaphore, #tpu.memory_space<semaphore_mem>>, %arg13: memref<!tpu.dma_semaphore, #tpu.memory_space<semaphore_mem>>, %arg14: memref<!tpu.dma_semaphore, #tpu.memory_space<semaphore_mem>>, %arg15: memref<!tpu.dma_semaphore, #tpu.memory_space<semaphore_mem>>, %arg16: memref<!tpu.dma_semaphore, #tpu.memory_space<semaphore_mem>>) attributes {dimension_semantics = [#tpu.dimension_semantics<core_parallel>, #tpu.dimension_semantics<subcore_parallel>], iteration_bounds = array<i64: 2, 16>, scalar_prefetch = 0 : i64, scratch_operands = 12 : i64, tpu.core_type = #tpu.core_type<sc_vector_subcore>, window_params = [{transform_indices = #map}, {transform_indices = #map1}, {transform_indices = #map2}]} {
    %mul3A = arith.constant 2 : i32
    %mul3A_0 = arith.muli %arg1, %mul3A : i32
    %add3A = arith.addi %mul3A_0, %arg0 : i32
    %mul3A_1 = arith.constant 512 : i32
    %mul3A_2 = arith.muli %add3A, %mul3A_1 : i32
    %mul3A_3 = arith.constant 4 : i32
    %mul3A_4 = arith.muli %add3A, %mul3A_3 : i32
    %iota3A = tpu.iota {dimensions = array<i32: 0>} : vector<16xi32>
    %add3A_5 = arith.constant 0 : i32
    %add3A_6 = arith.addi %add3A_5, %mul3A_2 : i32
    %dma_start3A = tpu.memref_slice %arg3[%add3A_6] : memref<819200xi32, #tpu.memory_space<hbm>> -> memref<512xi32, #tpu.memory_space<hbm>>
    %dma_start3A_7 = tpu.memref_slice %arg3[%add3A_6] : memref<819200xi32, #tpu.memory_space<hbm>> -> memref<512xi32, #tpu.memory_space<hbm>>
    tpu.enqueue_dma source(%dma_start3A_7 : memref<512xi32, #tpu.memory_space<hbm>>) target(%arg9 : memref<512xi32, #tpu.memory_space<vmem>>) target_semaphore(%arg13 : memref<!tpu.dma_semaphore, #tpu.memory_space<semaphore_mem>>)
    %add3A_8 = arith.constant 16384 : i32
    %add3A_9 = arith.addi %add3A_8, %mul3A_2 : i32
    %dma_start3A_10 = tpu.memref_slice %arg3[%add3A_9] : memref<819200xi32, #tpu.memory_space<hbm>> -> memref<512xi32, #tpu.memory_space<hbm>>
    %dma_start3A_11 = tpu.memref_slice %arg3[%add3A_9] : memref<819200xi32, #tpu.memory_space<hbm>> -> memref<512xi32, #tpu.memory_space<hbm>>
    tpu.enqueue_dma source(%dma_start3A_11 : memref<512xi32, #tpu.memory_space<hbm>>) target(%arg10 : memref<512xi32, #tpu.memory_space<vmem>>) target_semaphore(%arg14 : memref<!tpu.dma_semaphore, #tpu.memory_space<semaphore_mem>>)
    %add3A_12 = arith.constant 0 : i32
    %add3A_13 = arith.addi %add3A_12, %mul3A_2 : i32
    %dma_wait3A = tpu.memref_slice %arg3[%add3A_13] : memref<819200xi32, #tpu.memory_space<hbm>> -> memref<512xi32, #tpu.memory_space<hbm>>
    %dma_wait3A_14 = tpu.memref_slice %arg3[%add3A_13] : memref<819200xi32, #tpu.memory_space<hbm>> -> memref<512xi32, #tpu.memory_space<hbm>>
    tpu.wait_dma2 semaphore(%arg13 : memref<!tpu.dma_semaphore, #tpu.memory_space<semaphore_mem>>) src(%dma_wait3A_14 : memref<512xi32, #tpu.memory_space<hbm>>) dst(%arg9 : memref<512xi32, #tpu.memory_space<vmem>>)
    %dma_start3A_15 = arith.constant 0 : i32
    %dma_start3A_16 = arith.constant 0 : i32
    %dma_start3A_17 = tpu.memref_slice %arg2[%dma_start3A_15, %dma_start3A_16] : memref<1000000x64xf32, #tpu.memory_space<hbm>> -> memref<1000000x64xf32, #tpu.memory_space<hbm>>
    tpu.enqueue_indirect_dma source(%dma_start3A_17 : memref<1000000x64xf32, #tpu.memory_space<hbm>>) target(%arg5 : memref<512x64xf32, #tpu.memory_space<vmem>>) offsets(%arg9 : memref<512xi32, #tpu.memory_space<vmem>>) semaphore(%arg11 : memref<!tpu.dma_semaphore, #tpu.memory_space<semaphore_mem>>)
    %add3A_18 = arith.constant 16384 : i32
    %add3A_19 = arith.addi %add3A_18, %mul3A_2 : i32
    %dma_wait3A_20 = tpu.memref_slice %arg3[%add3A_19] : memref<819200xi32, #tpu.memory_space<hbm>> -> memref<512xi32, #tpu.memory_space<hbm>>
    %dma_wait3A_21 = tpu.memref_slice %arg3[%add3A_19] : memref<819200xi32, #tpu.memory_space<hbm>> -> memref<512xi32, #tpu.memory_space<hbm>>
    tpu.wait_dma2 semaphore(%arg14 : memref<!tpu.dma_semaphore, #tpu.memory_space<semaphore_mem>>) src(%dma_wait3A_21 : memref<512xi32, #tpu.memory_space<hbm>>) dst(%arg10 : memref<512xi32, #tpu.memory_space<vmem>>)
    %dma_start3A_22 = arith.constant 0 : i32
    %dma_start3A_23 = arith.constant 0 : i32
    %dma_start3A_24 = tpu.memref_slice %arg2[%dma_start3A_22, %dma_start3A_23] : memref<1000000x64xf32, #tpu.memory_space<hbm>> -> memref<1000000x64xf32, #tpu.memory_space<hbm>>
    tpu.enqueue_indirect_dma source(%dma_start3A_24 : memref<1000000x64xf32, #tpu.memory_space<hbm>>) target(%arg6 : memref<512x64xf32, #tpu.memory_space<vmem>>) offsets(%arg10 : memref<512xi32, #tpu.memory_space<vmem>>) semaphore(%arg12 : memref<!tpu.dma_semaphore, #tpu.memory_space<semaphore_mem>>)
    %scan3A = arith.constant 0 : i32
    %scan3A_25 = arith.constant 25 : i32
    %scan3A_26 = arith.addi %scan3A, %scan3A_25 : i32
    %scan3A_27 = arith.constant 1 : i32
    scf.for %scan3A_93 = %scan3A to %scan3A_26 step %scan3A_27  : i32 {
      %mul3A_94 = arith.constant 2 : i32
      %mul3A_95 = arith.muli %scan3A_93, %mul3A_94 : i32
      %add3A_96 = arith.constant 0 : i32
      %add3A_97 = arith.addi %add3A_96, %mul3A_95 : i32
      %dma_wait3A_98 = arith.constant 0 : i32
      %dma_wait3A_99 = arith.constant 0 : i32
      %dma_wait3A_100 = tpu.memref_slice %arg2[%dma_wait3A_98, %dma_wait3A_99] : memref<1000000x64xf32, #tpu.memory_space<hbm>> -> memref<1000000x64xf32, #tpu.memory_space<hbm>>
      tpu.wait_indirect_dma semaphore(%arg11 : memref<!tpu.dma_semaphore, #tpu.memory_space<semaphore_mem>>) src(%dma_wait3A_100 : memref<1000000x64xf32, #tpu.memory_space<hbm>>) dst(%arg5 : memref<512x64xf32, #tpu.memory_space<vmem>>)
      %add3A_101 = arith.constant 2 : i32
      %add3A_102 = arith.addi %add3A_97, %add3A_101 : i32
      %lt3A = arith.constant 50 : i32
      %lt3A_103 = arith.cmpi slt, %add3A_102, %lt3A : i32
      %convert_element_type3A = arith.extui %lt3A_103 : i1 to i32
      %cond3A = arith.constant 0 : i32
      %cond3A_104 = arith.cmpi ne, %convert_element_type3A, %cond3A : i32
      scf.if %cond3A_104 {
        %add3A_550 = arith.constant 2 : i32
        %add3A_551 = arith.addi %add3A_97, %add3A_550 : i32
        %mul3A_552 = arith.constant 16384 : i32
        %mul3A_553 = arith.muli %add3A_551, %mul3A_552 : i32
        %add3A_554 = arith.addi %mul3A_553, %mul3A_2 : i32
        %dma_start3A_555 = tpu.memref_slice %arg3[%add3A_554] : memref<819200xi32, #tpu.memory_space<hbm>> -> memref<512xi32, #tpu.memory_space<hbm>>
        %dma_start3A_556 = tpu.memref_slice %arg3[%add3A_554] : memref<819200xi32, #tpu.memory_space<hbm>> -> memref<512xi32, #tpu.memory_space<hbm>>
        tpu.enqueue_dma source(%dma_start3A_556 : memref<512xi32, #tpu.memory_space<hbm>>) target(%arg9 : memref<512xi32, #tpu.memory_space<vmem>>) target_semaphore(%arg13 : memref<!tpu.dma_semaphore, #tpu.memory_space<semaphore_mem>>)
      } else {
      }
      %ge3A = arith.constant 1 : i32
      %ge3A_105 = arith.cmpi sge, %add3A_97, %ge3A : i32
      %convert_element_type3A_106 = arith.extui %ge3A_105 : i1 to i32
      %cond3A_107 = arith.constant 0 : i32
      %cond3A_108 = arith.cmpi ne, %convert_element_type3A_106, %cond3A_107 : i32
      scf.if %cond3A_108 {
        %sub3A = arith.constant 1 : i32
        %sub3A_550 = arith.subi %add3A_97, %sub3A : i32
        %mul3A_551 = arith.constant 8 : i32
        %mul3A_552 = arith.muli %mul3A_4, %mul3A_551 : i32
        %dma_wait3A_553 = arith.constant 4 : i32
        %dma_wait3A_554 = arith.constant 0 : i32
        %dma_wait3A_555 = arith.constant 0 : i32
        %dma_wait3A_556 = tpu.memref_slice %arg7[%dma_wait3A_554, %dma_wait3A_555] : memref<64x128xf32, #tpu.memory_space<vmem>> -> memref<32x128xf32, #tpu.memory_space<vmem>>
        %dma_wait3A_557 = arith.constant 0 : i32
        %dma_wait3A_558 = tpu.memref_slice %arg4[%sub3A_550, %dma_wait3A_553, %mul3A_552, %dma_wait3A_557] : memref<50x8x1024x128xf32, #tpu.memory_space<hbm>> -> memref<1x1x32x128xf32, #tpu.memory_space<hbm>>
        %dma_wait3A_559 = tpu.memref_squeeze %dma_wait3A_558 : memref<1x1x32x128xf32, #tpu.memory_space<hbm>> -> memref<32x128xf32, #tpu.memory_space<hbm>>
        %dma_wait3A_560 = arith.constant 0 : i32
        %dma_wait3A_561 = tpu.memref_slice %arg4[%sub3A_550, %dma_wait3A_553, %mul3A_552, %dma_wait3A_560] : memref<50x8x1024x128xf32, #tpu.memory_space<hbm>> -> memref<1x1x32x128xf32, #tpu.memory_space<hbm>>
        %dma_wait3A_562 = tpu.memref_squeeze %dma_wait3A_561 : memref<1x1x32x128xf32, #tpu.memory_space<hbm>> -> memref<32x128xf32, #tpu.memory_space<hbm>>
        %dma_wait3A_563 = arith.constant 0 : i32
        %dma_wait3A_564 = arith.constant 0 : i32
        %dma_wait3A_565 = tpu.memref_slice %arg7[%dma_wait3A_563, %dma_wait3A_564] : memref<64x128xf32, #tpu.memory_space<vmem>> -> memref<32x128xf32, #tpu.memory_space<vmem>>
        tpu.wait_dma2 semaphore(%arg15 : memref<!tpu.dma_semaphore, #tpu.memory_space<semaphore_mem>>) src(%dma_wait3A_565 : memref<32x128xf32, #tpu.memory_space<vmem>>) dst(%dma_wait3A_562 : memref<32x128xf32, #tpu.memory_space<hbm>>)
        %mul3A_566 = arith.constant 8 : i32
        %mul3A_567 = arith.muli %mul3A_4, %mul3A_566 : i32
        %dma_wait3A_568 = arith.constant 5 : i32
        %dma_wait3A_569 = arith.constant 32 : i32
        %dma_wait3A_570 = arith.constant 0 : i32
        %dma_wait3A_571 = tpu.memref_slice %arg7[%dma_wait3A_569, %dma_wait3A_570] : memref<64x128xf32, #tpu.memory_space<vmem>> -> memref<32x128xf32, #tpu.memory_space<vmem>>
        %dma_wait3A_572 = arith.constant 0 : i32
        %dma_wait3A_573 = tpu.memref_slice %arg4[%sub3A_550, %dma_wait3A_568, %mul3A_567, %dma_wait3A_572] : memref<50x8x1024x128xf32, #tpu.memory_space<hbm>> -> memref<1x1x32x128xf32, #tpu.memory_space<hbm>>
        %dma_wait3A_574 = tpu.memref_squeeze %dma_wait3A_573 : memref<1x1x32x128xf32, #tpu.memory_space<hbm>> -> memref<32x128xf32, #tpu.memory_space<hbm>>
        %dma_wait3A_575 = arith.constant 0 : i32
        %dma_wait3A_576 = tpu.memref_slice %arg4[%sub3A_550, %dma_wait3A_568, %mul3A_567, %dma_wait3A_575] : memref<50x8x1024x128xf32, #tpu.memory_space<hbm>> -> memref<1x1x32x128xf32, #tpu.memory_space<hbm>>
        %dma_wait3A_577 = tpu.memref_squeeze %dma_wait3A_576 : memref<1x1x32x128xf32, #tpu.memory_space<hbm>> -> memref<32x128xf32, #tpu.memory_space<hbm>>
        %dma_wait3A_578 = arith.constant 32 : i32
        %dma_wait3A_579 = arith.constant 0 : i32
        %dma_wait3A_580 = tpu.memref_slice %arg7[%dma_wait3A_578, %dma_wait3A_579] : memref<64x128xf32, #tpu.memory_space<vmem>> -> memref<32x128xf32, #tpu.memory_space<vmem>>
        tpu.wait_dma2 semaphore(%arg15 : memref<!tpu.dma_semaphore, #tpu.memory_space<semaphore_mem>>) src(%dma_wait3A_580 : memref<32x128xf32, #tpu.memory_space<vmem>>) dst(%dma_wait3A_577 : memref<32x128xf32, #tpu.memory_space<hbm>>)
      } else {
      }
      %scan3A_109 = arith.constant 0 : i32
      %scan3A_110 = arith.constant 16 : i32
      %scan3A_111 = arith.addi %scan3A_109, %scan3A_110 : i32
      %scan3A_112 = arith.constant 1 : i32
      scf.for %scan3A_550 = %scan3A_109 to %scan3A_111 step %scan3A_112  : i32 {
        %mul3A_551 = arith.constant 1 : i32
        %mul3A_552 = arith.muli %scan3A_550, %mul3A_551 : i32
        %add3A_553 = arith.constant 0 : i32
        %add3A_554 = arith.addi %add3A_553, %mul3A_552 : i32
        %add3A_555 = vector.broadcast %add3A_554 : i32 to vector<16xi32>
        %add3A_556 = arith.addi %iota3A, %add3A_555 : vector<16xi32>
        %and3A = arith.constant 15 : i32
        %and3A_557 = vector.broadcast %and3A : i32 to vector<16xi32>
        %and3A_558 = arith.andi %add3A_556, %and3A_557 : vector<16xi32>
        %add3A_559 = arith.constant 0 : i32
        %add3A_560 = vector.broadcast %add3A_559 : i32 to vector<16xi32>
        %add3A_561 = arith.addi %and3A_558, %add3A_560 : vector<16xi32>
        %shift_right_arithmetic3A = arith.constant 3 : i32
        %shift_right_arithmetic3A_562 = vector.broadcast %shift_right_arithmetic3A : i32 to vector<16xi32>
        %shift_right_arithmetic3A_563 = arith.shrsi %add3A_561, %shift_right_arithmetic3A_562 : vector<16xi32>
        %and3A_564 = arith.constant 1 : i32
        %and3A_565 = vector.broadcast %and3A_564 : i32 to vector<16xi32>
        %and3A_566 = arith.andi %shift_right_arithmetic3A_563, %and3A_565 : vector<16xi32>
        %mul3A_567 = arith.constant 32 : i32
        %mul3A_568 = vector.broadcast %mul3A_567 : i32 to vector<16xi32>
        %mul3A_569 = arith.muli %and3A_566, %mul3A_568 : vector<16xi32>
        %and3A_570 = arith.constant 7 : i32
        %and3A_571 = vector.broadcast %and3A_570 : i32 to vector<16xi32>
        %and3A_572 = arith.andi %add3A_561, %and3A_571 : vector<16xi32>
        %add3A_573 = arith.addi %mul3A_569, %and3A_572 : vector<16xi32>
        %add3A_574 = arith.constant 0 : i32
        %add3A_575 = vector.broadcast %add3A_574 : i32 to vector<16xi32>
        %add3A_576 = arith.addi %add3A_573, %add3A_575 : vector<16xi32>
        %add3A_577 = arith.constant 8 : i32
        %add3A_578 = vector.broadcast %add3A_577 : i32 to vector<16xi32>
        %add3A_579 = arith.addi %add3A_573, %add3A_578 : vector<16xi32>
        %add3A_580 = arith.constant 16 : i32
        %add3A_581 = vector.broadcast %add3A_580 : i32 to vector<16xi32>
        %add3A_582 = arith.addi %add3A_573, %add3A_581 : vector<16xi32>
        %add3A_583 = arith.constant 24 : i32
        %add3A_584 = vector.broadcast %add3A_583 : i32 to vector<16xi32>
        %add3A_585 = arith.addi %add3A_573, %add3A_584 : vector<16xi32>
        %add3A_586 = arith.constant 0 : i32
        %add3A_587 = vector.broadcast %add3A_586 : i32 to vector<16xi32>
        %add3A_588 = arith.addi %iota3A, %add3A_587 : vector<16xi32>
        %add3A_589 = arith.constant 0 : i32
        %add3A_590 = vector.broadcast %add3A_589 : i32 to vector<16xi32>
        %add3A_591 = arith.addi %add3A_588, %add3A_590 : vector<16xi32>
        %gather3A = tpu.vector_load_idx %arg5[%add3A_591, %add3A_561] : memref<512x64xf32, #tpu.memory_space<vmem>>[vector<16xi32>, vector<16xi32>], vector<16xf32>,
        tpu.vector_store_idx %arg7[%add3A_576, %add3A_588], %gather3A : memref<64x128xf32, #tpu.memory_space<vmem>>[vector<16xi32>, vector<16xi32>], vector<16xf32>,
        %add3A_592 = arith.constant 128 : i32
        %add3A_593 = vector.broadcast %add3A_592 : i32 to vector<16xi32>
        %add3A_594 = arith.addi %add3A_588, %add3A_593 : vector<16xi32>
        %gather3A_595 = tpu.vector_load_idx %arg5[%add3A_594, %add3A_561] : memref<512x64xf32, #tpu.memory_space<vmem>>[vector<16xi32>, vector<16xi32>], vector<16xf32>,
        tpu.vector_store_idx %arg7[%add3A_579, %add3A_588], %gather3A_595 : memref<64x128xf32, #tpu.memory_space<vmem>>[vector<16xi32>, vector<16xi32>], vector<16xf32>,
        %add3A_596 = arith.constant 256 : i32
        %add3A_597 = vector.broadcast %add3A_596 : i32 to vector<16xi32>
        %add3A_598 = arith.addi %add3A_588, %add3A_597 : vector<16xi32>
        %gather3A_599 = tpu.vector_load_idx %arg5[%add3A_598, %add3A_561] : memref<512x64xf32, #tpu.memory_space<vmem>>[vector<16xi32>, vector<16xi32>], vector<16xf32>,
        tpu.vector_store_idx %arg7[%add3A_582, %add3A_588], %gather3A_599 : memref<64x128xf32, #tpu.memory_space<vmem>>[vector<16xi32>, vector<16xi32>], vector<16xf32>,
        %add3A_600 = arith.constant 384 : i32
        %add3A_601 = vector.broadcast %add3A_600 : i32 to vector<16xi32>
        %add3A_602 = arith.addi %add3A_588, %add3A_601 : vector<16xi32>
        %gather3A_603 = tpu.vector_load_idx %arg5[%add3A_602, %add3A_561] : memref<512x64xf32, #tpu.memory_space<vmem>>[vector<16xi32>, vector<16xi32>], vector<16xf32>,
        tpu.vector_store_idx %arg7[%add3A_585, %add3A_588], %gather3A_603 : memref<64x128xf32, #tpu.memory_space<vmem>>[vector<16xi32>, vector<16xi32>], vector<16xf32>,
        %add3A_604 = arith.constant 16 : i32
        %add3A_605 = vector.broadcast %add3A_604 : i32 to vector<16xi32>
        %add3A_606 = arith.addi %iota3A, %add3A_605 : vector<16xi32>
        %add3A_607 = arith.constant 0 : i32
        %add3A_608 = vector.broadcast %add3A_607 : i32 to vector<16xi32>
        %add3A_609 = arith.addi %add3A_606, %add3A_608 : vector<16xi32>
        %gather3A_610 = tpu.vector_load_idx %arg5[%add3A_609, %add3A_561] : memref<512x64xf32, #tpu.memory_space<vmem>>[vector<16xi32>, vector<16xi32>], vector<16xf32>,
        tpu.vector_store_idx %arg7[%add3A_576, %add3A_606], %gather3A_610 : memref<64x128xf32, #tpu.memory_space<vmem>>[vector<16xi32>, vector<16xi32>], vector<16xf32>,
        %add3A_611 = arith.constant 128 : i32
        %add3A_612 = vector.broadcast %add3A_611 : i32 to vector<16xi32>
        %add3A_613 = arith.addi %add3A_606, %add3A_612 : vector<16xi32>
        %gather3A_614 = tpu.vector_load_idx %arg5[%add3A_613, %add3A_561] : memref<512x64xf32, #tpu.memory_space<vmem>>[vector<16xi32>, vector<16xi32>], vector<16xf32>,
        tpu.vector_store_idx %arg7[%add3A_579, %add3A_606], %gather3A_614 : memref<64x128xf32, #tpu.memory_space<vmem>>[vector<16xi32>, vector<16xi32>], vector<16xf32>,
        %add3A_615 = arith.constant 256 : i32
        %add3A_616 = vector.broadcast %add3A_615 : i32 to vector<16xi32>
        %add3A_617 = arith.addi %add3A_606, %add3A_616 : vector<16xi32>
        %gather3A_618 = tpu.vector_load_idx %arg5[%add3A_617, %add3A_561] : memref<512x64xf32, #tpu.memory_space<vmem>>[vector<16xi32>, vector<16xi32>], vector<16xf32>,
        tpu.vector_store_idx %arg7[%add3A_582, %add3A_606], %gather3A_618 : memref<64x128xf32, #tpu.memory_space<vmem>>[vector<16xi32>, vector<16xi32>], vector<16xf32>,
        %add3A_619 = arith.constant 384 : i32
        %add3A_620 = vector.broadcast %add3A_619 : i32 to vector<16xi32>
        %add3A_621 = arith.addi %add3A_606, %add3A_620 : vector<16xi32>
        %gather3A_622 = tpu.vector_load_idx %arg5[%add3A_621, %add3A_561] : memref<512x64xf32, #tpu.memory_space<vmem>>[vector<16xi32>, vector<16xi32>], vector<16xf32>,
        tpu.vector_store_idx %arg7[%add3A_585, %add3A_606], %gather3A_622 : memref<64x128xf32, #tpu.memory_space<vmem>>[vector<16xi32>, vector<16xi32>], vector<16xf32>,
        %add3A_623 = arith.constant 32 : i32
        %add3A_624 = vector.broadcast %add3A_623 : i32 to vector<16xi32>
        %add3A_625 = arith.addi %iota3A, %add3A_624 : vector<16xi32>
        %add3A_626 = arith.constant 0 : i32
        %add3A_627 = vector.broadcast %add3A_626 : i32 to vector<16xi32>
        %add3A_628 = arith.addi %add3A_625, %add3A_627 : vector<16xi32>
        %gather3A_629 = tpu.vector_load_idx %arg5[%add3A_628, %add3A_561] : memref<512x64xf32, #tpu.memory_space<vmem>>[vector<16xi32>, vector<16xi32>], vector<16xf32>,
        tpu.vector_store_idx %arg7[%add3A_576, %add3A_625], %gather3A_629 : memref<64x128xf32, #tpu.memory_space<vmem>>[vector<16xi32>, vector<16xi32>], vector<16xf32>,
        %add3A_630 = arith.constant 128 : i32
        %add3A_631 = vector.broadcast %add3A_630 : i32 to vector<16xi32>
        %add3A_632 = arith.addi %add3A_625, %add3A_631 : vector<16xi32>
        %gather3A_633 = tpu.vector_load_idx %arg5[%add3A_632, %add3A_561] : memref<512x64xf32, #tpu.memory_space<vmem>>[vector<16xi32>, vector<16xi32>], vector<16xf32>,
        tpu.vector_store_idx %arg7[%add3A_579, %add3A_625], %gather3A_633 : memref<64x128xf32, #tpu.memory_space<vmem>>[vector<16xi32>, vector<16xi32>], vector<16xf32>,
        %add3A_634 = arith.constant 256 : i32
        %add3A_635 = vector.broadcast %add3A_634 : i32 to vector<16xi32>
        %add3A_636 = arith.addi %add3A_625, %add3A_635 : vector<16xi32>
        %gather3A_637 = tpu.vector_load_idx %arg5[%add3A_636, %add3A_561] : memref<512x64xf32, #tpu.memory_space<vmem>>[vector<16xi32>, vector<16xi32>], vector<16xf32>,
        tpu.vector_store_idx %arg7[%add3A_582, %add3A_625], %gather3A_637 : memref<64x128xf32, #tpu.memory_space<vmem>>[vector<16xi32>, vector<16xi32>], vector<16xf32>,
        %add3A_638 = arith.constant 384 : i32
        %add3A_639 = vector.broadcast %add3A_638 : i32 to vector<16xi32>
        %add3A_640 = arith.addi %add3A_625, %add3A_639 : vector<16xi32>
        %gather3A_641 = tpu.vector_load_idx %arg5[%add3A_640, %add3A_561] : memref<512x64xf32, #tpu.memory_space<vmem>>[vector<16xi32>, vector<16xi32>], vector<16xf32>,
        tpu.vector_store_idx %arg7[%add3A_585, %add3A_625], %gather3A_641 : memref<64x128xf32, #tpu.memory_space<vmem>>[vector<16xi32>, vector<16xi32>], vector<16xf32>,
        %add3A_642 = arith.constant 48 : i32
        %add3A_643 = vector.broadcast %add3A_642 : i32 to vector<16xi32>
        %add3A_644 = arith.addi %iota3A, %add3A_643 : vector<16xi32>
        %add3A_645 = arith.constant 0 : i32
        %add3A_646 = vector.broadcast %add3A_645 : i32 to vector<16xi32>
        %add3A_647 = arith.addi %add3A_644, %add3A_646 : vector<16xi32>
        %gather3A_648 = tpu.vector_load_idx %arg5[%add3A_647, %add3A_561] : memref<512x64xf32, #tpu.memory_space<vmem>>[vector<16xi32>, vector<16xi32>], vector<16xf32>,
        tpu.vector_store_idx %arg7[%add3A_576, %add3A_644], %gather3A_648 : memref<64x128xf32, #tpu.memory_space<vmem>>[vector<16xi32>, vector<16xi32>], vector<16xf32>,
        %add3A_649 = arith.constant 128 : i32
        %add3A_650 = vector.broadcast %add3A_649 : i32 to vector<16xi32>
        %add3A_651 = arith.addi %add3A_644, %add3A_650 : vector<16xi32>
        %gather3A_652 = tpu.vector_load_idx %arg5[%add3A_651, %add3A_561] : memref<512x64xf32, #tpu.memory_space<vmem>>[vector<16xi32>, vector<16xi32>], vector<16xf32>,
        tpu.vector_store_idx %arg7[%add3A_579, %add3A_644], %gather3A_652 : memref<64x128xf32, #tpu.memory_space<vmem>>[vector<16xi32>, vector<16xi32>], vector<16xf32>,
        %add3A_653 = arith.constant 256 : i32
        %add3A_654 = vector.broadcast %add3A_653 : i32 to vector<16xi32>
        %add3A_655 = arith.addi %add3A_644, %add3A_654 : vector<16xi32>
        %gather3A_656 = tpu.vector_load_idx %arg5[%add3A_655, %add3A_561] : memref<512x64xf32, #tpu.memory_space<vmem>>[vector<16xi32>, vector<16xi32>], vector<16xf32>,
        tpu.vector_store_idx %arg7[%add3A_582, %add3A_644], %gather3A_656 : memref<64x128xf32, #tpu.memory_space<vmem>>[vector<16xi32>, vector<16xi32>], vector<16xf32>,
        %add3A_657 = arith.constant 384 : i32
        %add3A_658 = vector.broadcast %add3A_657 : i32 to vector<16xi32>
        %add3A_659 = arith.addi %add3A_644, %add3A_658 : vector<16xi32>
        %gather3A_660 = tpu.vector_load_idx %arg5[%add3A_659, %add3A_561] : memref<512x64xf32, #tpu.memory_space<vmem>>[vector<16xi32>, vector<16xi32>], vector<16xf32>,
        tpu.vector_store_idx %arg7[%add3A_585, %add3A_644], %gather3A_660 : memref<64x128xf32, #tpu.memory_space<vmem>>[vector<16xi32>, vector<16xi32>], vector<16xf32>,
        %add3A_661 = arith.constant 64 : i32
        %add3A_662 = vector.broadcast %add3A_661 : i32 to vector<16xi32>
        %add3A_663 = arith.addi %iota3A, %add3A_662 : vector<16xi32>
        %add3A_664 = arith.constant 0 : i32
        %add3A_665 = vector.broadcast %add3A_664 : i32 to vector<16xi32>
        %add3A_666 = arith.addi %add3A_663, %add3A_665 : vector<16xi32>
        %gather3A_667 = tpu.vector_load_idx %arg5[%add3A_666, %add3A_561] : memref<512x64xf32, #tpu.memory_space<vmem>>[vector<16xi32>, vector<16xi32>], vector<16xf32>,
        tpu.vector_store_idx %arg7[%add3A_576, %add3A_663], %gather3A_667 : memref<64x128xf32, #tpu.memory_space<vmem>>[vector<16xi32>, vector<16xi32>], vector<16xf32>,
        %add3A_668 = arith.constant 128 : i32
        %add3A_669 = vector.broadcast %add3A_668 : i32 to vector<16xi32>
        %add3A_670 = arith.addi %add3A_663, %add3A_669 : vector<16xi32>
        %gather3A_671 = tpu.vector_load_idx %arg5[%add3A_670, %add3A_561] : memref<512x64xf32, #tpu.memory_space<vmem>>[vector<16xi32>, vector<16xi32>], vector<16xf32>,
        tpu.vector_store_idx %arg7[%add3A_579, %add3A_663], %gather3A_671 : memref<64x128xf32, #tpu.memory_space<vmem>>[vector<16xi32>, vector<16xi32>], vector<16xf32>,
        %add3A_672 = arith.constant 256 : i32
        %add3A_673 = vector.broadcast %add3A_672 : i32 to vector<16xi32>
        %add3A_674 = arith.addi %add3A_663, %add3A_673 : vector<16xi32>
        %gather3A_675 = tpu.vector_load_idx %arg5[%add3A_674, %add3A_561] : memref<512x64xf32, #tpu.memory_space<vmem>>[vector<16xi32>, vector<16xi32>], vector<16xf32>,
        tpu.vector_store_idx %arg7[%add3A_582, %add3A_663], %gather3A_675 : memref<64x128xf32, #tpu.memory_space<vmem>>[vector<16xi32>, vector<16xi32>], vector<16xf32>,
        %add3A_676 = arith.constant 384 : i32
        %add3A_677 = vector.broadcast %add3A_676 : i32 to vector<16xi32>
        %add3A_678 = arith.addi %add3A_663, %add3A_677 : vector<16xi32>
        %gather3A_679 = tpu.vector_load_idx %arg5[%add3A_678, %add3A_561] : memref<512x64xf32, #tpu.memory_space<vmem>>[vector<16xi32>, vector<16xi32>], vector<16xf32>,
        tpu.vector_store_idx %arg7[%add3A_585, %add3A_663], %gather3A_679 : memref<64x128xf32, #tpu.memory_space<vmem>>[vector<16xi32>, vector<16xi32>], vector<16xf32>,
        %add3A_680 = arith.constant 80 : i32
        %add3A_681 = vector.broadcast %add3A_680 : i32 to vector<16xi32>
        %add3A_682 = arith.addi %iota3A, %add3A_681 : vector<16xi32>
        %add3A_683 = arith.constant 0 : i32
        %add3A_684 = vector.broadcast %add3A_683 : i32 to vector<16xi32>
        %add3A_685 = arith.addi %add3A_682, %add3A_684 : vector<16xi32>
        %gather3A_686 = tpu.vector_load_idx %arg5[%add3A_685, %add3A_561] : memref<512x64xf32, #tpu.memory_space<vmem>>[vector<16xi32>, vector<16xi32>], vector<16xf32>,
        tpu.vector_store_idx %arg7[%add3A_576, %add3A_682], %gather3A_686 : memref<64x128xf32, #tpu.memory_space<vmem>>[vector<16xi32>, vector<16xi32>], vector<16xf32>,
        %add3A_687 = arith.constant 128 : i32
        %add3A_688 = vector.broadcast %add3A_687 : i32 to vector<16xi32>
        %add3A_689 = arith.addi %add3A_682, %add3A_688 : vector<16xi32>
        %gather3A_690 = tpu.vector_load_idx %arg5[%add3A_689, %add3A_561] : memref<512x64xf32, #tpu.memory_space<vmem>>[vector<16xi32>, vector<16xi32>], vector<16xf32>,
        tpu.vector_store_idx %arg7[%add3A_579, %add3A_682], %gather3A_690 : memref<64x128xf32, #tpu.memory_space<vmem>>[vector<16xi32>, vector<16xi32>], vector<16xf32>,
        %add3A_691 = arith.constant 256 : i32
        %add3A_692 = vector.broadcast %add3A_691 : i32 to vector<16xi32>
        %add3A_693 = arith.addi %add3A_682, %add3A_692 : vector<16xi32>
        %gather3A_694 = tpu.vector_load_idx %arg5[%add3A_693, %add3A_561] : memref<512x64xf32, #tpu.memory_space<vmem>>[vector<16xi32>, vector<16xi32>], vector<16xf32>,
        tpu.vector_store_idx %arg7[%add3A_582, %add3A_682], %gather3A_694 : memref<64x128xf32, #tpu.memory_space<vmem>>[vector<16xi32>, vector<16xi32>], vector<16xf32>,
        %add3A_695 = arith.constant 384 : i32
        %add3A_696 = vector.broadcast %add3A_695 : i32 to vector<16xi32>
        %add3A_697 = arith.addi %add3A_682, %add3A_696 : vector<16xi32>
        %gather3A_698 = tpu.vector_load_idx %arg5[%add3A_697, %add3A_561] : memref<512x64xf32, #tpu.memory_space<vmem>>[vector<16xi32>, vector<16xi32>], vector<16xf32>,
        tpu.vector_store_idx %arg7[%add3A_585, %add3A_682], %gather3A_698 : memref<64x128xf32, #tpu.memory_space<vmem>>[vector<16xi32>, vector<16xi32>], vector<16xf32>,
        %add3A_699 = arith.constant 96 : i32
        %add3A_700 = vector.broadcast %add3A_699 : i32 to vector<16xi32>
        %add3A_701 = arith.addi %iota3A, %add3A_700 : vector<16xi32>
        %add3A_702 = arith.constant 0 : i32
        %add3A_703 = vector.broadcast %add3A_702 : i32 to vector<16xi32>
        %add3A_704 = arith.addi %add3A_701, %add3A_703 : vector<16xi32>
        %gather3A_705 = tpu.vector_load_idx %arg5[%add3A_704, %add3A_561] : memref<512x64xf32, #tpu.memory_space<vmem>>[vector<16xi32>, vector<16xi32>], vector<16xf32>,
        tpu.vector_store_idx %arg7[%add3A_576, %add3A_701], %gather3A_705 : memref<64x128xf32, #tpu.memory_space<vmem>>[vector<16xi32>, vector<16xi32>], vector<16xf32>,
        %add3A_706 = arith.constant 128 : i32
        %add3A_707 = vector.broadcast %add3A_706 : i32 to vector<16xi32>
        %add3A_708 = arith.addi %add3A_701, %add3A_707 : vector<16xi32>
        %gather3A_709 = tpu.vector_load_idx %arg5[%add3A_708, %add3A_561] : memref<512x64xf32, #tpu.memory_space<vmem>>[vector<16xi32>, vector<16xi32>], vector<16xf32>,
        tpu.vector_store_idx %arg7[%add3A_579, %add3A_701], %gather3A_709 : memref<64x128xf32, #tpu.memory_space<vmem>>[vector<16xi32>, vector<16xi32>], vector<16xf32>,
        %add3A_710 = arith.constant 256 : i32
        %add3A_711 = vector.broadcast %add3A_710 : i32 to vector<16xi32>
        %add3A_712 = arith.addi %add3A_701, %add3A_711 : vector<16xi32>
        %gather3A_713 = tpu.vector_load_idx %arg5[%add3A_712, %add3A_561] : memref<512x64xf32, #tpu.memory_space<vmem>>[vector<16xi32>, vector<16xi32>], vector<16xf32>,
        tpu.vector_store_idx %arg7[%add3A_582, %add3A_701], %gather3A_713 : memref<64x128xf32, #tpu.memory_space<vmem>>[vector<16xi32>, vector<16xi32>], vector<16xf32>,
        %add3A_714 = arith.constant 384 : i32
        %add3A_715 = vector.broadcast %add3A_714 : i32 to vector<16xi32>
        %add3A_716 = arith.addi %add3A_701, %add3A_715 : vector<16xi32>
        %gather3A_717 = tpu.vector_load_idx %arg5[%add3A_716, %add3A_561] : memref<512x64xf32, #tpu.memory_space<vmem>>[vector<16xi32>, vector<16xi32>], vector<16xf32>,
        tpu.vector_store_idx %arg7[%add3A_585, %add3A_701], %gather3A_717 : memref<64x128xf32, #tpu.memory_space<vmem>>[vector<16xi32>, vector<16xi32>], vector<16xf32>,
        %add3A_718 = arith.constant 112 : i32
        %add3A_719 = vector.broadcast %add3A_718 : i32 to vector<16xi32>
        %add3A_720 = arith.addi %iota3A, %add3A_719 : vector<16xi32>
        %add3A_721 = arith.constant 0 : i32
        %add3A_722 = vector.broadcast %add3A_721 : i32 to vector<16xi32>
        %add3A_723 = arith.addi %add3A_720, %add3A_722 : vector<16xi32>
        %gather3A_724 = tpu.vector_load_idx %arg5[%add3A_723, %add3A_561] : memref<512x64xf32, #tpu.memory_space<vmem>>[vector<16xi32>, vector<16xi32>], vector<16xf32>,
        tpu.vector_store_idx %arg7[%add3A_576, %add3A_720], %gather3A_724 : memref<64x128xf32, #tpu.memory_space<vmem>>[vector<16xi32>, vector<16xi32>], vector<16xf32>,
        %add3A_725 = arith.constant 128 : i32
        %add3A_726 = vector.broadcast %add3A_725 : i32 to vector<16xi32>
        %add3A_727 = arith.addi %add3A_720, %add3A_726 : vector<16xi32>
        %gather3A_728 = tpu.vector_load_idx %arg5[%add3A_727, %add3A_561] : memref<512x64xf32, #tpu.memory_space<vmem>>[vector<16xi32>, vector<16xi32>], vector<16xf32>,
        tpu.vector_store_idx %arg7[%add3A_579, %add3A_720], %gather3A_728 : memref<64x128xf32, #tpu.memory_space<vmem>>[vector<16xi32>, vector<16xi32>], vector<16xf32>,
        %add3A_729 = arith.constant 256 : i32
        %add3A_730 = vector.broadcast %add3A_729 : i32 to vector<16xi32>
        %add3A_731 = arith.addi %add3A_720, %add3A_730 : vector<16xi32>
        %gather3A_732 = tpu.vector_load_idx %arg5[%add3A_731, %add3A_561] : memref<512x64xf32, #tpu.memory_space<vmem>>[vector<16xi32>, vector<16xi32>], vector<16xf32>,
        tpu.vector_store_idx %arg7[%add3A_582, %add3A_720], %gather3A_732 : memref<64x128xf32, #tpu.memory_space<vmem>>[vector<16xi32>, vector<16xi32>], vector<16xf32>,
        %add3A_733 = arith.constant 384 : i32
        %add3A_734 = vector.broadcast %add3A_733 : i32 to vector<16xi32>
        %add3A_735 = arith.addi %add3A_720, %add3A_734 : vector<16xi32>
        %gather3A_736 = tpu.vector_load_idx %arg5[%add3A_735, %add3A_561] : memref<512x64xf32, #tpu.memory_space<vmem>>[vector<16xi32>, vector<16xi32>], vector<16xf32>,
        tpu.vector_store_idx %arg7[%add3A_585, %add3A_720], %gather3A_736 : memref<64x128xf32, #tpu.memory_space<vmem>>[vector<16xi32>, vector<16xi32>], vector<16xf32>,
      }
      %scan3A_113 = arith.constant 16 : i32
      %mul3A_114 = arith.constant 8 : i32
      %mul3A_115 = arith.muli %mul3A_4, %mul3A_114 : i32
      %dma_start3A_116 = arith.constant 0 : i32
      %dma_start3A_117 = arith.constant 0 : i32
      %dma_start3A_118 = arith.constant 0 : i32
      %dma_start3A_119 = tpu.memref_slice %arg7[%dma_start3A_117, %dma_start3A_118] : memref<64x128xf32, #tpu.memory_space<vmem>> -> memref<32x128xf32, #tpu.memory_space<vmem>>
      %dma_start3A_120 = arith.constant 0 : i32
      %dma_start3A_121 = tpu.memref_slice %arg4[%add3A_97, %dma_start3A_116, %mul3A_115, %dma_start3A_120] : memref<50x8x1024x128xf32, #tpu.memory_space<hbm>> -> memref<1x1x32x128xf32, #tpu.memory_space<hbm>>
      %dma_start3A_122 = tpu.memref_squeeze %dma_start3A_121 : memref<1x1x32x128xf32, #tpu.memory_space<hbm>> -> memref<32x128xf32, #tpu.memory_space<hbm>>
      %dma_start3A_123 = arith.constant 0 : i32
      %dma_start3A_124 = tpu.memref_slice %arg4[%add3A_97, %dma_start3A_116, %mul3A_115, %dma_start3A_123] : memref<50x8x1024x128xf32, #tpu.memory_space<hbm>> -> memref<1x1x32x128xf32, #tpu.memory_space<hbm>>
      %dma_start3A_125 = tpu.memref_squeeze %dma_start3A_124 : memref<1x1x32x128xf32, #tpu.memory_space<hbm>> -> memref<32x128xf32, #tpu.memory_space<hbm>>
      %dma_start3A_126 = arith.constant 0 : i32
      %dma_start3A_127 = arith.constant 0 : i32
      %dma_start3A_128 = tpu.memref_slice %arg7[%dma_start3A_126, %dma_start3A_127] : memref<64x128xf32, #tpu.memory_space<vmem>> -> memref<32x128xf32, #tpu.memory_space<vmem>>
      tpu.enqueue_dma source(%dma_start3A_128 : memref<32x128xf32, #tpu.memory_space<vmem>>) target(%dma_start3A_125 : memref<32x128xf32, #tpu.memory_space<hbm>>) target_semaphore(%arg15 : memref<!tpu.dma_semaphore, #tpu.memory_space<semaphore_mem>>)
      %mul3A_129 = arith.constant 8 : i32
      %mul3A_130 = arith.muli %mul3A_4, %mul3A_129 : i32
      %dma_start3A_131 = arith.constant 1 : i32
      %dma_start3A_132 = arith.constant 32 : i32
      %dma_start3A_133 = arith.constant 0 : i32
      %dma_start3A_134 = tpu.memref_slice %arg7[%dma_start3A_132, %dma_start3A_133] : memref<64x128xf32, #tpu.memory_space<vmem>> -> memref<32x128xf32, #tpu.memory_space<vmem>>
      %dma_start3A_135 = arith.constant 0 : i32
      %dma_start3A_136 = tpu.memref_slice %arg4[%add3A_97, %dma_start3A_131, %mul3A_130, %dma_start3A_135] : memref<50x8x1024x128xf32, #tpu.memory_space<hbm>> -> memref<1x1x32x128xf32, #tpu.memory_space<hbm>>
      %dma_start3A_137 = tpu.memref_squeeze %dma_start3A_136 : memref<1x1x32x128xf32, #tpu.memory_space<hbm>> -> memref<32x128xf32, #tpu.memory_space<hbm>>
      %dma_start3A_138 = arith.constant 0 : i32
      %dma_start3A_139 = tpu.memref_slice %arg4[%add3A_97, %dma_start3A_131, %mul3A_130, %dma_start3A_138] : memref<50x8x1024x128xf32, #tpu.memory_space<hbm>> -> memref<1x1x32x128xf32, #tpu.memory_space<hbm>>
      %dma_start3A_140 = tpu.memref_squeeze %dma_start3A_139 : memref<1x1x32x128xf32, #tpu.memory_space<hbm>> -> memref<32x128xf32, #tpu.memory_space<hbm>>
      %dma_start3A_141 = arith.constant 32 : i32
      %dma_start3A_142 = arith.constant 0 : i32
      %dma_start3A_143 = tpu.memref_slice %arg7[%dma_start3A_141, %dma_start3A_142] : memref<64x128xf32, #tpu.memory_space<vmem>> -> memref<32x128xf32, #tpu.memory_space<vmem>>
      tpu.enqueue_dma source(%dma_start3A_143 : memref<32x128xf32, #tpu.memory_space<vmem>>) target(%dma_start3A_140 : memref<32x128xf32, #tpu.memory_space<hbm>>) target_semaphore(%arg15 : memref<!tpu.dma_semaphore, #tpu.memory_space<semaphore_mem>>)
      %ge3A_144 = arith.constant 1 : i32
      %ge3A_145 = arith.cmpi sge, %add3A_97, %ge3A_144 : i32
      %convert_element_type3A_146 = arith.extui %ge3A_145 : i1 to i32
      %cond3A_147 = arith.constant 0 : i32
      %cond3A_148 = arith.cmpi ne, %convert_element_type3A_146, %cond3A_147 : i32
      scf.if %cond3A_148 {
        %sub3A = arith.constant 1 : i32
        %sub3A_550 = arith.subi %add3A_97, %sub3A : i32
        %mul3A_551 = arith.constant 8 : i32
        %mul3A_552 = arith.muli %mul3A_4, %mul3A_551 : i32
        %dma_wait3A_553 = arith.constant 6 : i32
        %dma_wait3A_554 = arith.constant 0 : i32
        %dma_wait3A_555 = arith.constant 0 : i32
        %dma_wait3A_556 = tpu.memref_slice %arg8[%dma_wait3A_554, %dma_wait3A_555] : memref<64x128xf32, #tpu.memory_space<vmem>> -> memref<32x128xf32, #tpu.memory_space<vmem>>
        %dma_wait3A_557 = arith.constant 0 : i32
        %dma_wait3A_558 = tpu.memref_slice %arg4[%sub3A_550, %dma_wait3A_553, %mul3A_552, %dma_wait3A_557] : memref<50x8x1024x128xf32, #tpu.memory_space<hbm>> -> memref<1x1x32x128xf32, #tpu.memory_space<hbm>>
        %dma_wait3A_559 = tpu.memref_squeeze %dma_wait3A_558 : memref<1x1x32x128xf32, #tpu.memory_space<hbm>> -> memref<32x128xf32, #tpu.memory_space<hbm>>
        %dma_wait3A_560 = arith.constant 0 : i32
        %dma_wait3A_561 = tpu.memref_slice %arg4[%sub3A_550, %dma_wait3A_553, %mul3A_552, %dma_wait3A_560] : memref<50x8x1024x128xf32, #tpu.memory_space<hbm>> -> memref<1x1x32x128xf32, #tpu.memory_space<hbm>>
        %dma_wait3A_562 = tpu.memref_squeeze %dma_wait3A_561 : memref<1x1x32x128xf32, #tpu.memory_space<hbm>> -> memref<32x128xf32, #tpu.memory_space<hbm>>
        %dma_wait3A_563 = arith.constant 0 : i32
        %dma_wait3A_564 = arith.constant 0 : i32
        %dma_wait3A_565 = tpu.memref_slice %arg8[%dma_wait3A_563, %dma_wait3A_564] : memref<64x128xf32, #tpu.memory_space<vmem>> -> memref<32x128xf32, #tpu.memory_space<vmem>>
        tpu.wait_dma2 semaphore(%arg16 : memref<!tpu.dma_semaphore, #tpu.memory_space<semaphore_mem>>) src(%dma_wait3A_565 : memref<32x128xf32, #tpu.memory_space<vmem>>) dst(%dma_wait3A_562 : memref<32x128xf32, #tpu.memory_space<hbm>>)
        %mul3A_566 = arith.constant 8 : i32
        %mul3A_567 = arith.muli %mul3A_4, %mul3A_566 : i32
        %dma_wait3A_568 = arith.constant 7 : i32
        %dma_wait3A_569 = arith.constant 32 : i32
        %dma_wait3A_570 = arith.constant 0 : i32
        %dma_wait3A_571 = tpu.memref_slice %arg8[%dma_wait3A_569, %dma_wait3A_570] : memref<64x128xf32, #tpu.memory_space<vmem>> -> memref<32x128xf32, #tpu.memory_space<vmem>>
        %dma_wait3A_572 = arith.constant 0 : i32
        %dma_wait3A_573 = tpu.memref_slice %arg4[%sub3A_550, %dma_wait3A_568, %mul3A_567, %dma_wait3A_572] : memref<50x8x1024x128xf32, #tpu.memory_space<hbm>> -> memref<1x1x32x128xf32, #tpu.memory_space<hbm>>
        %dma_wait3A_574 = tpu.memref_squeeze %dma_wait3A_573 : memref<1x1x32x128xf32, #tpu.memory_space<hbm>> -> memref<32x128xf32, #tpu.memory_space<hbm>>
        %dma_wait3A_575 = arith.constant 0 : i32
        %dma_wait3A_576 = tpu.memref_slice %arg4[%sub3A_550, %dma_wait3A_568, %mul3A_567, %dma_wait3A_575] : memref<50x8x1024x128xf32, #tpu.memory_space<hbm>> -> memref<1x1x32x128xf32, #tpu.memory_space<hbm>>
        %dma_wait3A_577 = tpu.memref_squeeze %dma_wait3A_576 : memref<1x1x32x128xf32, #tpu.memory_space<hbm>> -> memref<32x128xf32, #tpu.memory_space<hbm>>
        %dma_wait3A_578 = arith.constant 32 : i32
        %dma_wait3A_579 = arith.constant 0 : i32
        %dma_wait3A_580 = tpu.memref_slice %arg8[%dma_wait3A_578, %dma_wait3A_579] : memref<64x128xf32, #tpu.memory_space<vmem>> -> memref<32x128xf32, #tpu.memory_space<vmem>>
        tpu.wait_dma2 semaphore(%arg16 : memref<!tpu.dma_semaphore, #tpu.memory_space<semaphore_mem>>) src(%dma_wait3A_580 : memref<32x128xf32, #tpu.memory_space<vmem>>) dst(%dma_wait3A_577 : memref<32x128xf32, #tpu.memory_space<hbm>>)
      } else {
      }
      %scan3A_149 = arith.constant 0 : i32
      %scan3A_150 = arith.constant 16 : i32
      %scan3A_151 = arith.addi %scan3A_149, %scan3A_150 : i32
      %scan3A_152 = arith.constant 1 : i32
      scf.for %scan3A_550 = %scan3A_149 to %scan3A_151 step %scan3A_152  : i32 {
        %mul3A_551 = arith.constant 1 : i32
        %mul3A_552 = arith.muli %scan3A_550, %mul3A_551 : i32
        %add3A_553 = arith.constant 0 : i32
        %add3A_554 = arith.addi %add3A_553, %mul3A_552 : i32
        %add3A_555 = vector.broadcast %add3A_554 : i32 to vector<16xi32>
        %add3A_556 = arith.addi %iota3A, %add3A_555 : vector<16xi32>
        %and3A = arith.constant 15 : i32
        %and3A_557 = vector.broadcast %and3A : i32 to vector<16xi32>
        %and3A_558 = arith.andi %add3A_556, %and3A_557 : vector<16xi32>
        %add3A_559 = arith.constant 16 : i32
        %add3A_560 = vector.broadcast %add3A_559 : i32 to vector<16xi32>
        %add3A_561 = arith.addi %and3A_558, %add3A_560 : vector<16xi32>
        %shift_right_arithmetic3A = arith.constant 3 : i32
        %shift_right_arithmetic3A_562 = vector.broadcast %shift_right_arithmetic3A : i32 to vector<16xi32>
        %shift_right_arithmetic3A_563 = arith.shrsi %add3A_561, %shift_right_arithmetic3A_562 : vector<16xi32>
        %and3A_564 = arith.constant 1 : i32
        %and3A_565 = vector.broadcast %and3A_564 : i32 to vector<16xi32>
        %and3A_566 = arith.andi %shift_right_arithmetic3A_563, %and3A_565 : vector<16xi32>
        %mul3A_567 = arith.constant 32 : i32
        %mul3A_568 = vector.broadcast %mul3A_567 : i32 to vector<16xi32>
        %mul3A_569 = arith.muli %and3A_566, %mul3A_568 : vector<16xi32>
        %and3A_570 = arith.constant 7 : i32
        %and3A_571 = vector.broadcast %and3A_570 : i32 to vector<16xi32>
        %and3A_572 = arith.andi %add3A_561, %and3A_571 : vector<16xi32>
        %add3A_573 = arith.addi %mul3A_569, %and3A_572 : vector<16xi32>
        %add3A_574 = arith.constant 0 : i32
        %add3A_575 = vector.broadcast %add3A_574 : i32 to vector<16xi32>
        %add3A_576 = arith.addi %add3A_573, %add3A_575 : vector<16xi32>
        %add3A_577 = arith.constant 8 : i32
        %add3A_578 = vector.broadcast %add3A_577 : i32 to vector<16xi32>
        %add3A_579 = arith.addi %add3A_573, %add3A_578 : vector<16xi32>
        %add3A_580 = arith.constant 16 : i32
        %add3A_581 = vector.broadcast %add3A_580 : i32 to vector<16xi32>
        %add3A_582 = arith.addi %add3A_573, %add3A_581 : vector<16xi32>
        %add3A_583 = arith.constant 24 : i32
        %add3A_584 = vector.broadcast %add3A_583 : i32 to vector<16xi32>
        %add3A_585 = arith.addi %add3A_573, %add3A_584 : vector<16xi32>
        %add3A_586 = arith.constant 0 : i32
        %add3A_587 = vector.broadcast %add3A_586 : i32 to vector<16xi32>
        %add3A_588 = arith.addi %iota3A, %add3A_587 : vector<16xi32>
        %add3A_589 = arith.constant 0 : i32
        %add3A_590 = vector.broadcast %add3A_589 : i32 to vector<16xi32>
        %add3A_591 = arith.addi %add3A_588, %add3A_590 : vector<16xi32>
        %gather3A = tpu.vector_load_idx %arg5[%add3A_591, %add3A_561] : memref<512x64xf32, #tpu.memory_space<vmem>>[vector<16xi32>, vector<16xi32>], vector<16xf32>,
        tpu.vector_store_idx %arg8[%add3A_576, %add3A_588], %gather3A : memref<64x128xf32, #tpu.memory_space<vmem>>[vector<16xi32>, vector<16xi32>], vector<16xf32>,
        %add3A_592 = arith.constant 128 : i32
        %add3A_593 = vector.broadcast %add3A_592 : i32 to vector<16xi32>
        %add3A_594 = arith.addi %add3A_588, %add3A_593 : vector<16xi32>
        %gather3A_595 = tpu.vector_load_idx %arg5[%add3A_594, %add3A_561] : memref<512x64xf32, #tpu.memory_space<vmem>>[vector<16xi32>, vector<16xi32>], vector<16xf32>,
        tpu.vector_store_idx %arg8[%add3A_579, %add3A_588], %gather3A_595 : memref<64x128xf32, #tpu.memory_space<vmem>>[vector<16xi32>, vector<16xi32>], vector<16xf32>,
        %add3A_596 = arith.constant 256 : i32
        %add3A_597 = vector.broadcast %add3A_596 : i32 to vector<16xi32>
        %add3A_598 = arith.addi %add3A_588, %add3A_597 : vector<16xi32>
        %gather3A_599 = tpu.vector_load_idx %arg5[%add3A_598, %add3A_561] : memref<512x64xf32, #tpu.memory_space<vmem>>[vector<16xi32>, vector<16xi32>], vector<16xf32>,
        tpu.vector_store_idx %arg8[%add3A_582, %add3A_588], %gather3A_599 : memref<64x128xf32, #tpu.memory_space<vmem>>[vector<16xi32>, vector<16xi32>], vector<16xf32>,
        %add3A_600 = arith.constant 384 : i32
        %add3A_601 = vector.broadcast %add3A_600 : i32 to vector<16xi32>
        %add3A_602 = arith.addi %add3A_588, %add3A_601 : vector<16xi32>
        %gather3A_603 = tpu.vector_load_idx %arg5[%add3A_602, %add3A_561] : memref<512x64xf32, #tpu.memory_space<vmem>>[vector<16xi32>, vector<16xi32>], vector<16xf32>,
        tpu.vector_store_idx %arg8[%add3A_585, %add3A_588], %gather3A_603 : memref<64x128xf32, #tpu.memory_space<vmem>>[vector<16xi32>, vector<16xi32>], vector<16xf32>,
        %add3A_604 = arith.constant 16 : i32
        %add3A_605 = vector.broadcast %add3A_604 : i32 to vector<16xi32>
        %add3A_606 = arith.addi %iota3A, %add3A_605 : vector<16xi32>
        %add3A_607 = arith.constant 0 : i32
        %add3A_608 = vector.broadcast %add3A_607 : i32 to vector<16xi32>
        %add3A_609 = arith.addi %add3A_606, %add3A_608 : vector<16xi32>
        %gather3A_610 = tpu.vector_load_idx %arg5[%add3A_609, %add3A_561] : memref<512x64xf32, #tpu.memory_space<vmem>>[vector<16xi32>, vector<16xi32>], vector<16xf32>,
        tpu.vector_store_idx %arg8[%add3A_576, %add3A_606], %gather3A_610 : memref<64x128xf32, #tpu.memory_space<vmem>>[vector<16xi32>, vector<16xi32>], vector<16xf32>,
        %add3A_611 = arith.constant 128 : i32
        %add3A_612 = vector.broadcast %add3A_611 : i32 to vector<16xi32>
        %add3A_613 = arith.addi %add3A_606, %add3A_612 : vector<16xi32>
        %gather3A_614 = tpu.vector_load_idx %arg5[%add3A_613, %add3A_561] : memref<512x64xf32, #tpu.memory_space<vmem>>[vector<16xi32>, vector<16xi32>], vector<16xf32>,
        tpu.vector_store_idx %arg8[%add3A_579, %add3A_606], %gather3A_614 : memref<64x128xf32, #tpu.memory_space<vmem>>[vector<16xi32>, vector<16xi32>], vector<16xf32>,
        %add3A_615 = arith.constant 256 : i32
        %add3A_616 = vector.broadcast %add3A_615 : i32 to vector<16xi32>
        %add3A_617 = arith.addi %add3A_606, %add3A_616 : vector<16xi32>
        %gather3A_618 = tpu.vector_load_idx %arg5[%add3A_617, %add3A_561] : memref<512x64xf32, #tpu.memory_space<vmem>>[vector<16xi32>, vector<16xi32>], vector<16xf32>,
        tpu.vector_store_idx %arg8[%add3A_582, %add3A_606], %gather3A_618 : memref<64x128xf32, #tpu.memory_space<vmem>>[vector<16xi32>, vector<16xi32>], vector<16xf32>,
        %add3A_619 = arith.constant 384 : i32
        %add3A_620 = vector.broadcast %add3A_619 : i32 to vector<16xi32>
        %add3A_621 = arith.addi %add3A_606, %add3A_620 : vector<16xi32>
        %gather3A_622 = tpu.vector_load_idx %arg5[%add3A_621, %add3A_561] : memref<512x64xf32, #tpu.memory_space<vmem>>[vector<16xi32>, vector<16xi32>], vector<16xf32>,
        tpu.vector_store_idx %arg8[%add3A_585, %add3A_606], %gather3A_622 : memref<64x128xf32, #tpu.memory_space<vmem>>[vector<16xi32>, vector<16xi32>], vector<16xf32>,
        %add3A_623 = arith.constant 32 : i32
        %add3A_624 = vector.broadcast %add3A_623 : i32 to vector<16xi32>
        %add3A_625 = arith.addi %iota3A, %add3A_624 : vector<16xi32>
        %add3A_626 = arith.constant 0 : i32
        %add3A_627 = vector.broadcast %add3A_626 : i32 to vector<16xi32>
        %add3A_628 = arith.addi %add3A_625, %add3A_627 : vector<16xi32>
        %gather3A_629 = tpu.vector_load_idx %arg5[%add3A_628, %add3A_561] : memref<512x64xf32, #tpu.memory_space<vmem>>[vector<16xi32>, vector<16xi32>], vector<16xf32>,
        tpu.vector_store_idx %arg8[%add3A_576, %add3A_625], %gather3A_629 : memref<64x128xf32, #tpu.memory_space<vmem>>[vector<16xi32>, vector<16xi32>], vector<16xf32>,
        %add3A_630 = arith.constant 128 : i32
        %add3A_631 = vector.broadcast %add3A_630 : i32 to vector<16xi32>
        %add3A_632 = arith.addi %add3A_625, %add3A_631 : vector<16xi32>
        %gather3A_633 = tpu.vector_load_idx %arg5[%add3A_632, %add3A_561] : memref<512x64xf32, #tpu.memory_space<vmem>>[vector<16xi32>, vector<16xi32>], vector<16xf32>,
        tpu.vector_store_idx %arg8[%add3A_579, %add3A_625], %gather3A_633 : memref<64x128xf32, #tpu.memory_space<vmem>>[vector<16xi32>, vector<16xi32>], vector<16xf32>,
        %add3A_634 = arith.constant 256 : i32
        %add3A_635 = vector.broadcast %add3A_634 : i32 to vector<16xi32>
        %add3A_636 = arith.addi %add3A_625, %add3A_635 : vector<16xi32>
        %gather3A_637 = tpu.vector_load_idx %arg5[%add3A_636, %add3A_561] : memref<512x64xf32, #tpu.memory_space<vmem>>[vector<16xi32>, vector<16xi32>], vector<16xf32>,
        tpu.vector_store_idx %arg8[%add3A_582, %add3A_625], %gather3A_637 : memref<64x128xf32, #tpu.memory_space<vmem>>[vector<16xi32>, vector<16xi32>], vector<16xf32>,
        %add3A_638 = arith.constant 384 : i32
        %add3A_639 = vector.broadcast %add3A_638 : i32 to vector<16xi32>
        %add3A_640 = arith.addi %add3A_625, %add3A_639 : vector<16xi32>
        %gather3A_641 = tpu.vector_load_idx %arg5[%add3A_640, %add3A_561] : memref<512x64xf32, #tpu.memory_space<vmem>>[vector<16xi32>, vector<16xi32>], vector<16xf32>,
        tpu.vector_store_idx %arg8[%add3A_585, %add3A_625], %gather3A_641 : memref<64x128xf32, #tpu.memory_space<vmem>>[vector<16xi32>, vector<16xi32>], vector<16xf32>,
        %add3A_642 = arith.constant 48 : i32
        %add3A_643 = vector.broadcast %add3A_642 : i32 to vector<16xi32>
        %add3A_644 = arith.addi %iota3A, %add3A_643 : vector<16xi32>
        %add3A_645 = arith.constant 0 : i32
        %add3A_646 = vector.broadcast %add3A_645 : i32 to vector<16xi32>
        %add3A_647 = arith.addi %add3A_644, %add3A_646 : vector<16xi32>
        %gather3A_648 = tpu.vector_load_idx %arg5[%add3A_647, %add3A_561] : memref<512x64xf32, #tpu.memory_space<vmem>>[vector<16xi32>, vector<16xi32>], vector<16xf32>,
        tpu.vector_store_idx %arg8[%add3A_576, %add3A_644], %gather3A_648 : memref<64x128xf32, #tpu.memory_space<vmem>>[vector<16xi32>, vector<16xi32>], vector<16xf32>,
        %add3A_649 = arith.constant 128 : i32
        %add3A_650 = vector.broadcast %add3A_649 : i32 to vector<16xi32>
        %add3A_651 = arith.addi %add3A_644, %add3A_650 : vector<16xi32>
        %gather3A_652 = tpu.vector_load_idx %arg5[%add3A_651, %add3A_561] : memref<512x64xf32, #tpu.memory_space<vmem>>[vector<16xi32>, vector<16xi32>], vector<16xf32>,
        tpu.vector_store_idx %arg8[%add3A_579, %add3A_644], %gather3A_652 : memref<64x128xf32, #tpu.memory_space<vmem>>[vector<16xi32>, vector<16xi32>], vector<16xf32>,
        %add3A_653 = arith.constant 256 : i32
        %add3A_654 = vector.broadcast %add3A_653 : i32 to vector<16xi32>
        %add3A_655 = arith.addi %add3A_644, %add3A_654 : vector<16xi32>
        %gather3A_656 = tpu.vector_load_idx %arg5[%add3A_655, %add3A_561] : memref<512x64xf32, #tpu.memory_space<vmem>>[vector<16xi32>, vector<16xi32>], vector<16xf32>,
        tpu.vector_store_idx %arg8[%add3A_582, %add3A_644], %gather3A_656 : memref<64x128xf32, #tpu.memory_space<vmem>>[vector<16xi32>, vector<16xi32>], vector<16xf32>,
        %add3A_657 = arith.constant 384 : i32
        %add3A_658 = vector.broadcast %add3A_657 : i32 to vector<16xi32>
        %add3A_659 = arith.addi %add3A_644, %add3A_658 : vector<16xi32>
        %gather3A_660 = tpu.vector_load_idx %arg5[%add3A_659, %add3A_561] : memref<512x64xf32, #tpu.memory_space<vmem>>[vector<16xi32>, vector<16xi32>], vector<16xf32>,
        tpu.vector_store_idx %arg8[%add3A_585, %add3A_644], %gather3A_660 : memref<64x128xf32, #tpu.memory_space<vmem>>[vector<16xi32>, vector<16xi32>], vector<16xf32>,
        %add3A_661 = arith.constant 64 : i32
        %add3A_662 = vector.broadcast %add3A_661 : i32 to vector<16xi32>
        %add3A_663 = arith.addi %iota3A, %add3A_662 : vector<16xi32>
        %add3A_664 = arith.constant 0 : i32
        %add3A_665 = vector.broadcast %add3A_664 : i32 to vector<16xi32>
        %add3A_666 = arith.addi %add3A_663, %add3A_665 : vector<16xi32>
        %gather3A_667 = tpu.vector_load_idx %arg5[%add3A_666, %add3A_561] : memref<512x64xf32, #tpu.memory_space<vmem>>[vector<16xi32>, vector<16xi32>], vector<16xf32>,
        tpu.vector_store_idx %arg8[%add3A_576, %add3A_663], %gather3A_667 : memref<64x128xf32, #tpu.memory_space<vmem>>[vector<16xi32>, vector<16xi32>], vector<16xf32>,
        %add3A_668 = arith.constant 128 : i32
        %add3A_669 = vector.broadcast %add3A_668 : i32 to vector<16xi32>
        %add3A_670 = arith.addi %add3A_663, %add3A_669 : vector<16xi32>
        %gather3A_671 = tpu.vector_load_idx %arg5[%add3A_670, %add3A_561] : memref<512x64xf32, #tpu.memory_space<vmem>>[vector<16xi32>, vector<16xi32>], vector<16xf32>,
        tpu.vector_store_idx %arg8[%add3A_579, %add3A_663], %gather3A_671 : memref<64x128xf32, #tpu.memory_space<vmem>>[vector<16xi32>, vector<16xi32>], vector<16xf32>,
        %add3A_672 = arith.constant 256 : i32
        %add3A_673 = vector.broadcast %add3A_672 : i32 to vector<16xi32>
        %add3A_674 = arith.addi %add3A_663, %add3A_673 : vector<16xi32>
        %gather3A_675 = tpu.vector_load_idx %arg5[%add3A_674, %add3A_561] : memref<512x64xf32, #tpu.memory_space<vmem>>[vector<16xi32>, vector<16xi32>], vector<16xf32>,
        tpu.vector_store_idx %arg8[%add3A_582, %add3A_663], %gather3A_675 : memref<64x128xf32, #tpu.memory_space<vmem>>[vector<16xi32>, vector<16xi32>], vector<16xf32>,
        %add3A_676 = arith.constant 384 : i32
        %add3A_677 = vector.broadcast %add3A_676 : i32 to vector<16xi32>
        %add3A_678 = arith.addi %add3A_663, %add3A_677 : vector<16xi32>
        %gather3A_679 = tpu.vector_load_idx %arg5[%add3A_678, %add3A_561] : memref<512x64xf32, #tpu.memory_space<vmem>>[vector<16xi32>, vector<16xi32>], vector<16xf32>,
        tpu.vector_store_idx %arg8[%add3A_585, %add3A_663], %gather3A_679 : memref<64x128xf32, #tpu.memory_space<vmem>>[vector<16xi32>, vector<16xi32>], vector<16xf32>,
        %add3A_680 = arith.constant 80 : i32
        %add3A_681 = vector.broadcast %add3A_680 : i32 to vector<16xi32>
        %add3A_682 = arith.addi %iota3A, %add3A_681 : vector<16xi32>
        %add3A_683 = arith.constant 0 : i32
        %add3A_684 = vector.broadcast %add3A_683 : i32 to vector<16xi32>
        %add3A_685 = arith.addi %add3A_682, %add3A_684 : vector<16xi32>
        %gather3A_686 = tpu.vector_load_idx %arg5[%add3A_685, %add3A_561] : memref<512x64xf32, #tpu.memory_space<vmem>>[vector<16xi32>, vector<16xi32>], vector<16xf32>,
        tpu.vector_store_idx %arg8[%add3A_576, %add3A_682], %gather3A_686 : memref<64x128xf32, #tpu.memory_space<vmem>>[vector<16xi32>, vector<16xi32>], vector<16xf32>,
        %add3A_687 = arith.constant 128 : i32
        %add3A_688 = vector.broadcast %add3A_687 : i32 to vector<16xi32>
        %add3A_689 = arith.addi %add3A_682, %add3A_688 : vector<16xi32>
        %gather3A_690 = tpu.vector_load_idx %arg5[%add3A_689, %add3A_561] : memref<512x64xf32, #tpu.memory_space<vmem>>[vector<16xi32>, vector<16xi32>], vector<16xf32>,
        tpu.vector_store_idx %arg8[%add3A_579, %add3A_682], %gather3A_690 : memref<64x128xf32, #tpu.memory_space<vmem>>[vector<16xi32>, vector<16xi32>], vector<16xf32>,
        %add3A_691 = arith.constant 256 : i32
        %add3A_692 = vector.broadcast %add3A_691 : i32 to vector<16xi32>
        %add3A_693 = arith.addi %add3A_682, %add3A_692 : vector<16xi32>
        %gather3A_694 = tpu.vector_load_idx %arg5[%add3A_693, %add3A_561] : memref<512x64xf32, #tpu.memory_space<vmem>>[vector<16xi32>, vector<16xi32>], vector<16xf32>,
        tpu.vector_store_idx %arg8[%add3A_582, %add3A_682], %gather3A_694 : memref<64x128xf32, #tpu.memory_space<vmem>>[vector<16xi32>, vector<16xi32>], vector<16xf32>,
        %add3A_695 = arith.constant 384 : i32
        %add3A_696 = vector.broadcast %add3A_695 : i32 to vector<16xi32>
        %add3A_697 = arith.addi %add3A_682, %add3A_696 : vector<16xi32>
        %gather3A_698 = tpu.vector_load_idx %arg5[%add3A_697, %add3A_561] : memref<512x64xf32, #tpu.memory_space<vmem>>[vector<16xi32>, vector<16xi32>], vector<16xf32>,
        tpu.vector_store_idx %arg8[%add3A_585, %add3A_682], %gather3A_698 : memref<64x128xf32, #tpu.memory_space<vmem>>[vector<16xi32>, vector<16xi32>], vector<16xf32>,
        %add3A_699 = arith.constant 96 : i32
        %add3A_700 = vector.broadcast %add3A_699 : i32 to vector<16xi32>
        %add3A_701 = arith.addi %iota3A, %add3A_700 : vector<16xi32>
        %add3A_702 = arith.constant 0 : i32
        %add3A_703 = vector.broadcast %add3A_702 : i32 to vector<16xi32>
        %add3A_704 = arith.addi %add3A_701, %add3A_703 : vector<16xi32>
        %gather3A_705 = tpu.vector_load_idx %arg5[%add3A_704, %add3A_561] : memref<512x64xf32, #tpu.memory_space<vmem>>[vector<16xi32>, vector<16xi32>], vector<16xf32>,
        tpu.vector_store_idx %arg8[%add3A_576, %add3A_701], %gather3A_705 : memref<64x128xf32, #tpu.memory_space<vmem>>[vector<16xi32>, vector<16xi32>], vector<16xf32>,
        %add3A_706 = arith.constant 128 : i32
        %add3A_707 = vector.broadcast %add3A_706 : i32 to vector<16xi32>
        %add3A_708 = arith.addi %add3A_701, %add3A_707 : vector<16xi32>
        %gather3A_709 = tpu.vector_load_idx %arg5[%add3A_708, %add3A_561] : memref<512x64xf32, #tpu.memory_space<vmem>>[vector<16xi32>, vector<16xi32>], vector<16xf32>,
        tpu.vector_store_idx %arg8[%add3A_579, %add3A_701], %gather3A_709 : memref<64x128xf32, #tpu.memory_space<vmem>>[vector<16xi32>, vector<16xi32>], vector<16xf32>,
        %add3A_710 = arith.constant 256 : i32
        %add3A_711 = vector.broadcast %add3A_710 : i32 to vector<16xi32>
        %add3A_712 = arith.addi %add3A_701, %add3A_711 : vector<16xi32>
        %gather3A_713 = tpu.vector_load_idx %arg5[%add3A_712, %add3A_561] : memref<512x64xf32, #tpu.memory_space<vmem>>[vector<16xi32>, vector<16xi32>], vector<16xf32>,
        tpu.vector_store_idx %arg8[%add3A_582, %add3A_701], %gather3A_713 : memref<64x128xf32, #tpu.memory_space<vmem>>[vector<16xi32>, vector<16xi32>], vector<16xf32>,
        %add3A_714 = arith.constant 384 : i32
        %add3A_715 = vector.broadcast %add3A_714 : i32 to vector<16xi32>
        %add3A_716 = arith.addi %add3A_701, %add3A_715 : vector<16xi32>
        %gather3A_717 = tpu.vector_load_idx %arg5[%add3A_716, %add3A_561] : memref<512x64xf32, #tpu.memory_space<vmem>>[vector<16xi32>, vector<16xi32>], vector<16xf32>,
        tpu.vector_store_idx %arg8[%add3A_585, %add3A_701], %gather3A_717 : memref<64x128xf32, #tpu.memory_space<vmem>>[vector<16xi32>, vector<16xi32>], vector<16xf32>,
        %add3A_718 = arith.constant 112 : i32
        %add3A_719 = vector.broadcast %add3A_718 : i32 to vector<16xi32>
        %add3A_720 = arith.addi %iota3A, %add3A_719 : vector<16xi32>
        %add3A_721 = arith.constant 0 : i32
        %add3A_722 = vector.broadcast %add3A_721 : i32 to vector<16xi32>
        %add3A_723 = arith.addi %add3A_720, %add3A_722 : vector<16xi32>
        %gather3A_724 = tpu.vector_load_idx %arg5[%add3A_723, %add3A_561] : memref<512x64xf32, #tpu.memory_space<vmem>>[vector<16xi32>, vector<16xi32>], vector<16xf32>,
        tpu.vector_store_idx %arg8[%add3A_576, %add3A_720], %gather3A_724 : memref<64x128xf32, #tpu.memory_space<vmem>>[vector<16xi32>, vector<16xi32>], vector<16xf32>,
        %add3A_725 = arith.constant 128 : i32
        %add3A_726 = vector.broadcast %add3A_725 : i32 to vector<16xi32>
        %add3A_727 = arith.addi %add3A_720, %add3A_726 : vector<16xi32>
        %gather3A_728 = tpu.vector_load_idx %arg5[%add3A_727, %add3A_561] : memref<512x64xf32, #tpu.memory_space<vmem>>[vector<16xi32>, vector<16xi32>], vector<16xf32>,
        tpu.vector_store_idx %arg8[%add3A_579, %add3A_720], %gather3A_728 : memref<64x128xf32, #tpu.memory_space<vmem>>[vector<16xi32>, vector<16xi32>], vector<16xf32>,
        %add3A_729 = arith.constant 256 : i32
        %add3A_730 = vector.broadcast %add3A_729 : i32 to vector<16xi32>
        %add3A_731 = arith.addi %add3A_720, %add3A_730 : vector<16xi32>
        %gather3A_732 = tpu.vector_load_idx %arg5[%add3A_731, %add3A_561] : memref<512x64xf32, #tpu.memory_space<vmem>>[vector<16xi32>, vector<16xi32>], vector<16xf32>,
        tpu.vector_store_idx %arg8[%add3A_582, %add3A_720], %gather3A_732 : memref<64x128xf32, #tpu.memory_space<vmem>>[vector<16xi32>, vector<16xi32>], vector<16xf32>,
        %add3A_733 = arith.constant 384 : i32
        %add3A_734 = vector.broadcast %add3A_733 : i32 to vector<16xi32>
        %add3A_735 = arith.addi %add3A_720, %add3A_734 : vector<16xi32>
        %gather3A_736 = tpu.vector_load_idx %arg5[%add3A_735, %add3A_561] : memref<512x64xf32, #tpu.memory_space<vmem>>[vector<16xi32>, vector<16xi32>], vector<16xf32>,
        tpu.vector_store_idx %arg8[%add3A_585, %add3A_720], %gather3A_736 : memref<64x128xf32, #tpu.memory_space<vmem>>[vector<16xi32>, vector<16xi32>], vector<16xf32>,
      }
      %scan3A_153 = arith.constant 16 : i32
      %mul3A_154 = arith.constant 8 : i32
      %mul3A_155 = arith.muli %mul3A_4, %mul3A_154 : i32
      %dma_start3A_156 = arith.constant 2 : i32
      %dma_start3A_157 = arith.constant 0 : i32
      %dma_start3A_158 = arith.constant 0 : i32
      %dma_start3A_159 = tpu.memref_slice %arg8[%dma_start3A_157, %dma_start3A_158] : memref<64x128xf32, #tpu.memory_space<vmem>> -> memref<32x128xf32, #tpu.memory_space<vmem>>
      %dma_start3A_160 = arith.constant 0 : i32
      %dma_start3A_161 = tpu.memref_slice %arg4[%add3A_97, %dma_start3A_156, %mul3A_155, %dma_start3A_160] : memref<50x8x1024x128xf32, #tpu.memory_space<hbm>> -> memref<1x1x32x128xf32, #tpu.memory_space<hbm>>
      %dma_start3A_162 = tpu.memref_squeeze %dma_start3A_161 : memref<1x1x32x128xf32, #tpu.memory_space<hbm>> -> memref<32x128xf32, #tpu.memory_space<hbm>>
      %dma_start3A_163 = arith.constant 0 : i32
      %dma_start3A_164 = tpu.memref_slice %arg4[%add3A_97, %dma_start3A_156, %mul3A_155, %dma_start3A_163] : memref<50x8x1024x128xf32, #tpu.memory_space<hbm>> -> memref<1x1x32x128xf32, #tpu.memory_space<hbm>>
      %dma_start3A_165 = tpu.memref_squeeze %dma_start3A_164 : memref<1x1x32x128xf32, #tpu.memory_space<hbm>> -> memref<32x128xf32, #tpu.memory_space<hbm>>
      %dma_start3A_166 = arith.constant 0 : i32
      %dma_start3A_167 = arith.constant 0 : i32
      %dma_start3A_168 = tpu.memref_slice %arg8[%dma_start3A_166, %dma_start3A_167] : memref<64x128xf32, #tpu.memory_space<vmem>> -> memref<32x128xf32, #tpu.memory_space<vmem>>
      tpu.enqueue_dma source(%dma_start3A_168 : memref<32x128xf32, #tpu.memory_space<vmem>>) target(%dma_start3A_165 : memref<32x128xf32, #tpu.memory_space<hbm>>) target_semaphore(%arg16 : memref<!tpu.dma_semaphore, #tpu.memory_space<semaphore_mem>>)
      %mul3A_169 = arith.constant 8 : i32
      %mul3A_170 = arith.muli %mul3A_4, %mul3A_169 : i32
      %dma_start3A_171 = arith.constant 3 : i32
      %dma_start3A_172 = arith.constant 32 : i32
      %dma_start3A_173 = arith.constant 0 : i32
      %dma_start3A_174 = tpu.memref_slice %arg8[%dma_start3A_172, %dma_start3A_173] : memref<64x128xf32, #tpu.memory_space<vmem>> -> memref<32x128xf32, #tpu.memory_space<vmem>>
      %dma_start3A_175 = arith.constant 0 : i32
      %dma_start3A_176 = tpu.memref_slice %arg4[%add3A_97, %dma_start3A_171, %mul3A_170, %dma_start3A_175] : memref<50x8x1024x128xf32, #tpu.memory_space<hbm>> -> memref<1x1x32x128xf32, #tpu.memory_space<hbm>>
      %dma_start3A_177 = tpu.memref_squeeze %dma_start3A_176 : memref<1x1x32x128xf32, #tpu.memory_space<hbm>> -> memref<32x128xf32, #tpu.memory_space<hbm>>
      %dma_start3A_178 = arith.constant 0 : i32
      %dma_start3A_179 = tpu.memref_slice %arg4[%add3A_97, %dma_start3A_171, %mul3A_170, %dma_start3A_178] : memref<50x8x1024x128xf32, #tpu.memory_space<hbm>> -> memref<1x1x32x128xf32, #tpu.memory_space<hbm>>
      %dma_start3A_180 = tpu.memref_squeeze %dma_start3A_179 : memref<1x1x32x128xf32, #tpu.memory_space<hbm>> -> memref<32x128xf32, #tpu.memory_space<hbm>>
      %dma_start3A_181 = arith.constant 32 : i32
      %dma_start3A_182 = arith.constant 0 : i32
      %dma_start3A_183 = tpu.memref_slice %arg8[%dma_start3A_181, %dma_start3A_182] : memref<64x128xf32, #tpu.memory_space<vmem>> -> memref<32x128xf32, #tpu.memory_space<vmem>>
      tpu.enqueue_dma source(%dma_start3A_183 : memref<32x128xf32, #tpu.memory_space<vmem>>) target(%dma_start3A_180 : memref<32x128xf32, #tpu.memory_space<hbm>>) target_semaphore(%arg16 : memref<!tpu.dma_semaphore, #tpu.memory_space<semaphore_mem>>)
      %mul3A_184 = arith.constant 8 : i32
      %mul3A_185 = arith.muli %mul3A_4, %mul3A_184 : i32
      %dma_wait3A_186 = arith.constant 0 : i32
      %dma_wait3A_187 = arith.constant 0 : i32
      %dma_wait3A_188 = arith.constant 0 : i32
      %dma_wait3A_189 = tpu.memref_slice %arg7[%dma_wait3A_187, %dma_wait3A_188] : memref<64x128xf32, #tpu.memory_space<vmem>> -> memref<32x128xf32, #tpu.memory_space<vmem>>
      %dma_wait3A_190 = arith.constant 0 : i32
      %dma_wait3A_191 = tpu.memref_slice %arg4[%add3A_97, %dma_wait3A_186, %mul3A_185, %dma_wait3A_190] : memref<50x8x1024x128xf32, #tpu.memory_space<hbm>> -> memref<1x1x32x128xf32, #tpu.memory_space<hbm>>
      %dma_wait3A_192 = tpu.memref_squeeze %dma_wait3A_191 : memref<1x1x32x128xf32, #tpu.memory_space<hbm>> -> memref<32x128xf32, #tpu.memory_space<hbm>>
      %dma_wait3A_193 = arith.constant 0 : i32
      %dma_wait3A_194 = tpu.memref_slice %arg4[%add3A_97, %dma_wait3A_186, %mul3A_185, %dma_wait3A_193] : memref<50x8x1024x128xf32, #tpu.memory_space<hbm>> -> memref<1x1x32x128xf32, #tpu.memory_space<hbm>>
      %dma_wait3A_195 = tpu.memref_squeeze %dma_wait3A_194 : memref<1x1x32x128xf32, #tpu.memory_space<hbm>> -> memref<32x128xf32, #tpu.memory_space<hbm>>
      %dma_wait3A_196 = arith.constant 0 : i32
      %dma_wait3A_197 = arith.constant 0 : i32
      %dma_wait3A_198 = tpu.memref_slice %arg7[%dma_wait3A_196, %dma_wait3A_197] : memref<64x128xf32, #tpu.memory_space<vmem>> -> memref<32x128xf32, #tpu.memory_space<vmem>>
      tpu.wait_dma2 semaphore(%arg15 : memref<!tpu.dma_semaphore, #tpu.memory_space<semaphore_mem>>) src(%dma_wait3A_198 : memref<32x128xf32, #tpu.memory_space<vmem>>) dst(%dma_wait3A_195 : memref<32x128xf32, #tpu.memory_space<hbm>>)
      %mul3A_199 = arith.constant 8 : i32
      %mul3A_200 = arith.muli %mul3A_4, %mul3A_199 : i32
      %dma_wait3A_201 = arith.constant 1 : i32
      %dma_wait3A_202 = arith.constant 32 : i32
      %dma_wait3A_203 = arith.constant 0 : i32
      %dma_wait3A_204 = tpu.memref_slice %arg7[%dma_wait3A_202, %dma_wait3A_203] : memref<64x128xf32, #tpu.memory_space<vmem>> -> memref<32x128xf32, #tpu.memory_space<vmem>>
      %dma_wait3A_205 = arith.constant 0 : i32
      %dma_wait3A_206 = tpu.memref_slice %arg4[%add3A_97, %dma_wait3A_201, %mul3A_200, %dma_wait3A_205] : memref<50x8x1024x128xf32, #tpu.memory_space<hbm>> -> memref<1x1x32x128xf32, #tpu.memory_space<hbm>>
      %dma_wait3A_207 = tpu.memref_squeeze %dma_wait3A_206 : memref<1x1x32x128xf32, #tpu.memory_space<hbm>> -> memref<32x128xf32, #tpu.memory_space<hbm>>
      %dma_wait3A_208 = arith.constant 0 : i32
      %dma_wait3A_209 = tpu.memref_slice %arg4[%add3A_97, %dma_wait3A_201, %mul3A_200, %dma_wait3A_208] : memref<50x8x1024x128xf32, #tpu.memory_space<hbm>> -> memref<1x1x32x128xf32, #tpu.memory_space<hbm>>
      %dma_wait3A_210 = tpu.memref_squeeze %dma_wait3A_209 : memref<1x1x32x128xf32, #tpu.memory_space<hbm>> -> memref<32x128xf32, #tpu.memory_space<hbm>>
      %dma_wait3A_211 = arith.constant 32 : i32
      %dma_wait3A_212 = arith.constant 0 : i32
      %dma_wait3A_213 = tpu.memref_slice %arg7[%dma_wait3A_211, %dma_wait3A_212] : memref<64x128xf32, #tpu.memory_space<vmem>> -> memref<32x128xf32, #tpu.memory_space<vmem>>
      tpu.wait_dma2 semaphore(%arg15 : memref<!tpu.dma_semaphore, #tpu.memory_space<semaphore_mem>>) src(%dma_wait3A_213 : memref<32x128xf32, #tpu.memory_space<vmem>>) dst(%dma_wait3A_210 : memref<32x128xf32, #tpu.memory_space<hbm>>)
      %scan3A_214 = arith.constant 0 : i32
      %scan3A_215 = arith.constant 16 : i32
      %scan3A_216 = arith.addi %scan3A_214, %scan3A_215 : i32
      %scan3A_217 = arith.constant 1 : i32
      scf.for %scan3A_550 = %scan3A_214 to %scan3A_216 step %scan3A_217  : i32 {
        %mul3A_551 = arith.constant 1 : i32
        %mul3A_552 = arith.muli %scan3A_550, %mul3A_551 : i32
        %add3A_553 = arith.constant 0 : i32
        %add3A_554 = arith.addi %add3A_553, %mul3A_552 : i32
        %add3A_555 = vector.broadcast %add3A_554 : i32 to vector<16xi32>
        %add3A_556 = arith.addi %iota3A, %add3A_555 : vector<16xi32>
        %and3A = arith.constant 15 : i32
        %and3A_557 = vector.broadcast %and3A : i32 to vector<16xi32>
        %and3A_558 = arith.andi %add3A_556, %and3A_557 : vector<16xi32>
        %add3A_559 = arith.constant 32 : i32
        %add3A_560 = vector.broadcast %add3A_559 : i32 to vector<16xi32>
        %add3A_561 = arith.addi %and3A_558, %add3A_560 : vector<16xi32>
        %shift_right_arithmetic3A = arith.constant 3 : i32
        %shift_right_arithmetic3A_562 = vector.broadcast %shift_right_arithmetic3A : i32 to vector<16xi32>
        %shift_right_arithmetic3A_563 = arith.shrsi %add3A_561, %shift_right_arithmetic3A_562 : vector<16xi32>
        %and3A_564 = arith.constant 1 : i32
        %and3A_565 = vector.broadcast %and3A_564 : i32 to vector<16xi32>
        %and3A_566 = arith.andi %shift_right_arithmetic3A_563, %and3A_565 : vector<16xi32>
        %mul3A_567 = arith.constant 32 : i32
        %mul3A_568 = vector.broadcast %mul3A_567 : i32 to vector<16xi32>
        %mul3A_569 = arith.muli %and3A_566, %mul3A_568 : vector<16xi32>
        %and3A_570 = arith.constant 7 : i32
        %and3A_571 = vector.broadcast %and3A_570 : i32 to vector<16xi32>
        %and3A_572 = arith.andi %add3A_561, %and3A_571 : vector<16xi32>
        %add3A_573 = arith.addi %mul3A_569, %and3A_572 : vector<16xi32>
        %add3A_574 = arith.constant 0 : i32
        %add3A_575 = vector.broadcast %add3A_574 : i32 to vector<16xi32>
        %add3A_576 = arith.addi %add3A_573, %add3A_575 : vector<16xi32>
        %add3A_577 = arith.constant 8 : i32
        %add3A_578 = vector.broadcast %add3A_577 : i32 to vector<16xi32>
        %add3A_579 = arith.addi %add3A_573, %add3A_578 : vector<16xi32>
        %add3A_580 = arith.constant 16 : i32
        %add3A_581 = vector.broadcast %add3A_580 : i32 to vector<16xi32>
        %add3A_582 = arith.addi %add3A_573, %add3A_581 : vector<16xi32>
        %add3A_583 = arith.constant 24 : i32
        %add3A_584 = vector.broadcast %add3A_583 : i32 to vector<16xi32>
        %add3A_585 = arith.addi %add3A_573, %add3A_584 : vector<16xi32>
        %add3A_586 = arith.constant 0 : i32
        %add3A_587 = vector.broadcast %add3A_586 : i32 to vector<16xi32>
        %add3A_588 = arith.addi %iota3A, %add3A_587 : vector<16xi32>
        %add3A_589 = arith.constant 0 : i32
        %add3A_590 = vector.broadcast %add3A_589 : i32 to vector<16xi32>
        %add3A_591 = arith.addi %add3A_588, %add3A_590 : vector<16xi32>
        %gather3A = tpu.vector_load_idx %arg5[%add3A_591, %add3A_561] : memref<512x64xf32, #tpu.memory_space<vmem>>[vector<16xi32>, vector<16xi32>], vector<16xf32>,
        tpu.vector_store_idx %arg7[%add3A_576, %add3A_588], %gather3A : memref<64x128xf32, #tpu.memory_space<vmem>>[vector<16xi32>, vector<16xi32>], vector<16xf32>,
        %add3A_592 = arith.constant 128 : i32
        %add3A_593 = vector.broadcast %add3A_592 : i32 to vector<16xi32>
        %add3A_594 = arith.addi %add3A_588, %add3A_593 : vector<16xi32>
        %gather3A_595 = tpu.vector_load_idx %arg5[%add3A_594, %add3A_561] : memref<512x64xf32, #tpu.memory_space<vmem>>[vector<16xi32>, vector<16xi32>], vector<16xf32>,
        tpu.vector_store_idx %arg7[%add3A_579, %add3A_588], %gather3A_595 : memref<64x128xf32, #tpu.memory_space<vmem>>[vector<16xi32>, vector<16xi32>], vector<16xf32>,
        %add3A_596 = arith.constant 256 : i32
        %add3A_597 = vector.broadcast %add3A_596 : i32 to vector<16xi32>
        %add3A_598 = arith.addi %add3A_588, %add3A_597 : vector<16xi32>
        %gather3A_599 = tpu.vector_load_idx %arg5[%add3A_598, %add3A_561] : memref<512x64xf32, #tpu.memory_space<vmem>>[vector<16xi32>, vector<16xi32>], vector<16xf32>,
        tpu.vector_store_idx %arg7[%add3A_582, %add3A_588], %gather3A_599 : memref<64x128xf32, #tpu.memory_space<vmem>>[vector<16xi32>, vector<16xi32>], vector<16xf32>,
        %add3A_600 = arith.constant 384 : i32
        %add3A_601 = vector.broadcast %add3A_600 : i32 to vector<16xi32>
        %add3A_602 = arith.addi %add3A_588, %add3A_601 : vector<16xi32>
        %gather3A_603 = tpu.vector_load_idx %arg5[%add3A_602, %add3A_561] : memref<512x64xf32, #tpu.memory_space<vmem>>[vector<16xi32>, vector<16xi32>], vector<16xf32>,
        tpu.vector_store_idx %arg7[%add3A_585, %add3A_588], %gather3A_603 : memref<64x128xf32, #tpu.memory_space<vmem>>[vector<16xi32>, vector<16xi32>], vector<16xf32>,
        %add3A_604 = arith.constant 16 : i32
        %add3A_605 = vector.broadcast %add3A_604 : i32 to vector<16xi32>
        %add3A_606 = arith.addi %iota3A, %add3A_605 : vector<16xi32>
        %add3A_607 = arith.constant 0 : i32
        %add3A_608 = vector.broadcast %add3A_607 : i32 to vector<16xi32>
        %add3A_609 = arith.addi %add3A_606, %add3A_608 : vector<16xi32>
        %gather3A_610 = tpu.vector_load_idx %arg5[%add3A_609, %add3A_561] : memref<512x64xf32, #tpu.memory_space<vmem>>[vector<16xi32>, vector<16xi32>], vector<16xf32>,
        tpu.vector_store_idx %arg7[%add3A_576, %add3A_606], %gather3A_610 : memref<64x128xf32, #tpu.memory_space<vmem>>[vector<16xi32>, vector<16xi32>], vector<16xf32>,
        %add3A_611 = arith.constant 128 : i32
        %add3A_612 = vector.broadcast %add3A_611 : i32 to vector<16xi32>
        %add3A_613 = arith.addi %add3A_606, %add3A_612 : vector<16xi32>
        %gather3A_614 = tpu.vector_load_idx %arg5[%add3A_613, %add3A_561] : memref<512x64xf32, #tpu.memory_space<vmem>>[vector<16xi32>, vector<16xi32>], vector<16xf32>,
        tpu.vector_store_idx %arg7[%add3A_579, %add3A_606], %gather3A_614 : memref<64x128xf32, #tpu.memory_space<vmem>>[vector<16xi32>, vector<16xi32>], vector<16xf32>,
        %add3A_615 = arith.constant 256 : i32
        %add3A_616 = vector.broadcast %add3A_615 : i32 to vector<16xi32>
        %add3A_617 = arith.addi %add3A_606, %add3A_616 : vector<16xi32>
        %gather3A_618 = tpu.vector_load_idx %arg5[%add3A_617, %add3A_561] : memref<512x64xf32, #tpu.memory_space<vmem>>[vector<16xi32>, vector<16xi32>], vector<16xf32>,
        tpu.vector_store_idx %arg7[%add3A_582, %add3A_606], %gather3A_618 : memref<64x128xf32, #tpu.memory_space<vmem>>[vector<16xi32>, vector<16xi32>], vector<16xf32>,
        %add3A_619 = arith.constant 384 : i32
        %add3A_620 = vector.broadcast %add3A_619 : i32 to vector<16xi32>
        %add3A_621 = arith.addi %add3A_606, %add3A_620 : vector<16xi32>
        %gather3A_622 = tpu.vector_load_idx %arg5[%add3A_621, %add3A_561] : memref<512x64xf32, #tpu.memory_space<vmem>>[vector<16xi32>, vector<16xi32>], vector<16xf32>,
        tpu.vector_store_idx %arg7[%add3A_585, %add3A_606], %gather3A_622 : memref<64x128xf32, #tpu.memory_space<vmem>>[vector<16xi32>, vector<16xi32>], vector<16xf32>,
        %add3A_623 = arith.constant 32 : i32
        %add3A_624 = vector.broadcast %add3A_623 : i32 to vector<16xi32>
        %add3A_625 = arith.addi %iota3A, %add3A_624 : vector<16xi32>
        %add3A_626 = arith.constant 0 : i32
        %add3A_627 = vector.broadcast %add3A_626 : i32 to vector<16xi32>
        %add3A_628 = arith.addi %add3A_625, %add3A_627 : vector<16xi32>
        %gather3A_629 = tpu.vector_load_idx %arg5[%add3A_628, %add3A_561] : memref<512x64xf32, #tpu.memory_space<vmem>>[vector<16xi32>, vector<16xi32>], vector<16xf32>,
        tpu.vector_store_idx %arg7[%add3A_576, %add3A_625], %gather3A_629 : memref<64x128xf32, #tpu.memory_space<vmem>>[vector<16xi32>, vector<16xi32>], vector<16xf32>,
        %add3A_630 = arith.constant 128 : i32
        %add3A_631 = vector.broadcast %add3A_630 : i32 to vector<16xi32>
        %add3A_632 = arith.addi %add3A_625, %add3A_631 : vector<16xi32>
        %gather3A_633 = tpu.vector_load_idx %arg5[%add3A_632, %add3A_561] : memref<512x64xf32, #tpu.memory_space<vmem>>[vector<16xi32>, vector<16xi32>], vector<16xf32>,
        tpu.vector_store_idx %arg7[%add3A_579, %add3A_625], %gather3A_633 : memref<64x128xf32, #tpu.memory_space<vmem>>[vector<16xi32>, vector<16xi32>], vector<16xf32>,
        %add3A_634 = arith.constant 256 : i32
        %add3A_635 = vector.broadcast %add3A_634 : i32 to vector<16xi32>
        %add3A_636 = arith.addi %add3A_625, %add3A_635 : vector<16xi32>
        %gather3A_637 = tpu.vector_load_idx %arg5[%add3A_636, %add3A_561] : memref<512x64xf32, #tpu.memory_space<vmem>>[vector<16xi32>, vector<16xi32>], vector<16xf32>,
        tpu.vector_store_idx %arg7[%add3A_582, %add3A_625], %gather3A_637 : memref<64x128xf32, #tpu.memory_space<vmem>>[vector<16xi32>, vector<16xi32>], vector<16xf32>,
        %add3A_638 = arith.constant 384 : i32
        %add3A_639 = vector.broadcast %add3A_638 : i32 to vector<16xi32>
        %add3A_640 = arith.addi %add3A_625, %add3A_639 : vector<16xi32>
        %gather3A_641 = tpu.vector_load_idx %arg5[%add3A_640, %add3A_561] : memref<512x64xf32, #tpu.memory_space<vmem>>[vector<16xi32>, vector<16xi32>], vector<16xf32>,
        tpu.vector_store_idx %arg7[%add3A_585, %add3A_625], %gather3A_641 : memref<64x128xf32, #tpu.memory_space<vmem>>[vector<16xi32>, vector<16xi32>], vector<16xf32>,
        %add3A_642 = arith.constant 48 : i32
        %add3A_643 = vector.broadcast %add3A_642 : i32 to vector<16xi32>
        %add3A_644 = arith.addi %iota3A, %add3A_643 : vector<16xi32>
        %add3A_645 = arith.constant 0 : i32
        %add3A_646 = vector.broadcast %add3A_645 : i32 to vector<16xi32>
        %add3A_647 = arith.addi %add3A_644, %add3A_646 : vector<16xi32>
        %gather3A_648 = tpu.vector_load_idx %arg5[%add3A_647, %add3A_561] : memref<512x64xf32, #tpu.memory_space<vmem>>[vector<16xi32>, vector<16xi32>], vector<16xf32>,
        tpu.vector_store_idx %arg7[%add3A_576, %add3A_644], %gather3A_648 : memref<64x128xf32, #tpu.memory_space<vmem>>[vector<16xi32>, vector<16xi32>], vector<16xf32>,
        %add3A_649 = arith.constant 128 : i32
        %add3A_650 = vector.broadcast %add3A_649 : i32 to vector<16xi32>
        %add3A_651 = arith.addi %add3A_644, %add3A_650 : vector<16xi32>
        %gather3A_652 = tpu.vector_load_idx %arg5[%add3A_651, %add3A_561] : memref<512x64xf32, #tpu.memory_space<vmem>>[vector<16xi32>, vector<16xi32>], vector<16xf32>,
        tpu.vector_store_idx %arg7[%add3A_579, %add3A_644], %gather3A_652 : memref<64x128xf32, #tpu.memory_space<vmem>>[vector<16xi32>, vector<16xi32>], vector<16xf32>,
        %add3A_653 = arith.constant 256 : i32
        %add3A_654 = vector.broadcast %add3A_653 : i32 to vector<16xi32>
        %add3A_655 = arith.addi %add3A_644, %add3A_654 : vector<16xi32>
        %gather3A_656 = tpu.vector_load_idx %arg5[%add3A_655, %add3A_561] : memref<512x64xf32, #tpu.memory_space<vmem>>[vector<16xi32>, vector<16xi32>], vector<16xf32>,
        tpu.vector_store_idx %arg7[%add3A_582, %add3A_644], %gather3A_656 : memref<64x128xf32, #tpu.memory_space<vmem>>[vector<16xi32>, vector<16xi32>], vector<16xf32>,
        %add3A_657 = arith.constant 384 : i32
        %add3A_658 = vector.broadcast %add3A_657 : i32 to vector<16xi32>
        %add3A_659 = arith.addi %add3A_644, %add3A_658 : vector<16xi32>
        %gather3A_660 = tpu.vector_load_idx %arg5[%add3A_659, %add3A_561] : memref<512x64xf32, #tpu.memory_space<vmem>>[vector<16xi32>, vector<16xi32>], vector<16xf32>,
        tpu.vector_store_idx %arg7[%add3A_585, %add3A_644], %gather3A_660 : memref<64x128xf32, #tpu.memory_space<vmem>>[vector<16xi32>, vector<16xi32>], vector<16xf32>,
        %add3A_661 = arith.constant 64 : i32
        %add3A_662 = vector.broadcast %add3A_661 : i32 to vector<16xi32>
        %add3A_663 = arith.addi %iota3A, %add3A_662 : vector<16xi32>
        %add3A_664 = arith.constant 0 : i32
        %add3A_665 = vector.broadcast %add3A_664 : i32 to vector<16xi32>
        %add3A_666 = arith.addi %add3A_663, %add3A_665 : vector<16xi32>
        %gather3A_667 = tpu.vector_load_idx %arg5[%add3A_666, %add3A_561] : memref<512x64xf32, #tpu.memory_space<vmem>>[vector<16xi32>, vector<16xi32>], vector<16xf32>,
        tpu.vector_store_idx %arg7[%add3A_576, %add3A_663], %gather3A_667 : memref<64x128xf32, #tpu.memory_space<vmem>>[vector<16xi32>, vector<16xi32>], vector<16xf32>,
        %add3A_668 = arith.constant 128 : i32
        %add3A_669 = vector.broadcast %add3A_668 : i32 to vector<16xi32>
        %add3A_670 = arith.addi %add3A_663, %add3A_669 : vector<16xi32>
        %gather3A_671 = tpu.vector_load_idx %arg5[%add3A_670, %add3A_561] : memref<512x64xf32, #tpu.memory_space<vmem>>[vector<16xi32>, vector<16xi32>], vector<16xf32>,
        tpu.vector_store_idx %arg7[%add3A_579, %add3A_663], %gather3A_671 : memref<64x128xf32, #tpu.memory_space<vmem>>[vector<16xi32>, vector<16xi32>], vector<16xf32>,
        %add3A_672 = arith.constant 256 : i32
        %add3A_673 = vector.broadcast %add3A_672 : i32 to vector<16xi32>
        %add3A_674 = arith.addi %add3A_663, %add3A_673 : vector<16xi32>
        %gather3A_675 = tpu.vector_load_idx %arg5[%add3A_674, %add3A_561] : memref<512x64xf32, #tpu.memory_space<vmem>>[vector<16xi32>, vector<16xi32>], vector<16xf32>,
        tpu.vector_store_idx %arg7[%add3A_582, %add3A_663], %gather3A_675 : memref<64x128xf32, #tpu.memory_space<vmem>>[vector<16xi32>, vector<16xi32>], vector<16xf32>,
        %add3A_676 = arith.constant 384 : i32
        %add3A_677 = vector.broadcast %add3A_676 : i32 to vector<16xi32>
        %add3A_678 = arith.addi %add3A_663, %add3A_677 : vector<16xi32>
        %gather3A_679 = tpu.vector_load_idx %arg5[%add3A_678, %add3A_561] : memref<512x64xf32, #tpu.memory_space<vmem>>[vector<16xi32>, vector<16xi32>], vector<16xf32>,
        tpu.vector_store_idx %arg7[%add3A_585, %add3A_663], %gather3A_679 : memref<64x128xf32, #tpu.memory_space<vmem>>[vector<16xi32>, vector<16xi32>], vector<16xf32>,
        %add3A_680 = arith.constant 80 : i32
        %add3A_681 = vector.broadcast %add3A_680 : i32 to vector<16xi32>
        %add3A_682 = arith.addi %iota3A, %add3A_681 : vector<16xi32>
        %add3A_683 = arith.constant 0 : i32
        %add3A_684 = vector.broadcast %add3A_683 : i32 to vector<16xi32>
        %add3A_685 = arith.addi %add3A_682, %add3A_684 : vector<16xi32>
        %gather3A_686 = tpu.vector_load_idx %arg5[%add3A_685, %add3A_561] : memref<512x64xf32, #tpu.memory_space<vmem>>[vector<16xi32>, vector<16xi32>], vector<16xf32>,
        tpu.vector_store_idx %arg7[%add3A_576, %add3A_682], %gather3A_686 : memref<64x128xf32, #tpu.memory_space<vmem>>[vector<16xi32>, vector<16xi32>], vector<16xf32>,
        %add3A_687 = arith.constant 128 : i32
        %add3A_688 = vector.broadcast %add3A_687 : i32 to vector<16xi32>
        %add3A_689 = arith.addi %add3A_682, %add3A_688 : vector<16xi32>
        %gather3A_690 = tpu.vector_load_idx %arg5[%add3A_689, %add3A_561] : memref<512x64xf32, #tpu.memory_space<vmem>>[vector<16xi32>, vector<16xi32>], vector<16xf32>,
        tpu.vector_store_idx %arg7[%add3A_579, %add3A_682], %gather3A_690 : memref<64x128xf32, #tpu.memory_space<vmem>>[vector<16xi32>, vector<16xi32>], vector<16xf32>,
        %add3A_691 = arith.constant 256 : i32
        %add3A_692 = vector.broadcast %add3A_691 : i32 to vector<16xi32>
        %add3A_693 = arith.addi %add3A_682, %add3A_692 : vector<16xi32>
        %gather3A_694 = tpu.vector_load_idx %arg5[%add3A_693, %add3A_561] : memref<512x64xf32, #tpu.memory_space<vmem>>[vector<16xi32>, vector<16xi32>], vector<16xf32>,
        tpu.vector_store_idx %arg7[%add3A_582, %add3A_682], %gather3A_694 : memref<64x128xf32, #tpu.memory_space<vmem>>[vector<16xi32>, vector<16xi32>], vector<16xf32>,
        %add3A_695 = arith.constant 384 : i32
        %add3A_696 = vector.broadcast %add3A_695 : i32 to vector<16xi32>
        %add3A_697 = arith.addi %add3A_682, %add3A_696 : vector<16xi32>
        %gather3A_698 = tpu.vector_load_idx %arg5[%add3A_697, %add3A_561] : memref<512x64xf32, #tpu.memory_space<vmem>>[vector<16xi32>, vector<16xi32>], vector<16xf32>,
        tpu.vector_store_idx %arg7[%add3A_585, %add3A_682], %gather3A_698 : memref<64x128xf32, #tpu.memory_space<vmem>>[vector<16xi32>, vector<16xi32>], vector<16xf32>,
        %add3A_699 = arith.constant 96 : i32
        %add3A_700 = vector.broadcast %add3A_699 : i32 to vector<16xi32>
        %add3A_701 = arith.addi %iota3A, %add3A_700 : vector<16xi32>
        %add3A_702 = arith.constant 0 : i32
        %add3A_703 = vector.broadcast %add3A_702 : i32 to vector<16xi32>
        %add3A_704 = arith.addi %add3A_701, %add3A_703 : vector<16xi32>
        %gather3A_705 = tpu.vector_load_idx %arg5[%add3A_704, %add3A_561] : memref<512x64xf32, #tpu.memory_space<vmem>>[vector<16xi32>, vector<16xi32>], vector<16xf32>,
        tpu.vector_store_idx %arg7[%add3A_576, %add3A_701], %gather3A_705 : memref<64x128xf32, #tpu.memory_space<vmem>>[vector<16xi32>, vector<16xi32>], vector<16xf32>,
        %add3A_706 = arith.constant 128 : i32
        %add3A_707 = vector.broadcast %add3A_706 : i32 to vector<16xi32>
        %add3A_708 = arith.addi %add3A_701, %add3A_707 : vector<16xi32>
        %gather3A_709 = tpu.vector_load_idx %arg5[%add3A_708, %add3A_561] : memref<512x64xf32, #tpu.memory_space<vmem>>[vector<16xi32>, vector<16xi32>], vector<16xf32>,
        tpu.vector_store_idx %arg7[%add3A_579, %add3A_701], %gather3A_709 : memref<64x128xf32, #tpu.memory_space<vmem>>[vector<16xi32>, vector<16xi32>], vector<16xf32>,
        %add3A_710 = arith.constant 256 : i32
        %add3A_711 = vector.broadcast %add3A_710 : i32 to vector<16xi32>
        %add3A_712 = arith.addi %add3A_701, %add3A_711 : vector<16xi32>
        %gather3A_713 = tpu.vector_load_idx %arg5[%add3A_712, %add3A_561] : memref<512x64xf32, #tpu.memory_space<vmem>>[vector<16xi32>, vector<16xi32>], vector<16xf32>,
        tpu.vector_store_idx %arg7[%add3A_582, %add3A_701], %gather3A_713 : memref<64x128xf32, #tpu.memory_space<vmem>>[vector<16xi32>, vector<16xi32>], vector<16xf32>,
        %add3A_714 = arith.constant 384 : i32
        %add3A_715 = vector.broadcast %add3A_714 : i32 to vector<16xi32>
        %add3A_716 = arith.addi %add3A_701, %add3A_715 : vector<16xi32>
        %gather3A_717 = tpu.vector_load_idx %arg5[%add3A_716, %add3A_561] : memref<512x64xf32, #tpu.memory_space<vmem>>[vector<16xi32>, vector<16xi32>], vector<16xf32>,
        tpu.vector_store_idx %arg7[%add3A_585, %add3A_701], %gather3A_717 : memref<64x128xf32, #tpu.memory_space<vmem>>[vector<16xi32>, vector<16xi32>], vector<16xf32>,
        %add3A_718 = arith.constant 112 : i32
        %add3A_719 = vector.broadcast %add3A_718 : i32 to vector<16xi32>
        %add3A_720 = arith.addi %iota3A, %add3A_719 : vector<16xi32>
        %add3A_721 = arith.constant 0 : i32
        %add3A_722 = vector.broadcast %add3A_721 : i32 to vector<16xi32>
        %add3A_723 = arith.addi %add3A_720, %add3A_722 : vector<16xi32>
        %gather3A_724 = tpu.vector_load_idx %arg5[%add3A_723, %add3A_561] : memref<512x64xf32, #tpu.memory_space<vmem>>[vector<16xi32>, vector<16xi32>], vector<16xf32>,
        tpu.vector_store_idx %arg7[%add3A_576, %add3A_720], %gather3A_724 : memref<64x128xf32, #tpu.memory_space<vmem>>[vector<16xi32>, vector<16xi32>], vector<16xf32>,
        %add3A_725 = arith.constant 128 : i32
        %add3A_726 = vector.broadcast %add3A_725 : i32 to vector<16xi32>
        %add3A_727 = arith.addi %add3A_720, %add3A_726 : vector<16xi32>
        %gather3A_728 = tpu.vector_load_idx %arg5[%add3A_727, %add3A_561] : memref<512x64xf32, #tpu.memory_space<vmem>>[vector<16xi32>, vector<16xi32>], vector<16xf32>,
        tpu.vector_store_idx %arg7[%add3A_579, %add3A_720], %gather3A_728 : memref<64x128xf32, #tpu.memory_space<vmem>>[vector<16xi32>, vector<16xi32>], vector<16xf32>,
        %add3A_729 = arith.constant 256 : i32
        %add3A_730 = vector.broadcast %add3A_729 : i32 to vector<16xi32>
        %add3A_731 = arith.addi %add3A_720, %add3A_730 : vector<16xi32>
        %gather3A_732 = tpu.vector_load_idx %arg5[%add3A_731, %add3A_561] : memref<512x64xf32, #tpu.memory_space<vmem>>[vector<16xi32>, vector<16xi32>], vector<16xf32>,
        tpu.vector_store_idx %arg7[%add3A_582, %add3A_720], %gather3A_732 : memref<64x128xf32, #tpu.memory_space<vmem>>[vector<16xi32>, vector<16xi32>], vector<16xf32>,
        %add3A_733 = arith.constant 384 : i32
        %add3A_734 = vector.broadcast %add3A_733 : i32 to vector<16xi32>
        %add3A_735 = arith.addi %add3A_720, %add3A_734 : vector<16xi32>
        %gather3A_736 = tpu.vector_load_idx %arg5[%add3A_735, %add3A_561] : memref<512x64xf32, #tpu.memory_space<vmem>>[vector<16xi32>, vector<16xi32>], vector<16xf32>,
        tpu.vector_store_idx %arg7[%add3A_585, %add3A_720], %gather3A_736 : memref<64x128xf32, #tpu.memory_space<vmem>>[vector<16xi32>, vector<16xi32>], vector<16xf32>,
      }
      %scan3A_218 = arith.constant 16 : i32
      %mul3A_219 = arith.constant 8 : i32
      %mul3A_220 = arith.muli %mul3A_4, %mul3A_219 : i32
      %dma_start3A_221 = arith.constant 4 : i32
      %dma_start3A_222 = arith.constant 0 : i32
      %dma_start3A_223 = arith.constant 0 : i32
      %dma_start3A_224 = tpu.memref_slice %arg7[%dma_start3A_222, %dma_start3A_223] : memref<64x128xf32, #tpu.memory_space<vmem>> -> memref<32x128xf32, #tpu.memory_space<vmem>>
      %dma_start3A_225 = arith.constant 0 : i32
      %dma_start3A_226 = tpu.memref_slice %arg4[%add3A_97, %dma_start3A_221, %mul3A_220, %dma_start3A_225] : memref<50x8x1024x128xf32, #tpu.memory_space<hbm>> -> memref<1x1x32x128xf32, #tpu.memory_space<hbm>>
      %dma_start3A_227 = tpu.memref_squeeze %dma_start3A_226 : memref<1x1x32x128xf32, #tpu.memory_space<hbm>> -> memref<32x128xf32, #tpu.memory_space<hbm>>
      %dma_start3A_228 = arith.constant 0 : i32
      %dma_start3A_229 = tpu.memref_slice %arg4[%add3A_97, %dma_start3A_221, %mul3A_220, %dma_start3A_228] : memref<50x8x1024x128xf32, #tpu.memory_space<hbm>> -> memref<1x1x32x128xf32, #tpu.memory_space<hbm>>
      %dma_start3A_230 = tpu.memref_squeeze %dma_start3A_229 : memref<1x1x32x128xf32, #tpu.memory_space<hbm>> -> memref<32x128xf32, #tpu.memory_space<hbm>>
      %dma_start3A_231 = arith.constant 0 : i32
      %dma_start3A_232 = arith.constant 0 : i32
      %dma_start3A_233 = tpu.memref_slice %arg7[%dma_start3A_231, %dma_start3A_232] : memref<64x128xf32, #tpu.memory_space<vmem>> -> memref<32x128xf32, #tpu.memory_space<vmem>>
      tpu.enqueue_dma source(%dma_start3A_233 : memref<32x128xf32, #tpu.memory_space<vmem>>) target(%dma_start3A_230 : memref<32x128xf32, #tpu.memory_space<hbm>>) target_semaphore(%arg15 : memref<!tpu.dma_semaphore, #tpu.memory_space<semaphore_mem>>)
      %mul3A_234 = arith.constant 8 : i32
      %mul3A_235 = arith.muli %mul3A_4, %mul3A_234 : i32
      %dma_start3A_236 = arith.constant 5 : i32
      %dma_start3A_237 = arith.constant 32 : i32
      %dma_start3A_238 = arith.constant 0 : i32
      %dma_start3A_239 = tpu.memref_slice %arg7[%dma_start3A_237, %dma_start3A_238] : memref<64x128xf32, #tpu.memory_space<vmem>> -> memref<32x128xf32, #tpu.memory_space<vmem>>
      %dma_start3A_240 = arith.constant 0 : i32
      %dma_start3A_241 = tpu.memref_slice %arg4[%add3A_97, %dma_start3A_236, %mul3A_235, %dma_start3A_240] : memref<50x8x1024x128xf32, #tpu.memory_space<hbm>> -> memref<1x1x32x128xf32, #tpu.memory_space<hbm>>
      %dma_start3A_242 = tpu.memref_squeeze %dma_start3A_241 : memref<1x1x32x128xf32, #tpu.memory_space<hbm>> -> memref<32x128xf32, #tpu.memory_space<hbm>>
      %dma_start3A_243 = arith.constant 0 : i32
      %dma_start3A_244 = tpu.memref_slice %arg4[%add3A_97, %dma_start3A_236, %mul3A_235, %dma_start3A_243] : memref<50x8x1024x128xf32, #tpu.memory_space<hbm>> -> memref<1x1x32x128xf32, #tpu.memory_space<hbm>>
      %dma_start3A_245 = tpu.memref_squeeze %dma_start3A_244 : memref<1x1x32x128xf32, #tpu.memory_space<hbm>> -> memref<32x128xf32, #tpu.memory_space<hbm>>
      %dma_start3A_246 = arith.constant 32 : i32
      %dma_start3A_247 = arith.constant 0 : i32
      %dma_start3A_248 = tpu.memref_slice %arg7[%dma_start3A_246, %dma_start3A_247] : memref<64x128xf32, #tpu.memory_space<vmem>> -> memref<32x128xf32, #tpu.memory_space<vmem>>
      tpu.enqueue_dma source(%dma_start3A_248 : memref<32x128xf32, #tpu.memory_space<vmem>>) target(%dma_start3A_245 : memref<32x128xf32, #tpu.memory_space<hbm>>) target_semaphore(%arg15 : memref<!tpu.dma_semaphore, #tpu.memory_space<semaphore_mem>>)
      %mul3A_249 = arith.constant 8 : i32
      %mul3A_250 = arith.muli %mul3A_4, %mul3A_249 : i32
      %dma_wait3A_251 = arith.constant 2 : i32
      %dma_wait3A_252 = arith.constant 0 : i32
      %dma_wait3A_253 = arith.constant 0 : i32
      %dma_wait3A_254 = tpu.memref_slice %arg8[%dma_wait3A_252, %dma_wait3A_253] : memref<64x128xf32, #tpu.memory_space<vmem>> -> memref<32x128xf32, #tpu.memory_space<vmem>>
      %dma_wait3A_255 = arith.constant 0 : i32
      %dma_wait3A_256 = tpu.memref_slice %arg4[%add3A_97, %dma_wait3A_251, %mul3A_250, %dma_wait3A_255] : memref<50x8x1024x128xf32, #tpu.memory_space<hbm>> -> memref<1x1x32x128xf32, #tpu.memory_space<hbm>>
      %dma_wait3A_257 = tpu.memref_squeeze %dma_wait3A_256 : memref<1x1x32x128xf32, #tpu.memory_space<hbm>> -> memref<32x128xf32, #tpu.memory_space<hbm>>
      %dma_wait3A_258 = arith.constant 0 : i32
      %dma_wait3A_259 = tpu.memref_slice %arg4[%add3A_97, %dma_wait3A_251, %mul3A_250, %dma_wait3A_258] : memref<50x8x1024x128xf32, #tpu.memory_space<hbm>> -> memref<1x1x32x128xf32, #tpu.memory_space<hbm>>
      %dma_wait3A_260 = tpu.memref_squeeze %dma_wait3A_259 : memref<1x1x32x128xf32, #tpu.memory_space<hbm>> -> memref<32x128xf32, #tpu.memory_space<hbm>>
      %dma_wait3A_261 = arith.constant 0 : i32
      %dma_wait3A_262 = arith.constant 0 : i32
      %dma_wait3A_263 = tpu.memref_slice %arg8[%dma_wait3A_261, %dma_wait3A_262] : memref<64x128xf32, #tpu.memory_space<vmem>> -> memref<32x128xf32, #tpu.memory_space<vmem>>
      tpu.wait_dma2 semaphore(%arg16 : memref<!tpu.dma_semaphore, #tpu.memory_space<semaphore_mem>>) src(%dma_wait3A_263 : memref<32x128xf32, #tpu.memory_space<vmem>>) dst(%dma_wait3A_260 : memref<32x128xf32, #tpu.memory_space<hbm>>)
      %mul3A_264 = arith.constant 8 : i32
      %mul3A_265 = arith.muli %mul3A_4, %mul3A_264 : i32
      %dma_wait3A_266 = arith.constant 3 : i32
      %dma_wait3A_267 = arith.constant 32 : i32
      %dma_wait3A_268 = arith.constant 0 : i32
      %dma_wait3A_269 = tpu.memref_slice %arg8[%dma_wait3A_267, %dma_wait3A_268] : memref<64x128xf32, #tpu.memory_space<vmem>> -> memref<32x128xf32, #tpu.memory_space<vmem>>
      %dma_wait3A_270 = arith.constant 0 : i32
      %dma_wait3A_271 = tpu.memref_slice %arg4[%add3A_97, %dma_wait3A_266, %mul3A_265, %dma_wait3A_270] : memref<50x8x1024x128xf32, #tpu.memory_space<hbm>> -> memref<1x1x32x128xf32, #tpu.memory_space<hbm>>
      %dma_wait3A_272 = tpu.memref_squeeze %dma_wait3A_271 : memref<1x1x32x128xf32, #tpu.memory_space<hbm>> -> memref<32x128xf32, #tpu.memory_space<hbm>>
      %dma_wait3A_273 = arith.constant 0 : i32
      %dma_wait3A_274 = tpu.memref_slice %arg4[%add3A_97, %dma_wait3A_266, %mul3A_265, %dma_wait3A_273] : memref<50x8x1024x128xf32, #tpu.memory_space<hbm>> -> memref<1x1x32x128xf32, #tpu.memory_space<hbm>>
      %dma_wait3A_275 = tpu.memref_squeeze %dma_wait3A_274 : memref<1x1x32x128xf32, #tpu.memory_space<hbm>> -> memref<32x128xf32, #tpu.memory_space<hbm>>
      %dma_wait3A_276 = arith.constant 32 : i32
      %dma_wait3A_277 = arith.constant 0 : i32
      %dma_wait3A_278 = tpu.memref_slice %arg8[%dma_wait3A_276, %dma_wait3A_277] : memref<64x128xf32, #tpu.memory_space<vmem>> -> memref<32x128xf32, #tpu.memory_space<vmem>>
      tpu.wait_dma2 semaphore(%arg16 : memref<!tpu.dma_semaphore, #tpu.memory_space<semaphore_mem>>) src(%dma_wait3A_278 : memref<32x128xf32, #tpu.memory_space<vmem>>) dst(%dma_wait3A_275 : memref<32x128xf32, #tpu.memory_space<hbm>>)
      %scan3A_279 = arith.constant 0 : i32
      %scan3A_280 = arith.constant 16 : i32
      %scan3A_281 = arith.addi %scan3A_279, %scan3A_280 : i32
      %scan3A_282 = arith.constant 1 : i32
      scf.for %scan3A_550 = %scan3A_279 to %scan3A_281 step %scan3A_282  : i32 {
        %mul3A_551 = arith.constant 1 : i32
        %mul3A_552 = arith.muli %scan3A_550, %mul3A_551 : i32
        %add3A_553 = arith.constant 0 : i32
        %add3A_554 = arith.addi %add3A_553, %mul3A_552 : i32
        %add3A_555 = vector.broadcast %add3A_554 : i32 to vector<16xi32>
        %add3A_556 = arith.addi %iota3A, %add3A_555 : vector<16xi32>
        %and3A = arith.constant 15 : i32
        %and3A_557 = vector.broadcast %and3A : i32 to vector<16xi32>
        %and3A_558 = arith.andi %add3A_556, %and3A_557 : vector<16xi32>
        %add3A_559 = arith.constant 48 : i32
        %add3A_560 = vector.broadcast %add3A_559 : i32 to vector<16xi32>
        %add3A_561 = arith.addi %and3A_558, %add3A_560 : vector<16xi32>
        %shift_right_arithmetic3A = arith.constant 3 : i32
        %shift_right_arithmetic3A_562 = vector.broadcast %shift_right_arithmetic3A : i32 to vector<16xi32>
        %shift_right_arithmetic3A_563 = arith.shrsi %add3A_561, %shift_right_arithmetic3A_562 : vector<16xi32>
        %and3A_564 = arith.constant 1 : i32
        %and3A_565 = vector.broadcast %and3A_564 : i32 to vector<16xi32>
        %and3A_566 = arith.andi %shift_right_arithmetic3A_563, %and3A_565 : vector<16xi32>
        %mul3A_567 = arith.constant 32 : i32
        %mul3A_568 = vector.broadcast %mul3A_567 : i32 to vector<16xi32>
        %mul3A_569 = arith.muli %and3A_566, %mul3A_568 : vector<16xi32>
        %and3A_570 = arith.constant 7 : i32
        %and3A_571 = vector.broadcast %and3A_570 : i32 to vector<16xi32>
        %and3A_572 = arith.andi %add3A_561, %and3A_571 : vector<16xi32>
        %add3A_573 = arith.addi %mul3A_569, %and3A_572 : vector<16xi32>
        %add3A_574 = arith.constant 0 : i32
        %add3A_575 = vector.broadcast %add3A_574 : i32 to vector<16xi32>
        %add3A_576 = arith.addi %add3A_573, %add3A_575 : vector<16xi32>
        %add3A_577 = arith.constant 8 : i32
        %add3A_578 = vector.broadcast %add3A_577 : i32 to vector<16xi32>
        %add3A_579 = arith.addi %add3A_573, %add3A_578 : vector<16xi32>
        %add3A_580 = arith.constant 16 : i32
        %add3A_581 = vector.broadcast %add3A_580 : i32 to vector<16xi32>
        %add3A_582 = arith.addi %add3A_573, %add3A_581 : vector<16xi32>
        %add3A_583 = arith.constant 24 : i32
        %add3A_584 = vector.broadcast %add3A_583 : i32 to vector<16xi32>
        %add3A_585 = arith.addi %add3A_573, %add3A_584 : vector<16xi32>
        %add3A_586 = arith.constant 0 : i32
        %add3A_587 = vector.broadcast %add3A_586 : i32 to vector<16xi32>
        %add3A_588 = arith.addi %iota3A, %add3A_587 : vector<16xi32>
        %add3A_589 = arith.constant 0 : i32
        %add3A_590 = vector.broadcast %add3A_589 : i32 to vector<16xi32>
        %add3A_591 = arith.addi %add3A_588, %add3A_590 : vector<16xi32>
        %gather3A = tpu.vector_load_idx %arg5[%add3A_591, %add3A_561] : memref<512x64xf32, #tpu.memory_space<vmem>>[vector<16xi32>, vector<16xi32>], vector<16xf32>,
        tpu.vector_store_idx %arg8[%add3A_576, %add3A_588], %gather3A : memref<64x128xf32, #tpu.memory_space<vmem>>[vector<16xi32>, vector<16xi32>], vector<16xf32>,
        %add3A_592 = arith.constant 128 : i32
        %add3A_593 = vector.broadcast %add3A_592 : i32 to vector<16xi32>
        %add3A_594 = arith.addi %add3A_588, %add3A_593 : vector<16xi32>
        %gather3A_595 = tpu.vector_load_idx %arg5[%add3A_594, %add3A_561] : memref<512x64xf32, #tpu.memory_space<vmem>>[vector<16xi32>, vector<16xi32>], vector<16xf32>,
        tpu.vector_store_idx %arg8[%add3A_579, %add3A_588], %gather3A_595 : memref<64x128xf32, #tpu.memory_space<vmem>>[vector<16xi32>, vector<16xi32>], vector<16xf32>,
        %add3A_596 = arith.constant 256 : i32
        %add3A_597 = vector.broadcast %add3A_596 : i32 to vector<16xi32>
        %add3A_598 = arith.addi %add3A_588, %add3A_597 : vector<16xi32>
        %gather3A_599 = tpu.vector_load_idx %arg5[%add3A_598, %add3A_561] : memref<512x64xf32, #tpu.memory_space<vmem>>[vector<16xi32>, vector<16xi32>], vector<16xf32>,
        tpu.vector_store_idx %arg8[%add3A_582, %add3A_588], %gather3A_599 : memref<64x128xf32, #tpu.memory_space<vmem>>[vector<16xi32>, vector<16xi32>], vector<16xf32>,
        %add3A_600 = arith.constant 384 : i32
        %add3A_601 = vector.broadcast %add3A_600 : i32 to vector<16xi32>
        %add3A_602 = arith.addi %add3A_588, %add3A_601 : vector<16xi32>
        %gather3A_603 = tpu.vector_load_idx %arg5[%add3A_602, %add3A_561] : memref<512x64xf32, #tpu.memory_space<vmem>>[vector<16xi32>, vector<16xi32>], vector<16xf32>,
        tpu.vector_store_idx %arg8[%add3A_585, %add3A_588], %gather3A_603 : memref<64x128xf32, #tpu.memory_space<vmem>>[vector<16xi32>, vector<16xi32>], vector<16xf32>,
        %add3A_604 = arith.constant 16 : i32
        %add3A_605 = vector.broadcast %add3A_604 : i32 to vector<16xi32>
        %add3A_606 = arith.addi %iota3A, %add3A_605 : vector<16xi32>
        %add3A_607 = arith.constant 0 : i32
        %add3A_608 = vector.broadcast %add3A_607 : i32 to vector<16xi32>
        %add3A_609 = arith.addi %add3A_606, %add3A_608 : vector<16xi32>
        %gather3A_610 = tpu.vector_load_idx %arg5[%add3A_609, %add3A_561] : memref<512x64xf32, #tpu.memory_space<vmem>>[vector<16xi32>, vector<16xi32>], vector<16xf32>,
        tpu.vector_store_idx %arg8[%add3A_576, %add3A_606], %gather3A_610 : memref<64x128xf32, #tpu.memory_space<vmem>>[vector<16xi32>, vector<16xi32>], vector<16xf32>,
        %add3A_611 = arith.constant 128 : i32
        %add3A_612 = vector.broadcast %add3A_611 : i32 to vector<16xi32>
        %add3A_613 = arith.addi %add3A_606, %add3A_612 : vector<16xi32>
        %gather3A_614 = tpu.vector_load_idx %arg5[%add3A_613, %add3A_561] : memref<512x64xf32, #tpu.memory_space<vmem>>[vector<16xi32>, vector<16xi32>], vector<16xf32>,
        tpu.vector_store_idx %arg8[%add3A_579, %add3A_606], %gather3A_614 : memref<64x128xf32, #tpu.memory_space<vmem>>[vector<16xi32>, vector<16xi32>], vector<16xf32>,
        %add3A_615 = arith.constant 256 : i32
        %add3A_616 = vector.broadcast %add3A_615 : i32 to vector<16xi32>
        %add3A_617 = arith.addi %add3A_606, %add3A_616 : vector<16xi32>
        %gather3A_618 = tpu.vector_load_idx %arg5[%add3A_617, %add3A_561] : memref<512x64xf32, #tpu.memory_space<vmem>>[vector<16xi32>, vector<16xi32>], vector<16xf32>,
        tpu.vector_store_idx %arg8[%add3A_582, %add3A_606], %gather3A_618 : memref<64x128xf32, #tpu.memory_space<vmem>>[vector<16xi32>, vector<16xi32>], vector<16xf32>,
        %add3A_619 = arith.constant 384 : i32
        %add3A_620 = vector.broadcast %add3A_619 : i32 to vector<16xi32>
        %add3A_621 = arith.addi %add3A_606, %add3A_620 : vector<16xi32>
        %gather3A_622 = tpu.vector_load_idx %arg5[%add3A_621, %add3A_561] : memref<512x64xf32, #tpu.memory_space<vmem>>[vector<16xi32>, vector<16xi32>], vector<16xf32>,
        tpu.vector_store_idx %arg8[%add3A_585, %add3A_606], %gather3A_622 : memref<64x128xf32, #tpu.memory_space<vmem>>[vector<16xi32>, vector<16xi32>], vector<16xf32>,
        %add3A_623 = arith.constant 32 : i32
        %add3A_624 = vector.broadcast %add3A_623 : i32 to vector<16xi32>
        %add3A_625 = arith.addi %iota3A, %add3A_624 : vector<16xi32>
        %add3A_626 = arith.constant 0 : i32
        %add3A_627 = vector.broadcast %add3A_626 : i32 to vector<16xi32>
        %add3A_628 = arith.addi %add3A_625, %add3A_627 : vector<16xi32>
        %gather3A_629 = tpu.vector_load_idx %arg5[%add3A_628, %add3A_561] : memref<512x64xf32, #tpu.memory_space<vmem>>[vector<16xi32>, vector<16xi32>], vector<16xf32>,
        tpu.vector_store_idx %arg8[%add3A_576, %add3A_625], %gather3A_629 : memref<64x128xf32, #tpu.memory_space<vmem>>[vector<16xi32>, vector<16xi32>], vector<16xf32>,
        %add3A_630 = arith.constant 128 : i32
        %add3A_631 = vector.broadcast %add3A_630 : i32 to vector<16xi32>
        %add3A_632 = arith.addi %add3A_625, %add3A_631 : vector<16xi32>
        %gather3A_633 = tpu.vector_load_idx %arg5[%add3A_632, %add3A_561] : memref<512x64xf32, #tpu.memory_space<vmem>>[vector<16xi32>, vector<16xi32>], vector<16xf32>,
        tpu.vector_store_idx %arg8[%add3A_579, %add3A_625], %gather3A_633 : memref<64x128xf32, #tpu.memory_space<vmem>>[vector<16xi32>, vector<16xi32>], vector<16xf32>,
        %add3A_634 = arith.constant 256 : i32
        %add3A_635 = vector.broadcast %add3A_634 : i32 to vector<16xi32>
        %add3A_636 = arith.addi %add3A_625, %add3A_635 : vector<16xi32>
        %gather3A_637 = tpu.vector_load_idx %arg5[%add3A_636, %add3A_561] : memref<512x64xf32, #tpu.memory_space<vmem>>[vector<16xi32>, vector<16xi32>], vector<16xf32>,
        tpu.vector_store_idx %arg8[%add3A_582, %add3A_625], %gather3A_637 : memref<64x128xf32, #tpu.memory_space<vmem>>[vector<16xi32>, vector<16xi32>], vector<16xf32>,
        %add3A_638 = arith.constant 384 : i32
        %add3A_639 = vector.broadcast %add3A_638 : i32 to vector<16xi32>
        %add3A_640 = arith.addi %add3A_625, %add3A_639 : vector<16xi32>
        %gather3A_641 = tpu.vector_load_idx %arg5[%add3A_640, %add3A_561] : memref<512x64xf32, #tpu.memory_space<vmem>>[vector<16xi32>, vector<16xi32>], vector<16xf32>,
        tpu.vector_store_idx %arg8[%add3A_585, %add3A_625], %gather3A_641 : memref<64x128xf32, #tpu.memory_space<vmem>>[vector<16xi32>, vector<16xi32>], vector<16xf32>,
        %add3A_642 = arith.constant 48 : i32
        %add3A_643 = vector.broadcast %add3A_642 : i32 to vector<16xi32>
        %add3A_644 = arith.addi %iota3A, %add3A_643 : vector<16xi32>
        %add3A_645 = arith.constant 0 : i32
        %add3A_646 = vector.broadcast %add3A_645 : i32 to vector<16xi32>
        %add3A_647 = arith.addi %add3A_644, %add3A_646 : vector<16xi32>
        %gather3A_648 = tpu.vector_load_idx %arg5[%add3A_647, %add3A_561] : memref<512x64xf32, #tpu.memory_space<vmem>>[vector<16xi32>, vector<16xi32>], vector<16xf32>,
        tpu.vector_store_idx %arg8[%add3A_576, %add3A_644], %gather3A_648 : memref<64x128xf32, #tpu.memory_space<vmem>>[vector<16xi32>, vector<16xi32>], vector<16xf32>,
        %add3A_649 = arith.constant 128 : i32
        %add3A_650 = vector.broadcast %add3A_649 : i32 to vector<16xi32>
        %add3A_651 = arith.addi %add3A_644, %add3A_650 : vector<16xi32>
        %gather3A_652 = tpu.vector_load_idx %arg5[%add3A_651, %add3A_561] : memref<512x64xf32, #tpu.memory_space<vmem>>[vector<16xi32>, vector<16xi32>], vector<16xf32>,
        tpu.vector_store_idx %arg8[%add3A_579, %add3A_644], %gather3A_652 : memref<64x128xf32, #tpu.memory_space<vmem>>[vector<16xi32>, vector<16xi32>], vector<16xf32>,
        %add3A_653 = arith.constant 256 : i32
        %add3A_654 = vector.broadcast %add3A_653 : i32 to vector<16xi32>
        %add3A_655 = arith.addi %add3A_644, %add3A_654 : vector<16xi32>
        %gather3A_656 = tpu.vector_load_idx %arg5[%add3A_655, %add3A_561] : memref<512x64xf32, #tpu.memory_space<vmem>>[vector<16xi32>, vector<16xi32>], vector<16xf32>,
        tpu.vector_store_idx %arg8[%add3A_582, %add3A_644], %gather3A_656 : memref<64x128xf32, #tpu.memory_space<vmem>>[vector<16xi32>, vector<16xi32>], vector<16xf32>,
        %add3A_657 = arith.constant 384 : i32
        %add3A_658 = vector.broadcast %add3A_657 : i32 to vector<16xi32>
        %add3A_659 = arith.addi %add3A_644, %add3A_658 : vector<16xi32>
        %gather3A_660 = tpu.vector_load_idx %arg5[%add3A_659, %add3A_561] : memref<512x64xf32, #tpu.memory_space<vmem>>[vector<16xi32>, vector<16xi32>], vector<16xf32>,
        tpu.vector_store_idx %arg8[%add3A_585, %add3A_644], %gather3A_660 : memref<64x128xf32, #tpu.memory_space<vmem>>[vector<16xi32>, vector<16xi32>], vector<16xf32>,
        %add3A_661 = arith.constant 64 : i32
        %add3A_662 = vector.broadcast %add3A_661 : i32 to vector<16xi32>
        %add3A_663 = arith.addi %iota3A, %add3A_662 : vector<16xi32>
        %add3A_664 = arith.constant 0 : i32
        %add3A_665 = vector.broadcast %add3A_664 : i32 to vector<16xi32>
        %add3A_666 = arith.addi %add3A_663, %add3A_665 : vector<16xi32>
        %gather3A_667 = tpu.vector_load_idx %arg5[%add3A_666, %add3A_561] : memref<512x64xf32, #tpu.memory_space<vmem>>[vector<16xi32>, vector<16xi32>], vector<16xf32>,
        tpu.vector_store_idx %arg8[%add3A_576, %add3A_663], %gather3A_667 : memref<64x128xf32, #tpu.memory_space<vmem>>[vector<16xi32>, vector<16xi32>], vector<16xf32>,
        %add3A_668 = arith.constant 128 : i32
        %add3A_669 = vector.broadcast %add3A_668 : i32 to vector<16xi32>
        %add3A_670 = arith.addi %add3A_663, %add3A_669 : vector<16xi32>
        %gather3A_671 = tpu.vector_load_idx %arg5[%add3A_670, %add3A_561] : memref<512x64xf32, #tpu.memory_space<vmem>>[vector<16xi32>, vector<16xi32>], vector<16xf32>,
        tpu.vector_store_idx %arg8[%add3A_579, %add3A_663], %gather3A_671 : memref<64x128xf32, #tpu.memory_space<vmem>>[vector<16xi32>, vector<16xi32>], vector<16xf32>,
        %add3A_672 = arith.constant 256 : i32
        %add3A_673 = vector.broadcast %add3A_672 : i32 to vector<16xi32>
        %add3A_674 = arith.addi %add3A_663, %add3A_673 : vector<16xi32>
        %gather3A_675 = tpu.vector_load_idx %arg5[%add3A_674, %add3A_561] : memref<512x64xf32, #tpu.memory_space<vmem>>[vector<16xi32>, vector<16xi32>], vector<16xf32>,
        tpu.vector_store_idx %arg8[%add3A_582, %add3A_663], %gather3A_675 : memref<64x128xf32, #tpu.memory_space<vmem>>[vector<16xi32>, vector<16xi32>], vector<16xf32>,
        %add3A_676 = arith.constant 384 : i32
        %add3A_677 = vector.broadcast %add3A_676 : i32 to vector<16xi32>
        %add3A_678 = arith.addi %add3A_663, %add3A_677 : vector<16xi32>
        %gather3A_679 = tpu.vector_load_idx %arg5[%add3A_678, %add3A_561] : memref<512x64xf32, #tpu.memory_space<vmem>>[vector<16xi32>, vector<16xi32>], vector<16xf32>,
        tpu.vector_store_idx %arg8[%add3A_585, %add3A_663], %gather3A_679 : memref<64x128xf32, #tpu.memory_space<vmem>>[vector<16xi32>, vector<16xi32>], vector<16xf32>,
        %add3A_680 = arith.constant 80 : i32
        %add3A_681 = vector.broadcast %add3A_680 : i32 to vector<16xi32>
        %add3A_682 = arith.addi %iota3A, %add3A_681 : vector<16xi32>
        %add3A_683 = arith.constant 0 : i32
        %add3A_684 = vector.broadcast %add3A_683 : i32 to vector<16xi32>
        %add3A_685 = arith.addi %add3A_682, %add3A_684 : vector<16xi32>
        %gather3A_686 = tpu.vector_load_idx %arg5[%add3A_685, %add3A_561] : memref<512x64xf32, #tpu.memory_space<vmem>>[vector<16xi32>, vector<16xi32>], vector<16xf32>,
        tpu.vector_store_idx %arg8[%add3A_576, %add3A_682], %gather3A_686 : memref<64x128xf32, #tpu.memory_space<vmem>>[vector<16xi32>, vector<16xi32>], vector<16xf32>,
        %add3A_687 = arith.constant 128 : i32
        %add3A_688 = vector.broadcast %add3A_687 : i32 to vector<16xi32>
        %add3A_689 = arith.addi %add3A_682, %add3A_688 : vector<16xi32>
        %gather3A_690 = tpu.vector_load_idx %arg5[%add3A_689, %add3A_561] : memref<512x64xf32, #tpu.memory_space<vmem>>[vector<16xi32>, vector<16xi32>], vector<16xf32>,
        tpu.vector_store_idx %arg8[%add3A_579, %add3A_682], %gather3A_690 : memref<64x128xf32, #tpu.memory_space<vmem>>[vector<16xi32>, vector<16xi32>], vector<16xf32>,
        %add3A_691 = arith.constant 256 : i32
        %add3A_692 = vector.broadcast %add3A_691 : i32 to vector<16xi32>
        %add3A_693 = arith.addi %add3A_682, %add3A_692 : vector<16xi32>
        %gather3A_694 = tpu.vector_load_idx %arg5[%add3A_693, %add3A_561] : memref<512x64xf32, #tpu.memory_space<vmem>>[vector<16xi32>, vector<16xi32>], vector<16xf32>,
        tpu.vector_store_idx %arg8[%add3A_582, %add3A_682], %gather3A_694 : memref<64x128xf32, #tpu.memory_space<vmem>>[vector<16xi32>, vector<16xi32>], vector<16xf32>,
        %add3A_695 = arith.constant 384 : i32
        %add3A_696 = vector.broadcast %add3A_695 : i32 to vector<16xi32>
        %add3A_697 = arith.addi %add3A_682, %add3A_696 : vector<16xi32>
        %gather3A_698 = tpu.vector_load_idx %arg5[%add3A_697, %add3A_561] : memref<512x64xf32, #tpu.memory_space<vmem>>[vector<16xi32>, vector<16xi32>], vector<16xf32>,
        tpu.vector_store_idx %arg8[%add3A_585, %add3A_682], %gather3A_698 : memref<64x128xf32, #tpu.memory_space<vmem>>[vector<16xi32>, vector<16xi32>], vector<16xf32>,
        %add3A_699 = arith.constant 96 : i32
        %add3A_700 = vector.broadcast %add3A_699 : i32 to vector<16xi32>
        %add3A_701 = arith.addi %iota3A, %add3A_700 : vector<16xi32>
        %add3A_702 = arith.constant 0 : i32
        %add3A_703 = vector.broadcast %add3A_702 : i32 to vector<16xi32>
        %add3A_704 = arith.addi %add3A_701, %add3A_703 : vector<16xi32>
        %gather3A_705 = tpu.vector_load_idx %arg5[%add3A_704, %add3A_561] : memref<512x64xf32, #tpu.memory_space<vmem>>[vector<16xi32>, vector<16xi32>], vector<16xf32>,
        tpu.vector_store_idx %arg8[%add3A_576, %add3A_701], %gather3A_705 : memref<64x128xf32, #tpu.memory_space<vmem>>[vector<16xi32>, vector<16xi32>], vector<16xf32>,
        %add3A_706 = arith.constant 128 : i32
        %add3A_707 = vector.broadcast %add3A_706 : i32 to vector<16xi32>
        %add3A_708 = arith.addi %add3A_701, %add3A_707 : vector<16xi32>
        %gather3A_709 = tpu.vector_load_idx %arg5[%add3A_708, %add3A_561] : memref<512x64xf32, #tpu.memory_space<vmem>>[vector<16xi32>, vector<16xi32>], vector<16xf32>,
        tpu.vector_store_idx %arg8[%add3A_579, %add3A_701], %gather3A_709 : memref<64x128xf32, #tpu.memory_space<vmem>>[vector<16xi32>, vector<16xi32>], vector<16xf32>,
        %add3A_710 = arith.constant 256 : i32
        %add3A_711 = vector.broadcast %add3A_710 : i32 to vector<16xi32>
        %add3A_712 = arith.addi %add3A_701, %add3A_711 : vector<16xi32>
        %gather3A_713 = tpu.vector_load_idx %arg5[%add3A_712, %add3A_561] : memref<512x64xf32, #tpu.memory_space<vmem>>[vector<16xi32>, vector<16xi32>], vector<16xf32>,
        tpu.vector_store_idx %arg8[%add3A_582, %add3A_701], %gather3A_713 : memref<64x128xf32, #tpu.memory_space<vmem>>[vector<16xi32>, vector<16xi32>], vector<16xf32>,
        %add3A_714 = arith.constant 384 : i32
        %add3A_715 = vector.broadcast %add3A_714 : i32 to vector<16xi32>
        %add3A_716 = arith.addi %add3A_701, %add3A_715 : vector<16xi32>
        %gather3A_717 = tpu.vector_load_idx %arg5[%add3A_716, %add3A_561] : memref<512x64xf32, #tpu.memory_space<vmem>>[vector<16xi32>, vector<16xi32>], vector<16xf32>,
        tpu.vector_store_idx %arg8[%add3A_585, %add3A_701], %gather3A_717 : memref<64x128xf32, #tpu.memory_space<vmem>>[vector<16xi32>, vector<16xi32>], vector<16xf32>,
        %add3A_718 = arith.constant 112 : i32
        %add3A_719 = vector.broadcast %add3A_718 : i32 to vector<16xi32>
        %add3A_720 = arith.addi %iota3A, %add3A_719 : vector<16xi32>
        %add3A_721 = arith.constant 0 : i32
        %add3A_722 = vector.broadcast %add3A_721 : i32 to vector<16xi32>
        %add3A_723 = arith.addi %add3A_720, %add3A_722 : vector<16xi32>
        %gather3A_724 = tpu.vector_load_idx %arg5[%add3A_723, %add3A_561] : memref<512x64xf32, #tpu.memory_space<vmem>>[vector<16xi32>, vector<16xi32>], vector<16xf32>,
        tpu.vector_store_idx %arg8[%add3A_576, %add3A_720], %gather3A_724 : memref<64x128xf32, #tpu.memory_space<vmem>>[vector<16xi32>, vector<16xi32>], vector<16xf32>,
        %add3A_725 = arith.constant 128 : i32
        %add3A_726 = vector.broadcast %add3A_725 : i32 to vector<16xi32>
        %add3A_727 = arith.addi %add3A_720, %add3A_726 : vector<16xi32>
        %gather3A_728 = tpu.vector_load_idx %arg5[%add3A_727, %add3A_561] : memref<512x64xf32, #tpu.memory_space<vmem>>[vector<16xi32>, vector<16xi32>], vector<16xf32>,
        tpu.vector_store_idx %arg8[%add3A_579, %add3A_720], %gather3A_728 : memref<64x128xf32, #tpu.memory_space<vmem>>[vector<16xi32>, vector<16xi32>], vector<16xf32>,
        %add3A_729 = arith.constant 256 : i32
        %add3A_730 = vector.broadcast %add3A_729 : i32 to vector<16xi32>
        %add3A_731 = arith.addi %add3A_720, %add3A_730 : vector<16xi32>
        %gather3A_732 = tpu.vector_load_idx %arg5[%add3A_731, %add3A_561] : memref<512x64xf32, #tpu.memory_space<vmem>>[vector<16xi32>, vector<16xi32>], vector<16xf32>,
        tpu.vector_store_idx %arg8[%add3A_582, %add3A_720], %gather3A_732 : memref<64x128xf32, #tpu.memory_space<vmem>>[vector<16xi32>, vector<16xi32>], vector<16xf32>,
        %add3A_733 = arith.constant 384 : i32
        %add3A_734 = vector.broadcast %add3A_733 : i32 to vector<16xi32>
        %add3A_735 = arith.addi %add3A_720, %add3A_734 : vector<16xi32>
        %gather3A_736 = tpu.vector_load_idx %arg5[%add3A_735, %add3A_561] : memref<512x64xf32, #tpu.memory_space<vmem>>[vector<16xi32>, vector<16xi32>], vector<16xf32>,
        tpu.vector_store_idx %arg8[%add3A_585, %add3A_720], %gather3A_736 : memref<64x128xf32, #tpu.memory_space<vmem>>[vector<16xi32>, vector<16xi32>], vector<16xf32>,
      }
      %scan3A_283 = arith.constant 16 : i32
      %mul3A_284 = arith.constant 8 : i32
      %mul3A_285 = arith.muli %mul3A_4, %mul3A_284 : i32
      %dma_start3A_286 = arith.constant 6 : i32
      %dma_start3A_287 = arith.constant 0 : i32
      %dma_start3A_288 = arith.constant 0 : i32
      %dma_start3A_289 = tpu.memref_slice %arg8[%dma_start3A_287, %dma_start3A_288] : memref<64x128xf32, #tpu.memory_space<vmem>> -> memref<32x128xf32, #tpu.memory_space<vmem>>
      %dma_start3A_290 = arith.constant 0 : i32
      %dma_start3A_291 = tpu.memref_slice %arg4[%add3A_97, %dma_start3A_286, %mul3A_285, %dma_start3A_290] : memref<50x8x1024x128xf32, #tpu.memory_space<hbm>> -> memref<1x1x32x128xf32, #tpu.memory_space<hbm>>
      %dma_start3A_292 = tpu.memref_squeeze %dma_start3A_291 : memref<1x1x32x128xf32, #tpu.memory_space<hbm>> -> memref<32x128xf32, #tpu.memory_space<hbm>>
      %dma_start3A_293 = arith.constant 0 : i32
      %dma_start3A_294 = tpu.memref_slice %arg4[%add3A_97, %dma_start3A_286, %mul3A_285, %dma_start3A_293] : memref<50x8x1024x128xf32, #tpu.memory_space<hbm>> -> memref<1x1x32x128xf32, #tpu.memory_space<hbm>>
      %dma_start3A_295 = tpu.memref_squeeze %dma_start3A_294 : memref<1x1x32x128xf32, #tpu.memory_space<hbm>> -> memref<32x128xf32, #tpu.memory_space<hbm>>
      %dma_start3A_296 = arith.constant 0 : i32
      %dma_start3A_297 = arith.constant 0 : i32
      %dma_start3A_298 = tpu.memref_slice %arg8[%dma_start3A_296, %dma_start3A_297] : memref<64x128xf32, #tpu.memory_space<vmem>> -> memref<32x128xf32, #tpu.memory_space<vmem>>
      tpu.enqueue_dma source(%dma_start3A_298 : memref<32x128xf32, #tpu.memory_space<vmem>>) target(%dma_start3A_295 : memref<32x128xf32, #tpu.memory_space<hbm>>) target_semaphore(%arg16 : memref<!tpu.dma_semaphore, #tpu.memory_space<semaphore_mem>>)
      %mul3A_299 = arith.constant 8 : i32
      %mul3A_300 = arith.muli %mul3A_4, %mul3A_299 : i32
      %dma_start3A_301 = arith.constant 7 : i32
      %dma_start3A_302 = arith.constant 32 : i32
      %dma_start3A_303 = arith.constant 0 : i32
      %dma_start3A_304 = tpu.memref_slice %arg8[%dma_start3A_302, %dma_start3A_303] : memref<64x128xf32, #tpu.memory_space<vmem>> -> memref<32x128xf32, #tpu.memory_space<vmem>>
      %dma_start3A_305 = arith.constant 0 : i32
      %dma_start3A_306 = tpu.memref_slice %arg4[%add3A_97, %dma_start3A_301, %mul3A_300, %dma_start3A_305] : memref<50x8x1024x128xf32, #tpu.memory_space<hbm>> -> memref<1x1x32x128xf32, #tpu.memory_space<hbm>>
      %dma_start3A_307 = tpu.memref_squeeze %dma_start3A_306 : memref<1x1x32x128xf32, #tpu.memory_space<hbm>> -> memref<32x128xf32, #tpu.memory_space<hbm>>
      %dma_start3A_308 = arith.constant 0 : i32
      %dma_start3A_309 = tpu.memref_slice %arg4[%add3A_97, %dma_start3A_301, %mul3A_300, %dma_start3A_308] : memref<50x8x1024x128xf32, #tpu.memory_space<hbm>> -> memref<1x1x32x128xf32, #tpu.memory_space<hbm>>
      %dma_start3A_310 = tpu.memref_squeeze %dma_start3A_309 : memref<1x1x32x128xf32, #tpu.memory_space<hbm>> -> memref<32x128xf32, #tpu.memory_space<hbm>>
      %dma_start3A_311 = arith.constant 32 : i32
      %dma_start3A_312 = arith.constant 0 : i32
      %dma_start3A_313 = tpu.memref_slice %arg8[%dma_start3A_311, %dma_start3A_312] : memref<64x128xf32, #tpu.memory_space<vmem>> -> memref<32x128xf32, #tpu.memory_space<vmem>>
      tpu.enqueue_dma source(%dma_start3A_313 : memref<32x128xf32, #tpu.memory_space<vmem>>) target(%dma_start3A_310 : memref<32x128xf32, #tpu.memory_space<hbm>>) target_semaphore(%arg16 : memref<!tpu.dma_semaphore, #tpu.memory_space<semaphore_mem>>)
      %add3A_314 = arith.constant 2 : i32
      %add3A_315 = arith.addi %add3A_97, %add3A_314 : i32
      %lt3A_316 = arith.constant 50 : i32
      %lt3A_317 = arith.cmpi slt, %add3A_315, %lt3A_316 : i32
      %convert_element_type3A_318 = arith.extui %lt3A_317 : i1 to i32
      %cond3A_319 = arith.constant 0 : i32
      %cond3A_320 = arith.cmpi ne, %convert_element_type3A_318, %cond3A_319 : i32
      scf.if %cond3A_320 {
        %add3A_550 = arith.constant 2 : i32
        %add3A_551 = arith.addi %add3A_97, %add3A_550 : i32
        %mul3A_552 = arith.constant 16384 : i32
        %mul3A_553 = arith.muli %add3A_551, %mul3A_552 : i32
        %add3A_554 = arith.addi %mul3A_553, %mul3A_2 : i32
        %dma_wait3A_555 = tpu.memref_slice %arg3[%add3A_554] : memref<819200xi32, #tpu.memory_space<hbm>> -> memref<512xi32, #tpu.memory_space<hbm>>
        %dma_wait3A_556 = tpu.memref_slice %arg3[%add3A_554] : memref<819200xi32, #tpu.memory_space<hbm>> -> memref<512xi32, #tpu.memory_space<hbm>>
        tpu.wait_dma2 semaphore(%arg13 : memref<!tpu.dma_semaphore, #tpu.memory_space<semaphore_mem>>) src(%dma_wait3A_556 : memref<512xi32, #tpu.memory_space<hbm>>) dst(%arg9 : memref<512xi32, #tpu.memory_space<vmem>>)
        %dma_start3A_557 = arith.constant 0 : i32
        %dma_start3A_558 = arith.constant 0 : i32
        %dma_start3A_559 = tpu.memref_slice %arg2[%dma_start3A_557, %dma_start3A_558] : memref<1000000x64xf32, #tpu.memory_space<hbm>> -> memref<1000000x64xf32, #tpu.memory_space<hbm>>
        tpu.enqueue_indirect_dma source(%dma_start3A_559 : memref<1000000x64xf32, #tpu.memory_space<hbm>>) target(%arg5 : memref<512x64xf32, #tpu.memory_space<vmem>>) offsets(%arg9 : memref<512xi32, #tpu.memory_space<vmem>>) semaphore(%arg11 : memref<!tpu.dma_semaphore, #tpu.memory_space<semaphore_mem>>)
      } else {
      }
      %add3A_321 = arith.constant 1 : i32
      %add3A_322 = arith.addi %add3A_97, %add3A_321 : i32
      %dma_wait3A_323 = arith.constant 0 : i32
      %dma_wait3A_324 = arith.constant 0 : i32
      %dma_wait3A_325 = tpu.memref_slice %arg2[%dma_wait3A_323, %dma_wait3A_324] : memref<1000000x64xf32, #tpu.memory_space<hbm>> -> memref<1000000x64xf32, #tpu.memory_space<hbm>>
      tpu.wait_indirect_dma semaphore(%arg12 : memref<!tpu.dma_semaphore, #tpu.memory_space<semaphore_mem>>) src(%dma_wait3A_325 : memref<1000000x64xf32, #tpu.memory_space<hbm>>) dst(%arg6 : memref<512x64xf32, #tpu.memory_space<vmem>>)
      %add3A_326 = arith.constant 2 : i32
      %add3A_327 = arith.addi %add3A_322, %add3A_326 : i32
      %lt3A_328 = arith.constant 50 : i32
      %lt3A_329 = arith.cmpi slt, %add3A_327, %lt3A_328 : i32
      %convert_element_type3A_330 = arith.extui %lt3A_329 : i1 to i32
      %cond3A_331 = arith.constant 0 : i32
      %cond3A_332 = arith.cmpi ne, %convert_element_type3A_330, %cond3A_331 : i32
      scf.if %cond3A_332 {
        %add3A_550 = arith.constant 2 : i32
        %add3A_551 = arith.addi %add3A_322, %add3A_550 : i32
        %mul3A_552 = arith.constant 16384 : i32
        %mul3A_553 = arith.muli %add3A_551, %mul3A_552 : i32
        %add3A_554 = arith.addi %mul3A_553, %mul3A_2 : i32
        %dma_start3A_555 = tpu.memref_slice %arg3[%add3A_554] : memref<819200xi32, #tpu.memory_space<hbm>> -> memref<512xi32, #tpu.memory_space<hbm>>
        %dma_start3A_556 = tpu.memref_slice %arg3[%add3A_554] : memref<819200xi32, #tpu.memory_space<hbm>> -> memref<512xi32, #tpu.memory_space<hbm>>
        tpu.enqueue_dma source(%dma_start3A_556 : memref<512xi32, #tpu.memory_space<hbm>>) target(%arg10 : memref<512xi32, #tpu.memory_space<vmem>>) target_semaphore(%arg14 : memref<!tpu.dma_semaphore, #tpu.memory_space<semaphore_mem>>)
      } else {
      }
      %ge3A_333 = arith.constant 1 : i32
      %ge3A_334 = arith.cmpi sge, %add3A_322, %ge3A_333 : i32
      %convert_element_type3A_335 = arith.extui %ge3A_334 : i1 to i32
      %cond3A_336 = arith.constant 0 : i32
      %cond3A_337 = arith.cmpi ne, %convert_element_type3A_335, %cond3A_336 : i32
      scf.if %cond3A_337 {
        %sub3A = arith.constant 1 : i32
        %sub3A_550 = arith.subi %add3A_322, %sub3A : i32
        %mul3A_551 = arith.constant 8 : i32
        %mul3A_552 = arith.muli %mul3A_4, %mul3A_551 : i32
        %dma_wait3A_553 = arith.constant 4 : i32
        %dma_wait3A_554 = arith.constant 0 : i32
        %dma_wait3A_555 = arith.constant 0 : i32
        %dma_wait3A_556 = tpu.memref_slice %arg7[%dma_wait3A_554, %dma_wait3A_555] : memref<64x128xf32, #tpu.memory_space<vmem>> -> memref<32x128xf32, #tpu.memory_space<vmem>>
        %dma_wait3A_557 = arith.constant 0 : i32
        %dma_wait3A_558 = tpu.memref_slice %arg4[%sub3A_550, %dma_wait3A_553, %mul3A_552, %dma_wait3A_557] : memref<50x8x1024x128xf32, #tpu.memory_space<hbm>> -> memref<1x1x32x128xf32, #tpu.memory_space<hbm>>
        %dma_wait3A_559 = tpu.memref_squeeze %dma_wait3A_558 : memref<1x1x32x128xf32, #tpu.memory_space<hbm>> -> memref<32x128xf32, #tpu.memory_space<hbm>>
        %dma_wait3A_560 = arith.constant 0 : i32
        %dma_wait3A_561 = tpu.memref_slice %arg4[%sub3A_550, %dma_wait3A_553, %mul3A_552, %dma_wait3A_560] : memref<50x8x1024x128xf32, #tpu.memory_space<hbm>> -> memref<1x1x32x128xf32, #tpu.memory_space<hbm>>
        %dma_wait3A_562 = tpu.memref_squeeze %dma_wait3A_561 : memref<1x1x32x128xf32, #tpu.memory_space<hbm>> -> memref<32x128xf32, #tpu.memory_space<hbm>>
        %dma_wait3A_563 = arith.constant 0 : i32
        %dma_wait3A_564 = arith.constant 0 : i32
        %dma_wait3A_565 = tpu.memref_slice %arg7[%dma_wait3A_563, %dma_wait3A_564] : memref<64x128xf32, #tpu.memory_space<vmem>> -> memref<32x128xf32, #tpu.memory_space<vmem>>
        tpu.wait_dma2 semaphore(%arg15 : memref<!tpu.dma_semaphore, #tpu.memory_space<semaphore_mem>>) src(%dma_wait3A_565 : memref<32x128xf32, #tpu.memory_space<vmem>>) dst(%dma_wait3A_562 : memref<32x128xf32, #tpu.memory_space<hbm>>)
        %mul3A_566 = arith.constant 8 : i32
        %mul3A_567 = arith.muli %mul3A_4, %mul3A_566 : i32
        %dma_wait3A_568 = arith.constant 5 : i32
        %dma_wait3A_569 = arith.constant 32 : i32
        %dma_wait3A_570 = arith.constant 0 : i32
        %dma_wait3A_571 = tpu.memref_slice %arg7[%dma_wait3A_569, %dma_wait3A_570] : memref<64x128xf32, #tpu.memory_space<vmem>> -> memref<32x128xf32, #tpu.memory_space<vmem>>
        %dma_wait3A_572 = arith.constant 0 : i32
        %dma_wait3A_573 = tpu.memref_slice %arg4[%sub3A_550, %dma_wait3A_568, %mul3A_567, %dma_wait3A_572] : memref<50x8x1024x128xf32, #tpu.memory_space<hbm>> -> memref<1x1x32x128xf32, #tpu.memory_space<hbm>>
        %dma_wait3A_574 = tpu.memref_squeeze %dma_wait3A_573 : memref<1x1x32x128xf32, #tpu.memory_space<hbm>> -> memref<32x128xf32, #tpu.memory_space<hbm>>
        %dma_wait3A_575 = arith.constant 0 : i32
        %dma_wait3A_576 = tpu.memref_slice %arg4[%sub3A_550, %dma_wait3A_568, %mul3A_567, %dma_wait3A_575] : memref<50x8x1024x128xf32, #tpu.memory_space<hbm>> -> memref<1x1x32x128xf32, #tpu.memory_space<hbm>>
        %dma_wait3A_577 = tpu.memref_squeeze %dma_wait3A_576 : memref<1x1x32x128xf32, #tpu.memory_space<hbm>> -> memref<32x128xf32, #tpu.memory_space<hbm>>
        %dma_wait3A_578 = arith.constant 32 : i32
        %dma_wait3A_579 = arith.constant 0 : i32
        %dma_wait3A_580 = tpu.memref_slice %arg7[%dma_wait3A_578, %dma_wait3A_579] : memref<64x128xf32, #tpu.memory_space<vmem>> -> memref<32x128xf32, #tpu.memory_space<vmem>>
        tpu.wait_dma2 semaphore(%arg15 : memref<!tpu.dma_semaphore, #tpu.memory_space<semaphore_mem>>) src(%dma_wait3A_580 : memref<32x128xf32, #tpu.memory_space<vmem>>) dst(%dma_wait3A_577 : memref<32x128xf32, #tpu.memory_space<hbm>>)
      } else {
      }
      %scan3A_338 = arith.constant 0 : i32
      %scan3A_339 = arith.constant 16 : i32
      %scan3A_340 = arith.addi %scan3A_338, %scan3A_339 : i32
      %scan3A_341 = arith.constant 1 : i32
      scf.for %scan3A_550 = %scan3A_338 to %scan3A_340 step %scan3A_341  : i32 {
        %mul3A_551 = arith.constant 1 : i32
        %mul3A_552 = arith.muli %scan3A_550, %mul3A_551 : i32
        %add3A_553 = arith.constant 0 : i32
        %add3A_554 = arith.addi %add3A_553, %mul3A_552 : i32
        %add3A_555 = vector.broadcast %add3A_554 : i32 to vector<16xi32>
        %add3A_556 = arith.addi %iota3A, %add3A_555 : vector<16xi32>
        %and3A = arith.constant 15 : i32
        %and3A_557 = vector.broadcast %and3A : i32 to vector<16xi32>
        %and3A_558 = arith.andi %add3A_556, %and3A_557 : vector<16xi32>
        %add3A_559 = arith.constant 0 : i32
        %add3A_560 = vector.broadcast %add3A_559 : i32 to vector<16xi32>
        %add3A_561 = arith.addi %and3A_558, %add3A_560 : vector<16xi32>
        %shift_right_arithmetic3A = arith.constant 3 : i32
        %shift_right_arithmetic3A_562 = vector.broadcast %shift_right_arithmetic3A : i32 to vector<16xi32>
        %shift_right_arithmetic3A_563 = arith.shrsi %add3A_561, %shift_right_arithmetic3A_562 : vector<16xi32>
        %and3A_564 = arith.constant 1 : i32
        %and3A_565 = vector.broadcast %and3A_564 : i32 to vector<16xi32>
        %and3A_566 = arith.andi %shift_right_arithmetic3A_563, %and3A_565 : vector<16xi32>
        %mul3A_567 = arith.constant 32 : i32
        %mul3A_568 = vector.broadcast %mul3A_567 : i32 to vector<16xi32>
        %mul3A_569 = arith.muli %and3A_566, %mul3A_568 : vector<16xi32>
        %and3A_570 = arith.constant 7 : i32
        %and3A_571 = vector.broadcast %and3A_570 : i32 to vector<16xi32>
        %and3A_572 = arith.andi %add3A_561, %and3A_571 : vector<16xi32>
        %add3A_573 = arith.addi %mul3A_569, %and3A_572 : vector<16xi32>
        %add3A_574 = arith.constant 0 : i32
        %add3A_575 = vector.broadcast %add3A_574 : i32 to vector<16xi32>
        %add3A_576 = arith.addi %add3A_573, %add3A_575 : vector<16xi32>
        %add3A_577 = arith.constant 8 : i32
        %add3A_578 = vector.broadcast %add3A_577 : i32 to vector<16xi32>
        %add3A_579 = arith.addi %add3A_573, %add3A_578 : vector<16xi32>
        %add3A_580 = arith.constant 16 : i32
        %add3A_581 = vector.broadcast %add3A_580 : i32 to vector<16xi32>
        %add3A_582 = arith.addi %add3A_573, %add3A_581 : vector<16xi32>
        %add3A_583 = arith.constant 24 : i32
        %add3A_584 = vector.broadcast %add3A_583 : i32 to vector<16xi32>
        %add3A_585 = arith.addi %add3A_573, %add3A_584 : vector<16xi32>
        %add3A_586 = arith.constant 0 : i32
        %add3A_587 = vector.broadcast %add3A_586 : i32 to vector<16xi32>
        %add3A_588 = arith.addi %iota3A, %add3A_587 : vector<16xi32>
        %add3A_589 = arith.constant 0 : i32
        %add3A_590 = vector.broadcast %add3A_589 : i32 to vector<16xi32>
        %add3A_591 = arith.addi %add3A_588, %add3A_590 : vector<16xi32>
        %gather3A = tpu.vector_load_idx %arg6[%add3A_591, %add3A_561] : memref<512x64xf32, #tpu.memory_space<vmem>>[vector<16xi32>, vector<16xi32>], vector<16xf32>,
        tpu.vector_store_idx %arg7[%add3A_576, %add3A_588], %gather3A : memref<64x128xf32, #tpu.memory_space<vmem>>[vector<16xi32>, vector<16xi32>], vector<16xf32>,
        %add3A_592 = arith.constant 128 : i32
        %add3A_593 = vector.broadcast %add3A_592 : i32 to vector<16xi32>
        %add3A_594 = arith.addi %add3A_588, %add3A_593 : vector<16xi32>
        %gather3A_595 = tpu.vector_load_idx %arg6[%add3A_594, %add3A_561] : memref<512x64xf32, #tpu.memory_space<vmem>>[vector<16xi32>, vector<16xi32>], vector<16xf32>,
        tpu.vector_store_idx %arg7[%add3A_579, %add3A_588], %gather3A_595 : memref<64x128xf32, #tpu.memory_space<vmem>>[vector<16xi32>, vector<16xi32>], vector<16xf32>,
        %add3A_596 = arith.constant 256 : i32
        %add3A_597 = vector.broadcast %add3A_596 : i32 to vector<16xi32>
        %add3A_598 = arith.addi %add3A_588, %add3A_597 : vector<16xi32>
        %gather3A_599 = tpu.vector_load_idx %arg6[%add3A_598, %add3A_561] : memref<512x64xf32, #tpu.memory_space<vmem>>[vector<16xi32>, vector<16xi32>], vector<16xf32>,
        tpu.vector_store_idx %arg7[%add3A_582, %add3A_588], %gather3A_599 : memref<64x128xf32, #tpu.memory_space<vmem>>[vector<16xi32>, vector<16xi32>], vector<16xf32>,
        %add3A_600 = arith.constant 384 : i32
        %add3A_601 = vector.broadcast %add3A_600 : i32 to vector<16xi32>
        %add3A_602 = arith.addi %add3A_588, %add3A_601 : vector<16xi32>
        %gather3A_603 = tpu.vector_load_idx %arg6[%add3A_602, %add3A_561] : memref<512x64xf32, #tpu.memory_space<vmem>>[vector<16xi32>, vector<16xi32>], vector<16xf32>,
        tpu.vector_store_idx %arg7[%add3A_585, %add3A_588], %gather3A_603 : memref<64x128xf32, #tpu.memory_space<vmem>>[vector<16xi32>, vector<16xi32>], vector<16xf32>,
        %add3A_604 = arith.constant 16 : i32
        %add3A_605 = vector.broadcast %add3A_604 : i32 to vector<16xi32>
        %add3A_606 = arith.addi %iota3A, %add3A_605 : vector<16xi32>
        %add3A_607 = arith.constant 0 : i32
        %add3A_608 = vector.broadcast %add3A_607 : i32 to vector<16xi32>
        %add3A_609 = arith.addi %add3A_606, %add3A_608 : vector<16xi32>
        %gather3A_610 = tpu.vector_load_idx %arg6[%add3A_609, %add3A_561] : memref<512x64xf32, #tpu.memory_space<vmem>>[vector<16xi32>, vector<16xi32>], vector<16xf32>,
        tpu.vector_store_idx %arg7[%add3A_576, %add3A_606], %gather3A_610 : memref<64x128xf32, #tpu.memory_space<vmem>>[vector<16xi32>, vector<16xi32>], vector<16xf32>,
        %add3A_611 = arith.constant 128 : i32
        %add3A_612 = vector.broadcast %add3A_611 : i32 to vector<16xi32>
        %add3A_613 = arith.addi %add3A_606, %add3A_612 : vector<16xi32>
        %gather3A_614 = tpu.vector_load_idx %arg6[%add3A_613, %add3A_561] : memref<512x64xf32, #tpu.memory_space<vmem>>[vector<16xi32>, vector<16xi32>], vector<16xf32>,
        tpu.vector_store_idx %arg7[%add3A_579, %add3A_606], %gather3A_614 : memref<64x128xf32, #tpu.memory_space<vmem>>[vector<16xi32>, vector<16xi32>], vector<16xf32>,
        %add3A_615 = arith.constant 256 : i32
        %add3A_616 = vector.broadcast %add3A_615 : i32 to vector<16xi32>
        %add3A_617 = arith.addi %add3A_606, %add3A_616 : vector<16xi32>
        %gather3A_618 = tpu.vector_load_idx %arg6[%add3A_617, %add3A_561] : memref<512x64xf32, #tpu.memory_space<vmem>>[vector<16xi32>, vector<16xi32>], vector<16xf32>,
        tpu.vector_store_idx %arg7[%add3A_582, %add3A_606], %gather3A_618 : memref<64x128xf32, #tpu.memory_space<vmem>>[vector<16xi32>, vector<16xi32>], vector<16xf32>,
        %add3A_619 = arith.constant 384 : i32
        %add3A_620 = vector.broadcast %add3A_619 : i32 to vector<16xi32>
        %add3A_621 = arith.addi %add3A_606, %add3A_620 : vector<16xi32>
        %gather3A_622 = tpu.vector_load_idx %arg6[%add3A_621, %add3A_561] : memref<512x64xf32, #tpu.memory_space<vmem>>[vector<16xi32>, vector<16xi32>], vector<16xf32>,
        tpu.vector_store_idx %arg7[%add3A_585, %add3A_606], %gather3A_622 : memref<64x128xf32, #tpu.memory_space<vmem>>[vector<16xi32>, vector<16xi32>], vector<16xf32>,
        %add3A_623 = arith.constant 32 : i32
        %add3A_624 = vector.broadcast %add3A_623 : i32 to vector<16xi32>
        %add3A_625 = arith.addi %iota3A, %add3A_624 : vector<16xi32>
        %add3A_626 = arith.constant 0 : i32
        %add3A_627 = vector.broadcast %add3A_626 : i32 to vector<16xi32>
        %add3A_628 = arith.addi %add3A_625, %add3A_627 : vector<16xi32>
        %gather3A_629 = tpu.vector_load_idx %arg6[%add3A_628, %add3A_561] : memref<512x64xf32, #tpu.memory_space<vmem>>[vector<16xi32>, vector<16xi32>], vector<16xf32>,
        tpu.vector_store_idx %arg7[%add3A_576, %add3A_625], %gather3A_629 : memref<64x128xf32, #tpu.memory_space<vmem>>[vector<16xi32>, vector<16xi32>], vector<16xf32>,
        %add3A_630 = arith.constant 128 : i32
        %add3A_631 = vector.broadcast %add3A_630 : i32 to vector<16xi32>
        %add3A_632 = arith.addi %add3A_625, %add3A_631 : vector<16xi32>
        %gather3A_633 = tpu.vector_load_idx %arg6[%add3A_632, %add3A_561] : memref<512x64xf32, #tpu.memory_space<vmem>>[vector<16xi32>, vector<16xi32>], vector<16xf32>,
        tpu.vector_store_idx %arg7[%add3A_579, %add3A_625], %gather3A_633 : memref<64x128xf32, #tpu.memory_space<vmem>>[vector<16xi32>, vector<16xi32>], vector<16xf32>,
        %add3A_634 = arith.constant 256 : i32
        %add3A_635 = vector.broadcast %add3A_634 : i32 to vector<16xi32>
        %add3A_636 = arith.addi %add3A_625, %add3A_635 : vector<16xi32>
        %gather3A_637 = tpu.vector_load_idx %arg6[%add3A_636, %add3A_561] : memref<512x64xf32, #tpu.memory_space<vmem>>[vector<16xi32>, vector<16xi32>], vector<16xf32>,
        tpu.vector_store_idx %arg7[%add3A_582, %add3A_625], %gather3A_637 : memref<64x128xf32, #tpu.memory_space<vmem>>[vector<16xi32>, vector<16xi32>], vector<16xf32>,
        %add3A_638 = arith.constant 384 : i32
        %add3A_639 = vector.broadcast %add3A_638 : i32 to vector<16xi32>
        %add3A_640 = arith.addi %add3A_625, %add3A_639 : vector<16xi32>
        %gather3A_641 = tpu.vector_load_idx %arg6[%add3A_640, %add3A_561] : memref<512x64xf32, #tpu.memory_space<vmem>>[vector<16xi32>, vector<16xi32>], vector<16xf32>,
        tpu.vector_store_idx %arg7[%add3A_585, %add3A_625], %gather3A_641 : memref<64x128xf32, #tpu.memory_space<vmem>>[vector<16xi32>, vector<16xi32>], vector<16xf32>,
        %add3A_642 = arith.constant 48 : i32
        %add3A_643 = vector.broadcast %add3A_642 : i32 to vector<16xi32>
        %add3A_644 = arith.addi %iota3A, %add3A_643 : vector<16xi32>
        %add3A_645 = arith.constant 0 : i32
        %add3A_646 = vector.broadcast %add3A_645 : i32 to vector<16xi32>
        %add3A_647 = arith.addi %add3A_644, %add3A_646 : vector<16xi32>
        %gather3A_648 = tpu.vector_load_idx %arg6[%add3A_647, %add3A_561] : memref<512x64xf32, #tpu.memory_space<vmem>>[vector<16xi32>, vector<16xi32>], vector<16xf32>,
        tpu.vector_store_idx %arg7[%add3A_576, %add3A_644], %gather3A_648 : memref<64x128xf32, #tpu.memory_space<vmem>>[vector<16xi32>, vector<16xi32>], vector<16xf32>,
        %add3A_649 = arith.constant 128 : i32
        %add3A_650 = vector.broadcast %add3A_649 : i32 to vector<16xi32>
        %add3A_651 = arith.addi %add3A_644, %add3A_650 : vector<16xi32>
        %gather3A_652 = tpu.vector_load_idx %arg6[%add3A_651, %add3A_561] : memref<512x64xf32, #tpu.memory_space<vmem>>[vector<16xi32>, vector<16xi32>], vector<16xf32>,
        tpu.vector_store_idx %arg7[%add3A_579, %add3A_644], %gather3A_652 : memref<64x128xf32, #tpu.memory_space<vmem>>[vector<16xi32>, vector<16xi32>], vector<16xf32>,
        %add3A_653 = arith.constant 256 : i32
        %add3A_654 = vector.broadcast %add3A_653 : i32 to vector<16xi32>
        %add3A_655 = arith.addi %add3A_644, %add3A_654 : vector<16xi32>
        %gather3A_656 = tpu.vector_load_idx %arg6[%add3A_655, %add3A_561] : memref<512x64xf32, #tpu.memory_space<vmem>>[vector<16xi32>, vector<16xi32>], vector<16xf32>,
        tpu.vector_store_idx %arg7[%add3A_582, %add3A_644], %gather3A_656 : memref<64x128xf32, #tpu.memory_space<vmem>>[vector<16xi32>, vector<16xi32>], vector<16xf32>,
        %add3A_657 = arith.constant 384 : i32
        %add3A_658 = vector.broadcast %add3A_657 : i32 to vector<16xi32>
        %add3A_659 = arith.addi %add3A_644, %add3A_658 : vector<16xi32>
        %gather3A_660 = tpu.vector_load_idx %arg6[%add3A_659, %add3A_561] : memref<512x64xf32, #tpu.memory_space<vmem>>[vector<16xi32>, vector<16xi32>], vector<16xf32>,
        tpu.vector_store_idx %arg7[%add3A_585, %add3A_644], %gather3A_660 : memref<64x128xf32, #tpu.memory_space<vmem>>[vector<16xi32>, vector<16xi32>], vector<16xf32>,
        %add3A_661 = arith.constant 64 : i32
        %add3A_662 = vector.broadcast %add3A_661 : i32 to vector<16xi32>
        %add3A_663 = arith.addi %iota3A, %add3A_662 : vector<16xi32>
        %add3A_664 = arith.constant 0 : i32
        %add3A_665 = vector.broadcast %add3A_664 : i32 to vector<16xi32>
        %add3A_666 = arith.addi %add3A_663, %add3A_665 : vector<16xi32>
        %gather3A_667 = tpu.vector_load_idx %arg6[%add3A_666, %add3A_561] : memref<512x64xf32, #tpu.memory_space<vmem>>[vector<16xi32>, vector<16xi32>], vector<16xf32>,
        tpu.vector_store_idx %arg7[%add3A_576, %add3A_663], %gather3A_667 : memref<64x128xf32, #tpu.memory_space<vmem>>[vector<16xi32>, vector<16xi32>], vector<16xf32>,
        %add3A_668 = arith.constant 128 : i32
        %add3A_669 = vector.broadcast %add3A_668 : i32 to vector<16xi32>
        %add3A_670 = arith.addi %add3A_663, %add3A_669 : vector<16xi32>
        %gather3A_671 = tpu.vector_load_idx %arg6[%add3A_670, %add3A_561] : memref<512x64xf32, #tpu.memory_space<vmem>>[vector<16xi32>, vector<16xi32>], vector<16xf32>,
        tpu.vector_store_idx %arg7[%add3A_579, %add3A_663], %gather3A_671 : memref<64x128xf32, #tpu.memory_space<vmem>>[vector<16xi32>, vector<16xi32>], vector<16xf32>,
        %add3A_672 = arith.constant 256 : i32
        %add3A_673 = vector.broadcast %add3A_672 : i32 to vector<16xi32>
        %add3A_674 = arith.addi %add3A_663, %add3A_673 : vector<16xi32>
        %gather3A_675 = tpu.vector_load_idx %arg6[%add3A_674, %add3A_561] : memref<512x64xf32, #tpu.memory_space<vmem>>[vector<16xi32>, vector<16xi32>], vector<16xf32>,
        tpu.vector_store_idx %arg7[%add3A_582, %add3A_663], %gather3A_675 : memref<64x128xf32, #tpu.memory_space<vmem>>[vector<16xi32>, vector<16xi32>], vector<16xf32>,
        %add3A_676 = arith.constant 384 : i32
        %add3A_677 = vector.broadcast %add3A_676 : i32 to vector<16xi32>
        %add3A_678 = arith.addi %add3A_663, %add3A_677 : vector<16xi32>
        %gather3A_679 = tpu.vector_load_idx %arg6[%add3A_678, %add3A_561] : memref<512x64xf32, #tpu.memory_space<vmem>>[vector<16xi32>, vector<16xi32>], vector<16xf32>,
        tpu.vector_store_idx %arg7[%add3A_585, %add3A_663], %gather3A_679 : memref<64x128xf32, #tpu.memory_space<vmem>>[vector<16xi32>, vector<16xi32>], vector<16xf32>,
        %add3A_680 = arith.constant 80 : i32
        %add3A_681 = vector.broadcast %add3A_680 : i32 to vector<16xi32>
        %add3A_682 = arith.addi %iota3A, %add3A_681 : vector<16xi32>
        %add3A_683 = arith.constant 0 : i32
        %add3A_684 = vector.broadcast %add3A_683 : i32 to vector<16xi32>
        %add3A_685 = arith.addi %add3A_682, %add3A_684 : vector<16xi32>
        %gather3A_686 = tpu.vector_load_idx %arg6[%add3A_685, %add3A_561] : memref<512x64xf32, #tpu.memory_space<vmem>>[vector<16xi32>, vector<16xi32>], vector<16xf32>,
        tpu.vector_store_idx %arg7[%add3A_576, %add3A_682], %gather3A_686 : memref<64x128xf32, #tpu.memory_space<vmem>>[vector<16xi32>, vector<16xi32>], vector<16xf32>,
        %add3A_687 = arith.constant 128 : i32
        %add3A_688 = vector.broadcast %add3A_687 : i32 to vector<16xi32>
        %add3A_689 = arith.addi %add3A_682, %add3A_688 : vector<16xi32>
        %gather3A_690 = tpu.vector_load_idx %arg6[%add3A_689, %add3A_561] : memref<512x64xf32, #tpu.memory_space<vmem>>[vector<16xi32>, vector<16xi32>], vector<16xf32>,
        tpu.vector_store_idx %arg7[%add3A_579, %add3A_682], %gather3A_690 : memref<64x128xf32, #tpu.memory_space<vmem>>[vector<16xi32>, vector<16xi32>], vector<16xf32>,
        %add3A_691 = arith.constant 256 : i32
        %add3A_692 = vector.broadcast %add3A_691 : i32 to vector<16xi32>
        %add3A_693 = arith.addi %add3A_682, %add3A_692 : vector<16xi32>
        %gather3A_694 = tpu.vector_load_idx %arg6[%add3A_693, %add3A_561] : memref<512x64xf32, #tpu.memory_space<vmem>>[vector<16xi32>, vector<16xi32>], vector<16xf32>,
        tpu.vector_store_idx %arg7[%add3A_582, %add3A_682], %gather3A_694 : memref<64x128xf32, #tpu.memory_space<vmem>>[vector<16xi32>, vector<16xi32>], vector<16xf32>,
        %add3A_695 = arith.constant 384 : i32
        %add3A_696 = vector.broadcast %add3A_695 : i32 to vector<16xi32>
        %add3A_697 = arith.addi %add3A_682, %add3A_696 : vector<16xi32>
        %gather3A_698 = tpu.vector_load_idx %arg6[%add3A_697, %add3A_561] : memref<512x64xf32, #tpu.memory_space<vmem>>[vector<16xi32>, vector<16xi32>], vector<16xf32>,
        tpu.vector_store_idx %arg7[%add3A_585, %add3A_682], %gather3A_698 : memref<64x128xf32, #tpu.memory_space<vmem>>[vector<16xi32>, vector<16xi32>], vector<16xf32>,
        %add3A_699 = arith.constant 96 : i32
        %add3A_700 = vector.broadcast %add3A_699 : i32 to vector<16xi32>
        %add3A_701 = arith.addi %iota3A, %add3A_700 : vector<16xi32>
        %add3A_702 = arith.constant 0 : i32
        %add3A_703 = vector.broadcast %add3A_702 : i32 to vector<16xi32>
        %add3A_704 = arith.addi %add3A_701, %add3A_703 : vector<16xi32>
        %gather3A_705 = tpu.vector_load_idx %arg6[%add3A_704, %add3A_561] : memref<512x64xf32, #tpu.memory_space<vmem>>[vector<16xi32>, vector<16xi32>], vector<16xf32>,
        tpu.vector_store_idx %arg7[%add3A_576, %add3A_701], %gather3A_705 : memref<64x128xf32, #tpu.memory_space<vmem>>[vector<16xi32>, vector<16xi32>], vector<16xf32>,
        %add3A_706 = arith.constant 128 : i32
        %add3A_707 = vector.broadcast %add3A_706 : i32 to vector<16xi32>
        %add3A_708 = arith.addi %add3A_701, %add3A_707 : vector<16xi32>
        %gather3A_709 = tpu.vector_load_idx %arg6[%add3A_708, %add3A_561] : memref<512x64xf32, #tpu.memory_space<vmem>>[vector<16xi32>, vector<16xi32>], vector<16xf32>,
        tpu.vector_store_idx %arg7[%add3A_579, %add3A_701], %gather3A_709 : memref<64x128xf32, #tpu.memory_space<vmem>>[vector<16xi32>, vector<16xi32>], vector<16xf32>,
        %add3A_710 = arith.constant 256 : i32
        %add3A_711 = vector.broadcast %add3A_710 : i32 to vector<16xi32>
        %add3A_712 = arith.addi %add3A_701, %add3A_711 : vector<16xi32>
        %gather3A_713 = tpu.vector_load_idx %arg6[%add3A_712, %add3A_561] : memref<512x64xf32, #tpu.memory_space<vmem>>[vector<16xi32>, vector<16xi32>], vector<16xf32>,
        tpu.vector_store_idx %arg7[%add3A_582, %add3A_701], %gather3A_713 : memref<64x128xf32, #tpu.memory_space<vmem>>[vector<16xi32>, vector<16xi32>], vector<16xf32>,
        %add3A_714 = arith.constant 384 : i32
        %add3A_715 = vector.broadcast %add3A_714 : i32 to vector<16xi32>
        %add3A_716 = arith.addi %add3A_701, %add3A_715 : vector<16xi32>
        %gather3A_717 = tpu.vector_load_idx %arg6[%add3A_716, %add3A_561] : memref<512x64xf32, #tpu.memory_space<vmem>>[vector<16xi32>, vector<16xi32>], vector<16xf32>,
        tpu.vector_store_idx %arg7[%add3A_585, %add3A_701], %gather3A_717 : memref<64x128xf32, #tpu.memory_space<vmem>>[vector<16xi32>, vector<16xi32>], vector<16xf32>,
        %add3A_718 = arith.constant 112 : i32
        %add3A_719 = vector.broadcast %add3A_718 : i32 to vector<16xi32>
        %add3A_720 = arith.addi %iota3A, %add3A_719 : vector<16xi32>
        %add3A_721 = arith.constant 0 : i32
        %add3A_722 = vector.broadcast %add3A_721 : i32 to vector<16xi32>
        %add3A_723 = arith.addi %add3A_720, %add3A_722 : vector<16xi32>
        %gather3A_724 = tpu.vector_load_idx %arg6[%add3A_723, %add3A_561] : memref<512x64xf32, #tpu.memory_space<vmem>>[vector<16xi32>, vector<16xi32>], vector<16xf32>,
        tpu.vector_store_idx %arg7[%add3A_576, %add3A_720], %gather3A_724 : memref<64x128xf32, #tpu.memory_space<vmem>>[vector<16xi32>, vector<16xi32>], vector<16xf32>,
        %add3A_725 = arith.constant 128 : i32
        %add3A_726 = vector.broadcast %add3A_725 : i32 to vector<16xi32>
        %add3A_727 = arith.addi %add3A_720, %add3A_726 : vector<16xi32>
        %gather3A_728 = tpu.vector_load_idx %arg6[%add3A_727, %add3A_561] : memref<512x64xf32, #tpu.memory_space<vmem>>[vector<16xi32>, vector<16xi32>], vector<16xf32>,
        tpu.vector_store_idx %arg7[%add3A_579, %add3A_720], %gather3A_728 : memref<64x128xf32, #tpu.memory_space<vmem>>[vector<16xi32>, vector<16xi32>], vector<16xf32>,
        %add3A_729 = arith.constant 256 : i32
        %add3A_730 = vector.broadcast %add3A_729 : i32 to vector<16xi32>
        %add3A_731 = arith.addi %add3A_720, %add3A_730 : vector<16xi32>
        %gather3A_732 = tpu.vector_load_idx %arg6[%add3A_731, %add3A_561] : memref<512x64xf32, #tpu.memory_space<vmem>>[vector<16xi32>, vector<16xi32>], vector<16xf32>,
        tpu.vector_store_idx %arg7[%add3A_582, %add3A_720], %gather3A_732 : memref<64x128xf32, #tpu.memory_space<vmem>>[vector<16xi32>, vector<16xi32>], vector<16xf32>,
        %add3A_733 = arith.constant 384 : i32
        %add3A_734 = vector.broadcast %add3A_733 : i32 to vector<16xi32>
        %add3A_735 = arith.addi %add3A_720, %add3A_734 : vector<16xi32>
        %gather3A_736 = tpu.vector_load_idx %arg6[%add3A_735, %add3A_561] : memref<512x64xf32, #tpu.memory_space<vmem>>[vector<16xi32>, vector<16xi32>], vector<16xf32>,
        tpu.vector_store_idx %arg7[%add3A_585, %add3A_720], %gather3A_736 : memref<64x128xf32, #tpu.memory_space<vmem>>[vector<16xi32>, vector<16xi32>], vector<16xf32>,
      }
      %scan3A_342 = arith.constant 16 : i32
      %mul3A_343 = arith.constant 8 : i32
      %mul3A_344 = arith.muli %mul3A_4, %mul3A_343 : i32
      %dma_start3A_345 = arith.constant 0 : i32
      %dma_start3A_346 = arith.constant 0 : i32
      %dma_start3A_347 = arith.constant 0 : i32
      %dma_start3A_348 = tpu.memref_slice %arg7[%dma_start3A_346, %dma_start3A_347] : memref<64x128xf32, #tpu.memory_space<vmem>> -> memref<32x128xf32, #tpu.memory_space<vmem>>
      %dma_start3A_349 = arith.constant 0 : i32
      %dma_start3A_350 = tpu.memref_slice %arg4[%add3A_322, %dma_start3A_345, %mul3A_344, %dma_start3A_349] : memref<50x8x1024x128xf32, #tpu.memory_space<hbm>> -> memref<1x1x32x128xf32, #tpu.memory_space<hbm>>
      %dma_start3A_351 = tpu.memref_squeeze %dma_start3A_350 : memref<1x1x32x128xf32, #tpu.memory_space<hbm>> -> memref<32x128xf32, #tpu.memory_space<hbm>>
      %dma_start3A_352 = arith.constant 0 : i32
      %dma_start3A_353 = tpu.memref_slice %arg4[%add3A_322, %dma_start3A_345, %mul3A_344, %dma_start3A_352] : memref<50x8x1024x128xf32, #tpu.memory_space<hbm>> -> memref<1x1x32x128xf32, #tpu.memory_space<hbm>>
      %dma_start3A_354 = tpu.memref_squeeze %dma_start3A_353 : memref<1x1x32x128xf32, #tpu.memory_space<hbm>> -> memref<32x128xf32, #tpu.memory_space<hbm>>
      %dma_start3A_355 = arith.constant 0 : i32
      %dma_start3A_356 = arith.constant 0 : i32
      %dma_start3A_357 = tpu.memref_slice %arg7[%dma_start3A_355, %dma_start3A_356] : memref<64x128xf32, #tpu.memory_space<vmem>> -> memref<32x128xf32, #tpu.memory_space<vmem>>
      tpu.enqueue_dma source(%dma_start3A_357 : memref<32x128xf32, #tpu.memory_space<vmem>>) target(%dma_start3A_354 : memref<32x128xf32, #tpu.memory_space<hbm>>) target_semaphore(%arg15 : memref<!tpu.dma_semaphore, #tpu.memory_space<semaphore_mem>>)
      %mul3A_358 = arith.constant 8 : i32
      %mul3A_359 = arith.muli %mul3A_4, %mul3A_358 : i32
      %dma_start3A_360 = arith.constant 1 : i32
      %dma_start3A_361 = arith.constant 32 : i32
      %dma_start3A_362 = arith.constant 0 : i32
      %dma_start3A_363 = tpu.memref_slice %arg7[%dma_start3A_361, %dma_start3A_362] : memref<64x128xf32, #tpu.memory_space<vmem>> -> memref<32x128xf32, #tpu.memory_space<vmem>>
      %dma_start3A_364 = arith.constant 0 : i32
      %dma_start3A_365 = tpu.memref_slice %arg4[%add3A_322, %dma_start3A_360, %mul3A_359, %dma_start3A_364] : memref<50x8x1024x128xf32, #tpu.memory_space<hbm>> -> memref<1x1x32x128xf32, #tpu.memory_space<hbm>>
      %dma_start3A_366 = tpu.memref_squeeze %dma_start3A_365 : memref<1x1x32x128xf32, #tpu.memory_space<hbm>> -> memref<32x128xf32, #tpu.memory_space<hbm>>
      %dma_start3A_367 = arith.constant 0 : i32
      %dma_start3A_368 = tpu.memref_slice %arg4[%add3A_322, %dma_start3A_360, %mul3A_359, %dma_start3A_367] : memref<50x8x1024x128xf32, #tpu.memory_space<hbm>> -> memref<1x1x32x128xf32, #tpu.memory_space<hbm>>
      %dma_start3A_369 = tpu.memref_squeeze %dma_start3A_368 : memref<1x1x32x128xf32, #tpu.memory_space<hbm>> -> memref<32x128xf32, #tpu.memory_space<hbm>>
      %dma_start3A_370 = arith.constant 32 : i32
      %dma_start3A_371 = arith.constant 0 : i32
      %dma_start3A_372 = tpu.memref_slice %arg7[%dma_start3A_370, %dma_start3A_371] : memref<64x128xf32, #tpu.memory_space<vmem>> -> memref<32x128xf32, #tpu.memory_space<vmem>>
      tpu.enqueue_dma source(%dma_start3A_372 : memref<32x128xf32, #tpu.memory_space<vmem>>) target(%dma_start3A_369 : memref<32x128xf32, #tpu.memory_space<hbm>>) target_semaphore(%arg15 : memref<!tpu.dma_semaphore, #tpu.memory_space<semaphore_mem>>)
      %ge3A_373 = arith.constant 1 : i32
      %ge3A_374 = arith.cmpi sge, %add3A_322, %ge3A_373 : i32
      %convert_element_type3A_375 = arith.extui %ge3A_374 : i1 to i32
      %cond3A_376 = arith.constant 0 : i32
      %cond3A_377 = arith.cmpi ne, %convert_element_type3A_375, %cond3A_376 : i32
      scf.if %cond3A_377 {
        %sub3A = arith.constant 1 : i32
        %sub3A_550 = arith.subi %add3A_322, %sub3A : i32
        %mul3A_551 = arith.constant 8 : i32
        %mul3A_552 = arith.muli %mul3A_4, %mul3A_551 : i32
        %dma_wait3A_553 = arith.constant 6 : i32
        %dma_wait3A_554 = arith.constant 0 : i32
        %dma_wait3A_555 = arith.constant 0 : i32
        %dma_wait3A_556 = tpu.memref_slice %arg8[%dma_wait3A_554, %dma_wait3A_555] : memref<64x128xf32, #tpu.memory_space<vmem>> -> memref<32x128xf32, #tpu.memory_space<vmem>>
        %dma_wait3A_557 = arith.constant 0 : i32
        %dma_wait3A_558 = tpu.memref_slice %arg4[%sub3A_550, %dma_wait3A_553, %mul3A_552, %dma_wait3A_557] : memref<50x8x1024x128xf32, #tpu.memory_space<hbm>> -> memref<1x1x32x128xf32, #tpu.memory_space<hbm>>
        %dma_wait3A_559 = tpu.memref_squeeze %dma_wait3A_558 : memref<1x1x32x128xf32, #tpu.memory_space<hbm>> -> memref<32x128xf32, #tpu.memory_space<hbm>>
        %dma_wait3A_560 = arith.constant 0 : i32
        %dma_wait3A_561 = tpu.memref_slice %arg4[%sub3A_550, %dma_wait3A_553, %mul3A_552, %dma_wait3A_560] : memref<50x8x1024x128xf32, #tpu.memory_space<hbm>> -> memref<1x1x32x128xf32, #tpu.memory_space<hbm>>
        %dma_wait3A_562 = tpu.memref_squeeze %dma_wait3A_561 : memref<1x1x32x128xf32, #tpu.memory_space<hbm>> -> memref<32x128xf32, #tpu.memory_space<hbm>>
        %dma_wait3A_563 = arith.constant 0 : i32
        %dma_wait3A_564 = arith.constant 0 : i32
        %dma_wait3A_565 = tpu.memref_slice %arg8[%dma_wait3A_563, %dma_wait3A_564] : memref<64x128xf32, #tpu.memory_space<vmem>> -> memref<32x128xf32, #tpu.memory_space<vmem>>
        tpu.wait_dma2 semaphore(%arg16 : memref<!tpu.dma_semaphore, #tpu.memory_space<semaphore_mem>>) src(%dma_wait3A_565 : memref<32x128xf32, #tpu.memory_space<vmem>>) dst(%dma_wait3A_562 : memref<32x128xf32, #tpu.memory_space<hbm>>)
        %mul3A_566 = arith.constant 8 : i32
        %mul3A_567 = arith.muli %mul3A_4, %mul3A_566 : i32
        %dma_wait3A_568 = arith.constant 7 : i32
        %dma_wait3A_569 = arith.constant 32 : i32
        %dma_wait3A_570 = arith.constant 0 : i32
        %dma_wait3A_571 = tpu.memref_slice %arg8[%dma_wait3A_569, %dma_wait3A_570] : memref<64x128xf32, #tpu.memory_space<vmem>> -> memref<32x128xf32, #tpu.memory_space<vmem>>
        %dma_wait3A_572 = arith.constant 0 : i32
        %dma_wait3A_573 = tpu.memref_slice %arg4[%sub3A_550, %dma_wait3A_568, %mul3A_567, %dma_wait3A_572] : memref<50x8x1024x128xf32, #tpu.memory_space<hbm>> -> memref<1x1x32x128xf32, #tpu.memory_space<hbm>>
        %dma_wait3A_574 = tpu.memref_squeeze %dma_wait3A_573 : memref<1x1x32x128xf32, #tpu.memory_space<hbm>> -> memref<32x128xf32, #tpu.memory_space<hbm>>
        %dma_wait3A_575 = arith.constant 0 : i32
        %dma_wait3A_576 = tpu.memref_slice %arg4[%sub3A_550, %dma_wait3A_568, %mul3A_567, %dma_wait3A_575] : memref<50x8x1024x128xf32, #tpu.memory_space<hbm>> -> memref<1x1x32x128xf32, #tpu.memory_space<hbm>>
        %dma_wait3A_577 = tpu.memref_squeeze %dma_wait3A_576 : memref<1x1x32x128xf32, #tpu.memory_space<hbm>> -> memref<32x128xf32, #tpu.memory_space<hbm>>
        %dma_wait3A_578 = arith.constant 32 : i32
        %dma_wait3A_579 = arith.constant 0 : i32
        %dma_wait3A_580 = tpu.memref_slice %arg8[%dma_wait3A_578, %dma_wait3A_579] : memref<64x128xf32, #tpu.memory_space<vmem>> -> memref<32x128xf32, #tpu.memory_space<vmem>>
        tpu.wait_dma2 semaphore(%arg16 : memref<!tpu.dma_semaphore, #tpu.memory_space<semaphore_mem>>) src(%dma_wait3A_580 : memref<32x128xf32, #tpu.memory_space<vmem>>) dst(%dma_wait3A_577 : memref<32x128xf32, #tpu.memory_space<hbm>>)
      } else {
      }
      %scan3A_378 = arith.constant 0 : i32
      %scan3A_379 = arith.constant 16 : i32
      %scan3A_380 = arith.addi %scan3A_378, %scan3A_379 : i32
      %scan3A_381 = arith.constant 1 : i32
      scf.for %scan3A_550 = %scan3A_378 to %scan3A_380 step %scan3A_381  : i32 {
        %mul3A_551 = arith.constant 1 : i32
        %mul3A_552 = arith.muli %scan3A_550, %mul3A_551 : i32
        %add3A_553 = arith.constant 0 : i32
        %add3A_554 = arith.addi %add3A_553, %mul3A_552 : i32
        %add3A_555 = vector.broadcast %add3A_554 : i32 to vector<16xi32>
        %add3A_556 = arith.addi %iota3A, %add3A_555 : vector<16xi32>
        %and3A = arith.constant 15 : i32
        %and3A_557 = vector.broadcast %and3A : i32 to vector<16xi32>
        %and3A_558 = arith.andi %add3A_556, %and3A_557 : vector<16xi32>
        %add3A_559 = arith.constant 16 : i32
        %add3A_560 = vector.broadcast %add3A_559 : i32 to vector<16xi32>
        %add3A_561 = arith.addi %and3A_558, %add3A_560 : vector<16xi32>
        %shift_right_arithmetic3A = arith.constant 3 : i32
        %shift_right_arithmetic3A_562 = vector.broadcast %shift_right_arithmetic3A : i32 to vector<16xi32>
        %shift_right_arithmetic3A_563 = arith.shrsi %add3A_561, %shift_right_arithmetic3A_562 : vector<16xi32>
        %and3A_564 = arith.constant 1 : i32
        %and3A_565 = vector.broadcast %and3A_564 : i32 to vector<16xi32>
        %and3A_566 = arith.andi %shift_right_arithmetic3A_563, %and3A_565 : vector<16xi32>
        %mul3A_567 = arith.constant 32 : i32
        %mul3A_568 = vector.broadcast %mul3A_567 : i32 to vector<16xi32>
        %mul3A_569 = arith.muli %and3A_566, %mul3A_568 : vector<16xi32>
        %and3A_570 = arith.constant 7 : i32
        %and3A_571 = vector.broadcast %and3A_570 : i32 to vector<16xi32>
        %and3A_572 = arith.andi %add3A_561, %and3A_571 : vector<16xi32>
        %add3A_573 = arith.addi %mul3A_569, %and3A_572 : vector<16xi32>
        %add3A_574 = arith.constant 0 : i32
        %add3A_575 = vector.broadcast %add3A_574 : i32 to vector<16xi32>
        %add3A_576 = arith.addi %add3A_573, %add3A_575 : vector<16xi32>
        %add3A_577 = arith.constant 8 : i32
        %add3A_578 = vector.broadcast %add3A_577 : i32 to vector<16xi32>
        %add3A_579 = arith.addi %add3A_573, %add3A_578 : vector<16xi32>
        %add3A_580 = arith.constant 16 : i32
        %add3A_581 = vector.broadcast %add3A_580 : i32 to vector<16xi32>
        %add3A_582 = arith.addi %add3A_573, %add3A_581 : vector<16xi32>
        %add3A_583 = arith.constant 24 : i32
        %add3A_584 = vector.broadcast %add3A_583 : i32 to vector<16xi32>
        %add3A_585 = arith.addi %add3A_573, %add3A_584 : vector<16xi32>
        %add3A_586 = arith.constant 0 : i32
        %add3A_587 = vector.broadcast %add3A_586 : i32 to vector<16xi32>
        %add3A_588 = arith.addi %iota3A, %add3A_587 : vector<16xi32>
        %add3A_589 = arith.constant 0 : i32
        %add3A_590 = vector.broadcast %add3A_589 : i32 to vector<16xi32>
        %add3A_591 = arith.addi %add3A_588, %add3A_590 : vector<16xi32>
        %gather3A = tpu.vector_load_idx %arg6[%add3A_591, %add3A_561] : memref<512x64xf32, #tpu.memory_space<vmem>>[vector<16xi32>, vector<16xi32>], vector<16xf32>,
        tpu.vector_store_idx %arg8[%add3A_576, %add3A_588], %gather3A : memref<64x128xf32, #tpu.memory_space<vmem>>[vector<16xi32>, vector<16xi32>], vector<16xf32>,
        %add3A_592 = arith.constant 128 : i32
        %add3A_593 = vector.broadcast %add3A_592 : i32 to vector<16xi32>
        %add3A_594 = arith.addi %add3A_588, %add3A_593 : vector<16xi32>
        %gather3A_595 = tpu.vector_load_idx %arg6[%add3A_594, %add3A_561] : memref<512x64xf32, #tpu.memory_space<vmem>>[vector<16xi32>, vector<16xi32>], vector<16xf32>,
        tpu.vector_store_idx %arg8[%add3A_579, %add3A_588], %gather3A_595 : memref<64x128xf32, #tpu.memory_space<vmem>>[vector<16xi32>, vector<16xi32>], vector<16xf32>,
        %add3A_596 = arith.constant 256 : i32
        %add3A_597 = vector.broadcast %add3A_596 : i32 to vector<16xi32>
        %add3A_598 = arith.addi %add3A_588, %add3A_597 : vector<16xi32>
        %gather3A_599 = tpu.vector_load_idx %arg6[%add3A_598, %add3A_561] : memref<512x64xf32, #tpu.memory_space<vmem>>[vector<16xi32>, vector<16xi32>], vector<16xf32>,
        tpu.vector_store_idx %arg8[%add3A_582, %add3A_588], %gather3A_599 : memref<64x128xf32, #tpu.memory_space<vmem>>[vector<16xi32>, vector<16xi32>], vector<16xf32>,
        %add3A_600 = arith.constant 384 : i32
        %add3A_601 = vector.broadcast %add3A_600 : i32 to vector<16xi32>
        %add3A_602 = arith.addi %add3A_588, %add3A_601 : vector<16xi32>
        %gather3A_603 = tpu.vector_load_idx %arg6[%add3A_602, %add3A_561] : memref<512x64xf32, #tpu.memory_space<vmem>>[vector<16xi32>, vector<16xi32>], vector<16xf32>,
        tpu.vector_store_idx %arg8[%add3A_585, %add3A_588], %gather3A_603 : memref<64x128xf32, #tpu.memory_space<vmem>>[vector<16xi32>, vector<16xi32>], vector<16xf32>,
        %add3A_604 = arith.constant 16 : i32
        %add3A_605 = vector.broadcast %add3A_604 : i32 to vector<16xi32>
        %add3A_606 = arith.addi %iota3A, %add3A_605 : vector<16xi32>
        %add3A_607 = arith.constant 0 : i32
        %add3A_608 = vector.broadcast %add3A_607 : i32 to vector<16xi32>
        %add3A_609 = arith.addi %add3A_606, %add3A_608 : vector<16xi32>
        %gather3A_610 = tpu.vector_load_idx %arg6[%add3A_609, %add3A_561] : memref<512x64xf32, #tpu.memory_space<vmem>>[vector<16xi32>, vector<16xi32>], vector<16xf32>,
        tpu.vector_store_idx %arg8[%add3A_576, %add3A_606], %gather3A_610 : memref<64x128xf32, #tpu.memory_space<vmem>>[vector<16xi32>, vector<16xi32>], vector<16xf32>,
        %add3A_611 = arith.constant 128 : i32
        %add3A_612 = vector.broadcast %add3A_611 : i32 to vector<16xi32>
        %add3A_613 = arith.addi %add3A_606, %add3A_612 : vector<16xi32>
        %gather3A_614 = tpu.vector_load_idx %arg6[%add3A_613, %add3A_561] : memref<512x64xf32, #tpu.memory_space<vmem>>[vector<16xi32>, vector<16xi32>], vector<16xf32>,
        tpu.vector_store_idx %arg8[%add3A_579, %add3A_606], %gather3A_614 : memref<64x128xf32, #tpu.memory_space<vmem>>[vector<16xi32>, vector<16xi32>], vector<16xf32>,
        %add3A_615 = arith.constant 256 : i32
        %add3A_616 = vector.broadcast %add3A_615 : i32 to vector<16xi32>
        %add3A_617 = arith.addi %add3A_606, %add3A_616 : vector<16xi32>
        %gather3A_618 = tpu.vector_load_idx %arg6[%add3A_617, %add3A_561] : memref<512x64xf32, #tpu.memory_space<vmem>>[vector<16xi32>, vector<16xi32>], vector<16xf32>,
        tpu.vector_store_idx %arg8[%add3A_582, %add3A_606], %gather3A_618 : memref<64x128xf32, #tpu.memory_space<vmem>>[vector<16xi32>, vector<16xi32>], vector<16xf32>,
        %add3A_619 = arith.constant 384 : i32
        %add3A_620 = vector.broadcast %add3A_619 : i32 to vector<16xi32>
        %add3A_621 = arith.addi %add3A_606, %add3A_620 : vector<16xi32>
        %gather3A_622 = tpu.vector_load_idx %arg6[%add3A_621, %add3A_561] : memref<512x64xf32, #tpu.memory_space<vmem>>[vector<16xi32>, vector<16xi32>], vector<16xf32>,
        tpu.vector_store_idx %arg8[%add3A_585, %add3A_606], %gather3A_622 : memref<64x128xf32, #tpu.memory_space<vmem>>[vector<16xi32>, vector<16xi32>], vector<16xf32>,
        %add3A_623 = arith.constant 32 : i32
        %add3A_624 = vector.broadcast %add3A_623 : i32 to vector<16xi32>
        %add3A_625 = arith.addi %iota3A, %add3A_624 : vector<16xi32>
        %add3A_626 = arith.constant 0 : i32
        %add3A_627 = vector.broadcast %add3A_626 : i32 to vector<16xi32>
        %add3A_628 = arith.addi %add3A_625, %add3A_627 : vector<16xi32>
        %gather3A_629 = tpu.vector_load_idx %arg6[%add3A_628, %add3A_561] : memref<512x64xf32, #tpu.memory_space<vmem>>[vector<16xi32>, vector<16xi32>], vector<16xf32>,
        tpu.vector_store_idx %arg8[%add3A_576, %add3A_625], %gather3A_629 : memref<64x128xf32, #tpu.memory_space<vmem>>[vector<16xi32>, vector<16xi32>], vector<16xf32>,
        %add3A_630 = arith.constant 128 : i32
        %add3A_631 = vector.broadcast %add3A_630 : i32 to vector<16xi32>
        %add3A_632 = arith.addi %add3A_625, %add3A_631 : vector<16xi32>
        %gather3A_633 = tpu.vector_load_idx %arg6[%add3A_632, %add3A_561] : memref<512x64xf32, #tpu.memory_space<vmem>>[vector<16xi32>, vector<16xi32>], vector<16xf32>,
        tpu.vector_store_idx %arg8[%add3A_579, %add3A_625], %gather3A_633 : memref<64x128xf32, #tpu.memory_space<vmem>>[vector<16xi32>, vector<16xi32>], vector<16xf32>,
        %add3A_634 = arith.constant 256 : i32
        %add3A_635 = vector.broadcast %add3A_634 : i32 to vector<16xi32>
        %add3A_636 = arith.addi %add3A_625, %add3A_635 : vector<16xi32>
        %gather3A_637 = tpu.vector_load_idx %arg6[%add3A_636, %add3A_561] : memref<512x64xf32, #tpu.memory_space<vmem>>[vector<16xi32>, vector<16xi32>], vector<16xf32>,
        tpu.vector_store_idx %arg8[%add3A_582, %add3A_625], %gather3A_637 : memref<64x128xf32, #tpu.memory_space<vmem>>[vector<16xi32>, vector<16xi32>], vector<16xf32>,
        %add3A_638 = arith.constant 384 : i32
        %add3A_639 = vector.broadcast %add3A_638 : i32 to vector<16xi32>
        %add3A_640 = arith.addi %add3A_625, %add3A_639 : vector<16xi32>
        %gather3A_641 = tpu.vector_load_idx %arg6[%add3A_640, %add3A_561] : memref<512x64xf32, #tpu.memory_space<vmem>>[vector<16xi32>, vector<16xi32>], vector<16xf32>,
        tpu.vector_store_idx %arg8[%add3A_585, %add3A_625], %gather3A_641 : memref<64x128xf32, #tpu.memory_space<vmem>>[vector<16xi32>, vector<16xi32>], vector<16xf32>,
        %add3A_642 = arith.constant 48 : i32
        %add3A_643 = vector.broadcast %add3A_642 : i32 to vector<16xi32>
        %add3A_644 = arith.addi %iota3A, %add3A_643 : vector<16xi32>
        %add3A_645 = arith.constant 0 : i32
        %add3A_646 = vector.broadcast %add3A_645 : i32 to vector<16xi32>
        %add3A_647 = arith.addi %add3A_644, %add3A_646 : vector<16xi32>
        %gather3A_648 = tpu.vector_load_idx %arg6[%add3A_647, %add3A_561] : memref<512x64xf32, #tpu.memory_space<vmem>>[vector<16xi32>, vector<16xi32>], vector<16xf32>,
        tpu.vector_store_idx %arg8[%add3A_576, %add3A_644], %gather3A_648 : memref<64x128xf32, #tpu.memory_space<vmem>>[vector<16xi32>, vector<16xi32>], vector<16xf32>,
        %add3A_649 = arith.constant 128 : i32
        %add3A_650 = vector.broadcast %add3A_649 : i32 to vector<16xi32>
        %add3A_651 = arith.addi %add3A_644, %add3A_650 : vector<16xi32>
        %gather3A_652 = tpu.vector_load_idx %arg6[%add3A_651, %add3A_561] : memref<512x64xf32, #tpu.memory_space<vmem>>[vector<16xi32>, vector<16xi32>], vector<16xf32>,
        tpu.vector_store_idx %arg8[%add3A_579, %add3A_644], %gather3A_652 : memref<64x128xf32, #tpu.memory_space<vmem>>[vector<16xi32>, vector<16xi32>], vector<16xf32>,
        %add3A_653 = arith.constant 256 : i32
        %add3A_654 = vector.broadcast %add3A_653 : i32 to vector<16xi32>
        %add3A_655 = arith.addi %add3A_644, %add3A_654 : vector<16xi32>
        %gather3A_656 = tpu.vector_load_idx %arg6[%add3A_655, %add3A_561] : memref<512x64xf32, #tpu.memory_space<vmem>>[vector<16xi32>, vector<16xi32>], vector<16xf32>,
        tpu.vector_store_idx %arg8[%add3A_582, %add3A_644], %gather3A_656 : memref<64x128xf32, #tpu.memory_space<vmem>>[vector<16xi32>, vector<16xi32>], vector<16xf32>,
        %add3A_657 = arith.constant 384 : i32
        %add3A_658 = vector.broadcast %add3A_657 : i32 to vector<16xi32>
        %add3A_659 = arith.addi %add3A_644, %add3A_658 : vector<16xi32>
        %gather3A_660 = tpu.vector_load_idx %arg6[%add3A_659, %add3A_561] : memref<512x64xf32, #tpu.memory_space<vmem>>[vector<16xi32>, vector<16xi32>], vector<16xf32>,
        tpu.vector_store_idx %arg8[%add3A_585, %add3A_644], %gather3A_660 : memref<64x128xf32, #tpu.memory_space<vmem>>[vector<16xi32>, vector<16xi32>], vector<16xf32>,
        %add3A_661 = arith.constant 64 : i32
        %add3A_662 = vector.broadcast %add3A_661 : i32 to vector<16xi32>
        %add3A_663 = arith.addi %iota3A, %add3A_662 : vector<16xi32>
        %add3A_664 = arith.constant 0 : i32
        %add3A_665 = vector.broadcast %add3A_664 : i32 to vector<16xi32>
        %add3A_666 = arith.addi %add3A_663, %add3A_665 : vector<16xi32>
        %gather3A_667 = tpu.vector_load_idx %arg6[%add3A_666, %add3A_561] : memref<512x64xf32, #tpu.memory_space<vmem>>[vector<16xi32>, vector<16xi32>], vector<16xf32>,
        tpu.vector_store_idx %arg8[%add3A_576, %add3A_663], %gather3A_667 : memref<64x128xf32, #tpu.memory_space<vmem>>[vector<16xi32>, vector<16xi32>], vector<16xf32>,
        %add3A_668 = arith.constant 128 : i32
        %add3A_669 = vector.broadcast %add3A_668 : i32 to vector<16xi32>
        %add3A_670 = arith.addi %add3A_663, %add3A_669 : vector<16xi32>
        %gather3A_671 = tpu.vector_load_idx %arg6[%add3A_670, %add3A_561] : memref<512x64xf32, #tpu.memory_space<vmem>>[vector<16xi32>, vector<16xi32>], vector<16xf32>,
        tpu.vector_store_idx %arg8[%add3A_579, %add3A_663], %gather3A_671 : memref<64x128xf32, #tpu.memory_space<vmem>>[vector<16xi32>, vector<16xi32>], vector<16xf32>,
        %add3A_672 = arith.constant 256 : i32
        %add3A_673 = vector.broadcast %add3A_672 : i32 to vector<16xi32>
        %add3A_674 = arith.addi %add3A_663, %add3A_673 : vector<16xi32>
        %gather3A_675 = tpu.vector_load_idx %arg6[%add3A_674, %add3A_561] : memref<512x64xf32, #tpu.memory_space<vmem>>[vector<16xi32>, vector<16xi32>], vector<16xf32>,
        tpu.vector_store_idx %arg8[%add3A_582, %add3A_663], %gather3A_675 : memref<64x128xf32, #tpu.memory_space<vmem>>[vector<16xi32>, vector<16xi32>], vector<16xf32>,
        %add3A_676 = arith.constant 384 : i32
        %add3A_677 = vector.broadcast %add3A_676 : i32 to vector<16xi32>
        %add3A_678 = arith.addi %add3A_663, %add3A_677 : vector<16xi32>
        %gather3A_679 = tpu.vector_load_idx %arg6[%add3A_678, %add3A_561] : memref<512x64xf32, #tpu.memory_space<vmem>>[vector<16xi32>, vector<16xi32>], vector<16xf32>,
        tpu.vector_store_idx %arg8[%add3A_585, %add3A_663], %gather3A_679 : memref<64x128xf32, #tpu.memory_space<vmem>>[vector<16xi32>, vector<16xi32>], vector<16xf32>,
        %add3A_680 = arith.constant 80 : i32
        %add3A_681 = vector.broadcast %add3A_680 : i32 to vector<16xi32>
        %add3A_682 = arith.addi %iota3A, %add3A_681 : vector<16xi32>
        %add3A_683 = arith.constant 0 : i32
        %add3A_684 = vector.broadcast %add3A_683 : i32 to vector<16xi32>
        %add3A_685 = arith.addi %add3A_682, %add3A_684 : vector<16xi32>
        %gather3A_686 = tpu.vector_load_idx %arg6[%add3A_685, %add3A_561] : memref<512x64xf32, #tpu.memory_space<vmem>>[vector<16xi32>, vector<16xi32>], vector<16xf32>,
        tpu.vector_store_idx %arg8[%add3A_576, %add3A_682], %gather3A_686 : memref<64x128xf32, #tpu.memory_space<vmem>>[vector<16xi32>, vector<16xi32>], vector<16xf32>,
        %add3A_687 = arith.constant 128 : i32
        %add3A_688 = vector.broadcast %add3A_687 : i32 to vector<16xi32>
        %add3A_689 = arith.addi %add3A_682, %add3A_688 : vector<16xi32>
        %gather3A_690 = tpu.vector_load_idx %arg6[%add3A_689, %add3A_561] : memref<512x64xf32, #tpu.memory_space<vmem>>[vector<16xi32>, vector<16xi32>], vector<16xf32>,
        tpu.vector_store_idx %arg8[%add3A_579, %add3A_682], %gather3A_690 : memref<64x128xf32, #tpu.memory_space<vmem>>[vector<16xi32>, vector<16xi32>], vector<16xf32>,
        %add3A_691 = arith.constant 256 : i32
        %add3A_692 = vector.broadcast %add3A_691 : i32 to vector<16xi32>
        %add3A_693 = arith.addi %add3A_682, %add3A_692 : vector<16xi32>
        %gather3A_694 = tpu.vector_load_idx %arg6[%add3A_693, %add3A_561] : memref<512x64xf32, #tpu.memory_space<vmem>>[vector<16xi32>, vector<16xi32>], vector<16xf32>,
        tpu.vector_store_idx %arg8[%add3A_582, %add3A_682], %gather3A_694 : memref<64x128xf32, #tpu.memory_space<vmem>>[vector<16xi32>, vector<16xi32>], vector<16xf32>,
        %add3A_695 = arith.constant 384 : i32
        %add3A_696 = vector.broadcast %add3A_695 : i32 to vector<16xi32>
        %add3A_697 = arith.addi %add3A_682, %add3A_696 : vector<16xi32>
        %gather3A_698 = tpu.vector_load_idx %arg6[%add3A_697, %add3A_561] : memref<512x64xf32, #tpu.memory_space<vmem>>[vector<16xi32>, vector<16xi32>], vector<16xf32>,
        tpu.vector_store_idx %arg8[%add3A_585, %add3A_682], %gather3A_698 : memref<64x128xf32, #tpu.memory_space<vmem>>[vector<16xi32>, vector<16xi32>], vector<16xf32>,
        %add3A_699 = arith.constant 96 : i32
        %add3A_700 = vector.broadcast %add3A_699 : i32 to vector<16xi32>
        %add3A_701 = arith.addi %iota3A, %add3A_700 : vector<16xi32>
        %add3A_702 = arith.constant 0 : i32
        %add3A_703 = vector.broadcast %add3A_702 : i32 to vector<16xi32>
        %add3A_704 = arith.addi %add3A_701, %add3A_703 : vector<16xi32>
        %gather3A_705 = tpu.vector_load_idx %arg6[%add3A_704, %add3A_561] : memref<512x64xf32, #tpu.memory_space<vmem>>[vector<16xi32>, vector<16xi32>], vector<16xf32>,
        tpu.vector_store_idx %arg8[%add3A_576, %add3A_701], %gather3A_705 : memref<64x128xf32, #tpu.memory_space<vmem>>[vector<16xi32>, vector<16xi32>], vector<16xf32>,
        %add3A_706 = arith.constant 128 : i32
        %add3A_707 = vector.broadcast %add3A_706 : i32 to vector<16xi32>
        %add3A_708 = arith.addi %add3A_701, %add3A_707 : vector<16xi32>
        %gather3A_709 = tpu.vector_load_idx %arg6[%add3A_708, %add3A_561] : memref<512x64xf32, #tpu.memory_space<vmem>>[vector<16xi32>, vector<16xi32>], vector<16xf32>,
        tpu.vector_store_idx %arg8[%add3A_579, %add3A_701], %gather3A_709 : memref<64x128xf32, #tpu.memory_space<vmem>>[vector<16xi32>, vector<16xi32>], vector<16xf32>,
        %add3A_710 = arith.constant 256 : i32
        %add3A_711 = vector.broadcast %add3A_710 : i32 to vector<16xi32>
        %add3A_712 = arith.addi %add3A_701, %add3A_711 : vector<16xi32>
        %gather3A_713 = tpu.vector_load_idx %arg6[%add3A_712, %add3A_561] : memref<512x64xf32, #tpu.memory_space<vmem>>[vector<16xi32>, vector<16xi32>], vector<16xf32>,
        tpu.vector_store_idx %arg8[%add3A_582, %add3A_701], %gather3A_713 : memref<64x128xf32, #tpu.memory_space<vmem>>[vector<16xi32>, vector<16xi32>], vector<16xf32>,
        %add3A_714 = arith.constant 384 : i32
        %add3A_715 = vector.broadcast %add3A_714 : i32 to vector<16xi32>
        %add3A_716 = arith.addi %add3A_701, %add3A_715 : vector<16xi32>
        %gather3A_717 = tpu.vector_load_idx %arg6[%add3A_716, %add3A_561] : memref<512x64xf32, #tpu.memory_space<vmem>>[vector<16xi32>, vector<16xi32>], vector<16xf32>,
        tpu.vector_store_idx %arg8[%add3A_585, %add3A_701], %gather3A_717 : memref<64x128xf32, #tpu.memory_space<vmem>>[vector<16xi32>, vector<16xi32>], vector<16xf32>,
        %add3A_718 = arith.constant 112 : i32
        %add3A_719 = vector.broadcast %add3A_718 : i32 to vector<16xi32>
        %add3A_720 = arith.addi %iota3A, %add3A_719 : vector<16xi32>
        %add3A_721 = arith.constant 0 : i32
        %add3A_722 = vector.broadcast %add3A_721 : i32 to vector<16xi32>
        %add3A_723 = arith.addi %add3A_720, %add3A_722 : vector<16xi32>
        %gather3A_724 = tpu.vector_load_idx %arg6[%add3A_723, %add3A_561] : memref<512x64xf32, #tpu.memory_space<vmem>>[vector<16xi32>, vector<16xi32>], vector<16xf32>,
        tpu.vector_store_idx %arg8[%add3A_576, %add3A_720], %gather3A_724 : memref<64x128xf32, #tpu.memory_space<vmem>>[vector<16xi32>, vector<16xi32>], vector<16xf32>,
        %add3A_725 = arith.constant 128 : i32
        %add3A_726 = vector.broadcast %add3A_725 : i32 to vector<16xi32>
        %add3A_727 = arith.addi %add3A_720, %add3A_726 : vector<16xi32>
        %gather3A_728 = tpu.vector_load_idx %arg6[%add3A_727, %add3A_561] : memref<512x64xf32, #tpu.memory_space<vmem>>[vector<16xi32>, vector<16xi32>], vector<16xf32>,
        tpu.vector_store_idx %arg8[%add3A_579, %add3A_720], %gather3A_728 : memref<64x128xf32, #tpu.memory_space<vmem>>[vector<16xi32>, vector<16xi32>], vector<16xf32>,
        %add3A_729 = arith.constant 256 : i32
        %add3A_730 = vector.broadcast %add3A_729 : i32 to vector<16xi32>
        %add3A_731 = arith.addi %add3A_720, %add3A_730 : vector<16xi32>
        %gather3A_732 = tpu.vector_load_idx %arg6[%add3A_731, %add3A_561] : memref<512x64xf32, #tpu.memory_space<vmem>>[vector<16xi32>, vector<16xi32>], vector<16xf32>,
        tpu.vector_store_idx %arg8[%add3A_582, %add3A_720], %gather3A_732 : memref<64x128xf32, #tpu.memory_space<vmem>>[vector<16xi32>, vector<16xi32>], vector<16xf32>,
        %add3A_733 = arith.constant 384 : i32
        %add3A_734 = vector.broadcast %add3A_733 : i32 to vector<16xi32>
        %add3A_735 = arith.addi %add3A_720, %add3A_734 : vector<16xi32>
        %gather3A_736 = tpu.vector_load_idx %arg6[%add3A_735, %add3A_561] : memref<512x64xf32, #tpu.memory_space<vmem>>[vector<16xi32>, vector<16xi32>], vector<16xf32>,
        tpu.vector_store_idx %arg8[%add3A_585, %add3A_720], %gather3A_736 : memref<64x128xf32, #tpu.memory_space<vmem>>[vector<16xi32>, vector<16xi32>], vector<16xf32>,
      }
      %scan3A_382 = arith.constant 16 : i32
      %mul3A_383 = arith.constant 8 : i32
      %mul3A_384 = arith.muli %mul3A_4, %mul3A_383 : i32
      %dma_start3A_385 = arith.constant 2 : i32
      %dma_start3A_386 = arith.constant 0 : i32
      %dma_start3A_387 = arith.constant 0 : i32
      %dma_start3A_388 = tpu.memref_slice %arg8[%dma_start3A_386, %dma_start3A_387] : memref<64x128xf32, #tpu.memory_space<vmem>> -> memref<32x128xf32, #tpu.memory_space<vmem>>
      %dma_start3A_389 = arith.constant 0 : i32
      %dma_start3A_390 = tpu.memref_slice %arg4[%add3A_322, %dma_start3A_385, %mul3A_384, %dma_start3A_389] : memref<50x8x1024x128xf32, #tpu.memory_space<hbm>> -> memref<1x1x32x128xf32, #tpu.memory_space<hbm>>
      %dma_start3A_391 = tpu.memref_squeeze %dma_start3A_390 : memref<1x1x32x128xf32, #tpu.memory_space<hbm>> -> memref<32x128xf32, #tpu.memory_space<hbm>>
      %dma_start3A_392 = arith.constant 0 : i32
      %dma_start3A_393 = tpu.memref_slice %arg4[%add3A_322, %dma_start3A_385, %mul3A_384, %dma_start3A_392] : memref<50x8x1024x128xf32, #tpu.memory_space<hbm>> -> memref<1x1x32x128xf32, #tpu.memory_space<hbm>>
      %dma_start3A_394 = tpu.memref_squeeze %dma_start3A_393 : memref<1x1x32x128xf32, #tpu.memory_space<hbm>> -> memref<32x128xf32, #tpu.memory_space<hbm>>
      %dma_start3A_395 = arith.constant 0 : i32
      %dma_start3A_396 = arith.constant 0 : i32
      %dma_start3A_397 = tpu.memref_slice %arg8[%dma_start3A_395, %dma_start3A_396] : memref<64x128xf32, #tpu.memory_space<vmem>> -> memref<32x128xf32, #tpu.memory_space<vmem>>
      tpu.enqueue_dma source(%dma_start3A_397 : memref<32x128xf32, #tpu.memory_space<vmem>>) target(%dma_start3A_394 : memref<32x128xf32, #tpu.memory_space<hbm>>) target_semaphore(%arg16 : memref<!tpu.dma_semaphore, #tpu.memory_space<semaphore_mem>>)
      %mul3A_398 = arith.constant 8 : i32
      %mul3A_399 = arith.muli %mul3A_4, %mul3A_398 : i32
      %dma_start3A_400 = arith.constant 3 : i32
      %dma_start3A_401 = arith.constant 32 : i32
      %dma_start3A_402 = arith.constant 0 : i32
      %dma_start3A_403 = tpu.memref_slice %arg8[%dma_start3A_401, %dma_start3A_402] : memref<64x128xf32, #tpu.memory_space<vmem>> -> memref<32x128xf32, #tpu.memory_space<vmem>>
      %dma_start3A_404 = arith.constant 0 : i32
      %dma_start3A_405 = tpu.memref_slice %arg4[%add3A_322, %dma_start3A_400, %mul3A_399, %dma_start3A_404] : memref<50x8x1024x128xf32, #tpu.memory_space<hbm>> -> memref<1x1x32x128xf32, #tpu.memory_space<hbm>>
      %dma_start3A_406 = tpu.memref_squeeze %dma_start3A_405 : memref<1x1x32x128xf32, #tpu.memory_space<hbm>> -> memref<32x128xf32, #tpu.memory_space<hbm>>
      %dma_start3A_407 = arith.constant 0 : i32
      %dma_start3A_408 = tpu.memref_slice %arg4[%add3A_322, %dma_start3A_400, %mul3A_399, %dma_start3A_407] : memref<50x8x1024x128xf32, #tpu.memory_space<hbm>> -> memref<1x1x32x128xf32, #tpu.memory_space<hbm>>
      %dma_start3A_409 = tpu.memref_squeeze %dma_start3A_408 : memref<1x1x32x128xf32, #tpu.memory_space<hbm>> -> memref<32x128xf32, #tpu.memory_space<hbm>>
      %dma_start3A_410 = arith.constant 32 : i32
      %dma_start3A_411 = arith.constant 0 : i32
      %dma_start3A_412 = tpu.memref_slice %arg8[%dma_start3A_410, %dma_start3A_411] : memref<64x128xf32, #tpu.memory_space<vmem>> -> memref<32x128xf32, #tpu.memory_space<vmem>>
      tpu.enqueue_dma source(%dma_start3A_412 : memref<32x128xf32, #tpu.memory_space<vmem>>) target(%dma_start3A_409 : memref<32x128xf32, #tpu.memory_space<hbm>>) target_semaphore(%arg16 : memref<!tpu.dma_semaphore, #tpu.memory_space<semaphore_mem>>)
      %mul3A_413 = arith.constant 8 : i32
      %mul3A_414 = arith.muli %mul3A_4, %mul3A_413 : i32
      %dma_wait3A_415 = arith.constant 0 : i32
      %dma_wait3A_416 = arith.constant 0 : i32
      %dma_wait3A_417 = arith.constant 0 : i32
      %dma_wait3A_418 = tpu.memref_slice %arg7[%dma_wait3A_416, %dma_wait3A_417] : memref<64x128xf32, #tpu.memory_space<vmem>> -> memref<32x128xf32, #tpu.memory_space<vmem>>
      %dma_wait3A_419 = arith.constant 0 : i32
      %dma_wait3A_420 = tpu.memref_slice %arg4[%add3A_322, %dma_wait3A_415, %mul3A_414, %dma_wait3A_419] : memref<50x8x1024x128xf32, #tpu.memory_space<hbm>> -> memref<1x1x32x128xf32, #tpu.memory_space<hbm>>
      %dma_wait3A_421 = tpu.memref_squeeze %dma_wait3A_420 : memref<1x1x32x128xf32, #tpu.memory_space<hbm>> -> memref<32x128xf32, #tpu.memory_space<hbm>>
      %dma_wait3A_422 = arith.constant 0 : i32
      %dma_wait3A_423 = tpu.memref_slice %arg4[%add3A_322, %dma_wait3A_415, %mul3A_414, %dma_wait3A_422] : memref<50x8x1024x128xf32, #tpu.memory_space<hbm>> -> memref<1x1x32x128xf32, #tpu.memory_space<hbm>>
      %dma_wait3A_424 = tpu.memref_squeeze %dma_wait3A_423 : memref<1x1x32x128xf32, #tpu.memory_space<hbm>> -> memref<32x128xf32, #tpu.memory_space<hbm>>
      %dma_wait3A_425 = arith.constant 0 : i32
      %dma_wait3A_426 = arith.constant 0 : i32
      %dma_wait3A_427 = tpu.memref_slice %arg7[%dma_wait3A_425, %dma_wait3A_426] : memref<64x128xf32, #tpu.memory_space<vmem>> -> memref<32x128xf32, #tpu.memory_space<vmem>>
      tpu.wait_dma2 semaphore(%arg15 : memref<!tpu.dma_semaphore, #tpu.memory_space<semaphore_mem>>) src(%dma_wait3A_427 : memref<32x128xf32, #tpu.memory_space<vmem>>) dst(%dma_wait3A_424 : memref<32x128xf32, #tpu.memory_space<hbm>>)
      %mul3A_428 = arith.constant 8 : i32
      %mul3A_429 = arith.muli %mul3A_4, %mul3A_428 : i32
      %dma_wait3A_430 = arith.constant 1 : i32
      %dma_wait3A_431 = arith.constant 32 : i32
      %dma_wait3A_432 = arith.constant 0 : i32
      %dma_wait3A_433 = tpu.memref_slice %arg7[%dma_wait3A_431, %dma_wait3A_432] : memref<64x128xf32, #tpu.memory_space<vmem>> -> memref<32x128xf32, #tpu.memory_space<vmem>>
      %dma_wait3A_434 = arith.constant 0 : i32
      %dma_wait3A_435 = tpu.memref_slice %arg4[%add3A_322, %dma_wait3A_430, %mul3A_429, %dma_wait3A_434] : memref<50x8x1024x128xf32, #tpu.memory_space<hbm>> -> memref<1x1x32x128xf32, #tpu.memory_space<hbm>>
      %dma_wait3A_436 = tpu.memref_squeeze %dma_wait3A_435 : memref<1x1x32x128xf32, #tpu.memory_space<hbm>> -> memref<32x128xf32, #tpu.memory_space<hbm>>
      %dma_wait3A_437 = arith.constant 0 : i32
      %dma_wait3A_438 = tpu.memref_slice %arg4[%add3A_322, %dma_wait3A_430, %mul3A_429, %dma_wait3A_437] : memref<50x8x1024x128xf32, #tpu.memory_space<hbm>> -> memref<1x1x32x128xf32, #tpu.memory_space<hbm>>
      %dma_wait3A_439 = tpu.memref_squeeze %dma_wait3A_438 : memref<1x1x32x128xf32, #tpu.memory_space<hbm>> -> memref<32x128xf32, #tpu.memory_space<hbm>>
      %dma_wait3A_440 = arith.constant 32 : i32
      %dma_wait3A_441 = arith.constant 0 : i32
      %dma_wait3A_442 = tpu.memref_slice %arg7[%dma_wait3A_440, %dma_wait3A_441] : memref<64x128xf32, #tpu.memory_space<vmem>> -> memref<32x128xf32, #tpu.memory_space<vmem>>
      tpu.wait_dma2 semaphore(%arg15 : memref<!tpu.dma_semaphore, #tpu.memory_space<semaphore_mem>>) src(%dma_wait3A_442 : memref<32x128xf32, #tpu.memory_space<vmem>>) dst(%dma_wait3A_439 : memref<32x128xf32, #tpu.memory_space<hbm>>)
      %scan3A_443 = arith.constant 0 : i32
      %scan3A_444 = arith.constant 16 : i32
      %scan3A_445 = arith.addi %scan3A_443, %scan3A_444 : i32
      %scan3A_446 = arith.constant 1 : i32
      scf.for %scan3A_550 = %scan3A_443 to %scan3A_445 step %scan3A_446  : i32 {
        %mul3A_551 = arith.constant 1 : i32
        %mul3A_552 = arith.muli %scan3A_550, %mul3A_551 : i32
        %add3A_553 = arith.constant 0 : i32
        %add3A_554 = arith.addi %add3A_553, %mul3A_552 : i32
        %add3A_555 = vector.broadcast %add3A_554 : i32 to vector<16xi32>
        %add3A_556 = arith.addi %iota3A, %add3A_555 : vector<16xi32>
        %and3A = arith.constant 15 : i32
        %and3A_557 = vector.broadcast %and3A : i32 to vector<16xi32>
        %and3A_558 = arith.andi %add3A_556, %and3A_557 : vector<16xi32>
        %add3A_559 = arith.constant 32 : i32
        %add3A_560 = vector.broadcast %add3A_559 : i32 to vector<16xi32>
        %add3A_561 = arith.addi %and3A_558, %add3A_560 : vector<16xi32>
        %shift_right_arithmetic3A = arith.constant 3 : i32
        %shift_right_arithmetic3A_562 = vector.broadcast %shift_right_arithmetic3A : i32 to vector<16xi32>
        %shift_right_arithmetic3A_563 = arith.shrsi %add3A_561, %shift_right_arithmetic3A_562 : vector<16xi32>
        %and3A_564 = arith.constant 1 : i32
        %and3A_565 = vector.broadcast %and3A_564 : i32 to vector<16xi32>
        %and3A_566 = arith.andi %shift_right_arithmetic3A_563, %and3A_565 : vector<16xi32>
        %mul3A_567 = arith.constant 32 : i32
        %mul3A_568 = vector.broadcast %mul3A_567 : i32 to vector<16xi32>
        %mul3A_569 = arith.muli %and3A_566, %mul3A_568 : vector<16xi32>
        %and3A_570 = arith.constant 7 : i32
        %and3A_571 = vector.broadcast %and3A_570 : i32 to vector<16xi32>
        %and3A_572 = arith.andi %add3A_561, %and3A_571 : vector<16xi32>
        %add3A_573 = arith.addi %mul3A_569, %and3A_572 : vector<16xi32>
        %add3A_574 = arith.constant 0 : i32
        %add3A_575 = vector.broadcast %add3A_574 : i32 to vector<16xi32>
        %add3A_576 = arith.addi %add3A_573, %add3A_575 : vector<16xi32>
        %add3A_577 = arith.constant 8 : i32
        %add3A_578 = vector.broadcast %add3A_577 : i32 to vector<16xi32>
        %add3A_579 = arith.addi %add3A_573, %add3A_578 : vector<16xi32>
        %add3A_580 = arith.constant 16 : i32
        %add3A_581 = vector.broadcast %add3A_580 : i32 to vector<16xi32>
        %add3A_582 = arith.addi %add3A_573, %add3A_581 : vector<16xi32>
        %add3A_583 = arith.constant 24 : i32
        %add3A_584 = vector.broadcast %add3A_583 : i32 to vector<16xi32>
        %add3A_585 = arith.addi %add3A_573, %add3A_584 : vector<16xi32>
        %add3A_586 = arith.constant 0 : i32
        %add3A_587 = vector.broadcast %add3A_586 : i32 to vector<16xi32>
        %add3A_588 = arith.addi %iota3A, %add3A_587 : vector<16xi32>
        %add3A_589 = arith.constant 0 : i32
        %add3A_590 = vector.broadcast %add3A_589 : i32 to vector<16xi32>
        %add3A_591 = arith.addi %add3A_588, %add3A_590 : vector<16xi32>
        %gather3A = tpu.vector_load_idx %arg6[%add3A_591, %add3A_561] : memref<512x64xf32, #tpu.memory_space<vmem>>[vector<16xi32>, vector<16xi32>], vector<16xf32>,
        tpu.vector_store_idx %arg7[%add3A_576, %add3A_588], %gather3A : memref<64x128xf32, #tpu.memory_space<vmem>>[vector<16xi32>, vector<16xi32>], vector<16xf32>,
        %add3A_592 = arith.constant 128 : i32
        %add3A_593 = vector.broadcast %add3A_592 : i32 to vector<16xi32>
        %add3A_594 = arith.addi %add3A_588, %add3A_593 : vector<16xi32>
        %gather3A_595 = tpu.vector_load_idx %arg6[%add3A_594, %add3A_561] : memref<512x64xf32, #tpu.memory_space<vmem>>[vector<16xi32>, vector<16xi32>], vector<16xf32>,
        tpu.vector_store_idx %arg7[%add3A_579, %add3A_588], %gather3A_595 : memref<64x128xf32, #tpu.memory_space<vmem>>[vector<16xi32>, vector<16xi32>], vector<16xf32>,
        %add3A_596 = arith.constant 256 : i32
        %add3A_597 = vector.broadcast %add3A_596 : i32 to vector<16xi32>
        %add3A_598 = arith.addi %add3A_588, %add3A_597 : vector<16xi32>
        %gather3A_599 = tpu.vector_load_idx %arg6[%add3A_598, %add3A_561] : memref<512x64xf32, #tpu.memory_space<vmem>>[vector<16xi32>, vector<16xi32>], vector<16xf32>,
        tpu.vector_store_idx %arg7[%add3A_582, %add3A_588], %gather3A_599 : memref<64x128xf32, #tpu.memory_space<vmem>>[vector<16xi32>, vector<16xi32>], vector<16xf32>,
        %add3A_600 = arith.constant 384 : i32
        %add3A_601 = vector.broadcast %add3A_600 : i32 to vector<16xi32>
        %add3A_602 = arith.addi %add3A_588, %add3A_601 : vector<16xi32>
        %gather3A_603 = tpu.vector_load_idx %arg6[%add3A_602, %add3A_561] : memref<512x64xf32, #tpu.memory_space<vmem>>[vector<16xi32>, vector<16xi32>], vector<16xf32>,
        tpu.vector_store_idx %arg7[%add3A_585, %add3A_588], %gather3A_603 : memref<64x128xf32, #tpu.memory_space<vmem>>[vector<16xi32>, vector<16xi32>], vector<16xf32>,
        %add3A_604 = arith.constant 16 : i32
        %add3A_605 = vector.broadcast %add3A_604 : i32 to vector<16xi32>
        %add3A_606 = arith.addi %iota3A, %add3A_605 : vector<16xi32>
        %add3A_607 = arith.constant 0 : i32
        %add3A_608 = vector.broadcast %add3A_607 : i32 to vector<16xi32>
        %add3A_609 = arith.addi %add3A_606, %add3A_608 : vector<16xi32>
        %gather3A_610 = tpu.vector_load_idx %arg6[%add3A_609, %add3A_561] : memref<512x64xf32, #tpu.memory_space<vmem>>[vector<16xi32>, vector<16xi32>], vector<16xf32>,
        tpu.vector_store_idx %arg7[%add3A_576, %add3A_606], %gather3A_610 : memref<64x128xf32, #tpu.memory_space<vmem>>[vector<16xi32>, vector<16xi32>], vector<16xf32>,
        %add3A_611 = arith.constant 128 : i32
        %add3A_612 = vector.broadcast %add3A_611 : i32 to vector<16xi32>
        %add3A_613 = arith.addi %add3A_606, %add3A_612 : vector<16xi32>
        %gather3A_614 = tpu.vector_load_idx %arg6[%add3A_613, %add3A_561] : memref<512x64xf32, #tpu.memory_space<vmem>>[vector<16xi32>, vector<16xi32>], vector<16xf32>,
        tpu.vector_store_idx %arg7[%add3A_579, %add3A_606], %gather3A_614 : memref<64x128xf32, #tpu.memory_space<vmem>>[vector<16xi32>, vector<16xi32>], vector<16xf32>,
        %add3A_615 = arith.constant 256 : i32
        %add3A_616 = vector.broadcast %add3A_615 : i32 to vector<16xi32>
        %add3A_617 = arith.addi %add3A_606, %add3A_616 : vector<16xi32>
        %gather3A_618 = tpu.vector_load_idx %arg6[%add3A_617, %add3A_561] : memref<512x64xf32, #tpu.memory_space<vmem>>[vector<16xi32>, vector<16xi32>], vector<16xf32>,
        tpu.vector_store_idx %arg7[%add3A_582, %add3A_606], %gather3A_618 : memref<64x128xf32, #tpu.memory_space<vmem>>[vector<16xi32>, vector<16xi32>], vector<16xf32>,
        %add3A_619 = arith.constant 384 : i32
        %add3A_620 = vector.broadcast %add3A_619 : i32 to vector<16xi32>
        %add3A_621 = arith.addi %add3A_606, %add3A_620 : vector<16xi32>
        %gather3A_622 = tpu.vector_load_idx %arg6[%add3A_621, %add3A_561] : memref<512x64xf32, #tpu.memory_space<vmem>>[vector<16xi32>, vector<16xi32>], vector<16xf32>,
        tpu.vector_store_idx %arg7[%add3A_585, %add3A_606], %gather3A_622 : memref<64x128xf32, #tpu.memory_space<vmem>>[vector<16xi32>, vector<16xi32>], vector<16xf32>,
        %add3A_623 = arith.constant 32 : i32
        %add3A_624 = vector.broadcast %add3A_623 : i32 to vector<16xi32>
        %add3A_625 = arith.addi %iota3A, %add3A_624 : vector<16xi32>
        %add3A_626 = arith.constant 0 : i32
        %add3A_627 = vector.broadcast %add3A_626 : i32 to vector<16xi32>
        %add3A_628 = arith.addi %add3A_625, %add3A_627 : vector<16xi32>
        %gather3A_629 = tpu.vector_load_idx %arg6[%add3A_628, %add3A_561] : memref<512x64xf32, #tpu.memory_space<vmem>>[vector<16xi32>, vector<16xi32>], vector<16xf32>,
        tpu.vector_store_idx %arg7[%add3A_576, %add3A_625], %gather3A_629 : memref<64x128xf32, #tpu.memory_space<vmem>>[vector<16xi32>, vector<16xi32>], vector<16xf32>,
        %add3A_630 = arith.constant 128 : i32
        %add3A_631 = vector.broadcast %add3A_630 : i32 to vector<16xi32>
        %add3A_632 = arith.addi %add3A_625, %add3A_631 : vector<16xi32>
        %gather3A_633 = tpu.vector_load_idx %arg6[%add3A_632, %add3A_561] : memref<512x64xf32, #tpu.memory_space<vmem>>[vector<16xi32>, vector<16xi32>], vector<16xf32>,
        tpu.vector_store_idx %arg7[%add3A_579, %add3A_625], %gather3A_633 : memref<64x128xf32, #tpu.memory_space<vmem>>[vector<16xi32>, vector<16xi32>], vector<16xf32>,
        %add3A_634 = arith.constant 256 : i32
        %add3A_635 = vector.broadcast %add3A_634 : i32 to vector<16xi32>
        %add3A_636 = arith.addi %add3A_625, %add3A_635 : vector<16xi32>
        %gather3A_637 = tpu.vector_load_idx %arg6[%add3A_636, %add3A_561] : memref<512x64xf32, #tpu.memory_space<vmem>>[vector<16xi32>, vector<16xi32>], vector<16xf32>,
        tpu.vector_store_idx %arg7[%add3A_582, %add3A_625], %gather3A_637 : memref<64x128xf32, #tpu.memory_space<vmem>>[vector<16xi32>, vector<16xi32>], vector<16xf32>,
        %add3A_638 = arith.constant 384 : i32
        %add3A_639 = vector.broadcast %add3A_638 : i32 to vector<16xi32>
        %add3A_640 = arith.addi %add3A_625, %add3A_639 : vector<16xi32>
        %gather3A_641 = tpu.vector_load_idx %arg6[%add3A_640, %add3A_561] : memref<512x64xf32, #tpu.memory_space<vmem>>[vector<16xi32>, vector<16xi32>], vector<16xf32>,
        tpu.vector_store_idx %arg7[%add3A_585, %add3A_625], %gather3A_641 : memref<64x128xf32, #tpu.memory_space<vmem>>[vector<16xi32>, vector<16xi32>], vector<16xf32>,
        %add3A_642 = arith.constant 48 : i32
        %add3A_643 = vector.broadcast %add3A_642 : i32 to vector<16xi32>
        %add3A_644 = arith.addi %iota3A, %add3A_643 : vector<16xi32>
        %add3A_645 = arith.constant 0 : i32
        %add3A_646 = vector.broadcast %add3A_645 : i32 to vector<16xi32>
        %add3A_647 = arith.addi %add3A_644, %add3A_646 : vector<16xi32>
        %gather3A_648 = tpu.vector_load_idx %arg6[%add3A_647, %add3A_561] : memref<512x64xf32, #tpu.memory_space<vmem>>[vector<16xi32>, vector<16xi32>], vector<16xf32>,
        tpu.vector_store_idx %arg7[%add3A_576, %add3A_644], %gather3A_648 : memref<64x128xf32, #tpu.memory_space<vmem>>[vector<16xi32>, vector<16xi32>], vector<16xf32>,
        %add3A_649 = arith.constant 128 : i32
        %add3A_650 = vector.broadcast %add3A_649 : i32 to vector<16xi32>
        %add3A_651 = arith.addi %add3A_644, %add3A_650 : vector<16xi32>
        %gather3A_652 = tpu.vector_load_idx %arg6[%add3A_651, %add3A_561] : memref<512x64xf32, #tpu.memory_space<vmem>>[vector<16xi32>, vector<16xi32>], vector<16xf32>,
        tpu.vector_store_idx %arg7[%add3A_579, %add3A_644], %gather3A_652 : memref<64x128xf32, #tpu.memory_space<vmem>>[vector<16xi32>, vector<16xi32>], vector<16xf32>,
        %add3A_653 = arith.constant 256 : i32
        %add3A_654 = vector.broadcast %add3A_653 : i32 to vector<16xi32>
        %add3A_655 = arith.addi %add3A_644, %add3A_654 : vector<16xi32>
        %gather3A_656 = tpu.vector_load_idx %arg6[%add3A_655, %add3A_561] : memref<512x64xf32, #tpu.memory_space<vmem>>[vector<16xi32>, vector<16xi32>], vector<16xf32>,
        tpu.vector_store_idx %arg7[%add3A_582, %add3A_644], %gather3A_656 : memref<64x128xf32, #tpu.memory_space<vmem>>[vector<16xi32>, vector<16xi32>], vector<16xf32>,
        %add3A_657 = arith.constant 384 : i32
        %add3A_658 = vector.broadcast %add3A_657 : i32 to vector<16xi32>
        %add3A_659 = arith.addi %add3A_644, %add3A_658 : vector<16xi32>
        %gather3A_660 = tpu.vector_load_idx %arg6[%add3A_659, %add3A_561] : memref<512x64xf32, #tpu.memory_space<vmem>>[vector<16xi32>, vector<16xi32>], vector<16xf32>,
        tpu.vector_store_idx %arg7[%add3A_585, %add3A_644], %gather3A_660 : memref<64x128xf32, #tpu.memory_space<vmem>>[vector<16xi32>, vector<16xi32>], vector<16xf32>,
        %add3A_661 = arith.constant 64 : i32
        %add3A_662 = vector.broadcast %add3A_661 : i32 to vector<16xi32>
        %add3A_663 = arith.addi %iota3A, %add3A_662 : vector<16xi32>
        %add3A_664 = arith.constant 0 : i32
        %add3A_665 = vector.broadcast %add3A_664 : i32 to vector<16xi32>
        %add3A_666 = arith.addi %add3A_663, %add3A_665 : vector<16xi32>
        %gather3A_667 = tpu.vector_load_idx %arg6[%add3A_666, %add3A_561] : memref<512x64xf32, #tpu.memory_space<vmem>>[vector<16xi32>, vector<16xi32>], vector<16xf32>,
        tpu.vector_store_idx %arg7[%add3A_576, %add3A_663], %gather3A_667 : memref<64x128xf32, #tpu.memory_space<vmem>>[vector<16xi32>, vector<16xi32>], vector<16xf32>,
        %add3A_668 = arith.constant 128 : i32
        %add3A_669 = vector.broadcast %add3A_668 : i32 to vector<16xi32>
        %add3A_670 = arith.addi %add3A_663, %add3A_669 : vector<16xi32>
        %gather3A_671 = tpu.vector_load_idx %arg6[%add3A_670, %add3A_561] : memref<512x64xf32, #tpu.memory_space<vmem>>[vector<16xi32>, vector<16xi32>], vector<16xf32>,
        tpu.vector_store_idx %arg7[%add3A_579, %add3A_663], %gather3A_671 : memref<64x128xf32, #tpu.memory_space<vmem>>[vector<16xi32>, vector<16xi32>], vector<16xf32>,
        %add3A_672 = arith.constant 256 : i32
        %add3A_673 = vector.broadcast %add3A_672 : i32 to vector<16xi32>
        %add3A_674 = arith.addi %add3A_663, %add3A_673 : vector<16xi32>
        %gather3A_675 = tpu.vector_load_idx %arg6[%add3A_674, %add3A_561] : memref<512x64xf32, #tpu.memory_space<vmem>>[vector<16xi32>, vector<16xi32>], vector<16xf32>,
        tpu.vector_store_idx %arg7[%add3A_582, %add3A_663], %gather3A_675 : memref<64x128xf32, #tpu.memory_space<vmem>>[vector<16xi32>, vector<16xi32>], vector<16xf32>,
        %add3A_676 = arith.constant 384 : i32
        %add3A_677 = vector.broadcast %add3A_676 : i32 to vector<16xi32>
        %add3A_678 = arith.addi %add3A_663, %add3A_677 : vector<16xi32>
        %gather3A_679 = tpu.vector_load_idx %arg6[%add3A_678, %add3A_561] : memref<512x64xf32, #tpu.memory_space<vmem>>[vector<16xi32>, vector<16xi32>], vector<16xf32>,
        tpu.vector_store_idx %arg7[%add3A_585, %add3A_663], %gather3A_679 : memref<64x128xf32, #tpu.memory_space<vmem>>[vector<16xi32>, vector<16xi32>], vector<16xf32>,
        %add3A_680 = arith.constant 80 : i32
        %add3A_681 = vector.broadcast %add3A_680 : i32 to vector<16xi32>
        %add3A_682 = arith.addi %iota3A, %add3A_681 : vector<16xi32>
        %add3A_683 = arith.constant 0 : i32
        %add3A_684 = vector.broadcast %add3A_683 : i32 to vector<16xi32>
        %add3A_685 = arith.addi %add3A_682, %add3A_684 : vector<16xi32>
        %gather3A_686 = tpu.vector_load_idx %arg6[%add3A_685, %add3A_561] : memref<512x64xf32, #tpu.memory_space<vmem>>[vector<16xi32>, vector<16xi32>], vector<16xf32>,
        tpu.vector_store_idx %arg7[%add3A_576, %add3A_682], %gather3A_686 : memref<64x128xf32, #tpu.memory_space<vmem>>[vector<16xi32>, vector<16xi32>], vector<16xf32>,
        %add3A_687 = arith.constant 128 : i32
        %add3A_688 = vector.broadcast %add3A_687 : i32 to vector<16xi32>
        %add3A_689 = arith.addi %add3A_682, %add3A_688 : vector<16xi32>
        %gather3A_690 = tpu.vector_load_idx %arg6[%add3A_689, %add3A_561] : memref<512x64xf32, #tpu.memory_space<vmem>>[vector<16xi32>, vector<16xi32>], vector<16xf32>,
        tpu.vector_store_idx %arg7[%add3A_579, %add3A_682], %gather3A_690 : memref<64x128xf32, #tpu.memory_space<vmem>>[vector<16xi32>, vector<16xi32>], vector<16xf32>,
        %add3A_691 = arith.constant 256 : i32
        %add3A_692 = vector.broadcast %add3A_691 : i32 to vector<16xi32>
        %add3A_693 = arith.addi %add3A_682, %add3A_692 : vector<16xi32>
        %gather3A_694 = tpu.vector_load_idx %arg6[%add3A_693, %add3A_561] : memref<512x64xf32, #tpu.memory_space<vmem>>[vector<16xi32>, vector<16xi32>], vector<16xf32>,
        tpu.vector_store_idx %arg7[%add3A_582, %add3A_682], %gather3A_694 : memref<64x128xf32, #tpu.memory_space<vmem>>[vector<16xi32>, vector<16xi32>], vector<16xf32>,
        %add3A_695 = arith.constant 384 : i32
        %add3A_696 = vector.broadcast %add3A_695 : i32 to vector<16xi32>
        %add3A_697 = arith.addi %add3A_682, %add3A_696 : vector<16xi32>
        %gather3A_698 = tpu.vector_load_idx %arg6[%add3A_697, %add3A_561] : memref<512x64xf32, #tpu.memory_space<vmem>>[vector<16xi32>, vector<16xi32>], vector<16xf32>,
        tpu.vector_store_idx %arg7[%add3A_585, %add3A_682], %gather3A_698 : memref<64x128xf32, #tpu.memory_space<vmem>>[vector<16xi32>, vector<16xi32>], vector<16xf32>,
        %add3A_699 = arith.constant 96 : i32
        %add3A_700 = vector.broadcast %add3A_699 : i32 to vector<16xi32>
        %add3A_701 = arith.addi %iota3A, %add3A_700 : vector<16xi32>
        %add3A_702 = arith.constant 0 : i32
        %add3A_703 = vector.broadcast %add3A_702 : i32 to vector<16xi32>
        %add3A_704 = arith.addi %add3A_701, %add3A_703 : vector<16xi32>
        %gather3A_705 = tpu.vector_load_idx %arg6[%add3A_704, %add3A_561] : memref<512x64xf32, #tpu.memory_space<vmem>>[vector<16xi32>, vector<16xi32>], vector<16xf32>,
        tpu.vector_store_idx %arg7[%add3A_576, %add3A_701], %gather3A_705 : memref<64x128xf32, #tpu.memory_space<vmem>>[vector<16xi32>, vector<16xi32>], vector<16xf32>,
        %add3A_706 = arith.constant 128 : i32
        %add3A_707 = vector.broadcast %add3A_706 : i32 to vector<16xi32>
        %add3A_708 = arith.addi %add3A_701, %add3A_707 : vector<16xi32>
        %gather3A_709 = tpu.vector_load_idx %arg6[%add3A_708, %add3A_561] : memref<512x64xf32, #tpu.memory_space<vmem>>[vector<16xi32>, vector<16xi32>], vector<16xf32>,
        tpu.vector_store_idx %arg7[%add3A_579, %add3A_701], %gather3A_709 : memref<64x128xf32, #tpu.memory_space<vmem>>[vector<16xi32>, vector<16xi32>], vector<16xf32>,
        %add3A_710 = arith.constant 256 : i32
        %add3A_711 = vector.broadcast %add3A_710 : i32 to vector<16xi32>
        %add3A_712 = arith.addi %add3A_701, %add3A_711 : vector<16xi32>
        %gather3A_713 = tpu.vector_load_idx %arg6[%add3A_712, %add3A_561] : memref<512x64xf32, #tpu.memory_space<vmem>>[vector<16xi32>, vector<16xi32>], vector<16xf32>,
        tpu.vector_store_idx %arg7[%add3A_582, %add3A_701], %gather3A_713 : memref<64x128xf32, #tpu.memory_space<vmem>>[vector<16xi32>, vector<16xi32>], vector<16xf32>,
        %add3A_714 = arith.constant 384 : i32
        %add3A_715 = vector.broadcast %add3A_714 : i32 to vector<16xi32>
        %add3A_716 = arith.addi %add3A_701, %add3A_715 : vector<16xi32>
        %gather3A_717 = tpu.vector_load_idx %arg6[%add3A_716, %add3A_561] : memref<512x64xf32, #tpu.memory_space<vmem>>[vector<16xi32>, vector<16xi32>], vector<16xf32>,
        tpu.vector_store_idx %arg7[%add3A_585, %add3A_701], %gather3A_717 : memref<64x128xf32, #tpu.memory_space<vmem>>[vector<16xi32>, vector<16xi32>], vector<16xf32>,
        %add3A_718 = arith.constant 112 : i32
        %add3A_719 = vector.broadcast %add3A_718 : i32 to vector<16xi32>
        %add3A_720 = arith.addi %iota3A, %add3A_719 : vector<16xi32>
        %add3A_721 = arith.constant 0 : i32
        %add3A_722 = vector.broadcast %add3A_721 : i32 to vector<16xi32>
        %add3A_723 = arith.addi %add3A_720, %add3A_722 : vector<16xi32>
        %gather3A_724 = tpu.vector_load_idx %arg6[%add3A_723, %add3A_561] : memref<512x64xf32, #tpu.memory_space<vmem>>[vector<16xi32>, vector<16xi32>], vector<16xf32>,
        tpu.vector_store_idx %arg7[%add3A_576, %add3A_720], %gather3A_724 : memref<64x128xf32, #tpu.memory_space<vmem>>[vector<16xi32>, vector<16xi32>], vector<16xf32>,
        %add3A_725 = arith.constant 128 : i32
        %add3A_726 = vector.broadcast %add3A_725 : i32 to vector<16xi32>
        %add3A_727 = arith.addi %add3A_720, %add3A_726 : vector<16xi32>
        %gather3A_728 = tpu.vector_load_idx %arg6[%add3A_727, %add3A_561] : memref<512x64xf32, #tpu.memory_space<vmem>>[vector<16xi32>, vector<16xi32>], vector<16xf32>,
        tpu.vector_store_idx %arg7[%add3A_579, %add3A_720], %gather3A_728 : memref<64x128xf32, #tpu.memory_space<vmem>>[vector<16xi32>, vector<16xi32>], vector<16xf32>,
        %add3A_729 = arith.constant 256 : i32
        %add3A_730 = vector.broadcast %add3A_729 : i32 to vector<16xi32>
        %add3A_731 = arith.addi %add3A_720, %add3A_730 : vector<16xi32>
        %gather3A_732 = tpu.vector_load_idx %arg6[%add3A_731, %add3A_561] : memref<512x64xf32, #tpu.memory_space<vmem>>[vector<16xi32>, vector<16xi32>], vector<16xf32>,
        tpu.vector_store_idx %arg7[%add3A_582, %add3A_720], %gather3A_732 : memref<64x128xf32, #tpu.memory_space<vmem>>[vector<16xi32>, vector<16xi32>], vector<16xf32>,
        %add3A_733 = arith.constant 384 : i32
        %add3A_734 = vector.broadcast %add3A_733 : i32 to vector<16xi32>
        %add3A_735 = arith.addi %add3A_720, %add3A_734 : vector<16xi32>
        %gather3A_736 = tpu.vector_load_idx %arg6[%add3A_735, %add3A_561] : memref<512x64xf32, #tpu.memory_space<vmem>>[vector<16xi32>, vector<16xi32>], vector<16xf32>,
        tpu.vector_store_idx %arg7[%add3A_585, %add3A_720], %gather3A_736 : memref<64x128xf32, #tpu.memory_space<vmem>>[vector<16xi32>, vector<16xi32>], vector<16xf32>,
      }
      %scan3A_447 = arith.constant 16 : i32
      %mul3A_448 = arith.constant 8 : i32
      %mul3A_449 = arith.muli %mul3A_4, %mul3A_448 : i32
      %dma_start3A_450 = arith.constant 4 : i32
      %dma_start3A_451 = arith.constant 0 : i32
      %dma_start3A_452 = arith.constant 0 : i32
      %dma_start3A_453 = tpu.memref_slice %arg7[%dma_start3A_451, %dma_start3A_452] : memref<64x128xf32, #tpu.memory_space<vmem>> -> memref<32x128xf32, #tpu.memory_space<vmem>>
      %dma_start3A_454 = arith.constant 0 : i32
      %dma_start3A_455 = tpu.memref_slice %arg4[%add3A_322, %dma_start3A_450, %mul3A_449, %dma_start3A_454] : memref<50x8x1024x128xf32, #tpu.memory_space<hbm>> -> memref<1x1x32x128xf32, #tpu.memory_space<hbm>>
      %dma_start3A_456 = tpu.memref_squeeze %dma_start3A_455 : memref<1x1x32x128xf32, #tpu.memory_space<hbm>> -> memref<32x128xf32, #tpu.memory_space<hbm>>
      %dma_start3A_457 = arith.constant 0 : i32
      %dma_start3A_458 = tpu.memref_slice %arg4[%add3A_322, %dma_start3A_450, %mul3A_449, %dma_start3A_457] : memref<50x8x1024x128xf32, #tpu.memory_space<hbm>> -> memref<1x1x32x128xf32, #tpu.memory_space<hbm>>
      %dma_start3A_459 = tpu.memref_squeeze %dma_start3A_458 : memref<1x1x32x128xf32, #tpu.memory_space<hbm>> -> memref<32x128xf32, #tpu.memory_space<hbm>>
      %dma_start3A_460 = arith.constant 0 : i32
      %dma_start3A_461 = arith.constant 0 : i32
      %dma_start3A_462 = tpu.memref_slice %arg7[%dma_start3A_460, %dma_start3A_461] : memref<64x128xf32, #tpu.memory_space<vmem>> -> memref<32x128xf32, #tpu.memory_space<vmem>>
      tpu.enqueue_dma source(%dma_start3A_462 : memref<32x128xf32, #tpu.memory_space<vmem>>) target(%dma_start3A_459 : memref<32x128xf32, #tpu.memory_space<hbm>>) target_semaphore(%arg15 : memref<!tpu.dma_semaphore, #tpu.memory_space<semaphore_mem>>)
      %mul3A_463 = arith.constant 8 : i32
      %mul3A_464 = arith.muli %mul3A_4, %mul3A_463 : i32
      %dma_start3A_465 = arith.constant 5 : i32
      %dma_start3A_466 = arith.constant 32 : i32
      %dma_start3A_467 = arith.constant 0 : i32
      %dma_start3A_468 = tpu.memref_slice %arg7[%dma_start3A_466, %dma_start3A_467] : memref<64x128xf32, #tpu.memory_space<vmem>> -> memref<32x128xf32, #tpu.memory_space<vmem>>
      %dma_start3A_469 = arith.constant 0 : i32
      %dma_start3A_470 = tpu.memref_slice %arg4[%add3A_322, %dma_start3A_465, %mul3A_464, %dma_start3A_469] : memref<50x8x1024x128xf32, #tpu.memory_space<hbm>> -> memref<1x1x32x128xf32, #tpu.memory_space<hbm>>
      %dma_start3A_471 = tpu.memref_squeeze %dma_start3A_470 : memref<1x1x32x128xf32, #tpu.memory_space<hbm>> -> memref<32x128xf32, #tpu.memory_space<hbm>>
      %dma_start3A_472 = arith.constant 0 : i32
      %dma_start3A_473 = tpu.memref_slice %arg4[%add3A_322, %dma_start3A_465, %mul3A_464, %dma_start3A_472] : memref<50x8x1024x128xf32, #tpu.memory_space<hbm>> -> memref<1x1x32x128xf32, #tpu.memory_space<hbm>>
      %dma_start3A_474 = tpu.memref_squeeze %dma_start3A_473 : memref<1x1x32x128xf32, #tpu.memory_space<hbm>> -> memref<32x128xf32, #tpu.memory_space<hbm>>
      %dma_start3A_475 = arith.constant 32 : i32
      %dma_start3A_476 = arith.constant 0 : i32
      %dma_start3A_477 = tpu.memref_slice %arg7[%dma_start3A_475, %dma_start3A_476] : memref<64x128xf32, #tpu.memory_space<vmem>> -> memref<32x128xf32, #tpu.memory_space<vmem>>
      tpu.enqueue_dma source(%dma_start3A_477 : memref<32x128xf32, #tpu.memory_space<vmem>>) target(%dma_start3A_474 : memref<32x128xf32, #tpu.memory_space<hbm>>) target_semaphore(%arg15 : memref<!tpu.dma_semaphore, #tpu.memory_space<semaphore_mem>>)
      %mul3A_478 = arith.constant 8 : i32
      %mul3A_479 = arith.muli %mul3A_4, %mul3A_478 : i32
      %dma_wait3A_480 = arith.constant 2 : i32
      %dma_wait3A_481 = arith.constant 0 : i32
      %dma_wait3A_482 = arith.constant 0 : i32
      %dma_wait3A_483 = tpu.memref_slice %arg8[%dma_wait3A_481, %dma_wait3A_482] : memref<64x128xf32, #tpu.memory_space<vmem>> -> memref<32x128xf32, #tpu.memory_space<vmem>>
      %dma_wait3A_484 = arith.constant 0 : i32
      %dma_wait3A_485 = tpu.memref_slice %arg4[%add3A_322, %dma_wait3A_480, %mul3A_479, %dma_wait3A_484] : memref<50x8x1024x128xf32, #tpu.memory_space<hbm>> -> memref<1x1x32x128xf32, #tpu.memory_space<hbm>>
      %dma_wait3A_486 = tpu.memref_squeeze %dma_wait3A_485 : memref<1x1x32x128xf32, #tpu.memory_space<hbm>> -> memref<32x128xf32, #tpu.memory_space<hbm>>
      %dma_wait3A_487 = arith.constant 0 : i32
      %dma_wait3A_488 = tpu.memref_slice %arg4[%add3A_322, %dma_wait3A_480, %mul3A_479, %dma_wait3A_487] : memref<50x8x1024x128xf32, #tpu.memory_space<hbm>> -> memref<1x1x32x128xf32, #tpu.memory_space<hbm>>
      %dma_wait3A_489 = tpu.memref_squeeze %dma_wait3A_488 : memref<1x1x32x128xf32, #tpu.memory_space<hbm>> -> memref<32x128xf32, #tpu.memory_space<hbm>>
      %dma_wait3A_490 = arith.constant 0 : i32
      %dma_wait3A_491 = arith.constant 0 : i32
      %dma_wait3A_492 = tpu.memref_slice %arg8[%dma_wait3A_490, %dma_wait3A_491] : memref<64x128xf32, #tpu.memory_space<vmem>> -> memref<32x128xf32, #tpu.memory_space<vmem>>
      tpu.wait_dma2 semaphore(%arg16 : memref<!tpu.dma_semaphore, #tpu.memory_space<semaphore_mem>>) src(%dma_wait3A_492 : memref<32x128xf32, #tpu.memory_space<vmem>>) dst(%dma_wait3A_489 : memref<32x128xf32, #tpu.memory_space<hbm>>)
      %mul3A_493 = arith.constant 8 : i32
      %mul3A_494 = arith.muli %mul3A_4, %mul3A_493 : i32
      %dma_wait3A_495 = arith.constant 3 : i32
      %dma_wait3A_496 = arith.constant 32 : i32
      %dma_wait3A_497 = arith.constant 0 : i32
      %dma_wait3A_498 = tpu.memref_slice %arg8[%dma_wait3A_496, %dma_wait3A_497] : memref<64x128xf32, #tpu.memory_space<vmem>> -> memref<32x128xf32, #tpu.memory_space<vmem>>
      %dma_wait3A_499 = arith.constant 0 : i32
      %dma_wait3A_500 = tpu.memref_slice %arg4[%add3A_322, %dma_wait3A_495, %mul3A_494, %dma_wait3A_499] : memref<50x8x1024x128xf32, #tpu.memory_space<hbm>> -> memref<1x1x32x128xf32, #tpu.memory_space<hbm>>
      %dma_wait3A_501 = tpu.memref_squeeze %dma_wait3A_500 : memref<1x1x32x128xf32, #tpu.memory_space<hbm>> -> memref<32x128xf32, #tpu.memory_space<hbm>>
      %dma_wait3A_502 = arith.constant 0 : i32
      %dma_wait3A_503 = tpu.memref_slice %arg4[%add3A_322, %dma_wait3A_495, %mul3A_494, %dma_wait3A_502] : memref<50x8x1024x128xf32, #tpu.memory_space<hbm>> -> memref<1x1x32x128xf32, #tpu.memory_space<hbm>>
      %dma_wait3A_504 = tpu.memref_squeeze %dma_wait3A_503 : memref<1x1x32x128xf32, #tpu.memory_space<hbm>> -> memref<32x128xf32, #tpu.memory_space<hbm>>
      %dma_wait3A_505 = arith.constant 32 : i32
      %dma_wait3A_506 = arith.constant 0 : i32
      %dma_wait3A_507 = tpu.memref_slice %arg8[%dma_wait3A_505, %dma_wait3A_506] : memref<64x128xf32, #tpu.memory_space<vmem>> -> memref<32x128xf32, #tpu.memory_space<vmem>>
      tpu.wait_dma2 semaphore(%arg16 : memref<!tpu.dma_semaphore, #tpu.memory_space<semaphore_mem>>) src(%dma_wait3A_507 : memref<32x128xf32, #tpu.memory_space<vmem>>) dst(%dma_wait3A_504 : memref<32x128xf32, #tpu.memory_space<hbm>>)
      %scan3A_508 = arith.constant 0 : i32
      %scan3A_509 = arith.constant 16 : i32
      %scan3A_510 = arith.addi %scan3A_508, %scan3A_509 : i32
      %scan3A_511 = arith.constant 1 : i32
      scf.for %scan3A_550 = %scan3A_508 to %scan3A_510 step %scan3A_511  : i32 {
        %mul3A_551 = arith.constant 1 : i32
        %mul3A_552 = arith.muli %scan3A_550, %mul3A_551 : i32
        %add3A_553 = arith.constant 0 : i32
        %add3A_554 = arith.addi %add3A_553, %mul3A_552 : i32
        %add3A_555 = vector.broadcast %add3A_554 : i32 to vector<16xi32>
        %add3A_556 = arith.addi %iota3A, %add3A_555 : vector<16xi32>
        %and3A = arith.constant 15 : i32
        %and3A_557 = vector.broadcast %and3A : i32 to vector<16xi32>
        %and3A_558 = arith.andi %add3A_556, %and3A_557 : vector<16xi32>
        %add3A_559 = arith.constant 48 : i32
        %add3A_560 = vector.broadcast %add3A_559 : i32 to vector<16xi32>
        %add3A_561 = arith.addi %and3A_558, %add3A_560 : vector<16xi32>
        %shift_right_arithmetic3A = arith.constant 3 : i32
        %shift_right_arithmetic3A_562 = vector.broadcast %shift_right_arithmetic3A : i32 to vector<16xi32>
        %shift_right_arithmetic3A_563 = arith.shrsi %add3A_561, %shift_right_arithmetic3A_562 : vector<16xi32>
        %and3A_564 = arith.constant 1 : i32
        %and3A_565 = vector.broadcast %and3A_564 : i32 to vector<16xi32>
        %and3A_566 = arith.andi %shift_right_arithmetic3A_563, %and3A_565 : vector<16xi32>
        %mul3A_567 = arith.constant 32 : i32
        %mul3A_568 = vector.broadcast %mul3A_567 : i32 to vector<16xi32>
        %mul3A_569 = arith.muli %and3A_566, %mul3A_568 : vector<16xi32>
        %and3A_570 = arith.constant 7 : i32
        %and3A_571 = vector.broadcast %and3A_570 : i32 to vector<16xi32>
        %and3A_572 = arith.andi %add3A_561, %and3A_571 : vector<16xi32>
        %add3A_573 = arith.addi %mul3A_569, %and3A_572 : vector<16xi32>
        %add3A_574 = arith.constant 0 : i32
        %add3A_575 = vector.broadcast %add3A_574 : i32 to vector<16xi32>
        %add3A_576 = arith.addi %add3A_573, %add3A_575 : vector<16xi32>
        %add3A_577 = arith.constant 8 : i32
        %add3A_578 = vector.broadcast %add3A_577 : i32 to vector<16xi32>
        %add3A_579 = arith.addi %add3A_573, %add3A_578 : vector<16xi32>
        %add3A_580 = arith.constant 16 : i32
        %add3A_581 = vector.broadcast %add3A_580 : i32 to vector<16xi32>
        %add3A_582 = arith.addi %add3A_573, %add3A_581 : vector<16xi32>
        %add3A_583 = arith.constant 24 : i32
        %add3A_584 = vector.broadcast %add3A_583 : i32 to vector<16xi32>
        %add3A_585 = arith.addi %add3A_573, %add3A_584 : vector<16xi32>
        %add3A_586 = arith.constant 0 : i32
        %add3A_587 = vector.broadcast %add3A_586 : i32 to vector<16xi32>
        %add3A_588 = arith.addi %iota3A, %add3A_587 : vector<16xi32>
        %add3A_589 = arith.constant 0 : i32
        %add3A_590 = vector.broadcast %add3A_589 : i32 to vector<16xi32>
        %add3A_591 = arith.addi %add3A_588, %add3A_590 : vector<16xi32>
        %gather3A = tpu.vector_load_idx %arg6[%add3A_591, %add3A_561] : memref<512x64xf32, #tpu.memory_space<vmem>>[vector<16xi32>, vector<16xi32>], vector<16xf32>,
        tpu.vector_store_idx %arg8[%add3A_576, %add3A_588], %gather3A : memref<64x128xf32, #tpu.memory_space<vmem>>[vector<16xi32>, vector<16xi32>], vector<16xf32>,
        %add3A_592 = arith.constant 128 : i32
        %add3A_593 = vector.broadcast %add3A_592 : i32 to vector<16xi32>
        %add3A_594 = arith.addi %add3A_588, %add3A_593 : vector<16xi32>
        %gather3A_595 = tpu.vector_load_idx %arg6[%add3A_594, %add3A_561] : memref<512x64xf32, #tpu.memory_space<vmem>>[vector<16xi32>, vector<16xi32>], vector<16xf32>,
        tpu.vector_store_idx %arg8[%add3A_579, %add3A_588], %gather3A_595 : memref<64x128xf32, #tpu.memory_space<vmem>>[vector<16xi32>, vector<16xi32>], vector<16xf32>,
        %add3A_596 = arith.constant 256 : i32
        %add3A_597 = vector.broadcast %add3A_596 : i32 to vector<16xi32>
        %add3A_598 = arith.addi %add3A_588, %add3A_597 : vector<16xi32>
        %gather3A_599 = tpu.vector_load_idx %arg6[%add3A_598, %add3A_561] : memref<512x64xf32, #tpu.memory_space<vmem>>[vector<16xi32>, vector<16xi32>], vector<16xf32>,
        tpu.vector_store_idx %arg8[%add3A_582, %add3A_588], %gather3A_599 : memref<64x128xf32, #tpu.memory_space<vmem>>[vector<16xi32>, vector<16xi32>], vector<16xf32>,
        %add3A_600 = arith.constant 384 : i32
        %add3A_601 = vector.broadcast %add3A_600 : i32 to vector<16xi32>
        %add3A_602 = arith.addi %add3A_588, %add3A_601 : vector<16xi32>
        %gather3A_603 = tpu.vector_load_idx %arg6[%add3A_602, %add3A_561] : memref<512x64xf32, #tpu.memory_space<vmem>>[vector<16xi32>, vector<16xi32>], vector<16xf32>,
        tpu.vector_store_idx %arg8[%add3A_585, %add3A_588], %gather3A_603 : memref<64x128xf32, #tpu.memory_space<vmem>>[vector<16xi32>, vector<16xi32>], vector<16xf32>,
        %add3A_604 = arith.constant 16 : i32
        %add3A_605 = vector.broadcast %add3A_604 : i32 to vector<16xi32>
        %add3A_606 = arith.addi %iota3A, %add3A_605 : vector<16xi32>
        %add3A_607 = arith.constant 0 : i32
        %add3A_608 = vector.broadcast %add3A_607 : i32 to vector<16xi32>
        %add3A_609 = arith.addi %add3A_606, %add3A_608 : vector<16xi32>
        %gather3A_610 = tpu.vector_load_idx %arg6[%add3A_609, %add3A_561] : memref<512x64xf32, #tpu.memory_space<vmem>>[vector<16xi32>, vector<16xi32>], vector<16xf32>,
        tpu.vector_store_idx %arg8[%add3A_576, %add3A_606], %gather3A_610 : memref<64x128xf32, #tpu.memory_space<vmem>>[vector<16xi32>, vector<16xi32>], vector<16xf32>,
        %add3A_611 = arith.constant 128 : i32
        %add3A_612 = vector.broadcast %add3A_611 : i32 to vector<16xi32>
        %add3A_613 = arith.addi %add3A_606, %add3A_612 : vector<16xi32>
        %gather3A_614 = tpu.vector_load_idx %arg6[%add3A_613, %add3A_561] : memref<512x64xf32, #tpu.memory_space<vmem>>[vector<16xi32>, vector<16xi32>], vector<16xf32>,
        tpu.vector_store_idx %arg8[%add3A_579, %add3A_606], %gather3A_614 : memref<64x128xf32, #tpu.memory_space<vmem>>[vector<16xi32>, vector<16xi32>], vector<16xf32>,
        %add3A_615 = arith.constant 256 : i32
        %add3A_616 = vector.broadcast %add3A_615 : i32 to vector<16xi32>
        %add3A_617 = arith.addi %add3A_606, %add3A_616 : vector<16xi32>
        %gather3A_618 = tpu.vector_load_idx %arg6[%add3A_617, %add3A_561] : memref<512x64xf32, #tpu.memory_space<vmem>>[vector<16xi32>, vector<16xi32>], vector<16xf32>,
        tpu.vector_store_idx %arg8[%add3A_582, %add3A_606], %gather3A_618 : memref<64x128xf32, #tpu.memory_space<vmem>>[vector<16xi32>, vector<16xi32>], vector<16xf32>,
        %add3A_619 = arith.constant 384 : i32
        %add3A_620 = vector.broadcast %add3A_619 : i32 to vector<16xi32>
        %add3A_621 = arith.addi %add3A_606, %add3A_620 : vector<16xi32>
        %gather3A_622 = tpu.vector_load_idx %arg6[%add3A_621, %add3A_561] : memref<512x64xf32, #tpu.memory_space<vmem>>[vector<16xi32>, vector<16xi32>], vector<16xf32>,
        tpu.vector_store_idx %arg8[%add3A_585, %add3A_606], %gather3A_622 : memref<64x128xf32, #tpu.memory_space<vmem>>[vector<16xi32>, vector<16xi32>], vector<16xf32>,
        %add3A_623 = arith.constant 32 : i32
        %add3A_624 = vector.broadcast %add3A_623 : i32 to vector<16xi32>
        %add3A_625 = arith.addi %iota3A, %add3A_624 : vector<16xi32>
        %add3A_626 = arith.constant 0 : i32
        %add3A_627 = vector.broadcast %add3A_626 : i32 to vector<16xi32>
        %add3A_628 = arith.addi %add3A_625, %add3A_627 : vector<16xi32>
        %gather3A_629 = tpu.vector_load_idx %arg6[%add3A_628, %add3A_561] : memref<512x64xf32, #tpu.memory_space<vmem>>[vector<16xi32>, vector<16xi32>], vector<16xf32>,
        tpu.vector_store_idx %arg8[%add3A_576, %add3A_625], %gather3A_629 : memref<64x128xf32, #tpu.memory_space<vmem>>[vector<16xi32>, vector<16xi32>], vector<16xf32>,
        %add3A_630 = arith.constant 128 : i32
        %add3A_631 = vector.broadcast %add3A_630 : i32 to vector<16xi32>
        %add3A_632 = arith.addi %add3A_625, %add3A_631 : vector<16xi32>
        %gather3A_633 = tpu.vector_load_idx %arg6[%add3A_632, %add3A_561] : memref<512x64xf32, #tpu.memory_space<vmem>>[vector<16xi32>, vector<16xi32>], vector<16xf32>,
        tpu.vector_store_idx %arg8[%add3A_579, %add3A_625], %gather3A_633 : memref<64x128xf32, #tpu.memory_space<vmem>>[vector<16xi32>, vector<16xi32>], vector<16xf32>,
        %add3A_634 = arith.constant 256 : i32
        %add3A_635 = vector.broadcast %add3A_634 : i32 to vector<16xi32>
        %add3A_636 = arith.addi %add3A_625, %add3A_635 : vector<16xi32>
        %gather3A_637 = tpu.vector_load_idx %arg6[%add3A_636, %add3A_561] : memref<512x64xf32, #tpu.memory_space<vmem>>[vector<16xi32>, vector<16xi32>], vector<16xf32>,
        tpu.vector_store_idx %arg8[%add3A_582, %add3A_625], %gather3A_637 : memref<64x128xf32, #tpu.memory_space<vmem>>[vector<16xi32>, vector<16xi32>], vector<16xf32>,
        %add3A_638 = arith.constant 384 : i32
        %add3A_639 = vector.broadcast %add3A_638 : i32 to vector<16xi32>
        %add3A_640 = arith.addi %add3A_625, %add3A_639 : vector<16xi32>
        %gather3A_641 = tpu.vector_load_idx %arg6[%add3A_640, %add3A_561] : memref<512x64xf32, #tpu.memory_space<vmem>>[vector<16xi32>, vector<16xi32>], vector<16xf32>,
        tpu.vector_store_idx %arg8[%add3A_585, %add3A_625], %gather3A_641 : memref<64x128xf32, #tpu.memory_space<vmem>>[vector<16xi32>, vector<16xi32>], vector<16xf32>,
        %add3A_642 = arith.constant 48 : i32
        %add3A_643 = vector.broadcast %add3A_642 : i32 to vector<16xi32>
        %add3A_644 = arith.addi %iota3A, %add3A_643 : vector<16xi32>
        %add3A_645 = arith.constant 0 : i32
        %add3A_646 = vector.broadcast %add3A_645 : i32 to vector<16xi32>
        %add3A_647 = arith.addi %add3A_644, %add3A_646 : vector<16xi32>
        %gather3A_648 = tpu.vector_load_idx %arg6[%add3A_647, %add3A_561] : memref<512x64xf32, #tpu.memory_space<vmem>>[vector<16xi32>, vector<16xi32>], vector<16xf32>,
        tpu.vector_store_idx %arg8[%add3A_576, %add3A_644], %gather3A_648 : memref<64x128xf32, #tpu.memory_space<vmem>>[vector<16xi32>, vector<16xi32>], vector<16xf32>,
        %add3A_649 = arith.constant 128 : i32
        %add3A_650 = vector.broadcast %add3A_649 : i32 to vector<16xi32>
        %add3A_651 = arith.addi %add3A_644, %add3A_650 : vector<16xi32>
        %gather3A_652 = tpu.vector_load_idx %arg6[%add3A_651, %add3A_561] : memref<512x64xf32, #tpu.memory_space<vmem>>[vector<16xi32>, vector<16xi32>], vector<16xf32>,
        tpu.vector_store_idx %arg8[%add3A_579, %add3A_644], %gather3A_652 : memref<64x128xf32, #tpu.memory_space<vmem>>[vector<16xi32>, vector<16xi32>], vector<16xf32>,
        %add3A_653 = arith.constant 256 : i32
        %add3A_654 = vector.broadcast %add3A_653 : i32 to vector<16xi32>
        %add3A_655 = arith.addi %add3A_644, %add3A_654 : vector<16xi32>
        %gather3A_656 = tpu.vector_load_idx %arg6[%add3A_655, %add3A_561] : memref<512x64xf32, #tpu.memory_space<vmem>>[vector<16xi32>, vector<16xi32>], vector<16xf32>,
        tpu.vector_store_idx %arg8[%add3A_582, %add3A_644], %gather3A_656 : memref<64x128xf32, #tpu.memory_space<vmem>>[vector<16xi32>, vector<16xi32>], vector<16xf32>,
        %add3A_657 = arith.constant 384 : i32
        %add3A_658 = vector.broadcast %add3A_657 : i32 to vector<16xi32>
        %add3A_659 = arith.addi %add3A_644, %add3A_658 : vector<16xi32>
        %gather3A_660 = tpu.vector_load_idx %arg6[%add3A_659, %add3A_561] : memref<512x64xf32, #tpu.memory_space<vmem>>[vector<16xi32>, vector<16xi32>], vector<16xf32>,
        tpu.vector_store_idx %arg8[%add3A_585, %add3A_644], %gather3A_660 : memref<64x128xf32, #tpu.memory_space<vmem>>[vector<16xi32>, vector<16xi32>], vector<16xf32>,
        %add3A_661 = arith.constant 64 : i32
        %add3A_662 = vector.broadcast %add3A_661 : i32 to vector<16xi32>
        %add3A_663 = arith.addi %iota3A, %add3A_662 : vector<16xi32>
        %add3A_664 = arith.constant 0 : i32
        %add3A_665 = vector.broadcast %add3A_664 : i32 to vector<16xi32>
        %add3A_666 = arith.addi %add3A_663, %add3A_665 : vector<16xi32>
        %gather3A_667 = tpu.vector_load_idx %arg6[%add3A_666, %add3A_561] : memref<512x64xf32, #tpu.memory_space<vmem>>[vector<16xi32>, vector<16xi32>], vector<16xf32>,
        tpu.vector_store_idx %arg8[%add3A_576, %add3A_663], %gather3A_667 : memref<64x128xf32, #tpu.memory_space<vmem>>[vector<16xi32>, vector<16xi32>], vector<16xf32>,
        %add3A_668 = arith.constant 128 : i32
        %add3A_669 = vector.broadcast %add3A_668 : i32 to vector<16xi32>
        %add3A_670 = arith.addi %add3A_663, %add3A_669 : vector<16xi32>
        %gather3A_671 = tpu.vector_load_idx %arg6[%add3A_670, %add3A_561] : memref<512x64xf32, #tpu.memory_space<vmem>>[vector<16xi32>, vector<16xi32>], vector<16xf32>,
        tpu.vector_store_idx %arg8[%add3A_579, %add3A_663], %gather3A_671 : memref<64x128xf32, #tpu.memory_space<vmem>>[vector<16xi32>, vector<16xi32>], vector<16xf32>,
        %add3A_672 = arith.constant 256 : i32
        %add3A_673 = vector.broadcast %add3A_672 : i32 to vector<16xi32>
        %add3A_674 = arith.addi %add3A_663, %add3A_673 : vector<16xi32>
        %gather3A_675 = tpu.vector_load_idx %arg6[%add3A_674, %add3A_561] : memref<512x64xf32, #tpu.memory_space<vmem>>[vector<16xi32>, vector<16xi32>], vector<16xf32>,
        tpu.vector_store_idx %arg8[%add3A_582, %add3A_663], %gather3A_675 : memref<64x128xf32, #tpu.memory_space<vmem>>[vector<16xi32>, vector<16xi32>], vector<16xf32>,
        %add3A_676 = arith.constant 384 : i32
        %add3A_677 = vector.broadcast %add3A_676 : i32 to vector<16xi32>
        %add3A_678 = arith.addi %add3A_663, %add3A_677 : vector<16xi32>
        %gather3A_679 = tpu.vector_load_idx %arg6[%add3A_678, %add3A_561] : memref<512x64xf32, #tpu.memory_space<vmem>>[vector<16xi32>, vector<16xi32>], vector<16xf32>,
        tpu.vector_store_idx %arg8[%add3A_585, %add3A_663], %gather3A_679 : memref<64x128xf32, #tpu.memory_space<vmem>>[vector<16xi32>, vector<16xi32>], vector<16xf32>,
        %add3A_680 = arith.constant 80 : i32
        %add3A_681 = vector.broadcast %add3A_680 : i32 to vector<16xi32>
        %add3A_682 = arith.addi %iota3A, %add3A_681 : vector<16xi32>
        %add3A_683 = arith.constant 0 : i32
        %add3A_684 = vector.broadcast %add3A_683 : i32 to vector<16xi32>
        %add3A_685 = arith.addi %add3A_682, %add3A_684 : vector<16xi32>
        %gather3A_686 = tpu.vector_load_idx %arg6[%add3A_685, %add3A_561] : memref<512x64xf32, #tpu.memory_space<vmem>>[vector<16xi32>, vector<16xi32>], vector<16xf32>,
        tpu.vector_store_idx %arg8[%add3A_576, %add3A_682], %gather3A_686 : memref<64x128xf32, #tpu.memory_space<vmem>>[vector<16xi32>, vector<16xi32>], vector<16xf32>,
        %add3A_687 = arith.constant 128 : i32
        %add3A_688 = vector.broadcast %add3A_687 : i32 to vector<16xi32>
        %add3A_689 = arith.addi %add3A_682, %add3A_688 : vector<16xi32>
        %gather3A_690 = tpu.vector_load_idx %arg6[%add3A_689, %add3A_561] : memref<512x64xf32, #tpu.memory_space<vmem>>[vector<16xi32>, vector<16xi32>], vector<16xf32>,
        tpu.vector_store_idx %arg8[%add3A_579, %add3A_682], %gather3A_690 : memref<64x128xf32, #tpu.memory_space<vmem>>[vector<16xi32>, vector<16xi32>], vector<16xf32>,
        %add3A_691 = arith.constant 256 : i32
        %add3A_692 = vector.broadcast %add3A_691 : i32 to vector<16xi32>
        %add3A_693 = arith.addi %add3A_682, %add3A_692 : vector<16xi32>
        %gather3A_694 = tpu.vector_load_idx %arg6[%add3A_693, %add3A_561] : memref<512x64xf32, #tpu.memory_space<vmem>>[vector<16xi32>, vector<16xi32>], vector<16xf32>,
        tpu.vector_store_idx %arg8[%add3A_582, %add3A_682], %gather3A_694 : memref<64x128xf32, #tpu.memory_space<vmem>>[vector<16xi32>, vector<16xi32>], vector<16xf32>,
        %add3A_695 = arith.constant 384 : i32
        %add3A_696 = vector.broadcast %add3A_695 : i32 to vector<16xi32>
        %add3A_697 = arith.addi %add3A_682, %add3A_696 : vector<16xi32>
        %gather3A_698 = tpu.vector_load_idx %arg6[%add3A_697, %add3A_561] : memref<512x64xf32, #tpu.memory_space<vmem>>[vector<16xi32>, vector<16xi32>], vector<16xf32>,
        tpu.vector_store_idx %arg8[%add3A_585, %add3A_682], %gather3A_698 : memref<64x128xf32, #tpu.memory_space<vmem>>[vector<16xi32>, vector<16xi32>], vector<16xf32>,
        %add3A_699 = arith.constant 96 : i32
        %add3A_700 = vector.broadcast %add3A_699 : i32 to vector<16xi32>
        %add3A_701 = arith.addi %iota3A, %add3A_700 : vector<16xi32>
        %add3A_702 = arith.constant 0 : i32
        %add3A_703 = vector.broadcast %add3A_702 : i32 to vector<16xi32>
        %add3A_704 = arith.addi %add3A_701, %add3A_703 : vector<16xi32>
        %gather3A_705 = tpu.vector_load_idx %arg6[%add3A_704, %add3A_561] : memref<512x64xf32, #tpu.memory_space<vmem>>[vector<16xi32>, vector<16xi32>], vector<16xf32>,
        tpu.vector_store_idx %arg8[%add3A_576, %add3A_701], %gather3A_705 : memref<64x128xf32, #tpu.memory_space<vmem>>[vector<16xi32>, vector<16xi32>], vector<16xf32>,
        %add3A_706 = arith.constant 128 : i32
        %add3A_707 = vector.broadcast %add3A_706 : i32 to vector<16xi32>
        %add3A_708 = arith.addi %add3A_701, %add3A_707 : vector<16xi32>
        %gather3A_709 = tpu.vector_load_idx %arg6[%add3A_708, %add3A_561] : memref<512x64xf32, #tpu.memory_space<vmem>>[vector<16xi32>, vector<16xi32>], vector<16xf32>,
        tpu.vector_store_idx %arg8[%add3A_579, %add3A_701], %gather3A_709 : memref<64x128xf32, #tpu.memory_space<vmem>>[vector<16xi32>, vector<16xi32>], vector<16xf32>,
        %add3A_710 = arith.constant 256 : i32
        %add3A_711 = vector.broadcast %add3A_710 : i32 to vector<16xi32>
        %add3A_712 = arith.addi %add3A_701, %add3A_711 : vector<16xi32>
        %gather3A_713 = tpu.vector_load_idx %arg6[%add3A_712, %add3A_561] : memref<512x64xf32, #tpu.memory_space<vmem>>[vector<16xi32>, vector<16xi32>], vector<16xf32>,
        tpu.vector_store_idx %arg8[%add3A_582, %add3A_701], %gather3A_713 : memref<64x128xf32, #tpu.memory_space<vmem>>[vector<16xi32>, vector<16xi32>], vector<16xf32>,
        %add3A_714 = arith.constant 384 : i32
        %add3A_715 = vector.broadcast %add3A_714 : i32 to vector<16xi32>
        %add3A_716 = arith.addi %add3A_701, %add3A_715 : vector<16xi32>
        %gather3A_717 = tpu.vector_load_idx %arg6[%add3A_716, %add3A_561] : memref<512x64xf32, #tpu.memory_space<vmem>>[vector<16xi32>, vector<16xi32>], vector<16xf32>,
        tpu.vector_store_idx %arg8[%add3A_585, %add3A_701], %gather3A_717 : memref<64x128xf32, #tpu.memory_space<vmem>>[vector<16xi32>, vector<16xi32>], vector<16xf32>,
        %add3A_718 = arith.constant 112 : i32
        %add3A_719 = vector.broadcast %add3A_718 : i32 to vector<16xi32>
        %add3A_720 = arith.addi %iota3A, %add3A_719 : vector<16xi32>
        %add3A_721 = arith.constant 0 : i32
        %add3A_722 = vector.broadcast %add3A_721 : i32 to vector<16xi32>
        %add3A_723 = arith.addi %add3A_720, %add3A_722 : vector<16xi32>
        %gather3A_724 = tpu.vector_load_idx %arg6[%add3A_723, %add3A_561] : memref<512x64xf32, #tpu.memory_space<vmem>>[vector<16xi32>, vector<16xi32>], vector<16xf32>,
        tpu.vector_store_idx %arg8[%add3A_576, %add3A_720], %gather3A_724 : memref<64x128xf32, #tpu.memory_space<vmem>>[vector<16xi32>, vector<16xi32>], vector<16xf32>,
        %add3A_725 = arith.constant 128 : i32
        %add3A_726 = vector.broadcast %add3A_725 : i32 to vector<16xi32>
        %add3A_727 = arith.addi %add3A_720, %add3A_726 : vector<16xi32>
        %gather3A_728 = tpu.vector_load_idx %arg6[%add3A_727, %add3A_561] : memref<512x64xf32, #tpu.memory_space<vmem>>[vector<16xi32>, vector<16xi32>], vector<16xf32>,
        tpu.vector_store_idx %arg8[%add3A_579, %add3A_720], %gather3A_728 : memref<64x128xf32, #tpu.memory_space<vmem>>[vector<16xi32>, vector<16xi32>], vector<16xf32>,
        %add3A_729 = arith.constant 256 : i32
        %add3A_730 = vector.broadcast %add3A_729 : i32 to vector<16xi32>
        %add3A_731 = arith.addi %add3A_720, %add3A_730 : vector<16xi32>
        %gather3A_732 = tpu.vector_load_idx %arg6[%add3A_731, %add3A_561] : memref<512x64xf32, #tpu.memory_space<vmem>>[vector<16xi32>, vector<16xi32>], vector<16xf32>,
        tpu.vector_store_idx %arg8[%add3A_582, %add3A_720], %gather3A_732 : memref<64x128xf32, #tpu.memory_space<vmem>>[vector<16xi32>, vector<16xi32>], vector<16xf32>,
        %add3A_733 = arith.constant 384 : i32
        %add3A_734 = vector.broadcast %add3A_733 : i32 to vector<16xi32>
        %add3A_735 = arith.addi %add3A_720, %add3A_734 : vector<16xi32>
        %gather3A_736 = tpu.vector_load_idx %arg6[%add3A_735, %add3A_561] : memref<512x64xf32, #tpu.memory_space<vmem>>[vector<16xi32>, vector<16xi32>], vector<16xf32>,
        tpu.vector_store_idx %arg8[%add3A_585, %add3A_720], %gather3A_736 : memref<64x128xf32, #tpu.memory_space<vmem>>[vector<16xi32>, vector<16xi32>], vector<16xf32>,
      }
      %scan3A_512 = arith.constant 16 : i32
      %mul3A_513 = arith.constant 8 : i32
      %mul3A_514 = arith.muli %mul3A_4, %mul3A_513 : i32
      %dma_start3A_515 = arith.constant 6 : i32
      %dma_start3A_516 = arith.constant 0 : i32
      %dma_start3A_517 = arith.constant 0 : i32
      %dma_start3A_518 = tpu.memref_slice %arg8[%dma_start3A_516, %dma_start3A_517] : memref<64x128xf32, #tpu.memory_space<vmem>> -> memref<32x128xf32, #tpu.memory_space<vmem>>
      %dma_start3A_519 = arith.constant 0 : i32
      %dma_start3A_520 = tpu.memref_slice %arg4[%add3A_322, %dma_start3A_515, %mul3A_514, %dma_start3A_519] : memref<50x8x1024x128xf32, #tpu.memory_space<hbm>> -> memref<1x1x32x128xf32, #tpu.memory_space<hbm>>
      %dma_start3A_521 = tpu.memref_squeeze %dma_start3A_520 : memref<1x1x32x128xf32, #tpu.memory_space<hbm>> -> memref<32x128xf32, #tpu.memory_space<hbm>>
      %dma_start3A_522 = arith.constant 0 : i32
      %dma_start3A_523 = tpu.memref_slice %arg4[%add3A_322, %dma_start3A_515, %mul3A_514, %dma_start3A_522] : memref<50x8x1024x128xf32, #tpu.memory_space<hbm>> -> memref<1x1x32x128xf32, #tpu.memory_space<hbm>>
      %dma_start3A_524 = tpu.memref_squeeze %dma_start3A_523 : memref<1x1x32x128xf32, #tpu.memory_space<hbm>> -> memref<32x128xf32, #tpu.memory_space<hbm>>
      %dma_start3A_525 = arith.constant 0 : i32
      %dma_start3A_526 = arith.constant 0 : i32
      %dma_start3A_527 = tpu.memref_slice %arg8[%dma_start3A_525, %dma_start3A_526] : memref<64x128xf32, #tpu.memory_space<vmem>> -> memref<32x128xf32, #tpu.memory_space<vmem>>
      tpu.enqueue_dma source(%dma_start3A_527 : memref<32x128xf32, #tpu.memory_space<vmem>>) target(%dma_start3A_524 : memref<32x128xf32, #tpu.memory_space<hbm>>) target_semaphore(%arg16 : memref<!tpu.dma_semaphore, #tpu.memory_space<semaphore_mem>>)
      %mul3A_528 = arith.constant 8 : i32
      %mul3A_529 = arith.muli %mul3A_4, %mul3A_528 : i32
      %dma_start3A_530 = arith.constant 7 : i32
      %dma_start3A_531 = arith.constant 32 : i32
      %dma_start3A_532 = arith.constant 0 : i32
      %dma_start3A_533 = tpu.memref_slice %arg8[%dma_start3A_531, %dma_start3A_532] : memref<64x128xf32, #tpu.memory_space<vmem>> -> memref<32x128xf32, #tpu.memory_space<vmem>>
      %dma_start3A_534 = arith.constant 0 : i32
      %dma_start3A_535 = tpu.memref_slice %arg4[%add3A_322, %dma_start3A_530, %mul3A_529, %dma_start3A_534] : memref<50x8x1024x128xf32, #tpu.memory_space<hbm>> -> memref<1x1x32x128xf32, #tpu.memory_space<hbm>>
      %dma_start3A_536 = tpu.memref_squeeze %dma_start3A_535 : memref<1x1x32x128xf32, #tpu.memory_space<hbm>> -> memref<32x128xf32, #tpu.memory_space<hbm>>
      %dma_start3A_537 = arith.constant 0 : i32
      %dma_start3A_538 = tpu.memref_slice %arg4[%add3A_322, %dma_start3A_530, %mul3A_529, %dma_start3A_537] : memref<50x8x1024x128xf32, #tpu.memory_space<hbm>> -> memref<1x1x32x128xf32, #tpu.memory_space<hbm>>
      %dma_start3A_539 = tpu.memref_squeeze %dma_start3A_538 : memref<1x1x32x128xf32, #tpu.memory_space<hbm>> -> memref<32x128xf32, #tpu.memory_space<hbm>>
      %dma_start3A_540 = arith.constant 32 : i32
      %dma_start3A_541 = arith.constant 0 : i32
      %dma_start3A_542 = tpu.memref_slice %arg8[%dma_start3A_540, %dma_start3A_541] : memref<64x128xf32, #tpu.memory_space<vmem>> -> memref<32x128xf32, #tpu.memory_space<vmem>>
      tpu.enqueue_dma source(%dma_start3A_542 : memref<32x128xf32, #tpu.memory_space<vmem>>) target(%dma_start3A_539 : memref<32x128xf32, #tpu.memory_space<hbm>>) target_semaphore(%arg16 : memref<!tpu.dma_semaphore, #tpu.memory_space<semaphore_mem>>)
      %add3A_543 = arith.constant 2 : i32
      %add3A_544 = arith.addi %add3A_322, %add3A_543 : i32
      %lt3A_545 = arith.constant 50 : i32
      %lt3A_546 = arith.cmpi slt, %add3A_544, %lt3A_545 : i32
      %convert_element_type3A_547 = arith.extui %lt3A_546 : i1 to i32
      %cond3A_548 = arith.constant 0 : i32
      %cond3A_549 = arith.cmpi ne, %convert_element_type3A_547, %cond3A_548 : i32
      scf.if %cond3A_549 {
        %add3A_550 = arith.constant 2 : i32
        %add3A_551 = arith.addi %add3A_322, %add3A_550 : i32
        %mul3A_552 = arith.constant 16384 : i32
        %mul3A_553 = arith.muli %add3A_551, %mul3A_552 : i32
        %add3A_554 = arith.addi %mul3A_553, %mul3A_2 : i32
        %dma_wait3A_555 = tpu.memref_slice %arg3[%add3A_554] : memref<819200xi32, #tpu.memory_space<hbm>> -> memref<512xi32, #tpu.memory_space<hbm>>
        %dma_wait3A_556 = tpu.memref_slice %arg3[%add3A_554] : memref<819200xi32, #tpu.memory_space<hbm>> -> memref<512xi32, #tpu.memory_space<hbm>>
        tpu.wait_dma2 semaphore(%arg14 : memref<!tpu.dma_semaphore, #tpu.memory_space<semaphore_mem>>) src(%dma_wait3A_556 : memref<512xi32, #tpu.memory_space<hbm>>) dst(%arg10 : memref<512xi32, #tpu.memory_space<vmem>>)
        %dma_start3A_557 = arith.constant 0 : i32
        %dma_start3A_558 = arith.constant 0 : i32
        %dma_start3A_559 = tpu.memref_slice %arg2[%dma_start3A_557, %dma_start3A_558] : memref<1000000x64xf32, #tpu.memory_space<hbm>> -> memref<1000000x64xf32, #tpu.memory_space<hbm>>
        tpu.enqueue_indirect_dma source(%dma_start3A_559 : memref<1000000x64xf32, #tpu.memory_space<hbm>>) target(%arg6 : memref<512x64xf32, #tpu.memory_space<vmem>>) offsets(%arg10 : memref<512xi32, #tpu.memory_space<vmem>>) semaphore(%arg12 : memref<!tpu.dma_semaphore, #tpu.memory_space<semaphore_mem>>)
      } else {
      }
    }
    %scan3A_28 = arith.constant 25 : i32
    %mul3A_29 = arith.constant 8 : i32
    %mul3A_30 = arith.muli %mul3A_4, %mul3A_29 : i32
    %dma_wait3A_31 = arith.constant 49 : i32
    %dma_wait3A_32 = arith.constant 4 : i32
    %dma_wait3A_33 = arith.constant 0 : i32
    %dma_wait3A_34 = arith.constant 0 : i32
    %dma_wait3A_35 = tpu.memref_slice %arg7[%dma_wait3A_33, %dma_wait3A_34] : memref<64x128xf32, #tpu.memory_space<vmem>> -> memref<32x128xf32, #tpu.memory_space<vmem>>
    %dma_wait3A_36 = arith.constant 0 : i32
    %dma_wait3A_37 = tpu.memref_slice %arg4[%dma_wait3A_31, %dma_wait3A_32, %mul3A_30, %dma_wait3A_36] : memref<50x8x1024x128xf32, #tpu.memory_space<hbm>> -> memref<1x1x32x128xf32, #tpu.memory_space<hbm>>
    %dma_wait3A_38 = tpu.memref_squeeze %dma_wait3A_37 : memref<1x1x32x128xf32, #tpu.memory_space<hbm>> -> memref<32x128xf32, #tpu.memory_space<hbm>>
    %dma_wait3A_39 = arith.constant 0 : i32
    %dma_wait3A_40 = tpu.memref_slice %arg4[%dma_wait3A_31, %dma_wait3A_32, %mul3A_30, %dma_wait3A_39] : memref<50x8x1024x128xf32, #tpu.memory_space<hbm>> -> memref<1x1x32x128xf32, #tpu.memory_space<hbm>>
    %dma_wait3A_41 = tpu.memref_squeeze %dma_wait3A_40 : memref<1x1x32x128xf32, #tpu.memory_space<hbm>> -> memref<32x128xf32, #tpu.memory_space<hbm>>
    %dma_wait3A_42 = arith.constant 0 : i32
    %dma_wait3A_43 = arith.constant 0 : i32
    %dma_wait3A_44 = tpu.memref_slice %arg7[%dma_wait3A_42, %dma_wait3A_43] : memref<64x128xf32, #tpu.memory_space<vmem>> -> memref<32x128xf32, #tpu.memory_space<vmem>>
    tpu.wait_dma2 semaphore(%arg15 : memref<!tpu.dma_semaphore, #tpu.memory_space<semaphore_mem>>) src(%dma_wait3A_44 : memref<32x128xf32, #tpu.memory_space<vmem>>) dst(%dma_wait3A_41 : memref<32x128xf32, #tpu.memory_space<hbm>>)
    %mul3A_45 = arith.constant 8 : i32
    %mul3A_46 = arith.muli %mul3A_4, %mul3A_45 : i32
    %dma_wait3A_47 = arith.constant 49 : i32
    %dma_wait3A_48 = arith.constant 5 : i32
    %dma_wait3A_49 = arith.constant 32 : i32
    %dma_wait3A_50 = arith.constant 0 : i32
    %dma_wait3A_51 = tpu.memref_slice %arg7[%dma_wait3A_49, %dma_wait3A_50] : memref<64x128xf32, #tpu.memory_space<vmem>> -> memref<32x128xf32, #tpu.memory_space<vmem>>
    %dma_wait3A_52 = arith.constant 0 : i32
    %dma_wait3A_53 = tpu.memref_slice %arg4[%dma_wait3A_47, %dma_wait3A_48, %mul3A_46, %dma_wait3A_52] : memref<50x8x1024x128xf32, #tpu.memory_space<hbm>> -> memref<1x1x32x128xf32, #tpu.memory_space<hbm>>
    %dma_wait3A_54 = tpu.memref_squeeze %dma_wait3A_53 : memref<1x1x32x128xf32, #tpu.memory_space<hbm>> -> memref<32x128xf32, #tpu.memory_space<hbm>>
    %dma_wait3A_55 = arith.constant 0 : i32
    %dma_wait3A_56 = tpu.memref_slice %arg4[%dma_wait3A_47, %dma_wait3A_48, %mul3A_46, %dma_wait3A_55] : memref<50x8x1024x128xf32, #tpu.memory_space<hbm>> -> memref<1x1x32x128xf32, #tpu.memory_space<hbm>>
    %dma_wait3A_57 = tpu.memref_squeeze %dma_wait3A_56 : memref<1x1x32x128xf32, #tpu.memory_space<hbm>> -> memref<32x128xf32, #tpu.memory_space<hbm>>
    %dma_wait3A_58 = arith.constant 32 : i32
    %dma_wait3A_59 = arith.constant 0 : i32
    %dma_wait3A_60 = tpu.memref_slice %arg7[%dma_wait3A_58, %dma_wait3A_59] : memref<64x128xf32, #tpu.memory_space<vmem>> -> memref<32x128xf32, #tpu.memory_space<vmem>>
    tpu.wait_dma2 semaphore(%arg15 : memref<!tpu.dma_semaphore, #tpu.memory_space<semaphore_mem>>) src(%dma_wait3A_60 : memref<32x128xf32, #tpu.memory_space<vmem>>) dst(%dma_wait3A_57 : memref<32x128xf32, #tpu.memory_space<hbm>>)
    %mul3A_61 = arith.constant 8 : i32
    %mul3A_62 = arith.muli %mul3A_4, %mul3A_61 : i32
    %dma_wait3A_63 = arith.constant 49 : i32
    %dma_wait3A_64 = arith.constant 6 : i32
    %dma_wait3A_65 = arith.constant 0 : i32
    %dma_wait3A_66 = arith.constant 0 : i32
    %dma_wait3A_67 = tpu.memref_slice %arg8[%dma_wait3A_65, %dma_wait3A_66] : memref<64x128xf32, #tpu.memory_space<vmem>> -> memref<32x128xf32, #tpu.memory_space<vmem>>
    %dma_wait3A_68 = arith.constant 0 : i32
    %dma_wait3A_69 = tpu.memref_slice %arg4[%dma_wait3A_63, %dma_wait3A_64, %mul3A_62, %dma_wait3A_68] : memref<50x8x1024x128xf32, #tpu.memory_space<hbm>> -> memref<1x1x32x128xf32, #tpu.memory_space<hbm>>
    %dma_wait3A_70 = tpu.memref_squeeze %dma_wait3A_69 : memref<1x1x32x128xf32, #tpu.memory_space<hbm>> -> memref<32x128xf32, #tpu.memory_space<hbm>>
    %dma_wait3A_71 = arith.constant 0 : i32
    %dma_wait3A_72 = tpu.memref_slice %arg4[%dma_wait3A_63, %dma_wait3A_64, %mul3A_62, %dma_wait3A_71] : memref<50x8x1024x128xf32, #tpu.memory_space<hbm>> -> memref<1x1x32x128xf32, #tpu.memory_space<hbm>>
    %dma_wait3A_73 = tpu.memref_squeeze %dma_wait3A_72 : memref<1x1x32x128xf32, #tpu.memory_space<hbm>> -> memref<32x128xf32, #tpu.memory_space<hbm>>
    %dma_wait3A_74 = arith.constant 0 : i32
    %dma_wait3A_75 = arith.constant 0 : i32
    %dma_wait3A_76 = tpu.memref_slice %arg8[%dma_wait3A_74, %dma_wait3A_75] : memref<64x128xf32, #tpu.memory_space<vmem>> -> memref<32x128xf32, #tpu.memory_space<vmem>>
    tpu.wait_dma2 semaphore(%arg16 : memref<!tpu.dma_semaphore, #tpu.memory_space<semaphore_mem>>) src(%dma_wait3A_76 : memref<32x128xf32, #tpu.memory_space<vmem>>) dst(%dma_wait3A_73 : memref<32x128xf32, #tpu.memory_space<hbm>>)
    %mul3A_77 = arith.constant 8 : i32
    %mul3A_78 = arith.muli %mul3A_4, %mul3A_77 : i32
    %dma_wait3A_79 = arith.constant 49 : i32
    %dma_wait3A_80 = arith.constant 7 : i32
    %dma_wait3A_81 = arith.constant 32 : i32
    %dma_wait3A_82 = arith.constant 0 : i32
    %dma_wait3A_83 = tpu.memref_slice %arg8[%dma_wait3A_81, %dma_wait3A_82] : memref<64x128xf32, #tpu.memory_space<vmem>> -> memref<32x128xf32, #tpu.memory_space<vmem>>
    %dma_wait3A_84 = arith.constant 0 : i32
    %dma_wait3A_85 = tpu.memref_slice %arg4[%dma_wait3A_79, %dma_wait3A_80, %mul3A_78, %dma_wait3A_84] : memref<50x8x1024x128xf32, #tpu.memory_space<hbm>> -> memref<1x1x32x128xf32, #tpu.memory_space<hbm>>
    %dma_wait3A_86 = tpu.memref_squeeze %dma_wait3A_85 : memref<1x1x32x128xf32, #tpu.memory_space<hbm>> -> memref<32x128xf32, #tpu.memory_space<hbm>>
    %dma_wait3A_87 = arith.constant 0 : i32
    %dma_wait3A_88 = tpu.memref_slice %arg4[%dma_wait3A_79, %dma_wait3A_80, %mul3A_78, %dma_wait3A_87] : memref<50x8x1024x128xf32, #tpu.memory_space<hbm>> -> memref<1x1x32x128xf32, #tpu.memory_space<hbm>>
    %dma_wait3A_89 = tpu.memref_squeeze %dma_wait3A_88 : memref<1x1x32x128xf32, #tpu.memory_space<hbm>> -> memref<32x128xf32, #tpu.memory_space<hbm>>
    %dma_wait3A_90 = arith.constant 32 : i32
    %dma_wait3A_91 = arith.constant 0 : i32
    %dma_wait3A_92 = tpu.memref_slice %arg8[%dma_wait3A_90, %dma_wait3A_91] : memref<64x128xf32, #tpu.memory_space<vmem>> -> memref<32x128xf32, #tpu.memory_space<vmem>>
    tpu.wait_dma2 semaphore(%arg16 : memref<!tpu.dma_semaphore, #tpu.memory_space<semaphore_mem>>) src(%dma_wait3A_92 : memref<32x128xf32, #tpu.memory_space<vmem>>) dst(%dma_wait3A_89 : memref<32x128xf32, #tpu.memory_space<hbm>>)
    return
  }
}

</mosaic_0001>

<sc_bundles>
// kernel: kernel.3.cloned.1.call-start
scs
__scs_entry_jumppad:
0x0: {  	(pc) =	sbr.rel $0x88, $3  }
0x1: {  	(tag) =	ssettag $0x0;
	lr =	simm.s32 $0x1  }
0x2: {  	[smem:$0x3F9F] =	sst lr;
	_ =	strace $0xD0000000  }
0x3: {  	_ = 	snop  }
0x4: {  	_ = 	snop  }
0x5: {  	_ = 	snop  }
0x6: {  	_ = 	snop  }
0x7: {  	_ = 	snop  }
__scs_overlays_trampoline_lowered:
0x8: {  	[smem:$0x3FAE] =	sst s0  }
0x9: {  	[smem:$0x3FAF] =	sst s1  }
0xa: {  	[smem:$0x3FB0] =	sst s2  }
0xb: {  	[smem:$0x3FB1] =	sst s3  }
0xc: {  	[smem:$0x3FB2] =	sst s4  }
0xd: {  	[smem:$0x3FB3] =	sst s5  }
0xe: {  	[smem:$0x3FB4] =	sst s6  }
0xf: {  	[smem:$0x3FB5] =	sst s7  }
0x10: {  	[smem:$0x3FB6] =	sst s8  }
0x11: {  	[smem:$0x3FB7] =	sst s9;
	s0 =	simm.s32 @!p0 $0x0  }
0x12: {  	s1 =	sld [smem:$0x3F9D];
	s0 =	simm.s32 @p0 $0x1  }
0x13: {  	[smem:$0x3FB8] =	sst s0;
	s0 =	simm.s32 @!p1 $0x0  }
0x14: {  	s2 =	sld [smem:$0x3F9C];
	s0 =	simm.s32 @p1 $0x1  }
0x15: {  	[smem:$0x3FB9] =	sst s0;
	s0 =	simm.s32 @!p2 $0x0  }
0x16: {  	s3 =	sld [smem:$0x3FDB];
	s0 =	simm.s32 @p2 $0x1  }
0x17: {  	s4 =	simm.s32 $0x1BF5;
	[smem:$0x3FBB] =	sst s0  }
0x18: {  	s0 =	sld [smem:$0x3F9E];
	_ =	swait.ge [sflag:s4], $0x0  }
0x19: {  	s7 =	sld [smem:$0x3F9F]  }
0x1a: {  	s8 =	sadd.s32 $0xFFFFE003, lr  }
0x1b: {  	s9 =	sadd.s32 $0xFFFFFEF7, lr;
	s5 =	simm.s32 $0xFFFFFFFF;
	p2 =	slt.u32 s8, $0xFFFFF086  }
0x1c: {  	p1 =	slt.u32 s9, $0xF7A;
	s5 =	simm.s32 @!p2 $0x0  }
0x1d: {  	s5 =	simm.s32 @p1 $0x1;
	p0 =	seq.s32 s7, s2  }
0x1e: {  	s7 =	smul.u32 @!p0 $0xF7A, s2;
	p2 =	seq.s32 @!p0 s5, $0x0  }
0x1f: {  	s9 =	smul.u32 $0xF7A, s1;
	s8 =	simm.s32 @!p0 $0x1BF5;
	p2 =	por !p2, p0  }
0x20: {  	[sflag:s8] =	ssyncset.s32 @!p0 $0xFFFFF086;
	s6 =	sadd.s32 @!p0 s3, s7;
	s7 =	simm.s32 @!p0 $0x108  }
0x21: {  	s3 =	sadd.s32 s3, s9;
	s6 =	sadd.s32 @!p0 $0x88, s6;
	s7 =	simm.s32 @p2 $0x1082  }
0x22: {  	[simem:s7], [sflag:s8] =	dma.local @!p0 [hbm:s6], $0xF7A  }
0x23: {  	s9 =	sor.u32 $0xD0000000, s2;
	s6 =	simm.s32 $0x108;
	_ =	swait.ge @!p0 [sflag:s8], $0x0  }
0x24: {  	s3 =	sadd.s32 $0x88, s3;
	s6 =	simm.s32 @!p1 $0x1082;
	[sflag:s4] =	ssyncset.s32 $0xFFFFF086  }
0x25: {  	[simem:s6], [sflag:s4] =	dma.local [hbm:s3], $0xF7A  }
0x26: {  	[smem:$0x3F9F] =	sst s1;
	(tag) =	ssettag s2;
	_ =	strace s9  }
0x27: {  	s1 =	sld [smem:$0x3FAF]  }
0x28: {  	s2 =	sld [smem:$0x3FB0]  }
0x29: {  	s4 =	sld [smem:$0x3FB2]  }
0x2a: {  	p0 =	seq.s32 s5, $0x0;
	s5 =	sld [smem:$0x3FB3]  }
0x2b: {  	s6 =	sld [smem:$0x3FB4]  }
0x2c: {  	s7 =	sld [smem:$0x3FB5]  }
0x2d: {  	s3 =	simm.s32 $0x108;
	s8 =	sld [smem:$0x3FB6]  }
0x2e: {  	s3 =	simm.s32 @!p0 $0x1082;
	s9 =	sld [smem:$0x3FB7]  }
0x2f: {  	lr =	sadd.s32 s0, s3;
	s0 =	sld [smem:$0x3FAE]  }
0x30: {  	s3 =	sld [smem:$0x3FB1]  }
0x31: {  	[smem:$0x3FBA] =	sst s10  }
0x32: {  	s10 =	sld [smem:$0x3FB8];
	_ =	sdelay $0x3  }
0x33: {  	p0 =	seq.s32 s10, $0x1;
	s10 =	sld [smem:$0x3FBA];
	_ =	sdelay $0x3  }
0x34: {  	[smem:$0x3FBA] =	sst s10  }
0x35: {  	s10 =	sld [smem:$0x3FB9];
	_ =	sdelay $0x3  }
0x36: {  	p1 =	seq.s32 s10, $0x1;
	s10 =	sld [smem:$0x3FBA];
	_ =	sdelay $0x3  }
0x37: {  	[smem:$0x3FBA] =	sst s10  }
0x38: {  	s10 =	sld [smem:$0x3FBB]  }
0x39: {  	_ = 	snop;
	(pc) =	sbr.ind lr, $3  }
0x3a: {  	_ = 	snop  }
0x3b: {  	_ = 	snop  }
0x3c: {  	p2 =	seq.s32 s10, $0x1;
	s10 =	sld [smem:$0x3FBA]  }
0x3d: {  	_ =	shalt  }
0x3e: {  	_ =	shalt  }
0x3f: {  	_ =	shalt  }
0x40: {  	_ =	shalt  }
0x41: {  	_ =	shalt  }
0x42: {  	_ =	shalt  }
0x43: {  	_ =	shalt  }
0x44: {  	_ =	shalt  }
0x45: {  	_ =	shalt  }
0x46: {  	_ =	shalt  }
0x47: {  	_ =	shalt  }
0x48: {  	_ =	shalt  }
0x49: {  	_ =	shalt  }
0x4a: {  	_ =	shalt  }
0x4b: {  	_ =	shalt  }
0x4c: {  	_ =	shalt  }
0x4d: {  	_ =	shalt  }
0x4e: {  	_ =	shalt  }
0x4f: {  	_ =	shalt  }
0x50: {  	_ =	shalt  }
0x51: {  	_ =	shalt  }
0x52: {  	_ =	shalt  }
0x53: {  	_ =	shalt  }
0x54: {  	_ =	shalt  }
0x55: {  	_ =	shalt  }
0x56: {  	_ =	shalt  }
0x57: {  	_ =	shalt  }
0x58: {  	_ =	shalt  }
0x59: {  	_ =	shalt  }
0x5a: {  	_ =	shalt  }
0x5b: {  	_ =	shalt  }
0x5c: {  	_ =	shalt  }
0x5d: {  	_ =	shalt  }
0x5e: {  	_ =	shalt  }
0x5f: {  	_ =	shalt  }
0x60: {  	_ =	shalt  }
0x61: {  	_ =	shalt  }
0x62: {  	_ =	shalt  }
0x63: {  	_ =	shalt  }
0x64: {  	_ =	shalt  }
0x65: {  	_ =	shalt  }
0x66: {  	_ =	shalt  }
0x67: {  	_ =	shalt  }
0x68: {  	_ =	shalt  }
0x69: {  	_ =	shalt  }
0x6a: {  	_ =	shalt  }
0x6b: {  	_ =	shalt  }
0x6c: {  	_ =	shalt  }
0x6d: {  	_ =	shalt  }
0x6e: {  	_ =	shalt  }
0x6f: {  	_ =	shalt  }
0x70: {  	_ =	shalt  }
0x71: {  	_ =	shalt  }
0x72: {  	_ =	shalt  }
0x73: {  	_ =	shalt  }
0x74: {  	_ =	shalt  }
0x75: {  	_ =	shalt  }
0x76: {  	_ =	shalt  }
0x77: {  	_ =	shalt  }
0x78: {  	_ =	shalt  }
0x79: {  	_ =	shalt  }
0x7a: {  	_ =	shalt  }
0x7b: {  	_ =	shalt  }
0x7c: {  	_ =	shalt  }
0x7d: {  	_ =	shalt  }
0x7e: {  	_ =	shalt  }
0x7f: {  	_ =	shalt  }
0x80: {  	_ =	shalt  }
0x81: {  	_ =	shalt  }
0x82: {  	_ =	shalt  }
0x83: {  	_ =	shalt  }
0x84: {  	_ =	shalt  }
0x85: {  	_ =	shalt  }
0x86: {  	_ =	shalt  }
0x87: {  	_ =	shalt  }
.Lfunc_end0:
.L_simem_size_0:
called_computation_lowered:
.L_overlay_start_0:
0x88: {  	s2 =	sld [smem:$0x3FD9]  }
0x89: {  	s3 =	sld [smem:$0x3FFE];
	_ =	sdelay $0x1  }
0x8a: {  	s1 =	srdreg.scid  }
0x8b: {  	s0 =	sand.u32 $0x1, s1  }
0x8c: {  	s17 =	sshll.u32 s0, $0xA;
	s2 =	sadd.s32 s3, s2  }
0x8d: {  	s2 =	sadd.s32 s2, s17  }
0x8e: {  	[smem:$0x3FC6] =	sst s2  }
0x8f: {  	_ = 	snop  }
0x90: {  	s2 =	sld [smem:$0x3FD0];
	(tm) =	ssettm $0x1  }
0x91: {  	s18 =	sld [smem:$0x3FFB];
	_ =	sdelay $0x3  }
0x92: {  	_ =	strace s18  }
0x93: {  	s3 =	sld [smem:$0x3FFC];
	_ =	sdelay $0x3  }
0x94: {  	_ =	strace s3  }
0x95: {  	s3 =	sld [smem:$0x3FFD];
	_ =	sdelay $0x3  }
0x96: {  	_ =	strace s3  }
0x97: {  	_ =	strace $0x8FFFFFFF  }
0x98: {  	s19 =	sld [smem:$0x3FDB];
	_ =	sdelay $0x1  }
0x99: {  	s4 =	simm.s32 $_scs_section_size  }
0x9a: {  	s5 =	simm.s32 $_size__tile_overlayer_lowered;
	s6 =	simm.s32 $_tile_overlayer_lowered  }
0x9b: {  	s22 =	simm.s32 $0x1BFF;
	s21 =	sshll.u32 s6, $0x1;
	s3 =	sadd.s32 s4, s19  }
0x9c: {  	s7 =	simm.s32 $0x0;
	s20 =	sshll.u32 s5, $0x1;
	s5 =	sadd.s32 s21, s3  }
0x9d: {  	[timem:s7], [sflag:s22] =	dma.local [hbm:s5], s20  }
0x9e: {  	_ =	swait.ge [sflag:s22], s20  }
0x9f: {  	s4 =	ssub.s32 $0x0, s20;
	[sflag:s22] =	ssyncset.done $0x0  }
0xa0: {  	[sflag:s22] =	ssyncadd.s32 s4;
	_ =	sdelay $0x1  }
0xa1: {  	s23 =	simm.s32 $0x1B8B  }
0xa2: {  	_ =	swait.ge [sflag:s23], $0x1  }
0xa3: {  	[sflag:s23] =	ssyncset.done $0x0  }
0xa4: {  	s25 =	simm.s32 $0x1B8E;
	s24 =	sld [smem:$0x3FFE];
	[sflag:s23] =	ssyncadd.s32 $0xFFFFFFFF  }
0xa5: {  	s26 =	simm.s32 $execute0_lowered;
	[smem:$0x3FD2] =	sst s25  }
0xa6: {  	s5 =	sshll.u32 s26, $0x1;
	_ =	strace $0x80000046;
	[dreg:$0x1] =	wrdreg $0xFFFFFFFF  }
0xa7: {  	s28 =	simm.s32 $_size_execute0_lowered;
	s3 =	sadd.s32 s3, s5;
	[dreg:$0x0] =	wrdreg $0x0  }
0xa8: {  	s5 =	sshll.u32 s28, $0x1;
	[dreg:$0x2] =	wrdreg s3  }
0xa9: {  	[dreg:$0x3] =	wrdreg s5  }
0xaa: {  	[dreg:$0x4] =	wrdreg $0xC0  }
0xab: {  	_ =	task [dreg:s7], $0x5FFFF  }
0xac: {  	[dreg:$0x1] =	wrdreg $0xFFFFFFFF  }
0xad: {  	[dreg:$0x0] =	wrdreg $0x60  }
0xae: {  	[dreg:$0x2] =	wrdreg s24  }
0xaf: {  	[dreg:$0x3] =	wrdreg s2  }
0xb0: {  	[dreg:$0x4] =	wrdreg $0x9  }
0xb1: {  	_ =	task.clear_ibuf [dreg:s7], $0x5FFFF;
	_ =	strace $0x90000046  }
0xb2: {  	s29 =	simm.s32 $0x9;
	_ =	strace $0x80000048  }
0xb3: {  	_ =	swait.ge [sflag:s29], $0x1  }
0xb4: {  	[sflag:s29] =	ssyncadd.s32 $0xFFFFFFFF  }
0xb5: {  	_ =	strace $0x90000048  }
0xb6: {  	_ =	sfence  }
0xb7: {  	s30 =	sld [smem:$0x0];
	_ =	sdelay $0x2  }
0xb8: {  	s31 =	sshll.u32 s1, $0xD;
	s1 =	sshrl.u32 s1, $0x2  }
0xb9: {  	s3 =	sand.u32 $0x4000, s31;
	s1 =	sadd.s32 s1, s30  }
0xba: {  	s0 =	sor.u32 s3, s0;
	s1 =	sshll.u32 s1, $0x11  }
0xbb: {  	s0 =	sor.u32 s1, s0  }
0xbc: {  	s0 =	sadd.s32 $0x8F2B, s0  }
0xbd: {  	[sflag:s0] =	ssyncadd.remote.s32 $0x1  }
0xbe: {  	_ =	sfence.sel $0xFFFF  }
0xbf: {  	[dreg:$0x0] =	wrdreg $0xFFFFFFFF;
	(pc) =	sbr.abs _section_cstart, $3  }
0xc0: {  	[dreg:$0x1] =	wrdreg $0xFFFFFFFF  }
0xc1: {  	_ =	task.clear_ibuf [dreg:s7], $0x2FFFF;
	_ =	strace $0x9FFFFFFF  }
0xc2: {  	(tm) =	ssettm $0x7FFFFFFF  }
0xc3: {  	_ =	shalt  }
tec
execute0_lowered:
.L_overlay_start_1:
0x0: {  	(tag) =	ssettag $0x1  }
0x1: {  	v1 =	vlaneseq.u32  }
0x2: {  	v33 =	vmul.u32 $0x40, v1;
	v0 =	vor.u32 $0x400, v1  }
0x3: {  	s0 =	rddreg [dreg:$0x0];
	s2 =	simm.s32 $0x0;
	[tilespmem:$0x1FC30] =	vst v0;
	v0 =	vor.u32 $0x20, v1  }
0x4: {  	[smem:$0x7FF] =	sst s2;
	[tilespmem:$0x1FC40] =	vst v0;
	v0 =	vor.u32 $0x3000, v33  }
0x5: {  	s7 =	rddreg [dreg:$0x1];
	v3 =	vor.u32 $0x860, v1;
	_ =	strace $0x80000047;
	[tilespmem:$0x1FC50] =	vst v0  }
0x6: {  	[tilespmem:$0x1FCB0] =	vst v3  }
0x7: {  	v63 =	vor.u32 $0x2000, v33;
	[tilespmem:$0x1FCE0] =	vst v33  }
0x8: {  	v18 =	vor.u32 $0x4000, v33;
	[tilespmem:$0x1FCF0] =	vst v63  }
0x9: {  	v42 =	vor.u32 $0x6000, v33;
	[tilespmem:$0x1FD00] =	vst v18  }
0xa: {  	v39 =	vor.u32 $0x400, v33;
	[tilespmem:$0x1FD10] =	vst v42  }
0xb: {  	v46 =	vor.u32 $0x2400, v33;
	[tilespmem:$0x1FD20] =	vst v39  }
0xc: {  	v44 =	vor.u32 $0x4400, v33;
	[tilespmem:$0x1FD30] =	vst v46  }
0xd: {  	v50 =	vor.u32 $0x6400, v33;
	[tilespmem:$0x1FD40] =	vst v44  }
0xe: {  	v49 =	vor.u32 $0x800, v33;
	[tilespmem:$0x1FD50] =	vst v50  }
0xf: {  	v52 =	vor.u32 $0x2800, v33;
	[tilespmem:$0x1FD60] =	vst v49  }
0x10: {  	v51 =	vor.u32 $0x4800, v33;
	[tilespmem:$0x1FD70] =	vst v52  }
0x11: {  	v55 =	vor.u32 $0x6800, v33;
	[tilespmem:$0x1FD80] =	vst v51  }
0x12: {  	v54 =	vor.u32 $0xC00, v33;
	[tilespmem:$0x1FD90] =	vst v55  }
0x13: {  	v58 =	vor.u32 $0x2C00, v33;
	[tilespmem:$0x1FDA0] =	vst v54  }
0x14: {  	v56 =	vor.u32 $0x4C00, v33;
	[tilespmem:$0x1FDB0] =	vst v58  }
0x15: {  	v62 =	vor.u32 $0x6C00, v33;
	[tilespmem:$0x1FDC0] =	vst v56  }
0x16: {  	v60 =	vor.u32 $0x1000, v33;
	[tilespmem:$0x1FDD0] =	vst v62  }
0x17: {  	v2 =	vor.u32 $0x3400, v33;
	[tilespmem:$0x1FDE0] =	vst v60  }
0x18: {  	v4 =	vor.u32 $0x1800, v33;
	[tilespmem:$0x1FDF0] =	vst v2  }
0x19: {  	v6 =	vor.u32 $0x3800, v33;
	[tilespmem:$0x1FE00] =	vst v4  }
0x1a: {  	v40 =	vor.u32 $0x5800, v33;
	[tilespmem:$0x1FE10] =	vst v6  }
0x1b: {  	v17 =	vor.u32 $0x3C00, v33;
	[tilespmem:$0x1FE20] =	vst v40  }
0x1c: {  	v28 =	vor.u32 $0x5C00, v33;
	[tilespmem:$0x1FE50] =	vst v17  }
0x1d: {  	v45 =	vor.u32 $0x7C00, v33;
	[tilespmem:$0x1FE60] =	vst v28  }
0x1e: {  	v10 =	vor.u32 $0x420, v1;
	[tilespmem:$0x1FE70] =	vst v45  }
0x1f: {  	v11 =	vor.u32 $0xC40, v1;
	[tilespmem:$0x1FE80] =	vst v10  }
0x20: {  	v48 =	vor.u32 $0x840, v1;
	[tilespmem:$0x1FE90] =	vst v11  }
0x21: {  	v57 =	vor.u32 $0x460, v1;
	[tilespmem:$0x1FEA0] =	vst v48  }
0x22: {  	v15 =	vor.u32 $0x40, v1;
	[tilespmem:$0x1FEB0] =	vst v57  }
0x23: {  	v20 =	vor.u32 $0xC30, v1;
	[tilespmem:$0x1FEC0] =	vst v15  }
0x24: {  	v41 =	vor.u32 $0x830, v1;
	[tilespmem:$0x1FED0] =	vst v20  }
0x25: {  	v21 =	vor.u32 $0x430, v1;
	[tilespmem:$0x1FEE0] =	vst v41  }
0x26: {  	v27 =	vor.u32 $0x30, v1;
	[tilespmem:$0x1FEF0] =	vst v21  }
0x27: {  	v22 =	vor.u32 $0xC20, v1;
	[tilespmem:$0x1FF00] =	vst v27  }
0x28: {  	v14 =	vor.u32 $0x870, v1;
	[tilespmem:$0x1FF10] =	vst v22  }
0x29: {  	v7 =	vor.u32 $0x70, v1;
	[tilespmem:$0x1FF20] =	vst v14  }
0x2a: {  	v35 =	vor.u32 $0x440, v1;
	[tilespmem:$0x1FF30] =	vst v7  }
0x2b: {  	v24 =	vor.u32 $0x800, v1;
	[tilespmem:$0x1FF40] =	vst v35  }
0x2c: {  	v38 =	vor.u32 $0x810, v1;
	[tilespmem:$0x1FF50] =	vst v24  }
0x2d: {  	v9 =	vor.u32 $0x410, v1;
	[tilespmem:$0x1FF60] =	vst v38  }
0x2e: {  	s1 =	srdreg.scid;
	v31 =	vor.u32 $0xC00, v1;
	[tilespmem:$0x1FF70] =	vst v9  }
0x2f: {  	s3 =	stileid.u32;
	s28 =	simm.s32 $0x1;
	s8 =	simm.s32 $0x10000;
	v19 =	vor.u32 $0xC10, v1;
	[tilespmem:$0x1FF80] =	vst v31  }
0x30: {  	s30 =	simm.s32 $0x13000;
	s29 =	simm.s32 $0x6;
	s9 =	simm.s32 $0x0;
	v26 =	vor.u32 $0x820, v1;
	[tilespmem:$0x1FF90] =	vst v19  }
0x31: {  	v5 =	vor.u32 $0x10, v1;
	s1 =	sand.u32 $0x1, s1;
	s3 =	sshll.u32 s3, $0x1;
	s4 =	sadd.s32 $0xF42A00, s0;
	[tilespmem:$0x1FFA0] =	vst v26  }
0x32: {  	s5 =	sadd.s32 $0x600, s0;
	s25 =	sadd.s32 $0x4000, s7;
	s26 =	sadd.s32 $0x8000, s7;
	v43 =	vor.u32 $0x850, v1;
	[tilespmem:$0x1FFB0] =	vst v5  }
0x33: {  	s31 =	sadd.s32 $0xC000, s7;
	s14 =	sadd.s32 $0x10000, s7;
	s15 =	sadd.s32 $0x14000, s7;
	v30 =	vor.u32 $0x60, v1;
	[tilespmem:$0x1FFC0] =	vst v43  }
0x34: {  	s16 =	sadd.s32 $0x18000, s7;
	s17 =	sadd.s32 $0x1C000, s7;
	s18 =	sadd.s32 $0x20000, s7;
	v53 =	vor.u32 $0x450, v1;
	[tilespmem:$0x1FFD0] =	vst v30  }
0x35: {  	s19 =	sadd.s32 $0x24000, s7;
	v59 =	vor.u32 $0x50, v1;
	s20 =	sadd.s32 $0x28000, s7;
	s21 =	sadd.s32 $0x2C000, s7;
	[tilespmem:$0x1FFE0] =	vst v53  }
0x36: {  	s22 =	sadd.s32 $0x30000, s7;
	s6 =	ssub.s32 $0x2, s1;
	s1 =	sor.u32 s1, s3;
	v0 =	vor.u32 $0x5000, v33;
	[tilespmem:$0x1FFF0] =	vst v59  }
0x37: {  	s23 =	sshrl.u32 s6, $0x1;
	s3 =	sshll.u32 s1, $0x6;
	s1 =	sshll.u32 s1, $0x9;
	v3 =	vor.u32 $0xC60, v1;
	[tilespmem:$0x1FC60] =	vst v0  }
0x38: {  	v47 =	vor.u32 $0xC50, v1;
	v16 =	vor.u32 $0x470, v1;
	s0 =	ssub.s32 s6, s23;
	s3 =	sadd.s32 s5, s3;
	[dreg:$0x9] =	wrdreg s25;
	v1 =	vor.u32 $0xC70, v1;
	[tilespmem:$0x1FCC0] =	vst v3  }
0x39: {  	s24 =	sor.u32 $0x8000, s1;
	s12 =	smov.u32 s1;
	[dreg:$0x7] =	wrdreg s26;
	v0 =	vor.u32 $0x7000, v33;
	[tilespmem:$0x1FCD0] =	vst v1  }
0x3a: {  	s1 =	sor.u32 $0xC000, s1;
	[dreg:$0x8] =	wrdreg s31;
	s23 =	sadd.s32 $0x34000, s7;
	v3 =	vor.u32 $0x1C00, v33;
	[tilespmem:$0x1FC70] =	vst v0  }
.Ltmp0:
0x3b: {  	s26 =	sadd.s32 $0x3C000, s7;
	[dreg:$0x3] =	wrdreg s3;
	v0 =	vor.u32 $0x1400, v33;
	[tilespmem:$0x1FE40] =	vst v3;
	(pc) =	sbr.rel .LBB2_1-.Ltmp0, $4  }
0x3c: {  	s25 =	simm.s32 $0x11000;
	s3 =	sadd.s32 $0x800, s3;
	[dreg:$0x5] =	wrdreg s24;
	[tilespmem:$0x1FC80] =	vst v0;
	v0 =	vor.u32 $0x5400, v33  }
0x3d: {  	[dreg:$0x6] =	wrdreg s1;
	s24 =	sadd.s32 $0x38000, s7;
	s0 =	smax.u32 s0, $0x1;
	[tilespmem:$0x1FC90] =	vst v0;
	v0 =	vor.u32 $0x7400, v33  }
0x3e: {  	s7 =	simm.s32 $0x12000;
	s1 =	simm.s32 $0x5;
	[dreg:$0x4] =	wrdreg s3;
	[tilespmem:$0x1FCA0] =	vst v0;
	v0 =	vor.u32 $0x7800, v33  }
0x3f: {  	[dreg:$0xa] =	wrdreg s0;
	s0 =	simm.s32 $0x4;
	s3 =	simm.s32 $0x8000;
	[tilespmem:$0x1FE30] =	vst v0  }
.LBB2_23:
0x40: {  	_ =	swait.ge [sflag:s1], $0x1000  }
0x41: {  	[sflag:s1] =	ssyncset.done $0x0  }
0x42: {  	[sflag:s1] =	ssyncadd.s32 $0xFFFFF000  }
0x43: {  	_ =	swait.ge [sflag:s1], $0x1000  }
0x44: {  	[sflag:s1] =	ssyncset.done $0x0  }
0x45: {  	[sflag:s1] =	ssyncadd.s32 $0xFFFFF000  }
0x46: {  	_ =	swait.ge [sflag:s29], $0x1000  }
0x47: {  	[sflag:s29] =	ssyncset.done $0x0  }
0x48: {  	[sflag:s29] =	ssyncadd.s32 $0xFFFFF000  }
0x49: {  	_ =	swait.ge [sflag:s29], $0x1000  }
0x4a: {  	v33 =	vld [tilespmem:$0x1FCE0]  }
0x4b: {  	v63 =	vld [tilespmem:$0x1FCF0]  }
0x4c: {  	v18 =	vld [tilespmem:$0x1FD00]  }
0x4d: {  	v42 =	vld [tilespmem:$0x1FD10]  }
0x4e: {  	v39 =	vld [tilespmem:$0x1FD20]  }
0x4f: {  	v46 =	vld [tilespmem:$0x1FD30]  }
0x50: {  	v44 =	vld [tilespmem:$0x1FD40]  }
0x51: {  	v50 =	vld [tilespmem:$0x1FD50]  }
0x52: {  	v49 =	vld [tilespmem:$0x1FD60]  }
0x53: {  	v52 =	vld [tilespmem:$0x1FD70]  }
0x54: {  	v51 =	vld [tilespmem:$0x1FD80]  }
0x55: {  	v55 =	vld [tilespmem:$0x1FD90]  }
0x56: {  	v54 =	vld [tilespmem:$0x1FDA0]  }
0x57: {  	v58 =	vld [tilespmem:$0x1FDB0]  }
0x58: {  	v56 =	vld [tilespmem:$0x1FDC0]  }
0x59: {  	s9 =	rddreg [dreg:$0xb];
	v62 =	vld [tilespmem:$0x1FDD0]  }
0x5a: {  	s6 =	rddreg [dreg:$0xa];
	v60 =	vld [tilespmem:$0x1FDE0];
	s9 =	sadd.s32 $0x1, s9  }
0x5b: {  	v40 =	vld [tilespmem:$0x1FE20];
	p0 =	sne.s32 s9, s6  }
.Ltmp1:
0x5c: {  	v0 =	vld [tilespmem:$0x1FE30];
	(pc) =	sbr.rel @!p0 .LBB2_24-.Ltmp1, $4  }
0x5d: {  	v3 =	vld [tilespmem:$0x1FE40]  }
0x5e: {  	v43 =	vmovc v5;
	v59 =	vmovc v9;
	v47 =	vmov v14;
	v31 =	vmov v12;
	v5 =	vmov v13;
	v17 =	vld [tilespmem:$0x1FE50]  }
0x5f: {  	v38 =	vmovc v20;
	v9 =	vmovc v15;
	v10 =	vmov v21;
	v21 =	vmov v29;
	v53 =	vmov v23;
	[sflag:s29] =	ssyncset.done $0x0;
	v45 =	vld [tilespmem:$0x1FE70]  }
0x60: {  	v57 =	vmovc v36;
	v24 =	vmovc v11;
	v20 =	vmov v1;
	v15 =	vmov v8;
	v11 =	vmov v25;
	v28 =	vld [tilespmem:$0x1FE60];
	[sflag:s29] =	ssyncadd.s32 $0xFFFFF000  }
.LBB2_1:
0x61: {  	[dreg:$0xb] =	wrdreg s9  }
0x62: {  	s6 =	rddreg [dreg:$0x3];
	s9 =	simm.s32 $0x14000  }
0x63: {  	[tilespmem:s9], [sflag:$0x3] =	stream.linear.gather [hbm4b:s6+s2], $0x200, $0x38;
	[tilespmem:$0x14400] =	vst v63  }
0x64: {  	s13 =	rddreg [dreg:$0x4];
	s10 =	simm.s32 $0x14200;
	s11 =	simm.s32 $0x3  }
0x65: {  	[tilespmem:s10], [sflag:$0x4] =	stream.linear.gather [hbm4b:s13+s2], $0x200, $0x38;
	[tilespmem:$0x14400] =	vst v63  }
0x66: {  	_ =	swait.ge [sflag:s11], $0x200  }
0x67: {  	[sflag:s11] =	ssyncset.done $0x0  }
0x68: {  	s13 =	simm.s32 $0x200;
	[sflag:s11] =	ssyncadd.s32 $0xFFFFFE00  }
0x69: {  	[tilespmem:s2], [sflag:$0x1] =	stream.indirect.gather [hbm4b:s4+s13], $0x40, s9, s13, $0xb8;
	[tilespmem:$0x14400] =	vst v63  }
0x6a: {  	_ =	swait.ge [sflag:s0], $0x200  }
0x6b: {  	[sflag:s0] =	ssyncset.done $0x0  }
0x6c: {  	s31 =	simm.s32 $0x0;
	[sflag:s0] =	ssyncadd.s32 $0xFFFFFE00  }
0x6d: {  	[tilespmem:s3], [sflag:$0x2] =	stream.indirect.gather [hbm4b:s4+s13], $0x40, s10, s13, $0xb8;
	[tilespmem:$0x14400] =	vst v63  }
.LBB2_2:
0x6e: {  	p0 =	seq.s32 s31, $0x18  }
0x6f: {  	p1 =	seq.s32 @!p0 s31, $0x0  }
0x70: {  	_ =	swait.ge [sflag:s28], $0x8000;
	p1 =	por p0, !p1  }
.Ltmp2:
0x71: {  	s9 =	sshll.u32 @!p0 s31, $0xF;
	s6 =	rddreg [dreg:$0x5];
	(pc) =	sbr.rel @!p1 .LBB2_3-.Ltmp2, $4  }
0x72: {  	s9 =	sadd.s32 @!p0 s6, s9  }
0x73: {  	[sflag:s28] =	ssyncset.done $0x0;
	s10 =	simm.s32 @!p0 $0x0;
	s9 =	sshrl.u32 @!p0 s9, $0x3  }
0x74: {  	[sflag:s28] =	ssyncadd.s32 $0xFFFF8000;
	s6 =	simm.s32 @!p0 $0x14000;
	s9 =	sadd.s32 @!p0 s5, s9  }
0x75: {  	v61 =	vmovc v43;
	v12 =	vmov v16;
	v25 =	vmov v30;
	v37 =	vmov v28;
	[tilespmem:s6], [sflag:$0x3] =	stream.linear.gather @!p0 [hbm4b:s9+s10], $0x200, $0x38;
	[tilespmem:$0x14400] =	vst v63  }
0x76: {  	_ =	swait.ge [sflag:s1], $0x1000  }
.Ltmp3:
0x77: {  	[sflag:s1] =	ssyncset.done $0x0;
	(pc) =	sbr.rel .LBB2_5-.Ltmp3, $4  }
0x78: {  	[sflag:s1] =	ssyncadd.s32 $0xFFFFF000  }
0x79: {  	_ =	swait.ge [sflag:s1], $0x1000  }
0x7a: {  	[sflag:s1] =	ssyncset.done $0x0  }
0x7b: {  	p1 =	por $0x0, $0x0;
	[sflag:s1] =	ssyncadd.s32 $0xFFFFF000  }
.LBB2_3:
0x7c: {  	p1 =	por @!p0 $0x1, $0x1  }
.LBB2_5:
0x7d: {  	s6 =	simm.s32 $0x0;
	v29 =	vlaneseq.u32  }
0x7e: {  	v1 =	vadd.s32 s6, v29  }
0x7f: {  	v2 =	vand.u32 $0xF, v1  }
0x80: {  	v4 =	vor.u32 v33, v2  }
0x81: {  	v6 =	vshll.u32 v1, $0x2  }
0x82: {  	v1 =	vand.u32 $0x7, v1;
	v6 =	vand.u32 $0x20, v6  }
0x83: {  	v1 =	vor.u32 v1, v6  }
0x84: {  	v1 =	vshll.u32 v1, $0x7  }
0x85: {  	v6 =	vor.u32 v29, v1;
	v4 =	vld.idx.msk [tilespmem:v4+s2+$0x0], $0xffff;
	_ =	sdelay $0x4  }
0x86: {  	v8 =	vor.u32 v63, v2;
	[tilespmem:v6+s8+$0x0] =	vst.idx.msk $0xffff, v4;
	v6 =	vld [tilespmem:$0x1FC30];
	_ =	sdelay $0x4  }
0x87: {  	v4 =	vld.idx.msk [tilespmem:v8+s2+$0x0], $0xffff;
	v30 =	vmov v6;
	v6 =	vor.u32 v6, v1  }
0x88: {  	v8 =	vor.u32 v18, v2;
	_ =	sdelay $0x3  }
0x89: {  	[tilespmem:v6+s8+$0x0] =	vst.idx.msk $0xffff, v4  }
0x8a: {  	v6 =	vor.u32 v24, v1;
	v4 =	vld.idx.msk [tilespmem:v8+s2+$0x0], $0xffff  }
0x8b: {  	v8 =	vor.u32 v42, v2;
	_ =	sdelay $0x3  }
0x8c: {  	[tilespmem:v6+s8+$0x0] =	vst.idx.msk $0xffff, v4  }
0x8d: {  	v6 =	vor.u32 v31, v1;
	v4 =	vld.idx.msk [tilespmem:v8+s2+$0x0], $0xffff  }
0x8e: {  	v8 =	vor.u32 v39, v2;
	_ =	sdelay $0x3  }
0x8f: {  	[tilespmem:v6+s8+$0x0] =	vst.idx.msk $0xffff, v4  }
0x90: {  	v6 =	vor.u32 v5, v1;
	v4 =	vld.idx.msk [tilespmem:v8+s2+$0x0], $0xffff  }
0x91: {  	v8 =	vor.u32 v46, v2;
	_ =	sdelay $0x3  }
0x92: {  	[tilespmem:v6+s8+$0x0] =	vst.idx.msk $0xffff, v4  }
0x93: {  	v6 =	vor.u32 v9, v1;
	v4 =	vld.idx.msk [tilespmem:v8+s2+$0x0], $0xffff  }
0x94: {  	v8 =	vor.u32 v44, v2;
	_ =	sdelay $0x3  }
0x95: {  	[tilespmem:v6+s8+$0x0] =	vst.idx.msk $0xffff, v4  }
0x96: {  	v6 =	vor.u32 v38, v1;
	v4 =	vld.idx.msk [tilespmem:v8+s2+$0x0], $0xffff  }
0x97: {  	v8 =	vor.u32 v50, v2;
	_ =	sdelay $0x3  }
0x98: {  	[tilespmem:v6+s8+$0x0] =	vst.idx.msk $0xffff, v4  }
0x99: {  	v6 =	vor.u32 v19, v1;
	v4 =	vld.idx.msk [tilespmem:v8+s2+$0x0], $0xffff;
	_ =	sdelay $0x4  }
0x9a: {  	v8 =	vor.u32 v49, v2;
	[tilespmem:v6+s8+$0x0] =	vst.idx.msk $0xffff, v4;
	v6 =	vld [tilespmem:$0x1FC40];
	_ =	sdelay $0x4  }
0x9b: {  	v4 =	vld.idx.msk [tilespmem:v8+s2+$0x0], $0xffff;
	v34 =	vmov v6;
	v6 =	vor.u32 v6, v1  }
0x9c: {  	v8 =	vor.u32 v52, v2;
	_ =	sdelay $0x3  }
0x9d: {  	[tilespmem:v6+s8+$0x0] =	vst.idx.msk $0xffff, v4  }
0x9e: {  	v6 =	vor.u32 v10, v1;
	v4 =	vld.idx.msk [tilespmem:v8+s2+$0x0], $0xffff  }
0x9f: {  	v8 =	vor.u32 v51, v2;
	_ =	sdelay $0x3  }
0xa0: {  	[tilespmem:v6+s8+$0x0] =	vst.idx.msk $0xffff, v4  }
0xa1: {  	v6 =	vor.u32 v26, v1;
	v4 =	vld.idx.msk [tilespmem:v8+s2+$0x0], $0xffff  }
0xa2: {  	v8 =	vor.u32 v55, v2;
	_ =	sdelay $0x3  }
0xa3: {  	[tilespmem:v6+s8+$0x0] =	vst.idx.msk $0xffff, v4  }
0xa4: {  	v6 =	vor.u32 v22, v1;
	v4 =	vld.idx.msk [tilespmem:v8+s2+$0x0], $0xffff  }
0xa5: {  	v8 =	vor.u32 v54, v2;
	_ =	sdelay $0x3  }
0xa6: {  	[tilespmem:v6+s8+$0x0] =	vst.idx.msk $0xffff, v4  }
0xa7: {  	v6 =	vor.u32 v27, v1;
	v4 =	vld.idx.msk [tilespmem:v8+s2+$0x0], $0xffff  }
0xa8: {  	v8 =	vor.u32 v58, v2;
	_ =	sdelay $0x3  }
0xa9: {  	[tilespmem:v6+s8+$0x0] =	vst.idx.msk $0xffff, v4  }
0xaa: {  	v6 =	vor.u32 v21, v1;
	v4 =	vld.idx.msk [tilespmem:v8+s2+$0x0], $0xffff  }
0xab: {  	v8 =	vor.u32 v56, v2;
	_ =	sdelay $0x3  }
0xac: {  	[tilespmem:v6+s8+$0x0] =	vst.idx.msk $0xffff, v4  }
0xad: {  	v6 =	vor.u32 v41, v1;
	v4 =	vld.idx.msk [tilespmem:v8+s2+$0x0], $0xffff  }
0xae: {  	v8 =	vor.u32 v62, v2;
	_ =	sdelay $0x3  }
0xaf: {  	[tilespmem:v6+s8+$0x0] =	vst.idx.msk $0xffff, v4  }
0xb0: {  	v6 =	vor.u32 v20, v1;
	v4 =	vld.idx.msk [tilespmem:v8+s2+$0x0], $0xffff  }
0xb1: {  	v8 =	vor.u32 v60, v2;
	_ =	sdelay $0x3  }
0xb2: {  	[tilespmem:v6+s8+$0x0] =	vst.idx.msk $0xffff, v4  }
0xb3: {  	v4 =	vld.idx.msk [tilespmem:v8+s2+$0x0], $0xffff  }
0xb4: {  	v8 =	vld [tilespmem:$0x1FC50];
	_ =	sdelay $0x3  }
0xb5: {  	v6 =	vor.u32 v15, v1  }
0xb6: {  	v8 =	vor.u32 v8, v2;
	_ =	sdelay $0x3  }
0xb7: {  	[tilespmem:v6+s8+$0x0] =	vst.idx.msk $0xffff, v4  }
0xb8: {  	v4 =	vld.idx.msk [tilespmem:v8+s2+$0x0], $0xffff  }
0xb9: {  	v8 =	vld [tilespmem:$0x1FC60];
	_ =	sdelay $0x3  }
0xba: {  	v6 =	vor.u32 v35, v1  }
0xbb: {  	v8 =	vor.u32 v8, v2  }
0xbc: {  	v32 =	vmov v10;
	v10 =	vld [tilespmem:$0x1FC70];
	_ =	sdelay $0x2  }
0xbd: {  	[tilespmem:v6+s8+$0x0] =	vst.idx.msk $0xffff, v4  }
0xbe: {  	v6 =	vor.u32 v48, v1;
	v4 =	vld.idx.msk [tilespmem:v8+s2+$0x0], $0xffff  }
0xbf: {  	v8 =	vor.u32 v10, v2  }
0xc0: {  	v14 =	vmov v26;
	v26 =	vmov v31;
	v31 =	vld [tilespmem:$0x1FC80];
	_ =	sdelay $0x2  }
0xc1: {  	[tilespmem:v6+s8+$0x0] =	vst.idx.msk $0xffff, v4  }
0xc2: {  	v6 =	vor.u32 v11, v1;
	v4 =	vld.idx.msk [tilespmem:v8+s2+$0x0], $0xffff  }
0xc3: {  	v8 =	vor.u32 v31, v2  }
0xc4: {  	v23 =	vmov v27;
	v27 =	vld [tilespmem:$0x1FDF0];
	_ =	sdelay $0x2  }
0xc5: {  	[tilespmem:v6+s8+$0x0] =	vst.idx.msk $0xffff, v4  }
0xc6: {  	v6 =	vor.u32 v59, v1;
	v4 =	vld.idx.msk [tilespmem:v8+s2+$0x0], $0xffff  }
0xc7: {  	v8 =	vor.u32 v27, v2;
	_ =	sdelay $0x3  }
0xc8: {  	[tilespmem:v6+s8+$0x0] =	vst.idx.msk $0xffff, v4  }
0xc9: {  	v4 =	vld.idx.msk [tilespmem:v8+s2+$0x0], $0xffff  }
0xca: {  	v8 =	vld [tilespmem:$0x1FC90];
	_ =	sdelay $0x3  }
0xcb: {  	v6 =	vor.u32 v53, v1  }
0xcc: {  	v13 =	vmov v8;
	v8 =	vor.u32 v8, v2  }
0xcd: {  	v16 =	vld [tilespmem:$0x1FCA0];
	_ =	sdelay $0x2  }
0xce: {  	[tilespmem:v6+s8+$0x0] =	vst.idx.msk $0xffff, v4  }
0xcf: {  	v6 =	vor.u32 v61, v1;
	v4 =	vld.idx.msk [tilespmem:v8+s2+$0x0], $0xffff  }
0xd0: {  	v8 =	vor.u32 v16, v2  }
0xd1: {  	v43 =	vld [tilespmem:$0x1FE00];
	_ =	sdelay $0x2  }
0xd2: {  	[tilespmem:v6+s8+$0x0] =	vst.idx.msk $0xffff, v4  }
0xd3: {  	v6 =	vor.u32 v47, v1;
	v4 =	vld.idx.msk [tilespmem:v8+s2+$0x0], $0xffff  }
0xd4: {  	v8 =	vor.u32 v43, v2  }
0xd5: {  	v28 =	vld [tilespmem:$0x1FE10];
	_ =	sdelay $0x2  }
0xd6: {  	[tilespmem:v6+s8+$0x0] =	vst.idx.msk $0xffff, v4  }
0xd7: {  	v6 =	vor.u32 v25, v1;
	v4 =	vld.idx.msk [tilespmem:v8+s2+$0x0], $0xffff  }
0xd8: {  	v8 =	vor.u32 v28, v2;
	_ =	sdelay $0x3  }
0xd9: {  	[tilespmem:v6+s8+$0x0] =	vst.idx.msk $0xffff, v4  }
0xda: {  	v6 =	vor.u32 v57, v1;
	v4 =	vld.idx.msk [tilespmem:v8+s2+$0x0], $0xffff;
	_ =	sdelay $0x4  }
0xdb: {  	v8 =	vor.u32 v40, v2;
	[tilespmem:v6+s8+$0x0] =	vst.idx.msk $0xffff, v4;
	v6 =	vld [tilespmem:$0x1FCB0];
	_ =	sdelay $0x4  }
0xdc: {  	v4 =	vld.idx.msk [tilespmem:v8+s2+$0x0], $0xffff;
	v6 =	vor.u32 v6, v1;
	_ =	sdelay $0x4  }
0xdd: {  	v8 =	vor.u32 v0, v2;
	[tilespmem:v6+s8+$0x0] =	vst.idx.msk $0xffff, v4;
	v6 =	vld [tilespmem:$0x1FCC0];
	_ =	sdelay $0x4  }
0xde: {  	v4 =	vld.idx.msk [tilespmem:v8+s2+$0x0], $0xffff;
	v6 =	vor.u32 v6, v1  }
0xdf: {  	v8 =	vor.u32 v3, v2;
	_ =	sdelay $0x3  }
0xe0: {  	[tilespmem:v6+s8+$0x0] =	vst.idx.msk $0xffff, v4  }
0xe1: {  	v6 =	vor.u32 v7, v1;
	v4 =	vld.idx.msk [tilespmem:v8+s2+$0x0], $0xffff  }
0xe2: {  	v8 =	vor.u32 v17, v2;
	_ =	sdelay $0x3  }
0xe3: {  	[tilespmem:v6+s8+$0x0] =	vst.idx.msk $0xffff, v4  }
0xe4: {  	v6 =	vor.u32 v12, v1;
	v4 =	vld.idx.msk [tilespmem:v8+s2+$0x0], $0xffff;
	_ =	sdelay $0x4  }
0xe5: {  	v8 =	vor.u32 v37, v2;
	[tilespmem:v6+s8+$0x0] =	vst.idx.msk $0xffff, v4;
	v6 =	vld [tilespmem:$0x1FF20];
	_ =	sdelay $0x4  }
0xe6: {  	v4 =	vld.idx.msk [tilespmem:v8+s2+$0x0], $0xffff;
	v6 =	vor.u32 v6, v1;
	_ =	sdelay $0x3  }
0xe7: {  	s13 =	simm.s32 $0x1;
	v2 =	vor.u32 v45, v2  }
0xe8: {  	[tilespmem:v6+s8+$0x0] =	vst.idx.msk $0xffff, v4;
	v6 =	vadd.s32 s13, v29;
	v29 =	vld [tilespmem:$0x1FCD0];
	_ =	sdelay $0x3  }
0xe9: {  	v36 =	vmov v12;
	s9 =	simm.s32 $0x2;
	v12 =	vmov v40;
	v40 =	vmov v10;
	v4 =	vld.idx.msk [tilespmem:v2+s2+$0x0], $0xffff  }
.LBB2_6:
0xea: {  	v2 =	vand.u32 $0xF, v6;
	v1 =	vor.u32 v29, v1  }
0xeb: {  	v8 =	vor.u32 v33, v2  }
0xec: {  	v10 =	vshll.u32 v6, $0x2  }
0xed: {  	v6 =	vand.u32 $0x7, v6;
	v10 =	vand.u32 $0x20, v10  }
0xee: {  	v6 =	vor.u32 v6, v10  }
0xef: {  	v10 =	vlaneseq.u32;
	[tilespmem:v1+s8+$0x0] =	vst.idx.msk $0xffff, v4;
	v1 =	vshll.u32 v6, $0x7  }
0xf0: {  	v4 =	vld.idx.msk [tilespmem:v8+s2+$0x0], $0xffff;
	v6 =	vor.u32 v10, v1  }
0xf1: {  	v8 =	vor.u32 v63, v2;
	_ =	sdelay $0x3  }
0xf2: {  	[tilespmem:v6+s8+$0x0] =	vst.idx.msk $0xffff, v4  }
0xf3: {  	v6 =	vor.u32 v30, v1;
	v4 =	vld.idx.msk [tilespmem:v8+s2+$0x0], $0xffff  }
0xf4: {  	v8 =	vor.u32 v18, v2;
	_ =	sdelay $0x3  }
0xf5: {  	[tilespmem:v6+s8+$0x0] =	vst.idx.msk $0xffff, v4  }
0xf6: {  	v6 =	vor.u32 v24, v1;
	v4 =	vld.idx.msk [tilespmem:v8+s2+$0x0], $0xffff  }
0xf7: {  	v8 =	vor.u32 v42, v2;
	_ =	sdelay $0x3  }
0xf8: {  	[tilespmem:v6+s8+$0x0] =	vst.idx.msk $0xffff, v4  }
0xf9: {  	v6 =	vor.u32 v26, v1;
	v4 =	vld.idx.msk [tilespmem:v8+s2+$0x0], $0xffff  }
0xfa: {  	v8 =	vor.u32 v39, v2;
	_ =	sdelay $0x3  }
0xfb: {  	[tilespmem:v6+s8+$0x0] =	vst.idx.msk $0xffff, v4  }
0xfc: {  	v6 =	vor.u32 v5, v1;
	v4 =	vld.idx.msk [tilespmem:v8+s2+$0x0], $0xffff  }
0xfd: {  	v8 =	vor.u32 v46, v2;
	_ =	sdelay $0x3  }
0xfe: {  	[tilespmem:v6+s8+$0x0] =	vst.idx.msk $0xffff, v4  }
0xff: {  	v6 =	vor.u32 v9, v1;
	v4 =	vld.idx.msk [tilespmem:v8+s2+$0x0], $0xffff  }
0x100: {  	v8 =	vor.u32 v44, v2;
	_ =	sdelay $0x3  }
0x101: {  	[tilespmem:v6+s8+$0x0] =	vst.idx.msk $0xffff, v4  }
0x102: {  	v6 =	vor.u32 v38, v1;
	v4 =	vld.idx.msk [tilespmem:v8+s2+$0x0], $0xffff  }
0x103: {  	v8 =	vor.u32 v50, v2;
	_ =	sdelay $0x3  }
0x104: {  	[tilespmem:v6+s8+$0x0] =	vst.idx.msk $0xffff, v4  }
0x105: {  	v6 =	vor.u32 v19, v1;
	v4 =	vld.idx.msk [tilespmem:v8+s2+$0x0], $0xffff  }
0x106: {  	v8 =	vor.u32 v49, v2;
	_ =	sdelay $0x3  }
0x107: {  	[tilespmem:v6+s8+$0x0] =	vst.idx.msk $0xffff, v4  }
0x108: {  	v6 =	vor.u32 v34, v1;
	v4 =	vld.idx.msk [tilespmem:v8+s2+$0x0], $0xffff  }
0x109: {  	v8 =	vor.u32 v52, v2;
	_ =	sdelay $0x3  }
0x10a: {  	[tilespmem:v6+s8+$0x0] =	vst.idx.msk $0xffff, v4  }
0x10b: {  	v6 =	vor.u32 v32, v1;
	v4 =	vld.idx.msk [tilespmem:v8+s2+$0x0], $0xffff  }
0x10c: {  	v8 =	vor.u32 v51, v2;
	_ =	sdelay $0x3  }
0x10d: {  	[tilespmem:v6+s8+$0x0] =	vst.idx.msk $0xffff, v4  }
0x10e: {  	v6 =	vor.u32 v14, v1;
	v4 =	vld.idx.msk [tilespmem:v8+s2+$0x0], $0xffff  }
0x10f: {  	v8 =	vor.u32 v55, v2;
	_ =	sdelay $0x3  }
0x110: {  	[tilespmem:v6+s8+$0x0] =	vst.idx.msk $0xffff, v4  }
0x111: {  	v6 =	vor.u32 v22, v1;
	v4 =	vld.idx.msk [tilespmem:v8+s2+$0x0], $0xffff  }
0x112: {  	v8 =	vor.u32 v54, v2;
	_ =	sdelay $0x3  }
0x113: {  	[tilespmem:v6+s8+$0x0] =	vst.idx.msk $0xffff, v4  }
0x114: {  	v6 =	vor.u32 v23, v1;
	v4 =	vld.idx.msk [tilespmem:v8+s2+$0x0], $0xffff  }
0x115: {  	v8 =	vor.u32 v58, v2;
	_ =	sdelay $0x3  }
0x116: {  	[tilespmem:v6+s8+$0x0] =	vst.idx.msk $0xffff, v4  }
0x117: {  	v6 =	vor.u32 v21, v1;
	v4 =	vld.idx.msk [tilespmem:v8+s2+$0x0], $0xffff  }
0x118: {  	v8 =	vor.u32 v56, v2;
	_ =	sdelay $0x3  }
0x119: {  	[tilespmem:v6+s8+$0x0] =	vst.idx.msk $0xffff, v4  }
0x11a: {  	v6 =	vor.u32 v41, v1;
	v4 =	vld.idx.msk [tilespmem:v8+s2+$0x0], $0xffff  }
0x11b: {  	v8 =	vor.u32 v62, v2;
	_ =	sdelay $0x3  }
0x11c: {  	[tilespmem:v6+s8+$0x0] =	vst.idx.msk $0xffff, v4  }
0x11d: {  	v6 =	vor.u32 v20, v1;
	v4 =	vld.idx.msk [tilespmem:v8+s2+$0x0], $0xffff  }
0x11e: {  	v8 =	vor.u32 v60, v2;
	_ =	sdelay $0x3  }
0x11f: {  	[tilespmem:v6+s8+$0x0] =	vst.idx.msk $0xffff, v4  }
0x120: {  	v4 =	vld.idx.msk [tilespmem:v8+s2+$0x0], $0xffff  }
0x121: {  	v8 =	vld [tilespmem:$0x1FC50];
	_ =	sdelay $0x3  }
0x122: {  	v6 =	vor.u32 v15, v1  }
0x123: {  	v8 =	vor.u32 v8, v2;
	_ =	sdelay $0x3  }
0x124: {  	[tilespmem:v6+s8+$0x0] =	vst.idx.msk $0xffff, v4  }
0x125: {  	v4 =	vld.idx.msk [tilespmem:v8+s2+$0x0], $0xffff  }
0x126: {  	v8 =	vld [tilespmem:$0x1FC60];
	_ =	sdelay $0x3  }
0x127: {  	v6 =	vor.u32 v35, v1  }
0x128: {  	v8 =	vor.u32 v8, v2;
	_ =	sdelay $0x3  }
0x129: {  	[tilespmem:v6+s8+$0x0] =	vst.idx.msk $0xffff, v4  }
0x12a: {  	v6 =	vor.u32 v48, v1;
	v4 =	vld.idx.msk [tilespmem:v8+s2+$0x0], $0xffff  }
0x12b: {  	v8 =	vor.u32 v40, v2;
	_ =	sdelay $0x3  }
0x12c: {  	[tilespmem:v6+s8+$0x0] =	vst.idx.msk $0xffff, v4  }
0x12d: {  	v6 =	vor.u32 v11, v1;
	v4 =	vld.idx.msk [tilespmem:v8+s2+$0x0], $0xffff  }
0x12e: {  	v8 =	vor.u32 v31, v2;
	_ =	sdelay $0x3  }
0x12f: {  	[tilespmem:v6+s8+$0x0] =	vst.idx.msk $0xffff, v4  }
0x130: {  	v6 =	vor.u32 v59, v1;
	v4 =	vld.idx.msk [tilespmem:v8+s2+$0x0], $0xffff  }
0x131: {  	v8 =	vor.u32 v27, v2;
	_ =	sdelay $0x3  }
0x132: {  	[tilespmem:v6+s8+$0x0] =	vst.idx.msk $0xffff, v4  }
0x133: {  	v6 =	vor.u32 v53, v1;
	v4 =	vld.idx.msk [tilespmem:v8+s2+$0x0], $0xffff  }
0x134: {  	v8 =	vor.u32 v13, v2;
	_ =	sdelay $0x3  }
0x135: {  	[tilespmem:v6+s8+$0x0] =	vst.idx.msk $0xffff, v4  }
0x136: {  	v6 =	vor.u32 v61, v1;
	v4 =	vld.idx.msk [tilespmem:v8+s2+$0x0], $0xffff  }
0x137: {  	v8 =	vor.u32 v16, v2;
	_ =	sdelay $0x3  }
0x138: {  	[tilespmem:v6+s8+$0x0] =	vst.idx.msk $0xffff, v4  }
0x139: {  	v6 =	vor.u32 v47, v1;
	v4 =	vld.idx.msk [tilespmem:v8+s2+$0x0], $0xffff  }
0x13a: {  	v8 =	vor.u32 v43, v2;
	_ =	sdelay $0x3  }
0x13b: {  	[tilespmem:v6+s8+$0x0] =	vst.idx.msk $0xffff, v4  }
0x13c: {  	v6 =	vor.u32 v25, v1;
	v4 =	vld.idx.msk [tilespmem:v8+s2+$0x0], $0xffff  }
0x13d: {  	v8 =	vor.u32 v28, v2;
	_ =	sdelay $0x3  }
0x13e: {  	[tilespmem:v6+s8+$0x0] =	vst.idx.msk $0xffff, v4  }
0x13f: {  	v6 =	vor.u32 v57, v1;
	v4 =	vld.idx.msk [tilespmem:v8+s2+$0x0], $0xffff;
	_ =	sdelay $0x4  }
0x140: {  	v8 =	vor.u32 v12, v2;
	[tilespmem:v6+s8+$0x0] =	vst.idx.msk $0xffff, v4;
	v6 =	vld [tilespmem:$0x1FCB0];
	_ =	sdelay $0x4  }
0x141: {  	v4 =	vld.idx.msk [tilespmem:v8+s2+$0x0], $0xffff;
	v6 =	vor.u32 v6, v1;
	_ =	sdelay $0x4  }
0x142: {  	v8 =	vor.u32 v0, v2;
	[tilespmem:v6+s8+$0x0] =	vst.idx.msk $0xffff, v4;
	v6 =	vld [tilespmem:$0x1FCC0];
	_ =	sdelay $0x4  }
0x143: {  	v4 =	vld.idx.msk [tilespmem:v8+s2+$0x0], $0xffff;
	v6 =	vor.u32 v6, v1  }
0x144: {  	v8 =	vor.u32 v3, v2;
	_ =	sdelay $0x3  }
0x145: {  	[tilespmem:v6+s8+$0x0] =	vst.idx.msk $0xffff, v4  }
0x146: {  	v6 =	vor.u32 v7, v1;
	v4 =	vld.idx.msk [tilespmem:v8+s2+$0x0], $0xffff  }
0x147: {  	v8 =	vor.u32 v17, v2;
	_ =	sdelay $0x3  }
0x148: {  	[tilespmem:v6+s8+$0x0] =	vst.idx.msk $0xffff, v4  }
0x149: {  	v6 =	vor.u32 v36, v1;
	v4 =	vld.idx.msk [tilespmem:v8+s2+$0x0], $0xffff;
	_ =	sdelay $0x4  }
0x14a: {  	v8 =	vor.u32 v37, v2;
	[tilespmem:v6+s8+$0x0] =	vst.idx.msk $0xffff, v4;
	v6 =	vld [tilespmem:$0x1FF20];
	_ =	sdelay $0x4  }
0x14b: {  	v4 =	vld.idx.msk [tilespmem:v8+s2+$0x0], $0xffff;
	v6 =	vor.u32 v6, v1  }
0x14c: {  	p2 =	sne.s32 s9, $0xF;
	v2 =	vor.u32 v45, v2  }
.Ltmp4:
0x14d: {  	_ = 	snop;
	(pc) =	sbr.rel @p2 .LBB2_6-.Ltmp4, $3  }
0x14e: {  	_ =	sdelay $0x1  }
0x14f: {  	[tilespmem:v6+s8+$0x0] =	vst.idx.msk $0xffff, v4  }
0x150: {  	v6 =	vadd.s32 s9, v10;
	s9 =	sadd.s32 $0x1, s9;
	v4 =	vld.idx.msk [tilespmem:v2+s2+$0x0], $0xffff  }
0x151: {  	v2 =	vand.u32 $0xF, v6;
	v1 =	vor.u32 v29, v1  }
0x152: {  	v8 =	vor.u32 v33, v2  }
0x153: {  	v10 =	vshll.u32 v6, $0x2  }
0x154: {  	v6 =	vand.u32 $0x7, v6;
	v10 =	vand.u32 $0x20, v10  }
0x155: {  	v6 =	vor.u32 v6, v10  }
0x156: {  	[tilespmem:v1+s8+$0x0] =	vst.idx.msk $0xffff, v4;
	v1 =	vshll.u32 v6, $0x7;
	v6 =	vlaneseq.u32  }
0x157: {  	v4 =	vld.idx.msk [tilespmem:v8+s2+$0x0], $0xffff;
	v6 =	vor.u32 v6, v1  }
0x158: {  	v8 =	vor.u32 v63, v2;
	_ =	sdelay $0x3  }
0x159: {  	[tilespmem:v6+s8+$0x0] =	vst.idx.msk $0xffff, v4  }
0x15a: {  	v6 =	vor.u32 v30, v1;
	v4 =	vld.idx.msk [tilespmem:v8+s2+$0x0], $0xffff  }
0x15b: {  	v8 =	vor.u32 v18, v2;
	_ =	sdelay $0x3  }
0x15c: {  	[tilespmem:v6+s8+$0x0] =	vst.idx.msk $0xffff, v4  }
0x15d: {  	v6 =	vor.u32 v24, v1;
	v4 =	vld.idx.msk [tilespmem:v8+s2+$0x0], $0xffff  }
0x15e: {  	v8 =	vor.u32 v42, v2;
	_ =	sdelay $0x3  }
0x15f: {  	[tilespmem:v6+s8+$0x0] =	vst.idx.msk $0xffff, v4  }
0x160: {  	v6 =	vor.u32 v26, v1;
	v4 =	vld.idx.msk [tilespmem:v8+s2+$0x0], $0xffff  }
0x161: {  	v8 =	vor.u32 v39, v2;
	_ =	sdelay $0x3  }
0x162: {  	[tilespmem:v6+s8+$0x0] =	vst.idx.msk $0xffff, v4  }
0x163: {  	v6 =	vor.u32 v5, v1;
	v4 =	vld.idx.msk [tilespmem:v8+s2+$0x0], $0xffff  }
0x164: {  	v8 =	vor.u32 v46, v2;
	_ =	sdelay $0x3  }
0x165: {  	[tilespmem:v6+s8+$0x0] =	vst.idx.msk $0xffff, v4  }
0x166: {  	v6 =	vor.u32 v9, v1;
	v4 =	vld.idx.msk [tilespmem:v8+s2+$0x0], $0xffff  }
0x167: {  	v8 =	vor.u32 v44, v2;
	_ =	sdelay $0x3  }
0x168: {  	[tilespmem:v6+s8+$0x0] =	vst.idx.msk $0xffff, v4  }
0x169: {  	v6 =	vor.u32 v38, v1;
	v4 =	vld.idx.msk [tilespmem:v8+s2+$0x0], $0xffff  }
0x16a: {  	v8 =	vor.u32 v50, v2;
	_ =	sdelay $0x3  }
0x16b: {  	[tilespmem:v6+s8+$0x0] =	vst.idx.msk $0xffff, v4  }
0x16c: {  	v6 =	vor.u32 v19, v1;
	v4 =	vld.idx.msk [tilespmem:v8+s2+$0x0], $0xffff  }
0x16d: {  	v8 =	vor.u32 v49, v2;
	_ =	sdelay $0x3  }
0x16e: {  	[tilespmem:v6+s8+$0x0] =	vst.idx.msk $0xffff, v4  }
0x16f: {  	v6 =	vor.u32 v34, v1;
	v4 =	vld.idx.msk [tilespmem:v8+s2+$0x0], $0xffff  }
0x170: {  	v8 =	vor.u32 v52, v2;
	_ =	sdelay $0x3  }
0x171: {  	[tilespmem:v6+s8+$0x0] =	vst.idx.msk $0xffff, v4  }
0x172: {  	v6 =	vor.u32 v32, v1;
	v4 =	vld.idx.msk [tilespmem:v8+s2+$0x0], $0xffff  }
0x173: {  	v8 =	vor.u32 v51, v2;
	_ =	sdelay $0x3  }
0x174: {  	[tilespmem:v6+s8+$0x0] =	vst.idx.msk $0xffff, v4  }
0x175: {  	v6 =	vor.u32 v14, v1;
	v4 =	vld.idx.msk [tilespmem:v8+s2+$0x0], $0xffff  }
0x176: {  	v8 =	vor.u32 v55, v2;
	_ =	sdelay $0x3  }
0x177: {  	[tilespmem:v6+s8+$0x0] =	vst.idx.msk $0xffff, v4  }
0x178: {  	v6 =	vor.u32 v22, v1;
	v4 =	vld.idx.msk [tilespmem:v8+s2+$0x0], $0xffff  }
0x179: {  	v8 =	vor.u32 v54, v2;
	_ =	sdelay $0x3  }
0x17a: {  	[tilespmem:v6+s8+$0x0] =	vst.idx.msk $0xffff, v4  }
0x17b: {  	v6 =	vor.u32 v23, v1;
	v4 =	vld.idx.msk [tilespmem:v8+s2+$0x0], $0xffff  }
0x17c: {  	v8 =	vor.u32 v58, v2;
	_ =	sdelay $0x3  }
0x17d: {  	[tilespmem:v6+s8+$0x0] =	vst.idx.msk $0xffff, v4  }
0x17e: {  	v6 =	vor.u32 v21, v1;
	v4 =	vld.idx.msk [tilespmem:v8+s2+$0x0], $0xffff  }
0x17f: {  	v8 =	vor.u32 v56, v2;
	_ =	sdelay $0x3  }
0x180: {  	[tilespmem:v6+s8+$0x0] =	vst.idx.msk $0xffff, v4  }
0x181: {  	v6 =	vor.u32 v41, v1;
	v4 =	vld.idx.msk [tilespmem:v8+s2+$0x0], $0xffff  }
0x182: {  	v8 =	vor.u32 v62, v2;
	_ =	sdelay $0x3  }
0x183: {  	[tilespmem:v6+s8+$0x0] =	vst.idx.msk $0xffff, v4  }
0x184: {  	v6 =	vor.u32 v20, v1;
	v4 =	vld.idx.msk [tilespmem:v8+s2+$0x0], $0xffff  }
0x185: {  	v8 =	vor.u32 v60, v2;
	_ =	sdelay $0x3  }
0x186: {  	[tilespmem:v6+s8+$0x0] =	vst.idx.msk $0xffff, v4  }
0x187: {  	v4 =	vld.idx.msk [tilespmem:v8+s2+$0x0], $0xffff  }
0x188: {  	v8 =	vld [tilespmem:$0x1FC50];
	_ =	sdelay $0x3  }
0x189: {  	v6 =	vor.u32 v15, v1  }
0x18a: {  	v8 =	vor.u32 v8, v2;
	_ =	sdelay $0x3  }
0x18b: {  	[tilespmem:v6+s8+$0x0] =	vst.idx.msk $0xffff, v4  }
0x18c: {  	v4 =	vld.idx.msk [tilespmem:v8+s2+$0x0], $0xffff  }
0x18d: {  	v8 =	vld [tilespmem:$0x1FC60];
	_ =	sdelay $0x3  }
0x18e: {  	v6 =	vor.u32 v35, v1  }
0x18f: {  	v8 =	vor.u32 v8, v2;
	_ =	sdelay $0x3  }
0x190: {  	[tilespmem:v6+s8+$0x0] =	vst.idx.msk $0xffff, v4  }
0x191: {  	v6 =	vor.u32 v48, v1;
	v4 =	vld.idx.msk [tilespmem:v8+s2+$0x0], $0xffff  }
0x192: {  	v8 =	vor.u32 v40, v2;
	_ =	sdelay $0x3  }
0x193: {  	[tilespmem:v6+s8+$0x0] =	vst.idx.msk $0xffff, v4  }
0x194: {  	v6 =	vor.u32 v11, v1;
	v4 =	vld.idx.msk [tilespmem:v8+s2+$0x0], $0xffff  }
0x195: {  	v8 =	vor.u32 v31, v2;
	_ =	sdelay $0x3  }
0x196: {  	[tilespmem:v6+s8+$0x0] =	vst.idx.msk $0xffff, v4  }
0x197: {  	v6 =	vor.u32 v59, v1;
	v4 =	vld.idx.msk [tilespmem:v8+s2+$0x0], $0xffff  }
0x198: {  	v8 =	vor.u32 v27, v2;
	_ =	sdelay $0x3  }
0x199: {  	[tilespmem:v6+s8+$0x0] =	vst.idx.msk $0xffff, v4  }
0x19a: {  	v6 =	vor.u32 v53, v1;
	v4 =	vld.idx.msk [tilespmem:v8+s2+$0x0], $0xffff  }
0x19b: {  	v8 =	vor.u32 v13, v2;
	_ =	sdelay $0x3  }
0x19c: {  	[tilespmem:v6+s8+$0x0] =	vst.idx.msk $0xffff, v4  }
0x19d: {  	v6 =	vor.u32 v61, v1;
	v4 =	vld.idx.msk [tilespmem:v8+s2+$0x0], $0xffff  }
0x19e: {  	v8 =	vor.u32 v16, v2;
	_ =	sdelay $0x3  }
0x19f: {  	[tilespmem:v6+s8+$0x0] =	vst.idx.msk $0xffff, v4  }
0x1a0: {  	v6 =	vor.u32 v47, v1;
	v4 =	vld.idx.msk [tilespmem:v8+s2+$0x0], $0xffff  }
0x1a1: {  	v8 =	vor.u32 v43, v2;
	_ =	sdelay $0x3  }
0x1a2: {  	[tilespmem:v6+s8+$0x0] =	vst.idx.msk $0xffff, v4  }
0x1a3: {  	v6 =	vor.u32 v25, v1;
	v4 =	vld.idx.msk [tilespmem:v8+s2+$0x0], $0xffff  }
0x1a4: {  	v8 =	vor.u32 v28, v2;
	_ =	sdelay $0x3  }
0x1a5: {  	[tilespmem:v6+s8+$0x0] =	vst.idx.msk $0xffff, v4  }
0x1a6: {  	v6 =	vor.u32 v57, v1;
	v4 =	vld.idx.msk [tilespmem:v8+s2+$0x0], $0xffff  }
0x1a7: {  	v63 =	vmov v19;
	v19 =	vld [tilespmem:$0x1FCB0];
	v8 =	vor.u32 v12, v2;
	_ =	sdelay $0x3  }
0x1a8: {  	[tilespmem:v6+s8+$0x0] =	vst.idx.msk $0xffff, v4  }
0x1a9: {  	v6 =	vor.u32 v19, v1;
	v4 =	vld.idx.msk [tilespmem:v8+s2+$0x0], $0xffff  }
0x1aa: {  	v18 =	vld [tilespmem:$0x1FCC0];
	v8 =	vor.u32 v0, v2;
	_ =	sdelay $0x3  }
0x1ab: {  	[tilespmem:v6+s8+$0x0] =	vst.idx.msk $0xffff, v4  }
0x1ac: {  	v6 =	vor.u32 v18, v1;
	v4 =	vld.idx.msk [tilespmem:v8+s2+$0x0], $0xffff  }
0x1ad: {  	v8 =	vor.u32 v3, v2;
	_ =	sdelay $0x3  }
0x1ae: {  	[tilespmem:v6+s8+$0x0] =	vst.idx.msk $0xffff, v4  }
0x1af: {  	v6 =	vor.u32 v7, v1;
	v4 =	vld.idx.msk [tilespmem:v8+s2+$0x0], $0xffff  }
0x1b0: {  	v8 =	vor.u32 v17, v2;
	_ =	sdelay $0x3  }
0x1b1: {  	[tilespmem:v6+s8+$0x0] =	vst.idx.msk $0xffff, v4  }
0x1b2: {  	v6 =	vor.u32 v36, v1;
	v4 =	vld.idx.msk [tilespmem:v8+s2+$0x0], $0xffff  }
0x1b3: {  	v60 =	vmov v47;
	v47 =	vmov v57;
	v57 =	vld [tilespmem:$0x1FF20];
	v8 =	vor.u32 v37, v2;
	_ =	sdelay $0x3  }
0x1b4: {  	[tilespmem:v6+s8+$0x0] =	vst.idx.msk $0xffff, v4  }
0x1b5: {  	v6 =	vor.u32 v57, v1;
	v4 =	vld.idx.msk [tilespmem:v8+s2+$0x0], $0xffff  }
0x1b6: {  	v0 =	vld [tilespmem:$0x1FCD0];
	v2 =	vor.u32 v45, v2;
	_ =	sdelay $0x3  }
0x1b7: {  	[tilespmem:v6+s8+$0x0] =	vst.idx.msk $0xffff, v4  }
0x1b8: {  	v1 =	vor.u32 v0, v1;
	v2 =	vld.idx.msk [tilespmem:v2+s2+$0x0], $0xffff;
	_ =	sdelay $0x2  }
0x1b9: {  	s6 =	sshll.u32 s31, $0x12  }
0x1ba: {  	s13 =	rddreg [dreg:$0x1];
	s9 =	sor.u32 s12, s6  }
0x1bb: {  	s10 =	rddreg [dreg:$0x9];
	s6 =	sadd.s32 s13, s9;
	[tilespmem:v1+s8+$0x0] =	vst.idx.msk $0xffff, v2  }
0x1bc: {  	[hbm4b:s6+s2] =	stream.linear.scatter [tilespmem:s8], [sflag:$0x5], $0x1000, $0x38;
	[tilespmem:$0x14400] =	vst v63  }
0x1bd: {  	s11 =	simm.s32 $0x0;
	s6 =	sadd.s32 s9, s10  }
0x1be: {  	v3 =	vlaneseq.u32;
	[hbm4b:s6+s2] =	stream.linear.scatter [tilespmem:s25], [sflag:$0x5], $0x1000, $0x38;
	[tilespmem:$0x14400] =	vst v63  }
0x1bf: {  	v1 =	vadd.s32 s11, v3;
	s6 =	simm.s32 @!p1 $0x6  }
0x1c0: {  	v0 =	vor.u32 $0x10, v33;
	v2 =	vand.u32 $0xF, v1;
	_ =	swait.ge @!p1 [sflag:s6], $0x1000  }
0x1c1: {  	v4 =	vor.u32 v0, v2;
	[sflag:s6] =	ssyncset.done @!p1 $0x0  }
0x1c2: {  	v6 =	vshll.u32 v1, $0x2;
	[sflag:s6] =	ssyncadd.s32 @!p1 $0xFFFFF000  }
0x1c3: {  	v1 =	vand.u32 $0x7, v1;
	v6 =	vand.u32 $0x20, v6;
	_ =	swait.ge @!p1 [sflag:s6], $0x1000  }
0x1c4: {  	v1 =	vor.u32 v1, v6;
	[sflag:s6] =	ssyncset.done @!p1 $0x0  }
0x1c5: {  	v1 =	vshll.u32 v1, $0x7;
	[sflag:s6] =	ssyncadd.s32 @!p1 $0xFFFFF000  }
0x1c6: {  	v49 =	vmovc v35;
	v35 =	vmov v11;
	v11 =	vor.u32 $0x2010, v33;
	v6 =	vor.u32 v3, v1;
	v4 =	vld.idx.msk [tilespmem:v4+s2+$0x0], $0xffff  }
0x1c7: {  	v8 =	vor.u32 v11, v2;
	_ =	sdelay $0x3  }
0x1c8: {  	[tilespmem:v6+s7+$0x0] =	vst.idx.msk $0xffff, v4  }
0x1c9: {  	v3 =	vor.u32 $0x4010, v33;
	v6 =	vor.u32 v30, v1;
	v4 =	vld.idx.msk [tilespmem:v8+s2+$0x0], $0xffff  }
0x1ca: {  	v17 =	vmov v36;
	v36 =	vld [tilespmem:$0x1FF50];
	v8 =	vor.u32 v3, v2;
	_ =	sdelay $0x3  }
0x1cb: {  	[tilespmem:v6+s7+$0x0] =	vst.idx.msk $0xffff, v4  }
0x1cc: {  	[tilespmem:$0x1FC20] =	vst v3;
	v3 =	vor.u32 $0x6010, v33;
	v6 =	vor.u32 v36, v1;
	v4 =	vld.idx.msk [tilespmem:v8+s2+$0x0], $0xffff  }
0x1cd: {  	v8 =	vor.u32 v3, v2;
	_ =	sdelay $0x3  }
0x1ce: {  	v29 =	vmov v26;
	[tilespmem:v6+s7+$0x0] =	vst.idx.msk $0xffff, v4  }
0x1cf: {  	[tilespmem:$0x1FC10] =	vst v3;
	v3 =	vor.u32 $0x410, v33;
	v6 =	vor.u32 v29, v1;
	v4 =	vld.idx.msk [tilespmem:v8+s2+$0x0], $0xffff  }
0x1d0: {  	v8 =	vor.u32 v3, v2;
	_ =	sdelay $0x3  }
0x1d1: {  	[tilespmem:v6+s7+$0x0] =	vst.idx.msk $0xffff, v4  }
0x1d2: {  	v42 =	vmov v3;
	v3 =	vor.u32 $0x2410, v33;
	v6 =	vor.u32 v5, v1;
	v4 =	vld.idx.msk [tilespmem:v8+s2+$0x0], $0xffff  }
0x1d3: {  	v8 =	vor.u32 v3, v2;
	_ =	sdelay $0x3  }
0x1d4: {  	[tilespmem:v6+s7+$0x0] =	vst.idx.msk $0xffff, v4  }
0x1d5: {  	v39 =	vmov v3;
	v3 =	vor.u32 $0x4410, v33;
	v6 =	vor.u32 v9, v1;
	v4 =	vld.idx.msk [tilespmem:v8+s2+$0x0], $0xffff  }
0x1d6: {  	v8 =	vor.u32 v3, v2;
	_ =	sdelay $0x3  }
0x1d7: {  	[tilespmem:v6+s7+$0x0] =	vst.idx.msk $0xffff, v4  }
0x1d8: {  	v46 =	vmov v3;
	v3 =	vor.u32 $0x6410, v33;
	v6 =	vor.u32 v38, v1;
	v4 =	vld.idx.msk [tilespmem:v8+s2+$0x0], $0xffff  }
0x1d9: {  	v8 =	vor.u32 v3, v2;
	_ =	sdelay $0x3  }
0x1da: {  	[tilespmem:v6+s7+$0x0] =	vst.idx.msk $0xffff, v4  }
0x1db: {  	v44 =	vmov v3;
	v3 =	vor.u32 $0x810, v33;
	v6 =	vor.u32 v63, v1;
	v4 =	vld.idx.msk [tilespmem:v8+s2+$0x0], $0xffff  }
0x1dc: {  	v8 =	vor.u32 v3, v2;
	_ =	sdelay $0x3  }
0x1dd: {  	[tilespmem:v6+s7+$0x0] =	vst.idx.msk $0xffff, v4  }
0x1de: {  	v10 =	vmovc v41;
	v41 =	vmovc v25;
	v25 =	vmov v33;
	v33 =	vor.u32 $0x2810, v33;
	v6 =	vor.u32 v34, v1;
	v4 =	vld.idx.msk [tilespmem:v8+s2+$0x0], $0xffff  }
0x1df: {  	v8 =	vor.u32 v33, v2;
	_ =	sdelay $0x3  }
0x1e0: {  	[tilespmem:v6+s7+$0x0] =	vst.idx.msk $0xffff, v4  }
0x1e1: {  	v31 =	vmovc v59;
	v59 =	vmov v3;
	v3 =	vor.u32 $0x4810, v25;
	v6 =	vor.u32 v32, v1;
	v4 =	vld.idx.msk [tilespmem:v8+s2+$0x0], $0xffff  }
0x1e2: {  	v8 =	vor.u32 v3, v2;
	_ =	sdelay $0x3  }
0x1e3: {  	[tilespmem:v6+s7+$0x0] =	vst.idx.msk $0xffff, v4  }
0x1e4: {  	v50 =	vmov v3;
	v3 =	vor.u32 $0x6810, v25;
	v6 =	vor.u32 v14, v1;
	v4 =	vld.idx.msk [tilespmem:v8+s2+$0x0], $0xffff  }
0x1e5: {  	v8 =	vor.u32 v3, v2;
	_ =	sdelay $0x3  }
0x1e6: {  	[tilespmem:v6+s7+$0x0] =	vst.idx.msk $0xffff, v4  }
0x1e7: {  	v52 =	vmov v3;
	v3 =	vor.u32 $0xC10, v25;
	v6 =	vor.u32 v22, v1;
	v4 =	vld.idx.msk [tilespmem:v8+s2+$0x0], $0xffff  }
0x1e8: {  	v8 =	vor.u32 v3, v2;
	_ =	sdelay $0x3  }
0x1e9: {  	[tilespmem:v6+s7+$0x0] =	vst.idx.msk $0xffff, v4  }
0x1ea: {  	v27 =	vor.u32 $0x2C10, v25;
	v6 =	vor.u32 v23, v1;
	v4 =	vld.idx.msk [tilespmem:v8+s2+$0x0], $0xffff  }
0x1eb: {  	v8 =	vor.u32 v27, v2;
	_ =	sdelay $0x3  }
0x1ec: {  	[tilespmem:v6+s7+$0x0] =	vst.idx.msk $0xffff, v4  }
0x1ed: {  	v55 =	vor.u32 $0x4C10, v25;
	v6 =	vor.u32 v21, v1;
	v4 =	vld.idx.msk [tilespmem:v8+s2+$0x0], $0xffff  }
0x1ee: {  	v8 =	vor.u32 v55, v2;
	_ =	sdelay $0x3  }
0x1ef: {  	[tilespmem:v6+s7+$0x0] =	vst.idx.msk $0xffff, v4  }
0x1f0: {  	v54 =	vor.u32 $0x6C10, v25;
	v6 =	vor.u32 v10, v1;
	v4 =	vld.idx.msk [tilespmem:v8+s2+$0x0], $0xffff  }
0x1f1: {  	v8 =	vor.u32 v54, v2;
	_ =	sdelay $0x3  }
0x1f2: {  	[tilespmem:v6+s7+$0x0] =	vst.idx.msk $0xffff, v4  }
0x1f3: {  	v58 =	vor.u32 $0x1010, v25;
	v6 =	vor.u32 v20, v1;
	v4 =	vld.idx.msk [tilespmem:v8+s2+$0x0], $0xffff  }
0x1f4: {  	v8 =	vor.u32 v58, v2;
	_ =	sdelay $0x3  }
0x1f5: {  	[tilespmem:v6+s7+$0x0] =	vst.idx.msk $0xffff, v4  }
0x1f6: {  	v56 =	vor.u32 $0x3010, v25;
	v6 =	vor.u32 v15, v1;
	v4 =	vld.idx.msk [tilespmem:v8+s2+$0x0], $0xffff  }
0x1f7: {  	v8 =	vor.u32 v56, v2;
	_ =	sdelay $0x3  }
0x1f8: {  	[tilespmem:v6+s7+$0x0] =	vst.idx.msk $0xffff, v4  }
0x1f9: {  	v62 =	vor.u32 $0x5010, v25;
	v6 =	vor.u32 v49, v1;
	v4 =	vld.idx.msk [tilespmem:v8+s2+$0x0], $0xffff  }
0x1fa: {  	v8 =	vor.u32 v62, v2;
	_ =	sdelay $0x3  }
0x1fb: {  	[tilespmem:v6+s7+$0x0] =	vst.idx.msk $0xffff, v4  }
0x1fc: {  	v45 =	vmov v34;
	v34 =	vor.u32 $0x7010, v25;
	v6 =	vor.u32 v48, v1;
	v4 =	vld.idx.msk [tilespmem:v8+s2+$0x0], $0xffff  }
0x1fd: {  	v8 =	vor.u32 v34, v2;
	_ =	sdelay $0x3  }
0x1fe: {  	[tilespmem:v6+s7+$0x0] =	vst.idx.msk $0xffff, v4  }
0x1ff: {  	v40 =	vmov v49;
	v49 =	vor.u32 $0x1410, v25;
	v6 =	vor.u32 v35, v1;
	v4 =	vld.idx.msk [tilespmem:v8+s2+$0x0], $0xffff  }
0x200: {  	v8 =	vor.u32 v49, v2;
	_ =	sdelay $0x3  }
0x201: {  	[tilespmem:v6+s7+$0x0] =	vst.idx.msk $0xffff, v4  }
0x202: {  	v12 =	vor.u32 $0x3410, v25;
	v6 =	vor.u32 v31, v1;
	v4 =	vld.idx.msk [tilespmem:v8+s2+$0x0], $0xffff  }
0x203: {  	v8 =	vor.u32 v12, v2;
	_ =	sdelay $0x3  }
0x204: {  	[tilespmem:v6+s7+$0x0] =	vst.idx.msk $0xffff, v4  }
0x205: {  	v51 =	vmov v3;
	v3 =	vor.u32 $0x5410, v25;
	v6 =	vor.u32 v53, v1;
	v4 =	vld.idx.msk [tilespmem:v8+s2+$0x0], $0xffff  }
0x206: {  	v8 =	vor.u32 v3, v2;
	_ =	sdelay $0x3  }
0x207: {  	[tilespmem:v6+s7+$0x0] =	vst.idx.msk $0xffff, v4  }
0x208: {  	v43 =	vmov v3;
	v3 =	vor.u32 $0x7410, v25;
	v6 =	vor.u32 v61, v1;
	v4 =	vld.idx.msk [tilespmem:v8+s2+$0x0], $0xffff  }
0x209: {  	v8 =	vor.u32 v3, v2;
	_ =	sdelay $0x3  }
0x20a: {  	[tilespmem:v6+s7+$0x0] =	vst.idx.msk $0xffff, v4  }
0x20b: {  	v28 =	vmovc v30;
	v30 =	vmov v3;
	v3 =	vor.u32 $0x1810, v25;
	v6 =	vor.u32 v60, v1;
	v4 =	vld.idx.msk [tilespmem:v8+s2+$0x0], $0xffff  }
0x20c: {  	v8 =	vor.u32 v3, v2;
	_ =	sdelay $0x3  }
0x20d: {  	[tilespmem:v6+s7+$0x0] =	vst.idx.msk $0xffff, v4  }
0x20e: {  	v26 =	vmov v14;
	v14 =	vor.u32 $0x3810, v25;
	v6 =	vor.u32 v41, v1;
	v4 =	vld.idx.msk [tilespmem:v8+s2+$0x0], $0xffff  }
0x20f: {  	v8 =	vor.u32 v14, v2;
	_ =	sdelay $0x3  }
0x210: {  	[tilespmem:v6+s7+$0x0] =	vst.idx.msk $0xffff, v4  }
0x211: {  	v13 =	vmov v9;
	v9 =	vor.u32 $0x5810, v25;
	v6 =	vor.u32 v47, v1;
	v4 =	vld.idx.msk [tilespmem:v8+s2+$0x0], $0xffff  }
0x212: {  	v8 =	vor.u32 v9, v2;
	_ =	sdelay $0x3  }
0x213: {  	[tilespmem:v6+s7+$0x0] =	vst.idx.msk $0xffff, v4  }
0x214: {  	v6 =	vor.u32 v19, v1;
	v19 =	vor.u32 $0x7810, v25;
	v4 =	vld.idx.msk [tilespmem:v8+s2+$0x0], $0xffff  }
0x215: {  	v8 =	vor.u32 v19, v2;
	_ =	sdelay $0x3  }
0x216: {  	[tilespmem:v6+s7+$0x0] =	vst.idx.msk $0xffff, v4  }
0x217: {  	v37 =	vor.u32 $0x1C10, v25;
	v6 =	vor.u32 v18, v1;
	v4 =	vld.idx.msk [tilespmem:v8+s2+$0x0], $0xffff  }
0x218: {  	v8 =	vor.u32 v37, v2;
	_ =	sdelay $0x3  }
0x219: {  	v24 =	vmov v7;
	[tilespmem:v6+s7+$0x0] =	vst.idx.msk $0xffff, v4  }
0x21a: {  	v20 =	vor.u32 $0x3C10, v25;
	v6 =	vor.u32 v24, v1;
	v4 =	vld.idx.msk [tilespmem:v8+s2+$0x0], $0xffff  }
0x21b: {  	v8 =	vor.u32 v20, v2;
	_ =	sdelay $0x3  }
0x21c: {  	[tilespmem:v6+s7+$0x0] =	vst.idx.msk $0xffff, v4  }
0x21d: {  	v22 =	vor.u32 $0x5C10, v25;
	v6 =	vor.u32 v17, v1;
	v4 =	vld.idx.msk [tilespmem:v8+s2+$0x0], $0xffff  }
0x21e: {  	v8 =	vor.u32 v22, v2;
	_ =	sdelay $0x3  }
0x21f: {  	[tilespmem:v6+s7+$0x0] =	vst.idx.msk $0xffff, v4  }
0x220: {  	v6 =	vor.u32 v57, v1;
	v57 =	vor.u32 $0x7C10, v25;
	v4 =	vld.idx.msk [tilespmem:v8+s2+$0x0], $0xffff  }
0x221: {  	v2 =	vor.u32 v57, v2  }
0x222: {  	v32 =	vld [tilespmem:$0x1FC20]  }
0x223: {  	v7 =	vmovc v29;
	v29 =	vmovc v41;
	v23 =	vmov v38;
	v38 =	vld [tilespmem:$0x1FE80];
	v16 =	vmov v3;
	v3 =	vlaneseq.u32  }
0x224: {  	v21 =	vmovc v33;
	v10 =	vmovc v63;
	v63 =	vmov v17;
	v15 =	vld [tilespmem:$0x1FFE0];
	v53 =	vmov v35;
	v35 =	vmov v40  }
0x225: {  	s13 =	simm.s32 $0x1;
	v41 =	vmovc v63;
	v18 =	vld [tilespmem:$0x1FC10];
	v17 =	vmovc v36;
	v36 =	vmov v27;
	v25 =	vmov v24;
	v8 =	vmov v0;
	[tilespmem:v6+s7+$0x0] =	vst.idx.msk $0xffff, v4  }
0x226: {  	s10 =	simm.s32 $0x2;
	v0 =	vmovc v10;
	v24 =	vmovc v8;
	v6 =	vadd.s32 s13, v3;
	v3 =	vmov v28;
	v28 =	vmov v11;
	v4 =	vld.idx.msk [tilespmem:v2+s2+$0x0], $0xffff  }
.LBB2_8:
0x227: {  	v8 =	vld [tilespmem:$0x1FCD0];
	_ =	sdelay $0x4  }
0x228: {  	v2 =	vand.u32 $0xF, v6;
	v1 =	vor.u32 v8, v1  }
0x229: {  	v8 =	vor.u32 v24, v2  }
0x22a: {  	v10 =	vshll.u32 v6, $0x2  }
0x22b: {  	v6 =	vand.u32 $0x7, v6;
	v10 =	vand.u32 $0x20, v10  }
0x22c: {  	v6 =	vor.u32 v6, v10  }
0x22d: {  	v10 =	vlaneseq.u32;
	[tilespmem:v1+s7+$0x0] =	vst.idx.msk $0xffff, v4;
	v1 =	vshll.u32 v6, $0x7  }
0x22e: {  	v4 =	vld.idx.msk [tilespmem:v8+s2+$0x0], $0xffff;
	v6 =	vor.u32 v10, v1  }
0x22f: {  	v8 =	vor.u32 v28, v2;
	_ =	sdelay $0x3  }
0x230: {  	[tilespmem:v6+s7+$0x0] =	vst.idx.msk $0xffff, v4  }
0x231: {  	v6 =	vor.u32 v3, v1;
	v4 =	vld.idx.msk [tilespmem:v8+s2+$0x0], $0xffff  }
0x232: {  	v8 =	vor.u32 v32, v2;
	_ =	sdelay $0x3  }
0x233: {  	[tilespmem:v6+s7+$0x0] =	vst.idx.msk $0xffff, v4  }
0x234: {  	v6 =	vor.u32 v17, v1;
	v4 =	vld.idx.msk [tilespmem:v8+s2+$0x0], $0xffff  }
0x235: {  	v8 =	vor.u32 v18, v2;
	_ =	sdelay $0x3  }
0x236: {  	[tilespmem:v6+s7+$0x0] =	vst.idx.msk $0xffff, v4  }
0x237: {  	v6 =	vor.u32 v7, v1;
	v4 =	vld.idx.msk [tilespmem:v8+s2+$0x0], $0xffff  }
0x238: {  	v8 =	vor.u32 v42, v2;
	_ =	sdelay $0x3  }
0x239: {  	[tilespmem:v6+s7+$0x0] =	vst.idx.msk $0xffff, v4  }
0x23a: {  	v6 =	vor.u32 v5, v1;
	v4 =	vld.idx.msk [tilespmem:v8+s2+$0x0], $0xffff  }
0x23b: {  	v8 =	vor.u32 v39, v2;
	_ =	sdelay $0x3  }
0x23c: {  	[tilespmem:v6+s7+$0x0] =	vst.idx.msk $0xffff, v4  }
0x23d: {  	v6 =	vor.u32 v13, v1;
	v4 =	vld.idx.msk [tilespmem:v8+s2+$0x0], $0xffff  }
0x23e: {  	v8 =	vor.u32 v46, v2;
	_ =	sdelay $0x3  }
0x23f: {  	[tilespmem:v6+s7+$0x0] =	vst.idx.msk $0xffff, v4  }
0x240: {  	v6 =	vor.u32 v23, v1;
	v4 =	vld.idx.msk [tilespmem:v8+s2+$0x0], $0xffff  }
0x241: {  	v8 =	vor.u32 v44, v2;
	_ =	sdelay $0x3  }
0x242: {  	[tilespmem:v6+s7+$0x0] =	vst.idx.msk $0xffff, v4  }
0x243: {  	v6 =	vor.u32 v0, v1;
	v4 =	vld.idx.msk [tilespmem:v8+s2+$0x0], $0xffff  }
0x244: {  	v8 =	vor.u32 v59, v2;
	_ =	sdelay $0x3  }
0x245: {  	[tilespmem:v6+s7+$0x0] =	vst.idx.msk $0xffff, v4  }
0x246: {  	v6 =	vor.u32 v45, v1;
	v4 =	vld.idx.msk [tilespmem:v8+s2+$0x0], $0xffff  }
0x247: {  	v8 =	vor.u32 v21, v2;
	_ =	sdelay $0x3  }
0x248: {  	[tilespmem:v6+s7+$0x0] =	vst.idx.msk $0xffff, v4  }
0x249: {  	v6 =	vor.u32 v38, v1;
	v4 =	vld.idx.msk [tilespmem:v8+s2+$0x0], $0xffff  }
0x24a: {  	v8 =	vor.u32 v50, v2;
	_ =	sdelay $0x3  }
0x24b: {  	[tilespmem:v6+s7+$0x0] =	vst.idx.msk $0xffff, v4  }
0x24c: {  	v6 =	vor.u32 v26, v1;
	v4 =	vld.idx.msk [tilespmem:v8+s2+$0x0], $0xffff;
	_ =	sdelay $0x4  }
0x24d: {  	v8 =	vor.u32 v52, v2;
	[tilespmem:v6+s7+$0x0] =	vst.idx.msk $0xffff, v4;
	v6 =	vld [tilespmem:$0x1FF10];
	_ =	sdelay $0x4  }
0x24e: {  	v4 =	vld.idx.msk [tilespmem:v8+s2+$0x0], $0xffff;
	v6 =	vor.u32 v6, v1;
	_ =	sdelay $0x4  }
0x24f: {  	v8 =	vor.u32 v51, v2;
	[tilespmem:v6+s7+$0x0] =	vst.idx.msk $0xffff, v4;
	v6 =	vld [tilespmem:$0x1FF00];
	_ =	sdelay $0x4  }
0x250: {  	v4 =	vld.idx.msk [tilespmem:v8+s2+$0x0], $0xffff;
	v6 =	vor.u32 v6, v1;
	_ =	sdelay $0x4  }
0x251: {  	v8 =	vor.u32 v36, v2;
	[tilespmem:v6+s7+$0x0] =	vst.idx.msk $0xffff, v4;
	v6 =	vld [tilespmem:$0x1FEF0];
	_ =	sdelay $0x4  }
0x252: {  	v4 =	vld.idx.msk [tilespmem:v8+s2+$0x0], $0xffff;
	v6 =	vor.u32 v6, v1;
	_ =	sdelay $0x4  }
0x253: {  	v8 =	vor.u32 v55, v2;
	[tilespmem:v6+s7+$0x0] =	vst.idx.msk $0xffff, v4;
	v6 =	vld [tilespmem:$0x1FEE0];
	_ =	sdelay $0x4  }
0x254: {  	v4 =	vld.idx.msk [tilespmem:v8+s2+$0x0], $0xffff;
	v6 =	vor.u32 v6, v1;
	_ =	sdelay $0x4  }
0x255: {  	v8 =	vor.u32 v54, v2;
	[tilespmem:v6+s7+$0x0] =	vst.idx.msk $0xffff, v4;
	v6 =	vld [tilespmem:$0x1FED0];
	_ =	sdelay $0x4  }
0x256: {  	v4 =	vld.idx.msk [tilespmem:v8+s2+$0x0], $0xffff;
	v6 =	vor.u32 v6, v1;
	_ =	sdelay $0x4  }
0x257: {  	v8 =	vor.u32 v58, v2;
	[tilespmem:v6+s7+$0x0] =	vst.idx.msk $0xffff, v4;
	v6 =	vld [tilespmem:$0x1FEC0];
	_ =	sdelay $0x4  }
0x258: {  	v4 =	vld.idx.msk [tilespmem:v8+s2+$0x0], $0xffff;
	v6 =	vor.u32 v6, v1  }
0x259: {  	v8 =	vor.u32 v56, v2;
	_ =	sdelay $0x3  }
0x25a: {  	[tilespmem:v6+s7+$0x0] =	vst.idx.msk $0xffff, v4  }
0x25b: {  	v6 =	vor.u32 v35, v1;
	v4 =	vld.idx.msk [tilespmem:v8+s2+$0x0], $0xffff  }
0x25c: {  	v8 =	vor.u32 v62, v2;
	_ =	sdelay $0x3  }
0x25d: {  	[tilespmem:v6+s7+$0x0] =	vst.idx.msk $0xffff, v4  }
0x25e: {  	v6 =	vor.u32 v48, v1;
	v4 =	vld.idx.msk [tilespmem:v8+s2+$0x0], $0xffff  }
0x25f: {  	v8 =	vor.u32 v34, v2;
	_ =	sdelay $0x3  }
0x260: {  	[tilespmem:v6+s7+$0x0] =	vst.idx.msk $0xffff, v4  }
0x261: {  	v6 =	vor.u32 v53, v1;
	v4 =	vld.idx.msk [tilespmem:v8+s2+$0x0], $0xffff  }
0x262: {  	v8 =	vor.u32 v49, v2;
	_ =	sdelay $0x3  }
0x263: {  	[tilespmem:v6+s7+$0x0] =	vst.idx.msk $0xffff, v4  }
0x264: {  	v6 =	vor.u32 v31, v1;
	v4 =	vld.idx.msk [tilespmem:v8+s2+$0x0], $0xffff  }
0x265: {  	v8 =	vor.u32 v12, v2;
	_ =	sdelay $0x3  }
0x266: {  	[tilespmem:v6+s7+$0x0] =	vst.idx.msk $0xffff, v4  }
0x267: {  	v6 =	vor.u32 v15, v1;
	v4 =	vld.idx.msk [tilespmem:v8+s2+$0x0], $0xffff  }
0x268: {  	v8 =	vor.u32 v43, v2;
	_ =	sdelay $0x3  }
0x269: {  	[tilespmem:v6+s7+$0x0] =	vst.idx.msk $0xffff, v4  }
0x26a: {  	v6 =	vor.u32 v61, v1;
	v4 =	vld.idx.msk [tilespmem:v8+s2+$0x0], $0xffff  }
0x26b: {  	v8 =	vor.u32 v30, v2;
	_ =	sdelay $0x3  }
0x26c: {  	[tilespmem:v6+s7+$0x0] =	vst.idx.msk $0xffff, v4  }
0x26d: {  	v6 =	vor.u32 v60, v1;
	v4 =	vld.idx.msk [tilespmem:v8+s2+$0x0], $0xffff  }
0x26e: {  	v8 =	vor.u32 v16, v2;
	_ =	sdelay $0x3  }
0x26f: {  	[tilespmem:v6+s7+$0x0] =	vst.idx.msk $0xffff, v4  }
0x270: {  	v6 =	vor.u32 v29, v1;
	v4 =	vld.idx.msk [tilespmem:v8+s2+$0x0], $0xffff  }
0x271: {  	v8 =	vor.u32 v14, v2;
	_ =	sdelay $0x3  }
0x272: {  	[tilespmem:v6+s7+$0x0] =	vst.idx.msk $0xffff, v4  }
0x273: {  	v6 =	vor.u32 v47, v1;
	v4 =	vld.idx.msk [tilespmem:v8+s2+$0x0], $0xffff;
	_ =	sdelay $0x4  }
0x274: {  	v8 =	vor.u32 v9, v2;
	[tilespmem:v6+s7+$0x0] =	vst.idx.msk $0xffff, v4;
	v6 =	vld [tilespmem:$0x1FCB0];
	_ =	sdelay $0x4  }
0x275: {  	v4 =	vld.idx.msk [tilespmem:v8+s2+$0x0], $0xffff;
	v6 =	vor.u32 v6, v1;
	_ =	sdelay $0x4  }
0x276: {  	v8 =	vor.u32 v19, v2;
	[tilespmem:v6+s7+$0x0] =	vst.idx.msk $0xffff, v4;
	v6 =	vld [tilespmem:$0x1FCC0];
	_ =	sdelay $0x4  }
0x277: {  	v4 =	vld.idx.msk [tilespmem:v8+s2+$0x0], $0xffff;
	v6 =	vor.u32 v6, v1  }
0x278: {  	v8 =	vor.u32 v37, v2;
	_ =	sdelay $0x3  }
0x279: {  	[tilespmem:v6+s7+$0x0] =	vst.idx.msk $0xffff, v4  }
0x27a: {  	v6 =	vor.u32 v25, v1;
	v4 =	vld.idx.msk [tilespmem:v8+s2+$0x0], $0xffff  }
0x27b: {  	v8 =	vor.u32 v20, v2;
	_ =	sdelay $0x3  }
0x27c: {  	[tilespmem:v6+s7+$0x0] =	vst.idx.msk $0xffff, v4  }
0x27d: {  	v6 =	vor.u32 v41, v1;
	v4 =	vld.idx.msk [tilespmem:v8+s2+$0x0], $0xffff;
	_ =	sdelay $0x4  }
0x27e: {  	v8 =	vor.u32 v22, v2;
	[tilespmem:v6+s7+$0x0] =	vst.idx.msk $0xffff, v4;
	v6 =	vld [tilespmem:$0x1FF20];
	_ =	sdelay $0x4  }
0x27f: {  	v4 =	vld.idx.msk [tilespmem:v8+s2+$0x0], $0xffff;
	v6 =	vor.u32 v6, v1  }
0x280: {  	p1 =	sne.s32 s10, $0xF;
	v2 =	vor.u32 v57, v2  }
.Ltmp5:
0x281: {  	_ = 	snop;
	(pc) =	sbr.rel @p1 .LBB2_8-.Ltmp5, $3  }
0x282: {  	_ =	sdelay $0x1  }
0x283: {  	[tilespmem:v6+s7+$0x0] =	vst.idx.msk $0xffff, v4  }
0x284: {  	v6 =	vadd.s32 s10, v10;
	s10 =	sadd.s32 $0x1, s10;
	v4 =	vld.idx.msk [tilespmem:v2+s2+$0x0], $0xffff  }
0x285: {  	v11 =	vmov v49;
	[tilespmem:$0x1FA20] =	vst v49;
	v49 =	vld [tilespmem:$0x1FCD0];
	_ =	sdelay $0x4  }
0x286: {  	v2 =	vand.u32 $0xF, v6;
	v1 =	vor.u32 v49, v1  }
0x287: {  	v8 =	vor.u32 v24, v2  }
0x288: {  	v10 =	vshll.u32 v6, $0x2  }
0x289: {  	v6 =	vand.u32 $0x7, v6;
	v10 =	vand.u32 $0x20, v10  }
0x28a: {  	v6 =	vor.u32 v6, v10  }
0x28b: {  	[tilespmem:v1+s7+$0x0] =	vst.idx.msk $0xffff, v4;
	v1 =	vshll.u32 v6, $0x7;
	v6 =	vlaneseq.u32  }
0x28c: {  	v4 =	vld.idx.msk [tilespmem:v8+s2+$0x0], $0xffff;
	v6 =	vor.u32 v6, v1  }
0x28d: {  	v8 =	vor.u32 v28, v2;
	_ =	sdelay $0x3  }
0x28e: {  	[tilespmem:v6+s7+$0x0] =	vst.idx.msk $0xffff, v4  }
0x28f: {  	v6 =	vor.u32 v3, v1;
	v4 =	vld.idx.msk [tilespmem:v8+s2+$0x0], $0xffff  }
0x290: {  	v8 =	vor.u32 v32, v2;
	_ =	sdelay $0x3  }
0x291: {  	[tilespmem:v6+s7+$0x0] =	vst.idx.msk $0xffff, v4  }
0x292: {  	v6 =	vor.u32 v17, v1;
	v4 =	vld.idx.msk [tilespmem:v8+s2+$0x0], $0xffff  }
0x293: {  	v8 =	vor.u32 v18, v2;
	_ =	sdelay $0x3  }
0x294: {  	[tilespmem:v6+s7+$0x0] =	vst.idx.msk $0xffff, v4  }
0x295: {  	v6 =	vor.u32 v7, v1;
	v4 =	vld.idx.msk [tilespmem:v8+s2+$0x0], $0xffff  }
0x296: {  	v8 =	vor.u32 v42, v2;
	_ =	sdelay $0x3  }
0x297: {  	[tilespmem:v6+s7+$0x0] =	vst.idx.msk $0xffff, v4  }
0x298: {  	v6 =	vor.u32 v5, v1;
	v4 =	vld.idx.msk [tilespmem:v8+s2+$0x0], $0xffff  }
0x299: {  	v8 =	vor.u32 v39, v2;
	_ =	sdelay $0x3  }
0x29a: {  	[tilespmem:v6+s7+$0x0] =	vst.idx.msk $0xffff, v4  }
0x29b: {  	v6 =	vor.u32 v13, v1;
	v4 =	vld.idx.msk [tilespmem:v8+s2+$0x0], $0xffff  }
0x29c: {  	v8 =	vor.u32 v46, v2;
	_ =	sdelay $0x3  }
0x29d: {  	[tilespmem:v6+s7+$0x0] =	vst.idx.msk $0xffff, v4  }
0x29e: {  	v6 =	vor.u32 v23, v1;
	v4 =	vld.idx.msk [tilespmem:v8+s2+$0x0], $0xffff  }
0x29f: {  	v8 =	vor.u32 v44, v2;
	_ =	sdelay $0x3  }
0x2a0: {  	[tilespmem:v6+s7+$0x0] =	vst.idx.msk $0xffff, v4  }
0x2a1: {  	v6 =	vor.u32 v0, v1;
	v4 =	vld.idx.msk [tilespmem:v8+s2+$0x0], $0xffff  }
0x2a2: {  	v8 =	vor.u32 v59, v2;
	_ =	sdelay $0x3  }
0x2a3: {  	[tilespmem:v6+s7+$0x0] =	vst.idx.msk $0xffff, v4  }
0x2a4: {  	v6 =	vor.u32 v45, v1;
	v4 =	vld.idx.msk [tilespmem:v8+s2+$0x0], $0xffff  }
0x2a5: {  	v8 =	vor.u32 v21, v2;
	_ =	sdelay $0x3  }
0x2a6: {  	[tilespmem:v6+s7+$0x0] =	vst.idx.msk $0xffff, v4  }
0x2a7: {  	v6 =	vor.u32 v38, v1;
	v4 =	vld.idx.msk [tilespmem:v8+s2+$0x0], $0xffff  }
0x2a8: {  	v8 =	vor.u32 v50, v2;
	_ =	sdelay $0x3  }
0x2a9: {  	[tilespmem:v6+s7+$0x0] =	vst.idx.msk $0xffff, v4  }
0x2aa: {  	v6 =	vor.u32 v26, v1;
	v4 =	vld.idx.msk [tilespmem:v8+s2+$0x0], $0xffff  }
0x2ab: {  	[tilespmem:$0x1FAA0] =	vst v59;
	v59 =	vld [tilespmem:$0x1FF10];
	v8 =	vor.u32 v52, v2;
	_ =	sdelay $0x3  }
0x2ac: {  	[tilespmem:v6+s7+$0x0] =	vst.idx.msk $0xffff, v4  }
0x2ad: {  	v6 =	vor.u32 v59, v1;
	v4 =	vld.idx.msk [tilespmem:v8+s2+$0x0], $0xffff  }
0x2ae: {  	[tilespmem:$0x1FAD0] =	vst v51;
	v8 =	vor.u32 v51, v2;
	v51 =	vld [tilespmem:$0x1FF00];
	_ =	sdelay $0x3  }
0x2af: {  	[tilespmem:v6+s7+$0x0] =	vst.idx.msk $0xffff, v4  }
0x2b0: {  	v6 =	vor.u32 v51, v1;
	v4 =	vld.idx.msk [tilespmem:v8+s2+$0x0], $0xffff  }
0x2b1: {  	[tilespmem:$0x1FAC0] =	vst v52;
	v52 =	vld [tilespmem:$0x1FEF0];
	v8 =	vor.u32 v36, v2;
	_ =	sdelay $0x3  }
0x2b2: {  	[tilespmem:v6+s7+$0x0] =	vst.idx.msk $0xffff, v4  }
0x2b3: {  	v6 =	vor.u32 v52, v1;
	v4 =	vld.idx.msk [tilespmem:v8+s2+$0x0], $0xffff  }
0x2b4: {  	v40 =	vld [tilespmem:$0x1FEE0];
	v8 =	vor.u32 v55, v2;
	_ =	sdelay $0x3  }
0x2b5: {  	[tilespmem:v6+s7+$0x0] =	vst.idx.msk $0xffff, v4  }
0x2b6: {  	v6 =	vor.u32 v40, v1;
	v4 =	vld.idx.msk [tilespmem:v8+s2+$0x0], $0xffff  }
0x2b7: {  	[tilespmem:$0x1FAE0] =	vst v54;
	v8 =	vor.u32 v54, v2;
	v54 =	vld [tilespmem:$0x1FED0];
	_ =	sdelay $0x3  }
0x2b8: {  	[tilespmem:v6+s7+$0x0] =	vst.idx.msk $0xffff, v4  }
0x2b9: {  	v6 =	vor.u32 v54, v1;
	v4 =	vld.idx.msk [tilespmem:v8+s2+$0x0], $0xffff  }
0x2ba: {  	[tilespmem:$0x1FB00] =	vst v55;
	v55 =	vld [tilespmem:$0x1FEC0];
	v8 =	vor.u32 v58, v2;
	_ =	sdelay $0x3  }
0x2bb: {  	[tilespmem:v6+s7+$0x0] =	vst.idx.msk $0xffff, v4  }
0x2bc: {  	v6 =	vor.u32 v55, v1;
	v4 =	vld.idx.msk [tilespmem:v8+s2+$0x0], $0xffff  }
0x2bd: {  	v8 =	vor.u32 v56, v2;
	_ =	sdelay $0x3  }
0x2be: {  	[tilespmem:v6+s7+$0x0] =	vst.idx.msk $0xffff, v4  }
0x2bf: {  	v6 =	vor.u32 v35, v1;
	v4 =	vld.idx.msk [tilespmem:v8+s2+$0x0], $0xffff  }
0x2c0: {  	v8 =	vor.u32 v62, v2;
	_ =	sdelay $0x3  }
0x2c1: {  	[tilespmem:v6+s7+$0x0] =	vst.idx.msk $0xffff, v4  }
0x2c2: {  	v6 =	vor.u32 v48, v1;
	v4 =	vld.idx.msk [tilespmem:v8+s2+$0x0], $0xffff  }
0x2c3: {  	v8 =	vor.u32 v34, v2;
	_ =	sdelay $0x3  }
0x2c4: {  	[tilespmem:v6+s7+$0x0] =	vst.idx.msk $0xffff, v4  }
0x2c5: {  	v6 =	vor.u32 v53, v1;
	v4 =	vld.idx.msk [tilespmem:v8+s2+$0x0], $0xffff  }
0x2c6: {  	v8 =	vor.u32 v11, v2;
	_ =	sdelay $0x3  }
0x2c7: {  	[tilespmem:v6+s7+$0x0] =	vst.idx.msk $0xffff, v4  }
0x2c8: {  	v6 =	vor.u32 v31, v1;
	v4 =	vld.idx.msk [tilespmem:v8+s2+$0x0], $0xffff  }
0x2c9: {  	v8 =	vor.u32 v12, v2;
	_ =	sdelay $0x3  }
0x2ca: {  	[tilespmem:v6+s7+$0x0] =	vst.idx.msk $0xffff, v4  }
0x2cb: {  	v6 =	vor.u32 v15, v1;
	v4 =	vld.idx.msk [tilespmem:v8+s2+$0x0], $0xffff  }
0x2cc: {  	v8 =	vor.u32 v43, v2;
	_ =	sdelay $0x3  }
0x2cd: {  	[tilespmem:v6+s7+$0x0] =	vst.idx.msk $0xffff, v4  }
0x2ce: {  	v6 =	vor.u32 v61, v1;
	v4 =	vld.idx.msk [tilespmem:v8+s2+$0x0], $0xffff  }
0x2cf: {  	v8 =	vor.u32 v30, v2;
	_ =	sdelay $0x3  }
0x2d0: {  	[tilespmem:v6+s7+$0x0] =	vst.idx.msk $0xffff, v4  }
0x2d1: {  	v6 =	vor.u32 v60, v1;
	v4 =	vld.idx.msk [tilespmem:v8+s2+$0x0], $0xffff  }
0x2d2: {  	v8 =	vor.u32 v16, v2;
	_ =	sdelay $0x3  }
0x2d3: {  	[tilespmem:v6+s7+$0x0] =	vst.idx.msk $0xffff, v4  }
0x2d4: {  	v6 =	vor.u32 v29, v1;
	v4 =	vld.idx.msk [tilespmem:v8+s2+$0x0], $0xffff  }
0x2d5: {  	v8 =	vor.u32 v14, v2;
	_ =	sdelay $0x3  }
0x2d6: {  	[tilespmem:v6+s7+$0x0] =	vst.idx.msk $0xffff, v4  }
0x2d7: {  	v6 =	vor.u32 v47, v1;
	v4 =	vld.idx.msk [tilespmem:v8+s2+$0x0], $0xffff  }
0x2d8: {  	v63 =	vmov v61;
	v61 =	vld [tilespmem:$0x1FCB0];
	v8 =	vor.u32 v9, v2;
	_ =	sdelay $0x3  }
0x2d9: {  	[tilespmem:v6+s7+$0x0] =	vst.idx.msk $0xffff, v4  }
0x2da: {  	v6 =	vor.u32 v61, v1;
	v4 =	vld.idx.msk [tilespmem:v8+s2+$0x0], $0xffff  }
0x2db: {  	[tilespmem:$0x1FB10] =	vst v62;
	v62 =	vld [tilespmem:$0x1FCC0];
	v8 =	vor.u32 v19, v2;
	_ =	sdelay $0x3  }
0x2dc: {  	[tilespmem:v6+s7+$0x0] =	vst.idx.msk $0xffff, v4  }
0x2dd: {  	v6 =	vor.u32 v62, v1;
	v4 =	vld.idx.msk [tilespmem:v8+s2+$0x0], $0xffff  }
0x2de: {  	v8 =	vor.u32 v37, v2;
	_ =	sdelay $0x3  }
0x2df: {  	[tilespmem:v6+s7+$0x0] =	vst.idx.msk $0xffff, v4  }
0x2e0: {  	v6 =	vor.u32 v25, v1;
	v4 =	vld.idx.msk [tilespmem:v8+s2+$0x0], $0xffff  }
0x2e1: {  	v8 =	vor.u32 v20, v2;
	_ =	sdelay $0x2  }
0x2e2: {  	[tilespmem:$0x1FA30] =	vst v24  }
0x2e3: {  	[tilespmem:v6+s7+$0x0] =	vst.idx.msk $0xffff, v4  }
0x2e4: {  	[tilespmem:$0x1FA40] =	vst v28;
	v6 =	vor.u32 v41, v1;
	v4 =	vld.idx.msk [tilespmem:v8+s2+$0x0], $0xffff  }
0x2e5: {  	[tilespmem:$0x1FA50] =	vst v21;
	v33 =	vld [tilespmem:$0x1FF20];
	v8 =	vor.u32 v22, v2  }
0x2e6: {  	[tilespmem:$0x1FA60] =	vst v42  }
0x2e7: {  	[tilespmem:$0x1FA70] =	vst v39  }
0x2e8: {  	[tilespmem:$0x1FA80] =	vst v46  }
0x2e9: {  	[tilespmem:v6+s7+$0x0] =	vst.idx.msk $0xffff, v4  }
0x2ea: {  	[tilespmem:$0x1FA90] =	vst v44;
	v6 =	vor.u32 v33, v1;
	v4 =	vld.idx.msk [tilespmem:v8+s2+$0x0], $0xffff  }
0x2eb: {  	[tilespmem:$0x1FAB0] =	vst v50;
	v2 =	vor.u32 v57, v2  }
0x2ec: {  	[tilespmem:$0x1FAF0] =	vst v58  }
0x2ed: {  	[tilespmem:$0x1FB20] =	vst v43  }
0x2ee: {  	[tilespmem:$0x1FB30] =	vst v30  }
0x2ef: {  	[tilespmem:v6+s7+$0x0] =	vst.idx.msk $0xffff, v4  }
0x2f0: {  	[tilespmem:$0x1FB40] =	vst v16;
	v1 =	vor.u32 v49, v1;
	v2 =	vld.idx.msk [tilespmem:v2+s2+$0x0], $0xffff  }
0x2f1: {  	[tilespmem:$0x1FB50] =	vst v14  }
0x2f2: {  	[tilespmem:$0x1FB60] =	vst v9  }
0x2f3: {  	[tilespmem:$0x1FB70] =	vst v19  }
0x2f4: {  	[tilespmem:$0x1FB80] =	vst v20;
	s6 =	rddreg [dreg:$0x7]  }
0x2f5: {  	s10 =	simm.s32 $0x0;
	s11 =	rddreg [dreg:$0x8];
	s6 =	sadd.s32 s9, s6;
	[tilespmem:v1+s7+$0x0] =	vst.idx.msk $0xffff, v2  }
0x2f6: {  	[hbm4b:s6+s10] =	stream.linear.scatter [tilespmem:s7], [sflag:$0x6], $0x1000, $0x38;
	[tilespmem:$0x14400] =	vst v63  }
0x2f7: {  	[tilespmem:$0x1FB90] =	vst v22;
	s6 =	sadd.s32 s9, s11  }
0x2f8: {  	[hbm4b:s6+s10] =	stream.linear.scatter [tilespmem:s30], [sflag:$0x6], $0x1000, $0x38;
	[tilespmem:$0x14400] =	vst v63  }
0x2f9: {  	_ =	swait.ge [sflag:s1], $0x1000  }
0x2fa: {  	v14 =	vld [tilespmem:$0x1FCE0];
	_ =	sdelay $0x2  }
0x2fb: {  	v8 =	vlaneseq.u32  }
0x2fc: {  	v1 =	vadd.s32 s10, v8  }
0x2fd: {  	v2 =	vand.u32 $0xF, v1;
	v19 =	vor.u32 $0x20, v14  }
0x2fe: {  	[sflag:s1] =	ssyncset.done $0x0;
	v4 =	vor.u32 v19, v2  }
0x2ff: {  	v6 =	vshll.u32 v1, $0x2;
	[sflag:s1] =	ssyncadd.s32 $0xFFFFF000  }
0x300: {  	v1 =	vand.u32 $0x7, v1;
	v6 =	vand.u32 $0x20, v6;
	_ =	swait.ge [sflag:s1], $0x1000  }
0x301: {  	v1 =	vor.u32 v1, v6;
	[sflag:s1] =	ssyncset.done $0x0  }
0x302: {  	v1 =	vshll.u32 v1, $0x7;
	[sflag:s1] =	ssyncadd.s32 $0xFFFFF000  }
0x303: {  	v6 =	vor.u32 v8, v1;
	v20 =	vor.u32 $0x2020, v14;
	v4 =	vld.idx.msk [tilespmem:v4+s2+$0x0], $0xffff  }
0x304: {  	v8 =	vor.u32 v20, v2;
	_ =	sdelay $0x3  }
0x305: {  	[tilespmem:v6+s8+$0x0] =	vst.idx.msk $0xffff, v4  }
0x306: {  	v22 =	vor.u32 $0x4020, v14;
	v6 =	vor.u32 v3, v1;
	v4 =	vld.idx.msk [tilespmem:v8+s2+$0x0], $0xffff  }
0x307: {  	v8 =	vor.u32 v22, v2;
	_ =	sdelay $0x3  }
0x308: {  	[tilespmem:v6+s8+$0x0] =	vst.idx.msk $0xffff, v4  }
0x309: {  	v24 =	vor.u32 $0x6020, v14;
	v6 =	vor.u32 v17, v1;
	v4 =	vld.idx.msk [tilespmem:v8+s2+$0x0], $0xffff  }
0x30a: {  	v8 =	vor.u32 v24, v2;
	_ =	sdelay $0x3  }
0x30b: {  	[tilespmem:v6+s8+$0x0] =	vst.idx.msk $0xffff, v4  }
0x30c: {  	[tilespmem:$0x1FBA0] =	vst v12;
	v12 =	vor.u32 $0x420, v14;
	v6 =	vor.u32 v7, v1;
	v4 =	vld.idx.msk [tilespmem:v8+s2+$0x0], $0xffff  }
0x30d: {  	v8 =	vor.u32 v12, v2;
	_ =	sdelay $0x3  }
0x30e: {  	[tilespmem:v6+s8+$0x0] =	vst.idx.msk $0xffff, v4  }
0x30f: {  	v6 =	vor.u32 v5, v1;
	v4 =	vld.idx.msk [tilespmem:v8+s2+$0x0], $0xffff;
	v8 =	vor.u32 $0x2420, v14  }
0x310: {  	[tilespmem:$0x1FC00] =	vst v8;
	v8 =	vor.u32 v8, v2;
	_ =	sdelay $0x3  }
0x311: {  	[tilespmem:v6+s8+$0x0] =	vst.idx.msk $0xffff, v4  }
0x312: {  	v11 =	vor.u32 $0x4420, v14;
	v6 =	vor.u32 v13, v1;
	v4 =	vld.idx.msk [tilespmem:v8+s2+$0x0], $0xffff  }
0x313: {  	v8 =	vor.u32 v11, v2;
	_ =	sdelay $0x3  }
0x314: {  	[tilespmem:v6+s8+$0x0] =	vst.idx.msk $0xffff, v4  }
0x315: {  	[tilespmem:$0x1FBB0] =	vst v37;
	v37 =	vor.u32 $0x6420, v14;
	v6 =	vor.u32 v23, v1;
	v4 =	vld.idx.msk [tilespmem:v8+s2+$0x0], $0xffff  }
0x316: {  	v8 =	vor.u32 v37, v2;
	_ =	sdelay $0x3  }
0x317: {  	[tilespmem:v6+s8+$0x0] =	vst.idx.msk $0xffff, v4  }
0x318: {  	v28 =	vor.u32 $0x820, v14;
	v6 =	vor.u32 v0, v1;
	v4 =	vld.idx.msk [tilespmem:v8+s2+$0x0], $0xffff  }
0x319: {  	v8 =	vor.u32 v28, v2;
	_ =	sdelay $0x3  }
0x31a: {  	[tilespmem:v6+s8+$0x0] =	vst.idx.msk $0xffff, v4  }
0x31b: {  	v39 =	vor.u32 $0x2820, v14;
	v6 =	vor.u32 v45, v1;
	v4 =	vld.idx.msk [tilespmem:v8+s2+$0x0], $0xffff  }
0x31c: {  	v8 =	vor.u32 v39, v2;
	_ =	sdelay $0x3  }
0x31d: {  	[tilespmem:v6+s8+$0x0] =	vst.idx.msk $0xffff, v4  }
0x31e: {  	v30 =	vor.u32 $0x4820, v14;
	v6 =	vor.u32 v38, v1;
	v4 =	vld.idx.msk [tilespmem:v8+s2+$0x0], $0xffff  }
0x31f: {  	v8 =	vor.u32 v30, v2;
	_ =	sdelay $0x3  }
0x320: {  	[tilespmem:v6+s8+$0x0] =	vst.idx.msk $0xffff, v4  }
0x321: {  	v32 =	vor.u32 $0x6820, v14;
	v6 =	vor.u32 v26, v1;
	v4 =	vld.idx.msk [tilespmem:v8+s2+$0x0], $0xffff  }
0x322: {  	v8 =	vor.u32 v32, v2;
	_ =	sdelay $0x3  }
0x323: {  	[tilespmem:v6+s8+$0x0] =	vst.idx.msk $0xffff, v4  }
0x324: {  	v9 =	vor.u32 $0xC20, v14;
	v6 =	vor.u32 v59, v1;
	v4 =	vld.idx.msk [tilespmem:v8+s2+$0x0], $0xffff  }
0x325: {  	v8 =	vor.u32 v9, v2;
	_ =	sdelay $0x3  }
0x326: {  	[tilespmem:v6+s8+$0x0] =	vst.idx.msk $0xffff, v4  }
0x327: {  	[tilespmem:$0x1FBD0] =	vst v34;
	v34 =	vor.u32 $0x2C20, v14;
	v6 =	vor.u32 v51, v1;
	v4 =	vld.idx.msk [tilespmem:v8+s2+$0x0], $0xffff  }
0x328: {  	v8 =	vor.u32 v34, v2;
	_ =	sdelay $0x3  }
0x329: {  	[tilespmem:v6+s8+$0x0] =	vst.idx.msk $0xffff, v4  }
0x32a: {  	[tilespmem:$0x1FBE0] =	vst v36;
	v36 =	vor.u32 $0x4C20, v14;
	v6 =	vor.u32 v52, v1;
	v4 =	vld.idx.msk [tilespmem:v8+s2+$0x0], $0xffff  }
0x32b: {  	v8 =	vor.u32 v36, v2;
	_ =	sdelay $0x3  }
0x32c: {  	[tilespmem:v6+s8+$0x0] =	vst.idx.msk $0xffff, v4  }
0x32d: {  	v27 =	vmov v38;
	v38 =	vor.u32 $0x6C20, v14;
	v6 =	vor.u32 v40, v1;
	v4 =	vld.idx.msk [tilespmem:v8+s2+$0x0], $0xffff  }
0x32e: {  	v8 =	vor.u32 v38, v2;
	_ =	sdelay $0x3  }
0x32f: {  	[tilespmem:v6+s8+$0x0] =	vst.idx.msk $0xffff, v4  }
0x330: {  	v43 =	vmov v45;
	v45 =	vor.u32 $0x1020, v14;
	v6 =	vor.u32 v54, v1;
	v4 =	vld.idx.msk [tilespmem:v8+s2+$0x0], $0xffff  }
0x331: {  	v8 =	vor.u32 v45, v2;
	_ =	sdelay $0x3  }
0x332: {  	[tilespmem:v6+s8+$0x0] =	vst.idx.msk $0xffff, v4  }
0x333: {  	v40 =	vor.u32 $0x3020, v14;
	v6 =	vor.u32 v55, v1;
	v4 =	vld.idx.msk [tilespmem:v8+s2+$0x0], $0xffff  }
0x334: {  	v8 =	vor.u32 v40, v2;
	_ =	sdelay $0x3  }
0x335: {  	[tilespmem:v6+s8+$0x0] =	vst.idx.msk $0xffff, v4  }
0x336: {  	v42 =	vor.u32 $0x5020, v14;
	v6 =	vor.u32 v35, v1;
	v4 =	vld.idx.msk [tilespmem:v8+s2+$0x0], $0xffff  }
0x337: {  	v8 =	vor.u32 v42, v2;
	_ =	sdelay $0x3  }
0x338: {  	v44 =	vmov v48;
	[tilespmem:v6+s8+$0x0] =	vst.idx.msk $0xffff, v4  }
0x339: {  	v51 =	vmov v44;
	v6 =	vor.u32 v44, v1;
	v44 =	vor.u32 $0x7020, v14;
	v4 =	vld.idx.msk [tilespmem:v8+s2+$0x0], $0xffff  }
0x33a: {  	v8 =	vor.u32 v44, v2;
	_ =	sdelay $0x3  }
0x33b: {  	[tilespmem:v6+s8+$0x0] =	vst.idx.msk $0xffff, v4  }
0x33c: {  	v46 =	vor.u32 $0x1420, v14;
	v6 =	vor.u32 v53, v1;
	v4 =	vld.idx.msk [tilespmem:v8+s2+$0x0], $0xffff  }
0x33d: {  	v8 =	vor.u32 v46, v2;
	_ =	sdelay $0x1  }
0x33e: {  	v62 =	vmov v62;
	_ =	sdelay $0x1  }
0x33f: {  	[tilespmem:v6+s8+$0x0] =	vst.idx.msk $0xffff, v4  }
0x340: {  	v10 =	vmovc v62;
	v62 =	vmov v41;
	v41 =	vor.u32 $0x3420, v14;
	v6 =	vor.u32 v31, v1;
	v4 =	vld.idx.msk [tilespmem:v8+s2+$0x0], $0xffff  }
0x341: {  	v8 =	vor.u32 v41, v2;
	_ =	sdelay $0x3  }
0x342: {  	[tilespmem:v6+s8+$0x0] =	vst.idx.msk $0xffff, v4  }
0x343: {  	v48 =	vor.u32 $0x5420, v14;
	v6 =	vor.u32 v15, v1;
	v4 =	vld.idx.msk [tilespmem:v8+s2+$0x0], $0xffff  }
0x344: {  	v8 =	vor.u32 v48, v2;
	_ =	sdelay $0x3  }
0x345: {  	[tilespmem:v6+s8+$0x0] =	vst.idx.msk $0xffff, v4  }
0x346: {  	v50 =	vor.u32 $0x7420, v14;
	v6 =	vor.u32 v63, v1;
	v4 =	vld.idx.msk [tilespmem:v8+s2+$0x0], $0xffff  }
0x347: {  	v8 =	vor.u32 v50, v2;
	_ =	sdelay $0x3  }
0x348: {  	[tilespmem:v6+s8+$0x0] =	vst.idx.msk $0xffff, v4  }
0x349: {  	v52 =	vor.u32 $0x1820, v14;
	v6 =	vor.u32 v60, v1;
	v4 =	vld.idx.msk [tilespmem:v8+s2+$0x0], $0xffff  }
0x34a: {  	v8 =	vor.u32 v52, v2;
	_ =	sdelay $0x3  }
0x34b: {  	v49 =	vmov v29;
	[tilespmem:v6+s8+$0x0] =	vst.idx.msk $0xffff, v4  }
0x34c: {  	v54 =	vor.u32 $0x3820, v14;
	v6 =	vor.u32 v49, v1;
	v4 =	vld.idx.msk [tilespmem:v8+s2+$0x0], $0xffff  }
0x34d: {  	v8 =	vor.u32 v54, v2;
	_ =	sdelay $0x2  }
0x34e: {  	[tilespmem:$0x1FBC0] =	vst v56  }
0x34f: {  	v56 =	vmov v47;
	[tilespmem:v6+s8+$0x0] =	vst.idx.msk $0xffff, v4  }
0x350: {  	v29 =	vmovc v53;
	v53 =	vmov v56;
	v6 =	vor.u32 v56, v1;
	v56 =	vor.u32 $0x5820, v14;
	v4 =	vld.idx.msk [tilespmem:v8+s2+$0x0], $0xffff  }
0x351: {  	v8 =	vor.u32 v56, v2;
	_ =	sdelay $0x3  }
0x352: {  	[tilespmem:v6+s8+$0x0] =	vst.idx.msk $0xffff, v4  }
0x353: {  	v58 =	vor.u32 $0x7820, v14;
	v6 =	vor.u32 v61, v1;
	v4 =	vld.idx.msk [tilespmem:v8+s2+$0x0], $0xffff  }
0x354: {  	v8 =	vor.u32 v58, v2;
	_ =	sdelay $0x3  }
0x355: {  	[tilespmem:v6+s8+$0x0] =	vst.idx.msk $0xffff, v4  }
0x356: {  	[tilespmem:$0x1FBF0] =	vst v57;
	v57 =	vor.u32 $0x1C20, v14;
	v6 =	vor.u32 v10, v1;
	v4 =	vld.idx.msk [tilespmem:v8+s2+$0x0], $0xffff  }
0x357: {  	v8 =	vor.u32 v57, v2;
	_ =	sdelay $0x3  }
0x358: {  	[tilespmem:v6+s8+$0x0] =	vst.idx.msk $0xffff, v4  }
0x359: {  	v47 =	vmov v60;
	v60 =	vor.u32 $0x3C20, v14;
	v6 =	vor.u32 v25, v1;
	v4 =	vld.idx.msk [tilespmem:v8+s2+$0x0], $0xffff  }
0x35a: {  	v8 =	vor.u32 v60, v2;
	_ =	sdelay $0x3  }
0x35b: {  	[tilespmem:v6+s8+$0x0] =	vst.idx.msk $0xffff, v4  }
0x35c: {  	v21 =	vmovc v26;
	v26 =	vmovc v61;
	v61 =	vmov v62;
	v6 =	vor.u32 v62, v1;
	v62 =	vor.u32 $0x5C20, v14;
	v4 =	vld.idx.msk [tilespmem:v8+s2+$0x0], $0xffff  }
0x35d: {  	v8 =	vor.u32 v62, v2;
	_ =	sdelay $0x3  }
0x35e: {  	[tilespmem:v6+s8+$0x0] =	vst.idx.msk $0xffff, v4  }
0x35f: {  	v6 =	vor.u32 v33, v1;
	v4 =	vld.idx.msk [tilespmem:v8+s2+$0x0], $0xffff;
	v8 =	vmov v49;
	v49 =	vor.u32 $0x7C20, v14  }
0x360: {  	v2 =	vor.u32 v49, v2  }
0x361: {  	v16 =	vlaneseq.u32;
	_ =	sdelay $0x1  }
0x362: {  	s13 =	simm.s32 $0x1  }
0x363: {  	v18 =	vmovc v35;
	v59 =	vmovc v31;
	[tilespmem:v6+s8+$0x0] =	vst.idx.msk $0xffff, v4;
	v6 =	vadd.s32 s13, v16;
	v16 =	vmov v29;
	v29 =	vmov v26;
	v26 =	vld [tilespmem:$0x1FC00]  }
0x364: {  	s10 =	simm.s32 $0x2;
	v55 =	vmovc v25;
	v35 =	vmovc v10;
	v25 =	vmov v63;
	v14 =	vmov v21;
	v21 =	vmov v8;
	v4 =	vld.idx.msk [tilespmem:v2+s2+$0x0], $0xffff  }
.LBB2_10:
0x365: {  	v8 =	vld [tilespmem:$0x1FCD0];
	_ =	sdelay $0x4  }
0x366: {  	v2 =	vand.u32 $0xF, v6;
	v1 =	vor.u32 v8, v1  }
0x367: {  	v8 =	vor.u32 v19, v2  }
0x368: {  	v10 =	vshll.u32 v6, $0x2  }
0x369: {  	v6 =	vand.u32 $0x7, v6;
	v10 =	vand.u32 $0x20, v10  }
0x36a: {  	v6 =	vor.u32 v6, v10  }
0x36b: {  	v10 =	vlaneseq.u32;
	[tilespmem:v1+s8+$0x0] =	vst.idx.msk $0xffff, v4;
	v1 =	vshll.u32 v6, $0x7  }
0x36c: {  	v4 =	vld.idx.msk [tilespmem:v8+s2+$0x0], $0xffff;
	v6 =	vor.u32 v10, v1  }
0x36d: {  	v8 =	vor.u32 v20, v2;
	_ =	sdelay $0x3  }
0x36e: {  	[tilespmem:v6+s8+$0x0] =	vst.idx.msk $0xffff, v4  }
0x36f: {  	v6 =	vor.u32 v3, v1;
	v4 =	vld.idx.msk [tilespmem:v8+s2+$0x0], $0xffff  }
0x370: {  	v8 =	vor.u32 v22, v2;
	_ =	sdelay $0x3  }
0x371: {  	[tilespmem:v6+s8+$0x0] =	vst.idx.msk $0xffff, v4  }
0x372: {  	v6 =	vor.u32 v17, v1;
	v4 =	vld.idx.msk [tilespmem:v8+s2+$0x0], $0xffff  }
0x373: {  	v8 =	vor.u32 v24, v2;
	_ =	sdelay $0x3  }
0x374: {  	[tilespmem:v6+s8+$0x0] =	vst.idx.msk $0xffff, v4  }
0x375: {  	v6 =	vor.u32 v7, v1;
	v4 =	vld.idx.msk [tilespmem:v8+s2+$0x0], $0xffff  }
0x376: {  	v8 =	vor.u32 v12, v2;
	_ =	sdelay $0x3  }
0x377: {  	[tilespmem:v6+s8+$0x0] =	vst.idx.msk $0xffff, v4  }
0x378: {  	v6 =	vor.u32 v5, v1;
	v4 =	vld.idx.msk [tilespmem:v8+s2+$0x0], $0xffff  }
0x379: {  	v8 =	vor.u32 v26, v2;
	_ =	sdelay $0x3  }
0x37a: {  	[tilespmem:v6+s8+$0x0] =	vst.idx.msk $0xffff, v4  }
0x37b: {  	v6 =	vor.u32 v13, v1;
	v4 =	vld.idx.msk [tilespmem:v8+s2+$0x0], $0xffff  }
0x37c: {  	v8 =	vor.u32 v11, v2;
	_ =	sdelay $0x3  }
0x37d: {  	[tilespmem:v6+s8+$0x0] =	vst.idx.msk $0xffff, v4  }
0x37e: {  	v6 =	vor.u32 v23, v1;
	v4 =	vld.idx.msk [tilespmem:v8+s2+$0x0], $0xffff  }
0x37f: {  	v8 =	vor.u32 v37, v2;
	_ =	sdelay $0x3  }
0x380: {  	[tilespmem:v6+s8+$0x0] =	vst.idx.msk $0xffff, v4  }
0x381: {  	v6 =	vor.u32 v0, v1;
	v4 =	vld.idx.msk [tilespmem:v8+s2+$0x0], $0xffff  }
0x382: {  	v8 =	vor.u32 v28, v2;
	_ =	sdelay $0x3  }
0x383: {  	[tilespmem:v6+s8+$0x0] =	vst.idx.msk $0xffff, v4  }
0x384: {  	v6 =	vor.u32 v43, v1;
	v4 =	vld.idx.msk [tilespmem:v8+s2+$0x0], $0xffff  }
0x385: {  	v8 =	vor.u32 v39, v2;
	_ =	sdelay $0x3  }
0x386: {  	[tilespmem:v6+s8+$0x0] =	vst.idx.msk $0xffff, v4  }
0x387: {  	v6 =	vor.u32 v27, v1;
	v4 =	vld.idx.msk [tilespmem:v8+s2+$0x0], $0xffff  }
0x388: {  	v8 =	vor.u32 v30, v2;
	_ =	sdelay $0x3  }
0x389: {  	[tilespmem:v6+s8+$0x0] =	vst.idx.msk $0xffff, v4  }
0x38a: {  	v6 =	vor.u32 v14, v1;
	v4 =	vld.idx.msk [tilespmem:v8+s2+$0x0], $0xffff;
	_ =	sdelay $0x4  }
0x38b: {  	v8 =	vor.u32 v32, v2;
	[tilespmem:v6+s8+$0x0] =	vst.idx.msk $0xffff, v4;
	v6 =	vld [tilespmem:$0x1FF10];
	_ =	sdelay $0x4  }
0x38c: {  	v4 =	vld.idx.msk [tilespmem:v8+s2+$0x0], $0xffff;
	v6 =	vor.u32 v6, v1;
	_ =	sdelay $0x4  }
0x38d: {  	v8 =	vor.u32 v9, v2;
	[tilespmem:v6+s8+$0x0] =	vst.idx.msk $0xffff, v4;
	v6 =	vld [tilespmem:$0x1FF00];
	_ =	sdelay $0x4  }
0x38e: {  	v4 =	vld.idx.msk [tilespmem:v8+s2+$0x0], $0xffff;
	v6 =	vor.u32 v6, v1;
	_ =	sdelay $0x4  }
0x38f: {  	v8 =	vor.u32 v34, v2;
	[tilespmem:v6+s8+$0x0] =	vst.idx.msk $0xffff, v4;
	v6 =	vld [tilespmem:$0x1FEF0];
	_ =	sdelay $0x4  }
0x390: {  	v4 =	vld.idx.msk [tilespmem:v8+s2+$0x0], $0xffff;
	v6 =	vor.u32 v6, v1;
	_ =	sdelay $0x4  }
0x391: {  	v8 =	vor.u32 v36, v2;
	[tilespmem:v6+s8+$0x0] =	vst.idx.msk $0xffff, v4;
	v6 =	vld [tilespmem:$0x1FEE0];
	_ =	sdelay $0x4  }
0x392: {  	v4 =	vld.idx.msk [tilespmem:v8+s2+$0x0], $0xffff;
	v6 =	vor.u32 v6, v1;
	_ =	sdelay $0x4  }
0x393: {  	v8 =	vor.u32 v38, v2;
	[tilespmem:v6+s8+$0x0] =	vst.idx.msk $0xffff, v4;
	v6 =	vld [tilespmem:$0x1FED0];
	_ =	sdelay $0x4  }
0x394: {  	v4 =	vld.idx.msk [tilespmem:v8+s2+$0x0], $0xffff;
	v6 =	vor.u32 v6, v1;
	_ =	sdelay $0x4  }
0x395: {  	v8 =	vor.u32 v45, v2;
	[tilespmem:v6+s8+$0x0] =	vst.idx.msk $0xffff, v4;
	v6 =	vld [tilespmem:$0x1FEC0];
	_ =	sdelay $0x4  }
0x396: {  	v4 =	vld.idx.msk [tilespmem:v8+s2+$0x0], $0xffff;
	v6 =	vor.u32 v6, v1  }
0x397: {  	v8 =	vor.u32 v40, v2;
	_ =	sdelay $0x3  }
0x398: {  	[tilespmem:v6+s8+$0x0] =	vst.idx.msk $0xffff, v4  }
0x399: {  	v6 =	vor.u32 v18, v1;
	v4 =	vld.idx.msk [tilespmem:v8+s2+$0x0], $0xffff  }
0x39a: {  	v8 =	vor.u32 v42, v2;
	_ =	sdelay $0x3  }
0x39b: {  	[tilespmem:v6+s8+$0x0] =	vst.idx.msk $0xffff, v4  }
0x39c: {  	v6 =	vor.u32 v51, v1;
	v4 =	vld.idx.msk [tilespmem:v8+s2+$0x0], $0xffff  }
0x39d: {  	v8 =	vor.u32 v44, v2;
	_ =	sdelay $0x3  }
0x39e: {  	[tilespmem:v6+s8+$0x0] =	vst.idx.msk $0xffff, v4  }
0x39f: {  	v6 =	vor.u32 v16, v1;
	v4 =	vld.idx.msk [tilespmem:v8+s2+$0x0], $0xffff  }
0x3a0: {  	v8 =	vor.u32 v46, v2;
	_ =	sdelay $0x3  }
0x3a1: {  	[tilespmem:v6+s8+$0x0] =	vst.idx.msk $0xffff, v4  }
0x3a2: {  	v6 =	vor.u32 v59, v1;
	v4 =	vld.idx.msk [tilespmem:v8+s2+$0x0], $0xffff  }
0x3a3: {  	v8 =	vor.u32 v41, v2;
	_ =	sdelay $0x3  }
0x3a4: {  	[tilespmem:v6+s8+$0x0] =	vst.idx.msk $0xffff, v4  }
0x3a5: {  	v6 =	vor.u32 v15, v1;
	v4 =	vld.idx.msk [tilespmem:v8+s2+$0x0], $0xffff  }
0x3a6: {  	v8 =	vor.u32 v48, v2;
	_ =	sdelay $0x3  }
0x3a7: {  	[tilespmem:v6+s8+$0x0] =	vst.idx.msk $0xffff, v4  }
0x3a8: {  	v6 =	vor.u32 v25, v1;
	v4 =	vld.idx.msk [tilespmem:v8+s2+$0x0], $0xffff  }
0x3a9: {  	v8 =	vor.u32 v50, v2;
	_ =	sdelay $0x3  }
0x3aa: {  	[tilespmem:v6+s8+$0x0] =	vst.idx.msk $0xffff, v4  }
0x3ab: {  	v6 =	vor.u32 v47, v1;
	v4 =	vld.idx.msk [tilespmem:v8+s2+$0x0], $0xffff  }
0x3ac: {  	v8 =	vor.u32 v52, v2;
	_ =	sdelay $0x3  }
0x3ad: {  	[tilespmem:v6+s8+$0x0] =	vst.idx.msk $0xffff, v4  }
0x3ae: {  	v6 =	vor.u32 v21, v1;
	v4 =	vld.idx.msk [tilespmem:v8+s2+$0x0], $0xffff  }
0x3af: {  	v8 =	vor.u32 v54, v2;
	_ =	sdelay $0x3  }
0x3b0: {  	[tilespmem:v6+s8+$0x0] =	vst.idx.msk $0xffff, v4  }
0x3b1: {  	v6 =	vor.u32 v53, v1;
	v4 =	vld.idx.msk [tilespmem:v8+s2+$0x0], $0xffff  }
0x3b2: {  	v8 =	vor.u32 v56, v2;
	_ =	sdelay $0x3  }
0x3b3: {  	[tilespmem:v6+s8+$0x0] =	vst.idx.msk $0xffff, v4  }
0x3b4: {  	v6 =	vor.u32 v29, v1;
	v4 =	vld.idx.msk [tilespmem:v8+s2+$0x0], $0xffff  }
0x3b5: {  	v8 =	vor.u32 v58, v2;
	_ =	sdelay $0x3  }
0x3b6: {  	[tilespmem:v6+s8+$0x0] =	vst.idx.msk $0xffff, v4  }
0x3b7: {  	v6 =	vor.u32 v35, v1;
	v4 =	vld.idx.msk [tilespmem:v8+s2+$0x0], $0xffff  }
0x3b8: {  	v8 =	vor.u32 v57, v2;
	_ =	sdelay $0x3  }
0x3b9: {  	[tilespmem:v6+s8+$0x0] =	vst.idx.msk $0xffff, v4  }
0x3ba: {  	v6 =	vor.u32 v55, v1;
	v4 =	vld.idx.msk [tilespmem:v8+s2+$0x0], $0xffff  }
0x3bb: {  	v8 =	vor.u32 v60, v2;
	_ =	sdelay $0x3  }
0x3bc: {  	[tilespmem:v6+s8+$0x0] =	vst.idx.msk $0xffff, v4  }
0x3bd: {  	v6 =	vor.u32 v61, v1;
	v4 =	vld.idx.msk [tilespmem:v8+s2+$0x0], $0xffff  }
0x3be: {  	v8 =	vor.u32 v62, v2;
	_ =	sdelay $0x3  }
0x3bf: {  	[tilespmem:v6+s8+$0x0] =	vst.idx.msk $0xffff, v4  }
0x3c0: {  	v6 =	vor.u32 v33, v1;
	v4 =	vld.idx.msk [tilespmem:v8+s2+$0x0], $0xffff  }
0x3c1: {  	p1 =	sne.s32 s10, $0xF;
	v2 =	vor.u32 v49, v2  }
.Ltmp6:
0x3c2: {  	_ = 	snop;
	(pc) =	sbr.rel @p1 .LBB2_10-.Ltmp6, $3  }
0x3c3: {  	_ =	sdelay $0x1  }
0x3c4: {  	[tilespmem:v6+s8+$0x0] =	vst.idx.msk $0xffff, v4  }
0x3c5: {  	v6 =	vadd.s32 s10, v10;
	s10 =	sadd.s32 $0x1, s10;
	v4 =	vld.idx.msk [tilespmem:v2+s2+$0x0], $0xffff  }
0x3c6: {  	v31 =	vld [tilespmem:$0x1FCD0];
	_ =	sdelay $0x4  }
0x3c7: {  	v2 =	vand.u32 $0xF, v6;
	v1 =	vor.u32 v31, v1  }
0x3c8: {  	v8 =	vor.u32 v19, v2  }
0x3c9: {  	v10 =	vshll.u32 v6, $0x2  }
0x3ca: {  	v6 =	vand.u32 $0x7, v6;
	v10 =	vand.u32 $0x20, v10  }
0x3cb: {  	v6 =	vor.u32 v6, v10  }
0x3cc: {  	[tilespmem:v1+s8+$0x0] =	vst.idx.msk $0xffff, v4;
	v1 =	vshll.u32 v6, $0x7;
	v6 =	vlaneseq.u32  }
0x3cd: {  	v4 =	vld.idx.msk [tilespmem:v8+s2+$0x0], $0xffff;
	v6 =	vor.u32 v6, v1  }
0x3ce: {  	v8 =	vor.u32 v20, v2;
	_ =	sdelay $0x3  }
0x3cf: {  	[tilespmem:v6+s8+$0x0] =	vst.idx.msk $0xffff, v4  }
0x3d0: {  	v6 =	vor.u32 v3, v1;
	v4 =	vld.idx.msk [tilespmem:v8+s2+$0x0], $0xffff  }
0x3d1: {  	v8 =	vor.u32 v22, v2;
	_ =	sdelay $0x3  }
0x3d2: {  	[tilespmem:v6+s8+$0x0] =	vst.idx.msk $0xffff, v4  }
0x3d3: {  	v6 =	vor.u32 v17, v1;
	v4 =	vld.idx.msk [tilespmem:v8+s2+$0x0], $0xffff  }
0x3d4: {  	v8 =	vor.u32 v24, v2;
	_ =	sdelay $0x3  }
0x3d5: {  	[tilespmem:v6+s8+$0x0] =	vst.idx.msk $0xffff, v4  }
0x3d6: {  	v6 =	vor.u32 v7, v1;
	v4 =	vld.idx.msk [tilespmem:v8+s2+$0x0], $0xffff  }
0x3d7: {  	v8 =	vor.u32 v12, v2;
	_ =	sdelay $0x3  }
0x3d8: {  	[tilespmem:v6+s8+$0x0] =	vst.idx.msk $0xffff, v4  }
0x3d9: {  	v6 =	vor.u32 v5, v1;
	v4 =	vld.idx.msk [tilespmem:v8+s2+$0x0], $0xffff  }
0x3da: {  	v8 =	vor.u32 v26, v2;
	_ =	sdelay $0x3  }
0x3db: {  	[tilespmem:v6+s8+$0x0] =	vst.idx.msk $0xffff, v4  }
0x3dc: {  	v6 =	vor.u32 v13, v1;
	v4 =	vld.idx.msk [tilespmem:v8+s2+$0x0], $0xffff  }
0x3dd: {  	v8 =	vor.u32 v11, v2;
	_ =	sdelay $0x3  }
0x3de: {  	[tilespmem:v6+s8+$0x0] =	vst.idx.msk $0xffff, v4  }
0x3df: {  	v6 =	vor.u32 v23, v1;
	v4 =	vld.idx.msk [tilespmem:v8+s2+$0x0], $0xffff  }
0x3e0: {  	v8 =	vor.u32 v37, v2;
	_ =	sdelay $0x3  }
0x3e1: {  	[tilespmem:v6+s8+$0x0] =	vst.idx.msk $0xffff, v4  }
0x3e2: {  	v6 =	vor.u32 v0, v1;
	v4 =	vld.idx.msk [tilespmem:v8+s2+$0x0], $0xffff  }
0x3e3: {  	v8 =	vor.u32 v28, v2;
	_ =	sdelay $0x3  }
0x3e4: {  	[tilespmem:v6+s8+$0x0] =	vst.idx.msk $0xffff, v4  }
0x3e5: {  	v6 =	vor.u32 v43, v1;
	v4 =	vld.idx.msk [tilespmem:v8+s2+$0x0], $0xffff  }
0x3e6: {  	v8 =	vor.u32 v39, v2;
	_ =	sdelay $0x3  }
0x3e7: {  	[tilespmem:v6+s8+$0x0] =	vst.idx.msk $0xffff, v4  }
0x3e8: {  	v6 =	vor.u32 v27, v1;
	v4 =	vld.idx.msk [tilespmem:v8+s2+$0x0], $0xffff  }
0x3e9: {  	v8 =	vor.u32 v30, v2;
	_ =	sdelay $0x3  }
0x3ea: {  	[tilespmem:v6+s8+$0x0] =	vst.idx.msk $0xffff, v4  }
0x3eb: {  	v6 =	vor.u32 v14, v1;
	v4 =	vld.idx.msk [tilespmem:v8+s2+$0x0], $0xffff;
	_ =	sdelay $0x4  }
0x3ec: {  	v8 =	vor.u32 v32, v2;
	[tilespmem:v6+s8+$0x0] =	vst.idx.msk $0xffff, v4;
	v6 =	vld [tilespmem:$0x1FF10];
	_ =	sdelay $0x4  }
0x3ed: {  	v4 =	vld.idx.msk [tilespmem:v8+s2+$0x0], $0xffff;
	v6 =	vor.u32 v6, v1  }
0x3ee: {  	[tilespmem:$0x1F8E0] =	vst v9;
	v8 =	vor.u32 v9, v2;
	v9 =	vld [tilespmem:$0x1FF00];
	_ =	sdelay $0x3  }
0x3ef: {  	[tilespmem:v6+s8+$0x0] =	vst.idx.msk $0xffff, v4  }
0x3f0: {  	v6 =	vor.u32 v9, v1;
	v4 =	vld.idx.msk [tilespmem:v8+s2+$0x0], $0xffff;
	_ =	sdelay $0x4  }
0x3f1: {  	v8 =	vor.u32 v34, v2;
	[tilespmem:v6+s8+$0x0] =	vst.idx.msk $0xffff, v4;
	v6 =	vld [tilespmem:$0x1FEF0];
	_ =	sdelay $0x4  }
0x3f2: {  	v4 =	vld.idx.msk [tilespmem:v8+s2+$0x0], $0xffff;
	v6 =	vor.u32 v6, v1;
	_ =	sdelay $0x4  }
0x3f3: {  	v8 =	vor.u32 v36, v2;
	[tilespmem:v6+s8+$0x0] =	vst.idx.msk $0xffff, v4;
	v6 =	vld [tilespmem:$0x1FEE0];
	_ =	sdelay $0x4  }
0x3f4: {  	v4 =	vld.idx.msk [tilespmem:v8+s2+$0x0], $0xffff;
	v6 =	vor.u32 v6, v1;
	_ =	sdelay $0x4  }
0x3f5: {  	v8 =	vor.u32 v38, v2;
	[tilespmem:v6+s8+$0x0] =	vst.idx.msk $0xffff, v4;
	v6 =	vld [tilespmem:$0x1FED0];
	_ =	sdelay $0x4  }
0x3f6: {  	v4 =	vld.idx.msk [tilespmem:v8+s2+$0x0], $0xffff;
	v6 =	vor.u32 v6, v1  }
0x3f7: {  	[tilespmem:$0x1F880] =	vst v11;
	v11 =	vld [tilespmem:$0x1FEC0];
	v8 =	vor.u32 v45, v2;
	_ =	sdelay $0x3  }
0x3f8: {  	[tilespmem:v6+s8+$0x0] =	vst.idx.msk $0xffff, v4  }
0x3f9: {  	v6 =	vor.u32 v11, v1;
	v4 =	vld.idx.msk [tilespmem:v8+s2+$0x0], $0xffff  }
0x3fa: {  	v8 =	vor.u32 v40, v2;
	_ =	sdelay $0x3  }
0x3fb: {  	[tilespmem:v6+s8+$0x0] =	vst.idx.msk $0xffff, v4  }
0x3fc: {  	v6 =	vor.u32 v18, v1;
	v4 =	vld.idx.msk [tilespmem:v8+s2+$0x0], $0xffff  }
0x3fd: {  	v8 =	vor.u32 v42, v2;
	_ =	sdelay $0x3  }
0x3fe: {  	[tilespmem:v6+s8+$0x0] =	vst.idx.msk $0xffff, v4  }
0x3ff: {  	v6 =	vor.u32 v51, v1;
	v4 =	vld.idx.msk [tilespmem:v8+s2+$0x0], $0xffff  }
0x400: {  	v8 =	vor.u32 v44, v2;
	_ =	sdelay $0x3  }
0x401: {  	[tilespmem:v6+s8+$0x0] =	vst.idx.msk $0xffff, v4  }
0x402: {  	v6 =	vor.u32 v16, v1;
	v4 =	vld.idx.msk [tilespmem:v8+s2+$0x0], $0xffff  }
0x403: {  	v8 =	vor.u32 v46, v2;
	_ =	sdelay $0x3  }
0x404: {  	[tilespmem:v6+s8+$0x0] =	vst.idx.msk $0xffff, v4  }
0x405: {  	v6 =	vor.u32 v59, v1;
	v4 =	vld.idx.msk [tilespmem:v8+s2+$0x0], $0xffff  }
0x406: {  	v8 =	vor.u32 v41, v2;
	_ =	sdelay $0x3  }
0x407: {  	[tilespmem:v6+s8+$0x0] =	vst.idx.msk $0xffff, v4  }
0x408: {  	v6 =	vor.u32 v15, v1;
	v4 =	vld.idx.msk [tilespmem:v8+s2+$0x0], $0xffff  }
0x409: {  	v8 =	vor.u32 v48, v2;
	_ =	sdelay $0x3  }
0x40a: {  	[tilespmem:v6+s8+$0x0] =	vst.idx.msk $0xffff, v4  }
0x40b: {  	v6 =	vor.u32 v25, v1;
	v4 =	vld.idx.msk [tilespmem:v8+s2+$0x0], $0xffff  }
0x40c: {  	v8 =	vor.u32 v50, v2;
	_ =	sdelay $0x3  }
0x40d: {  	[tilespmem:v6+s8+$0x0] =	vst.idx.msk $0xffff, v4  }
0x40e: {  	v6 =	vor.u32 v47, v1;
	v4 =	vld.idx.msk [tilespmem:v8+s2+$0x0], $0xffff  }
0x40f: {  	v8 =	vor.u32 v52, v2;
	_ =	sdelay $0x3  }
0x410: {  	[tilespmem:v6+s8+$0x0] =	vst.idx.msk $0xffff, v4  }
0x411: {  	v6 =	vor.u32 v21, v1;
	v4 =	vld.idx.msk [tilespmem:v8+s2+$0x0], $0xffff  }
0x412: {  	v8 =	vor.u32 v54, v2;
	_ =	sdelay $0x3  }
0x413: {  	[tilespmem:v6+s8+$0x0] =	vst.idx.msk $0xffff, v4  }
0x414: {  	v6 =	vor.u32 v53, v1;
	v4 =	vld.idx.msk [tilespmem:v8+s2+$0x0], $0xffff  }
0x415: {  	v8 =	vor.u32 v56, v2;
	_ =	sdelay $0x3  }
0x416: {  	[tilespmem:v6+s8+$0x0] =	vst.idx.msk $0xffff, v4  }
0x417: {  	v6 =	vor.u32 v29, v1;
	v4 =	vld.idx.msk [tilespmem:v8+s2+$0x0], $0xffff  }
0x418: {  	v8 =	vor.u32 v58, v2  }
0x419: {  	[tilespmem:$0x1F830] =	vst v19  }
0x41a: {  	[tilespmem:$0x1F840] =	vst v20  }
0x41b: {  	[tilespmem:$0x1F850] =	vst v22  }
0x41c: {  	[tilespmem:v6+s8+$0x0] =	vst.idx.msk $0xffff, v4  }
0x41d: {  	[tilespmem:$0x1F860] =	vst v24;
	v6 =	vor.u32 v35, v1;
	v4 =	vld.idx.msk [tilespmem:v8+s2+$0x0], $0xffff  }
0x41e: {  	[tilespmem:$0x1F870] =	vst v12;
	v8 =	vor.u32 v57, v2  }
0x41f: {  	[tilespmem:$0x1F890] =	vst v37  }
0x420: {  	[tilespmem:$0x1F8A0] =	vst v28  }
0x421: {  	[tilespmem:$0x1F8B0] =	vst v39  }
0x422: {  	[tilespmem:v6+s8+$0x0] =	vst.idx.msk $0xffff, v4  }
0x423: {  	[tilespmem:$0x1F8C0] =	vst v30;
	v6 =	vor.u32 v55, v1;
	v4 =	vld.idx.msk [tilespmem:v8+s2+$0x0], $0xffff  }
0x424: {  	[tilespmem:$0x1F8D0] =	vst v32;
	v8 =	vor.u32 v60, v2  }
0x425: {  	[tilespmem:$0x1F8F0] =	vst v34  }
0x426: {  	[tilespmem:$0x1F900] =	vst v36  }
0x427: {  	[tilespmem:$0x1F910] =	vst v38  }
0x428: {  	[tilespmem:v6+s8+$0x0] =	vst.idx.msk $0xffff, v4  }
0x429: {  	[tilespmem:$0x1F920] =	vst v45;
	v6 =	vor.u32 v61, v1;
	v4 =	vld.idx.msk [tilespmem:v8+s2+$0x0], $0xffff  }
0x42a: {  	[tilespmem:$0x1F930] =	vst v40;
	v8 =	vor.u32 v62, v2  }
0x42b: {  	[tilespmem:$0x1F940] =	vst v42  }
0x42c: {  	[tilespmem:$0x1F950] =	vst v44  }
0x42d: {  	[tilespmem:$0x1F960] =	vst v46  }
0x42e: {  	[tilespmem:v6+s8+$0x0] =	vst.idx.msk $0xffff, v4  }
0x42f: {  	[tilespmem:$0x1F970] =	vst v41;
	v6 =	vor.u32 v33, v1;
	v4 =	vld.idx.msk [tilespmem:v8+s2+$0x0], $0xffff  }
0x430: {  	[tilespmem:$0x1F980] =	vst v48;
	v2 =	vor.u32 v49, v2  }
0x431: {  	[tilespmem:$0x1F990] =	vst v50  }
0x432: {  	[tilespmem:$0x1F9A0] =	vst v52  }
0x433: {  	[tilespmem:$0x1F9B0] =	vst v54  }
0x434: {  	[tilespmem:v6+s8+$0x0] =	vst.idx.msk $0xffff, v4  }
0x435: {  	[tilespmem:$0x1F9C0] =	vst v56;
	v1 =	vor.u32 v31, v1;
	v2 =	vld.idx.msk [tilespmem:v2+s2+$0x0], $0xffff  }
0x436: {  	[tilespmem:$0x1F9D0] =	vst v58  }
0x437: {  	[tilespmem:$0x1F9E0] =	vst v57  }
0x438: {  	[tilespmem:$0x1F9F0] =	vst v60  }
0x439: {  	[tilespmem:$0x1FA00] =	vst v62  }
0x43a: {  	s6 =	sadd.s32 s9, s14;
	s10 =	simm.s32 $0x0;
	[tilespmem:v1+s8+$0x0] =	vst.idx.msk $0xffff, v2  }
0x43b: {  	[hbm4b:s6+s10] =	stream.linear.scatter [tilespmem:s8], [sflag:$0x5], $0x1000, $0x38;
	[tilespmem:$0x14400] =	vst v63  }
0x43c: {  	[tilespmem:$0x1FA10] =	vst v49;
	s11 =	sadd.s32 s9, s15  }
0x43d: {  	[hbm4b:s11+s10] =	stream.linear.scatter [tilespmem:s25], [sflag:$0x5], $0x1000, $0x38;
	[tilespmem:$0x14400] =	vst v63  }
0x43e: {  	_ =	swait.ge [sflag:s29], $0x1000  }
0x43f: {  	v12 =	vld [tilespmem:$0x1FCE0];
	_ =	sdelay $0x2  }
0x440: {  	v8 =	vlaneseq.u32  }
0x441: {  	v1 =	vadd.s32 s10, v8  }
0x442: {  	v45 =	vmov v16;
	v4 =	vand.u32 $0xF, v1;
	v16 =	vor.u32 $0x30, v12  }
0x443: {  	[sflag:s29] =	ssyncset.done $0x0;
	v6 =	vor.u32 v16, v4  }
0x444: {  	v2 =	vshll.u32 v1, $0x2;
	[sflag:s29] =	ssyncadd.s32 $0xFFFFF000  }
0x445: {  	v1 =	vand.u32 $0x7, v1;
	v2 =	vand.u32 $0x20, v2;
	_ =	swait.ge [sflag:s29], $0x1000  }
0x446: {  	v1 =	vor.u32 v1, v2;
	[sflag:s29] =	ssyncset.done $0x0  }
0x447: {  	v2 =	vshll.u32 v1, $0x7;
	[sflag:s29] =	ssyncadd.s32 $0xFFFFF000  }
0x448: {  	v31 =	vor.u32 $0x2030, v12;
	v1 =	vld.idx.msk [tilespmem:v6+s2+$0x0], $0xffff;
	v6 =	vor.u32 v8, v2  }
0x449: {  	v8 =	vor.u32 v31, v4;
	_ =	sdelay $0x3  }
0x44a: {  	[tilespmem:v6+s7+$0x0] =	vst.idx.msk $0xffff, v1  }
0x44b: {  	v20 =	vor.u32 $0x4030, v12;
	v6 =	vor.u32 v3, v2;
	v1 =	vld.idx.msk [tilespmem:v8+s2+$0x0], $0xffff  }
0x44c: {  	v8 =	vor.u32 v20, v4;
	_ =	sdelay $0x3  }
0x44d: {  	[tilespmem:v6+s7+$0x0] =	vst.idx.msk $0xffff, v1  }
0x44e: {  	v22 =	vor.u32 $0x6030, v12;
	v6 =	vor.u32 v17, v2;
	v1 =	vld.idx.msk [tilespmem:v8+s2+$0x0], $0xffff  }
0x44f: {  	v8 =	vor.u32 v22, v4;
	_ =	sdelay $0x3  }
0x450: {  	[tilespmem:v6+s7+$0x0] =	vst.idx.msk $0xffff, v1  }
0x451: {  	v24 =	vor.u32 $0x430, v12;
	v6 =	vor.u32 v7, v2;
	v1 =	vld.idx.msk [tilespmem:v8+s2+$0x0], $0xffff  }
0x452: {  	v8 =	vor.u32 v24, v4;
	_ =	sdelay $0x3  }
0x453: {  	[tilespmem:v6+s7+$0x0] =	vst.idx.msk $0xffff, v1  }
0x454: {  	v6 =	vor.u32 v5, v2;
	v1 =	vld.idx.msk [tilespmem:v8+s2+$0x0], $0xffff;
	_ =	sdelay $0x3  }
0x455: {  	v26 =	vor.u32 $0x2430, v12  }
0x456: {  	v8 =	vor.u32 v26, v4;
	[tilespmem:v6+s7+$0x0] =	vst.idx.msk $0xffff, v1;
	v6 =	vld [tilespmem:$0x1FF70];
	_ =	sdelay $0x4  }
0x457: {  	v1 =	vld.idx.msk [tilespmem:v8+s2+$0x0], $0xffff;
	v6 =	vor.u32 v6, v2;
	_ =	sdelay $0x3  }
0x458: {  	v28 =	vor.u32 $0x4430, v12  }
0x459: {  	v8 =	vor.u32 v28, v4;
	[tilespmem:v6+s7+$0x0] =	vst.idx.msk $0xffff, v1;
	v6 =	vld [tilespmem:$0x1FF60];
	_ =	sdelay $0x4  }
0x45a: {  	v30 =	vor.u32 $0x6430, v12;
	v1 =	vld.idx.msk [tilespmem:v8+s2+$0x0], $0xffff;
	v6 =	vor.u32 v6, v2  }
0x45b: {  	v8 =	vor.u32 v30, v4;
	_ =	sdelay $0x3  }
0x45c: {  	[tilespmem:v6+s7+$0x0] =	vst.idx.msk $0xffff, v1  }
0x45d: {  	v32 =	vor.u32 $0x830, v12;
	v6 =	vor.u32 v0, v2;
	v1 =	vld.idx.msk [tilespmem:v8+s2+$0x0], $0xffff  }
0x45e: {  	v8 =	vor.u32 v32, v4;
	_ =	sdelay $0x3  }
0x45f: {  	[tilespmem:v6+s7+$0x0] =	vst.idx.msk $0xffff, v1  }
0x460: {  	v34 =	vor.u32 $0x2830, v12;
	v6 =	vor.u32 v43, v2;
	v1 =	vld.idx.msk [tilespmem:v8+s2+$0x0], $0xffff  }
0x461: {  	v8 =	vor.u32 v34, v4;
	_ =	sdelay $0x3  }
0x462: {  	[tilespmem:v6+s7+$0x0] =	vst.idx.msk $0xffff, v1  }
0x463: {  	v36 =	vor.u32 $0x4830, v12;
	v6 =	vor.u32 v27, v2;
	v1 =	vld.idx.msk [tilespmem:v8+s2+$0x0], $0xffff  }
0x464: {  	v8 =	vor.u32 v36, v4;
	_ =	sdelay $0x3  }
0x465: {  	[tilespmem:v6+s7+$0x0] =	vst.idx.msk $0xffff, v1  }
0x466: {  	v6 =	vor.u32 v14, v2;
	v1 =	vld.idx.msk [tilespmem:v8+s2+$0x0], $0xffff;
	_ =	sdelay $0x3  }
0x467: {  	v38 =	vor.u32 $0x6830, v12  }
0x468: {  	v8 =	vor.u32 v38, v4;
	[tilespmem:v6+s7+$0x0] =	vst.idx.msk $0xffff, v1;
	v6 =	vld [tilespmem:$0x1FF10];
	_ =	sdelay $0x4  }
0x469: {  	v40 =	vor.u32 $0xC30, v12;
	v1 =	vld.idx.msk [tilespmem:v8+s2+$0x0], $0xffff;
	v6 =	vor.u32 v6, v2  }
0x46a: {  	v8 =	vor.u32 v40, v4;
	_ =	sdelay $0x3  }
0x46b: {  	[tilespmem:v6+s7+$0x0] =	vst.idx.msk $0xffff, v1  }
0x46c: {  	v6 =	vor.u32 v9, v2;
	v1 =	vld.idx.msk [tilespmem:v8+s2+$0x0], $0xffff;
	_ =	sdelay $0x3  }
0x46d: {  	v42 =	vor.u32 $0x2C30, v12  }
0x46e: {  	v8 =	vor.u32 v42, v4;
	[tilespmem:v6+s7+$0x0] =	vst.idx.msk $0xffff, v1;
	v6 =	vld [tilespmem:$0x1FEF0];
	_ =	sdelay $0x4  }
0x46f: {  	v1 =	vld.idx.msk [tilespmem:v8+s2+$0x0], $0xffff;
	v6 =	vor.u32 v6, v2;
	_ =	sdelay $0x3  }
0x470: {  	v44 =	vor.u32 $0x4C30, v12  }
0x471: {  	v8 =	vor.u32 v44, v4;
	[tilespmem:v6+s7+$0x0] =	vst.idx.msk $0xffff, v1;
	v6 =	vld [tilespmem:$0x1FEE0];
	_ =	sdelay $0x4  }
0x472: {  	v1 =	vld.idx.msk [tilespmem:v8+s2+$0x0], $0xffff;
	v6 =	vor.u32 v6, v2;
	_ =	sdelay $0x3  }
0x473: {  	v46 =	vor.u32 $0x6C30, v12  }
0x474: {  	v8 =	vor.u32 v46, v4;
	[tilespmem:v6+s7+$0x0] =	vst.idx.msk $0xffff, v1;
	v6 =	vld [tilespmem:$0x1FED0];
	_ =	sdelay $0x4  }
0x475: {  	v48 =	vor.u32 $0x1030, v12;
	v1 =	vld.idx.msk [tilespmem:v8+s2+$0x0], $0xffff;
	v6 =	vor.u32 v6, v2  }
0x476: {  	v8 =	vor.u32 v48, v4;
	_ =	sdelay $0x3  }
0x477: {  	[tilespmem:v6+s7+$0x0] =	vst.idx.msk $0xffff, v1  }
0x478: {  	v50 =	vor.u32 $0x3030, v12;
	v6 =	vor.u32 v11, v2;
	v1 =	vld.idx.msk [tilespmem:v8+s2+$0x0], $0xffff  }
0x479: {  	v8 =	vor.u32 v50, v4;
	_ =	sdelay $0x3  }
0x47a: {  	[tilespmem:v6+s7+$0x0] =	vst.idx.msk $0xffff, v1  }
0x47b: {  	v52 =	vor.u32 $0x5030, v12;
	v6 =	vor.u32 v18, v2;
	v1 =	vld.idx.msk [tilespmem:v8+s2+$0x0], $0xffff  }
0x47c: {  	v8 =	vor.u32 v52, v4;
	_ =	sdelay $0x3  }
0x47d: {  	[tilespmem:v6+s7+$0x0] =	vst.idx.msk $0xffff, v1  }
0x47e: {  	v54 =	vor.u32 $0x7030, v12;
	v6 =	vor.u32 v51, v2;
	v1 =	vld.idx.msk [tilespmem:v8+s2+$0x0], $0xffff  }
0x47f: {  	v8 =	vor.u32 v54, v4;
	_ =	sdelay $0x3  }
0x480: {  	[tilespmem:v6+s7+$0x0] =	vst.idx.msk $0xffff, v1  }
0x481: {  	v56 =	vor.u32 $0x1430, v12;
	v6 =	vor.u32 v45, v2;
	v1 =	vld.idx.msk [tilespmem:v8+s2+$0x0], $0xffff  }
0x482: {  	v8 =	vor.u32 v56, v4;
	_ =	sdelay $0x3  }
0x483: {  	[tilespmem:v6+s7+$0x0] =	vst.idx.msk $0xffff, v1  }
0x484: {  	v58 =	vor.u32 $0x3430, v12;
	v6 =	vor.u32 v59, v2;
	v1 =	vld.idx.msk [tilespmem:v8+s2+$0x0], $0xffff  }
0x485: {  	v8 =	vor.u32 v58, v4;
	_ =	sdelay $0x3  }
0x486: {  	[tilespmem:v6+s7+$0x0] =	vst.idx.msk $0xffff, v1  }
0x487: {  	v60 =	vor.u32 $0x5430, v12;
	v6 =	vor.u32 v15, v2;
	v1 =	vld.idx.msk [tilespmem:v8+s2+$0x0], $0xffff  }
0x488: {  	v8 =	vor.u32 v60, v4;
	_ =	sdelay $0x3  }
0x489: {  	[tilespmem:v6+s7+$0x0] =	vst.idx.msk $0xffff, v1  }
0x48a: {  	v62 =	vor.u32 $0x7430, v12;
	v6 =	vor.u32 v25, v2;
	v1 =	vld.idx.msk [tilespmem:v8+s2+$0x0], $0xffff  }
0x48b: {  	v8 =	vor.u32 v62, v4;
	_ =	sdelay $0x3  }
0x48c: {  	[tilespmem:v6+s7+$0x0] =	vst.idx.msk $0xffff, v1  }
0x48d: {  	v6 =	vor.u32 v47, v2;
	v1 =	vor.u32 $0x1830, v12;
	v10 =	vld.idx.msk [tilespmem:v8+s2+$0x0], $0xffff  }
0x48e: {  	v8 =	vor.u32 v1, v4;
	_ =	sdelay $0x3  }
0x48f: {  	[tilespmem:v6+s7+$0x0] =	vst.idx.msk $0xffff, v10  }
0x490: {  	v37 =	vmov v18;
	v18 =	vor.u32 $0x3830, v12;
	v6 =	vor.u32 v21, v2;
	v10 =	vld.idx.msk [tilespmem:v8+s2+$0x0], $0xffff  }
0x491: {  	v8 =	vor.u32 v18, v4;
	_ =	sdelay $0x3  }
0x492: {  	[tilespmem:v6+s7+$0x0] =	vst.idx.msk $0xffff, v10  }
0x493: {  	v57 =	vmov v45;
	v45 =	vor.u32 $0x5830, v12;
	v6 =	vor.u32 v53, v2;
	v10 =	vld.idx.msk [tilespmem:v8+s2+$0x0], $0xffff  }
0x494: {  	v8 =	vor.u32 v45, v4;
	_ =	sdelay $0x3  }
0x495: {  	v41 =	vmov v21;
	[tilespmem:v6+s7+$0x0] =	vst.idx.msk $0xffff, v10  }
0x496: {  	v63 =	vmovc v35;
	v35 =	vmov v41;
	v41 =	vor.u32 $0x7830, v12;
	v6 =	vor.u32 v29, v2;
	v10 =	vld.idx.msk [tilespmem:v8+s2+$0x0], $0xffff  }
0x497: {  	v8 =	vor.u32 v41, v4;
	_ =	sdelay $0x3  }
0x498: {  	[tilespmem:v6+s7+$0x0] =	vst.idx.msk $0xffff, v10  }
0x499: {  	v29 =	vmov v47;
	v47 =	vor.u32 $0x1C30, v12;
	v6 =	vor.u32 v63, v2;
	v10 =	vld.idx.msk [tilespmem:v8+s2+$0x0], $0xffff  }
0x49a: {  	v8 =	vor.u32 v47, v4;
	_ =	sdelay $0x3  }
0x49b: {  	[tilespmem:v6+s7+$0x0] =	vst.idx.msk $0xffff, v10  }
0x49c: {  	v39 =	vmov v43;
	v43 =	vor.u32 $0x3C30, v12;
	v6 =	vor.u32 v55, v2;
	v10 =	vld.idx.msk [tilespmem:v8+s2+$0x0], $0xffff  }
0x49d: {  	v8 =	vor.u32 v43, v4;
	_ =	sdelay $0x3  }
0x49e: {  	[tilespmem:v6+s7+$0x0] =	vst.idx.msk $0xffff, v10  }
0x49f: {  	v19 =	vmov v14;
	v14 =	vor.u32 $0x5C30, v12;
	v6 =	vor.u32 v61, v2;
	v10 =	vld.idx.msk [tilespmem:v8+s2+$0x0], $0xffff  }
0x4a0: {  	v8 =	vor.u32 v14, v4;
	_ =	sdelay $0x3  }
0x4a1: {  	[tilespmem:v6+s7+$0x0] =	vst.idx.msk $0xffff, v10  }
0x4a2: {  	v63 =	vmov v61;
	v61 =	vor.u32 $0x7C30, v12;
	v6 =	vld.idx.msk [tilespmem:v8+s2+$0x0], $0xffff;
	v8 =	vor.u32 v33, v2  }
0x4a3: {  	v4 =	vor.u32 v61, v4;
	_ =	sdelay $0x1  }
0x4a4: {  	v49 =	vlaneseq.u32;
	_ =	sdelay $0x1  }
0x4a5: {  	s13 =	simm.s32 $0x1;
	v11 =	vmov v15;
	[tilespmem:v8+s7+$0x0] =	vst.idx.msk $0xffff, v6  }
0x4a6: {  	s10 =	simm.s32 $0x2;
	v21 =	vmovc v25;
	v25 =	vmovc v33;
	v15 =	vmov v29;
	v8 =	vadd.s32 s13, v49;
	v49 =	vmov v57;
	v6 =	vld.idx.msk [tilespmem:v4+s2+$0x0], $0xffff  }
.LBB2_12:
0x4a7: {  	v9 =	vld [tilespmem:$0x1FCD0];
	_ =	sdelay $0x4  }
0x4a8: {  	v4 =	vand.u32 $0xF, v8;
	v2 =	vor.u32 v9, v2  }
0x4a9: {  	v10 =	vor.u32 v16, v4  }
0x4aa: {  	v12 =	vshll.u32 v8, $0x2  }
0x4ab: {  	v8 =	vand.u32 $0x7, v8;
	v12 =	vand.u32 $0x20, v12  }
0x4ac: {  	v8 =	vor.u32 v8, v12  }
0x4ad: {  	v9 =	vlaneseq.u32;
	[tilespmem:v2+s7+$0x0] =	vst.idx.msk $0xffff, v6;
	v2 =	vshll.u32 v8, $0x7  }
0x4ae: {  	v6 =	vld.idx.msk [tilespmem:v10+s2+$0x0], $0xffff;
	v8 =	vor.u32 v9, v2  }
0x4af: {  	v10 =	vor.u32 v31, v4;
	_ =	sdelay $0x3  }
0x4b0: {  	[tilespmem:v8+s7+$0x0] =	vst.idx.msk $0xffff, v6  }
0x4b1: {  	v8 =	vor.u32 v3, v2;
	v6 =	vld.idx.msk [tilespmem:v10+s2+$0x0], $0xffff  }
0x4b2: {  	v10 =	vor.u32 v20, v4;
	_ =	sdelay $0x3  }
0x4b3: {  	[tilespmem:v8+s7+$0x0] =	vst.idx.msk $0xffff, v6  }
0x4b4: {  	v8 =	vor.u32 v17, v2;
	v6 =	vld.idx.msk [tilespmem:v10+s2+$0x0], $0xffff  }
0x4b5: {  	v10 =	vor.u32 v22, v4;
	_ =	sdelay $0x3  }
0x4b6: {  	[tilespmem:v8+s7+$0x0] =	vst.idx.msk $0xffff, v6  }
0x4b7: {  	v8 =	vor.u32 v7, v2;
	v6 =	vld.idx.msk [tilespmem:v10+s2+$0x0], $0xffff  }
0x4b8: {  	v10 =	vor.u32 v24, v4;
	_ =	sdelay $0x3  }
0x4b9: {  	[tilespmem:v8+s7+$0x0] =	vst.idx.msk $0xffff, v6  }
0x4ba: {  	v8 =	vor.u32 v5, v2;
	v6 =	vld.idx.msk [tilespmem:v10+s2+$0x0], $0xffff  }
0x4bb: {  	v10 =	vor.u32 v26, v4;
	_ =	sdelay $0x3  }
0x4bc: {  	[tilespmem:v8+s7+$0x0] =	vst.idx.msk $0xffff, v6  }
0x4bd: {  	v8 =	vor.u32 v13, v2;
	v6 =	vld.idx.msk [tilespmem:v10+s2+$0x0], $0xffff  }
0x4be: {  	v10 =	vor.u32 v28, v4;
	_ =	sdelay $0x3  }
0x4bf: {  	[tilespmem:v8+s7+$0x0] =	vst.idx.msk $0xffff, v6  }
0x4c0: {  	v8 =	vor.u32 v23, v2;
	v6 =	vld.idx.msk [tilespmem:v10+s2+$0x0], $0xffff  }
0x4c1: {  	v10 =	vor.u32 v30, v4;
	_ =	sdelay $0x3  }
0x4c2: {  	[tilespmem:v8+s7+$0x0] =	vst.idx.msk $0xffff, v6  }
0x4c3: {  	v8 =	vor.u32 v0, v2;
	v6 =	vld.idx.msk [tilespmem:v10+s2+$0x0], $0xffff  }
0x4c4: {  	v10 =	vor.u32 v32, v4;
	_ =	sdelay $0x3  }
0x4c5: {  	[tilespmem:v8+s7+$0x0] =	vst.idx.msk $0xffff, v6  }
0x4c6: {  	v8 =	vor.u32 v39, v2;
	v6 =	vld.idx.msk [tilespmem:v10+s2+$0x0], $0xffff  }
0x4c7: {  	v10 =	vor.u32 v34, v4;
	_ =	sdelay $0x3  }
0x4c8: {  	[tilespmem:v8+s7+$0x0] =	vst.idx.msk $0xffff, v6  }
0x4c9: {  	v8 =	vor.u32 v27, v2;
	v6 =	vld.idx.msk [tilespmem:v10+s2+$0x0], $0xffff  }
0x4ca: {  	v10 =	vor.u32 v36, v4;
	_ =	sdelay $0x3  }
0x4cb: {  	[tilespmem:v8+s7+$0x0] =	vst.idx.msk $0xffff, v6  }
0x4cc: {  	v8 =	vor.u32 v19, v2;
	v6 =	vld.idx.msk [tilespmem:v10+s2+$0x0], $0xffff;
	_ =	sdelay $0x4  }
0x4cd: {  	v10 =	vor.u32 v38, v4;
	[tilespmem:v8+s7+$0x0] =	vst.idx.msk $0xffff, v6;
	v8 =	vld [tilespmem:$0x1FF10];
	_ =	sdelay $0x4  }
0x4ce: {  	v6 =	vld.idx.msk [tilespmem:v10+s2+$0x0], $0xffff;
	v8 =	vor.u32 v8, v2;
	_ =	sdelay $0x4  }
0x4cf: {  	v10 =	vor.u32 v40, v4;
	[tilespmem:v8+s7+$0x0] =	vst.idx.msk $0xffff, v6;
	v8 =	vld [tilespmem:$0x1FF00];
	_ =	sdelay $0x4  }
0x4d0: {  	v6 =	vld.idx.msk [tilespmem:v10+s2+$0x0], $0xffff;
	v8 =	vor.u32 v8, v2;
	_ =	sdelay $0x4  }
0x4d1: {  	v10 =	vor.u32 v42, v4;
	[tilespmem:v8+s7+$0x0] =	vst.idx.msk $0xffff, v6;
	v8 =	vld [tilespmem:$0x1FEF0];
	_ =	sdelay $0x4  }
0x4d2: {  	v6 =	vld.idx.msk [tilespmem:v10+s2+$0x0], $0xffff;
	v8 =	vor.u32 v8, v2;
	_ =	sdelay $0x4  }
0x4d3: {  	v10 =	vor.u32 v44, v4;
	[tilespmem:v8+s7+$0x0] =	vst.idx.msk $0xffff, v6;
	v8 =	vld [tilespmem:$0x1FEE0];
	_ =	sdelay $0x4  }
0x4d4: {  	v6 =	vld.idx.msk [tilespmem:v10+s2+$0x0], $0xffff;
	v8 =	vor.u32 v8, v2;
	_ =	sdelay $0x4  }
0x4d5: {  	v10 =	vor.u32 v46, v4;
	[tilespmem:v8+s7+$0x0] =	vst.idx.msk $0xffff, v6;
	v8 =	vld [tilespmem:$0x1FED0];
	_ =	sdelay $0x4  }
0x4d6: {  	v6 =	vld.idx.msk [tilespmem:v10+s2+$0x0], $0xffff;
	v8 =	vor.u32 v8, v2;
	_ =	sdelay $0x4  }
0x4d7: {  	v10 =	vor.u32 v48, v4;
	[tilespmem:v8+s7+$0x0] =	vst.idx.msk $0xffff, v6;
	v8 =	vld [tilespmem:$0x1FEC0];
	_ =	sdelay $0x4  }
0x4d8: {  	v6 =	vld.idx.msk [tilespmem:v10+s2+$0x0], $0xffff;
	v8 =	vor.u32 v8, v2  }
0x4d9: {  	v10 =	vor.u32 v50, v4;
	_ =	sdelay $0x3  }
0x4da: {  	[tilespmem:v8+s7+$0x0] =	vst.idx.msk $0xffff, v6  }
0x4db: {  	v8 =	vor.u32 v37, v2;
	v6 =	vld.idx.msk [tilespmem:v10+s2+$0x0], $0xffff  }
0x4dc: {  	v10 =	vor.u32 v52, v4;
	_ =	sdelay $0x3  }
0x4dd: {  	[tilespmem:v8+s7+$0x0] =	vst.idx.msk $0xffff, v6  }
0x4de: {  	v8 =	vor.u32 v51, v2;
	v6 =	vld.idx.msk [tilespmem:v10+s2+$0x0], $0xffff  }
0x4df: {  	v10 =	vor.u32 v54, v4;
	_ =	sdelay $0x3  }
0x4e0: {  	[tilespmem:v8+s7+$0x0] =	vst.idx.msk $0xffff, v6  }
0x4e1: {  	v8 =	vor.u32 v49, v2;
	v6 =	vld.idx.msk [tilespmem:v10+s2+$0x0], $0xffff  }
0x4e2: {  	v10 =	vor.u32 v56, v4;
	_ =	sdelay $0x3  }
0x4e3: {  	[tilespmem:v8+s7+$0x0] =	vst.idx.msk $0xffff, v6  }
0x4e4: {  	v8 =	vor.u32 v59, v2;
	v6 =	vld.idx.msk [tilespmem:v10+s2+$0x0], $0xffff  }
0x4e5: {  	v10 =	vor.u32 v58, v4;
	_ =	sdelay $0x3  }
0x4e6: {  	[tilespmem:v8+s7+$0x0] =	vst.idx.msk $0xffff, v6  }
0x4e7: {  	v8 =	vor.u32 v11, v2;
	v6 =	vld.idx.msk [tilespmem:v10+s2+$0x0], $0xffff  }
0x4e8: {  	v10 =	vor.u32 v60, v4;
	_ =	sdelay $0x3  }
0x4e9: {  	[tilespmem:v8+s7+$0x0] =	vst.idx.msk $0xffff, v6  }
0x4ea: {  	v8 =	vor.u32 v21, v2;
	v6 =	vld.idx.msk [tilespmem:v10+s2+$0x0], $0xffff  }
0x4eb: {  	v10 =	vor.u32 v62, v4;
	_ =	sdelay $0x3  }
0x4ec: {  	[tilespmem:v8+s7+$0x0] =	vst.idx.msk $0xffff, v6  }
0x4ed: {  	v8 =	vor.u32 v15, v2;
	v6 =	vld.idx.msk [tilespmem:v10+s2+$0x0], $0xffff  }
0x4ee: {  	v10 =	vor.u32 v1, v4;
	_ =	sdelay $0x3  }
0x4ef: {  	[tilespmem:v8+s7+$0x0] =	vst.idx.msk $0xffff, v6  }
0x4f0: {  	v8 =	vor.u32 v35, v2;
	v6 =	vld.idx.msk [tilespmem:v10+s2+$0x0], $0xffff;
	_ =	sdelay $0x4  }
0x4f1: {  	v10 =	vor.u32 v18, v4;
	[tilespmem:v8+s7+$0x0] =	vst.idx.msk $0xffff, v6;
	v8 =	vld [tilespmem:$0x1FEB0];
	_ =	sdelay $0x4  }
0x4f2: {  	v6 =	vld.idx.msk [tilespmem:v10+s2+$0x0], $0xffff;
	v8 =	vor.u32 v8, v2;
	_ =	sdelay $0x4  }
0x4f3: {  	v10 =	vor.u32 v45, v4;
	[tilespmem:v8+s7+$0x0] =	vst.idx.msk $0xffff, v6;
	v8 =	vld [tilespmem:$0x1FCB0];
	_ =	sdelay $0x4  }
0x4f4: {  	v6 =	vld.idx.msk [tilespmem:v10+s2+$0x0], $0xffff;
	v8 =	vor.u32 v8, v2;
	_ =	sdelay $0x4  }
0x4f5: {  	v10 =	vor.u32 v41, v4;
	[tilespmem:v8+s7+$0x0] =	vst.idx.msk $0xffff, v6;
	v8 =	vld [tilespmem:$0x1FCC0];
	_ =	sdelay $0x4  }
0x4f6: {  	v6 =	vld.idx.msk [tilespmem:v10+s2+$0x0], $0xffff;
	v8 =	vor.u32 v8, v2;
	_ =	sdelay $0x4  }
0x4f7: {  	v10 =	vor.u32 v47, v4;
	[tilespmem:v8+s7+$0x0] =	vst.idx.msk $0xffff, v6;
	v8 =	vld [tilespmem:$0x1FF30];
	_ =	sdelay $0x4  }
0x4f8: {  	v6 =	vld.idx.msk [tilespmem:v10+s2+$0x0], $0xffff;
	v8 =	vor.u32 v8, v2  }
0x4f9: {  	v10 =	vor.u32 v43, v4;
	_ =	sdelay $0x3  }
0x4fa: {  	[tilespmem:v8+s7+$0x0] =	vst.idx.msk $0xffff, v6  }
0x4fb: {  	v8 =	vor.u32 v63, v2;
	v6 =	vld.idx.msk [tilespmem:v10+s2+$0x0], $0xffff  }
0x4fc: {  	v10 =	vor.u32 v14, v4;
	_ =	sdelay $0x3  }
0x4fd: {  	[tilespmem:v8+s7+$0x0] =	vst.idx.msk $0xffff, v6  }
0x4fe: {  	v8 =	vor.u32 v25, v2;
	v6 =	vld.idx.msk [tilespmem:v10+s2+$0x0], $0xffff  }
0x4ff: {  	p1 =	sne.s32 s10, $0xF;
	v4 =	vor.u32 v61, v4  }
.Ltmp7:
0x500: {  	_ = 	snop;
	(pc) =	sbr.rel @p1 .LBB2_12-.Ltmp7, $3  }
0x501: {  	_ =	sdelay $0x1  }
0x502: {  	[tilespmem:v8+s7+$0x0] =	vst.idx.msk $0xffff, v6  }
0x503: {  	v8 =	vadd.s32 s10, v9;
	s10 =	sadd.s32 $0x1, s10;
	v6 =	vld.idx.msk [tilespmem:v4+s2+$0x0], $0xffff  }
0x504: {  	v9 =	vld [tilespmem:$0x1FCD0];
	_ =	sdelay $0x4  }
0x505: {  	v4 =	vand.u32 $0xF, v8;
	v2 =	vor.u32 v9, v2  }
0x506: {  	v10 =	vor.u32 v16, v4  }
0x507: {  	v12 =	vshll.u32 v8, $0x2  }
0x508: {  	v8 =	vand.u32 $0x7, v8;
	v12 =	vand.u32 $0x20, v12  }
0x509: {  	[tilespmem:$0x1F630] =	vst v16;
	v8 =	vor.u32 v8, v12  }
0x50a: {  	v16 =	vlaneseq.u32;
	[tilespmem:v2+s7+$0x0] =	vst.idx.msk $0xffff, v6;
	v2 =	vshll.u32 v8, $0x7  }
0x50b: {  	v6 =	vld.idx.msk [tilespmem:v10+s2+$0x0], $0xffff;
	v8 =	vor.u32 v16, v2  }
0x50c: {  	v10 =	vor.u32 v31, v4;
	_ =	sdelay $0x3  }
0x50d: {  	[tilespmem:v8+s7+$0x0] =	vst.idx.msk $0xffff, v6  }
0x50e: {  	v8 =	vor.u32 v3, v2;
	v6 =	vld.idx.msk [tilespmem:v10+s2+$0x0], $0xffff  }
0x50f: {  	v10 =	vor.u32 v20, v4;
	_ =	sdelay $0x3  }
0x510: {  	[tilespmem:v8+s7+$0x0] =	vst.idx.msk $0xffff, v6  }
0x511: {  	v8 =	vor.u32 v17, v2;
	v6 =	vld.idx.msk [tilespmem:v10+s2+$0x0], $0xffff  }
0x512: {  	v10 =	vor.u32 v22, v4;
	_ =	sdelay $0x3  }
0x513: {  	[tilespmem:v8+s7+$0x0] =	vst.idx.msk $0xffff, v6  }
0x514: {  	v8 =	vor.u32 v7, v2;
	v6 =	vld.idx.msk [tilespmem:v10+s2+$0x0], $0xffff  }
0x515: {  	v10 =	vor.u32 v24, v4;
	_ =	sdelay $0x3  }
0x516: {  	[tilespmem:v8+s7+$0x0] =	vst.idx.msk $0xffff, v6  }
0x517: {  	v8 =	vor.u32 v5, v2;
	v6 =	vld.idx.msk [tilespmem:v10+s2+$0x0], $0xffff  }
0x518: {  	v10 =	vor.u32 v26, v4;
	_ =	sdelay $0x3  }
0x519: {  	[tilespmem:v8+s7+$0x0] =	vst.idx.msk $0xffff, v6  }
0x51a: {  	v8 =	vor.u32 v13, v2;
	v6 =	vld.idx.msk [tilespmem:v10+s2+$0x0], $0xffff  }
0x51b: {  	v10 =	vor.u32 v28, v4;
	_ =	sdelay $0x3  }
0x51c: {  	[tilespmem:v8+s7+$0x0] =	vst.idx.msk $0xffff, v6  }
0x51d: {  	v8 =	vor.u32 v23, v2;
	v6 =	vld.idx.msk [tilespmem:v10+s2+$0x0], $0xffff  }
0x51e: {  	v10 =	vor.u32 v30, v4;
	_ =	sdelay $0x3  }
0x51f: {  	[tilespmem:v8+s7+$0x0] =	vst.idx.msk $0xffff, v6  }
0x520: {  	v8 =	vor.u32 v0, v2;
	v6 =	vld.idx.msk [tilespmem:v10+s2+$0x0], $0xffff  }
0x521: {  	v10 =	vor.u32 v32, v4;
	_ =	sdelay $0x3  }
0x522: {  	[tilespmem:v8+s7+$0x0] =	vst.idx.msk $0xffff, v6  }
0x523: {  	v8 =	vor.u32 v39, v2;
	v6 =	vld.idx.msk [tilespmem:v10+s2+$0x0], $0xffff  }
0x524: {  	v10 =	vor.u32 v34, v4;
	_ =	sdelay $0x3  }
0x525: {  	[tilespmem:v8+s7+$0x0] =	vst.idx.msk $0xffff, v6  }
0x526: {  	v8 =	vor.u32 v27, v2;
	v6 =	vld.idx.msk [tilespmem:v10+s2+$0x0], $0xffff  }
0x527: {  	v10 =	vor.u32 v36, v4;
	_ =	sdelay $0x3  }
0x528: {  	[tilespmem:v8+s7+$0x0] =	vst.idx.msk $0xffff, v6  }
0x529: {  	v8 =	vor.u32 v19, v2;
	v6 =	vld.idx.msk [tilespmem:v10+s2+$0x0], $0xffff  }
0x52a: {  	v33 =	vmov v3;
	v3 =	vld [tilespmem:$0x1FF10];
	v10 =	vor.u32 v38, v4;
	_ =	sdelay $0x3  }
0x52b: {  	[tilespmem:v8+s7+$0x0] =	vst.idx.msk $0xffff, v6  }
0x52c: {  	v8 =	vor.u32 v3, v2;
	v6 =	vld.idx.msk [tilespmem:v10+s2+$0x0], $0xffff  }
0x52d: {  	v29 =	vmov v15;
	v15 =	vmov v17;
	v17 =	vld [tilespmem:$0x1FF00];
	v10 =	vor.u32 v40, v4;
	_ =	sdelay $0x3  }
0x52e: {  	[tilespmem:v8+s7+$0x0] =	vst.idx.msk $0xffff, v6  }
0x52f: {  	v8 =	vor.u32 v17, v2;
	v6 =	vld.idx.msk [tilespmem:v10+s2+$0x0], $0xffff  }
0x530: {  	[tilespmem:$0x1F6F0] =	vst v40;
	v40 =	vld [tilespmem:$0x1FEF0];
	v10 =	vor.u32 v42, v4;
	_ =	sdelay $0x3  }
0x531: {  	[tilespmem:v8+s7+$0x0] =	vst.idx.msk $0xffff, v6  }
0x532: {  	v8 =	vor.u32 v40, v2;
	v6 =	vld.idx.msk [tilespmem:v10+s2+$0x0], $0xffff  }
0x533: {  	[tilespmem:$0x1F6A0] =	vst v30;
	v30 =	vmov v39;
	v39 =	vld [tilespmem:$0x1FEE0];
	v10 =	vor.u32 v44, v4;
	_ =	sdelay $0x3  }
0x534: {  	[tilespmem:v8+s7+$0x0] =	vst.idx.msk $0xffff, v6  }
0x535: {  	v8 =	vor.u32 v39, v2;
	v6 =	vld.idx.msk [tilespmem:v10+s2+$0x0], $0xffff  }
0x536: {  	[tilespmem:$0x1F710] =	vst v44;
	v44 =	vld [tilespmem:$0x1FED0];
	v10 =	vor.u32 v46, v4;
	_ =	sdelay $0x3  }
0x537: {  	[tilespmem:v8+s7+$0x0] =	vst.idx.msk $0xffff, v6  }
0x538: {  	v8 =	vor.u32 v44, v2;
	v6 =	vld.idx.msk [tilespmem:v10+s2+$0x0], $0xffff  }
0x539: {  	[tilespmem:$0x1F730] =	vst v48;
	v10 =	vor.u32 v48, v4;
	v48 =	vld [tilespmem:$0x1FEC0];
	_ =	sdelay $0x3  }
0x53a: {  	[tilespmem:v8+s7+$0x0] =	vst.idx.msk $0xffff, v6  }
0x53b: {  	v8 =	vor.u32 v48, v2;
	v6 =	vld.idx.msk [tilespmem:v10+s2+$0x0], $0xffff  }
0x53c: {  	v10 =	vor.u32 v50, v4;
	_ =	sdelay $0x3  }
0x53d: {  	[tilespmem:v8+s7+$0x0] =	vst.idx.msk $0xffff, v6  }
0x53e: {  	v8 =	vor.u32 v37, v2;
	v6 =	vld.idx.msk [tilespmem:v10+s2+$0x0], $0xffff  }
0x53f: {  	v10 =	vor.u32 v52, v4;
	_ =	sdelay $0x3  }
0x540: {  	[tilespmem:v8+s7+$0x0] =	vst.idx.msk $0xffff, v6  }
0x541: {  	v8 =	vor.u32 v51, v2;
	v6 =	vld.idx.msk [tilespmem:v10+s2+$0x0], $0xffff  }
0x542: {  	v10 =	vor.u32 v54, v4;
	_ =	sdelay $0x3  }
0x543: {  	[tilespmem:v8+s7+$0x0] =	vst.idx.msk $0xffff, v6  }
0x544: {  	v8 =	vor.u32 v49, v2;
	v6 =	vld.idx.msk [tilespmem:v10+s2+$0x0], $0xffff  }
0x545: {  	v10 =	vor.u32 v56, v4;
	_ =	sdelay $0x3  }
0x546: {  	[tilespmem:v8+s7+$0x0] =	vst.idx.msk $0xffff, v6  }
0x547: {  	v8 =	vor.u32 v59, v2;
	v6 =	vld.idx.msk [tilespmem:v10+s2+$0x0], $0xffff  }
0x548: {  	v10 =	vor.u32 v58, v4;
	_ =	sdelay $0x3  }
0x549: {  	[tilespmem:v8+s7+$0x0] =	vst.idx.msk $0xffff, v6  }
0x54a: {  	v8 =	vor.u32 v11, v2;
	v6 =	vld.idx.msk [tilespmem:v10+s2+$0x0], $0xffff  }
0x54b: {  	v10 =	vor.u32 v60, v4;
	_ =	sdelay $0x3  }
0x54c: {  	[tilespmem:v8+s7+$0x0] =	vst.idx.msk $0xffff, v6  }
0x54d: {  	v8 =	vor.u32 v21, v2;
	v6 =	vld.idx.msk [tilespmem:v10+s2+$0x0], $0xffff  }
0x54e: {  	v10 =	vor.u32 v62, v4;
	_ =	sdelay $0x3  }
0x54f: {  	[tilespmem:v8+s7+$0x0] =	vst.idx.msk $0xffff, v6  }
0x550: {  	v8 =	vor.u32 v29, v2;
	v6 =	vld.idx.msk [tilespmem:v10+s2+$0x0], $0xffff  }
0x551: {  	v10 =	vor.u32 v1, v4;
	_ =	sdelay $0x3  }
0x552: {  	[tilespmem:v8+s7+$0x0] =	vst.idx.msk $0xffff, v6  }
0x553: {  	v8 =	vor.u32 v35, v2;
	v6 =	vld.idx.msk [tilespmem:v10+s2+$0x0], $0xffff  }
0x554: {  	v55 =	vmov v5;
	v5 =	vld [tilespmem:$0x1FEB0];
	v10 =	vor.u32 v18, v4;
	_ =	sdelay $0x3  }
0x555: {  	[tilespmem:v8+s7+$0x0] =	vst.idx.msk $0xffff, v6  }
0x556: {  	v8 =	vor.u32 v5, v2;
	v6 =	vld.idx.msk [tilespmem:v10+s2+$0x0], $0xffff  }
0x557: {  	[tilespmem:$0x1F7D0] =	vst v45;
	v10 =	vor.u32 v45, v4;
	v45 =	vld [tilespmem:$0x1FCB0];
	_ =	sdelay $0x3  }
0x558: {  	[tilespmem:v8+s7+$0x0] =	vst.idx.msk $0xffff, v6  }
0x559: {  	v8 =	vor.u32 v45, v2;
	v6 =	vld.idx.msk [tilespmem:v10+s2+$0x0], $0xffff  }
0x55a: {  	v53 =	vmov v7;
	v7 =	vld [tilespmem:$0x1FCC0];
	v10 =	vor.u32 v41, v4;
	_ =	sdelay $0x3  }
0x55b: {  	[tilespmem:v8+s7+$0x0] =	vst.idx.msk $0xffff, v6  }
0x55c: {  	[tilespmem:$0x1F640] =	vst v31;
	v8 =	vor.u32 v7, v2;
	v6 =	vld.idx.msk [tilespmem:v10+s2+$0x0], $0xffff  }
0x55d: {  	[tilespmem:$0x1F7F0] =	vst v47;
	v10 =	vor.u32 v47, v4;
	v47 =	vld [tilespmem:$0x1FF30]  }
0x55e: {  	[tilespmem:$0x1F650] =	vst v20  }
0x55f: {  	[tilespmem:$0x1F660] =	vst v22  }
0x560: {  	[tilespmem:$0x1F670] =	vst v24  }
0x561: {  	[tilespmem:v8+s7+$0x0] =	vst.idx.msk $0xffff, v6  }
0x562: {  	[tilespmem:$0x1F680] =	vst v26;
	v8 =	vor.u32 v47, v2;
	v6 =	vld.idx.msk [tilespmem:v10+s2+$0x0], $0xffff  }
0x563: {  	[tilespmem:$0x1F690] =	vst v28;
	v10 =	vor.u32 v43, v4  }
0x564: {  	[tilespmem:$0x1F6B0] =	vst v32  }
0x565: {  	[tilespmem:$0x1F6C0] =	vst v34  }
0x566: {  	[tilespmem:$0x1F6D0] =	vst v36  }
0x567: {  	[tilespmem:v8+s7+$0x0] =	vst.idx.msk $0xffff, v6  }
0x568: {  	[tilespmem:$0x1F6E0] =	vst v38;
	v8 =	vor.u32 v63, v2;
	v6 =	vld.idx.msk [tilespmem:v10+s2+$0x0], $0xffff  }
0x569: {  	[tilespmem:$0x1F700] =	vst v42;
	v10 =	vor.u32 v14, v4  }
0x56a: {  	[tilespmem:$0x1F720] =	vst v46  }
0x56b: {  	[tilespmem:$0x1F740] =	vst v50  }
0x56c: {  	[tilespmem:$0x1F750] =	vst v52  }
0x56d: {  	[tilespmem:v8+s7+$0x0] =	vst.idx.msk $0xffff, v6  }
0x56e: {  	[tilespmem:$0x1F760] =	vst v54;
	v8 =	vor.u32 v25, v2;
	v6 =	vld.idx.msk [tilespmem:v10+s2+$0x0], $0xffff  }
0x56f: {  	[tilespmem:$0x1F770] =	vst v56;
	v4 =	vor.u32 v61, v4  }
0x570: {  	[tilespmem:$0x1F780] =	vst v58  }
0x571: {  	[tilespmem:$0x1F790] =	vst v60  }
0x572: {  	[tilespmem:$0x1F7A0] =	vst v62  }
0x573: {  	[tilespmem:v8+s7+$0x0] =	vst.idx.msk $0xffff, v6  }
0x574: {  	[tilespmem:$0x1F7B0] =	vst v1;
	v2 =	vor.u32 v9, v2;
	v4 =	vld.idx.msk [tilespmem:v4+s2+$0x0], $0xffff  }
0x575: {  	[tilespmem:$0x1F7C0] =	vst v18  }
0x576: {  	[tilespmem:$0x1F7E0] =	vst v41  }
0x577: {  	[tilespmem:$0x1F800] =	vst v43  }
0x578: {  	[tilespmem:$0x1F810] =	vst v14  }
0x579: {  	s6 =	sadd.s32 s9, s16;
	p1 =	sne.s32 s31, $0x18;
	[tilespmem:v2+s7+$0x0] =	vst.idx.msk $0xffff, v4  }
0x57a: {  	[hbm4b:s6+s2] =	stream.linear.scatter [tilespmem:s7], [sflag:$0x6], $0x1000, $0x38;
	[tilespmem:$0x14400] =	vst v63  }
0x57b: {  	[tilespmem:$0x1F820] =	vst v61;
	s10 =	sadd.s32 s9, s17;
	s6 =	simm.s32 @p1 $0x3  }
0x57c: {  	[hbm4b:s10+s2] =	stream.linear.scatter [tilespmem:s30], [sflag:$0x6], $0x1000, $0x38;
	[tilespmem:$0x14400] =	vst v63  }
0x57d: {  	_ =	swait.ge @p1 [sflag:s6], $0x200  }
0x57e: {  	s11 =	simm.s32 @p1 $0x0;
	[sflag:s6] =	ssyncset.done @p1 $0x0  }
0x57f: {  	s10 =	simm.s32 @p1 $0x14000;
	[sflag:s6] =	ssyncadd.s32 @p1 $0xFFFFFE00;
	s6 =	simm.s32 @p1 $0x200  }
0x580: {  	[tilespmem:s11], [sflag:$0x1] =	stream.indirect.gather @p1 [hbm4b:s4+s6], $0x40, s10, s6, $0xb8;
	[tilespmem:$0x14400] =	vst v63  }
0x581: {  	s6 =	simm.s32 @p1 $0x2  }
0x582: {  	_ =	swait.ge @p1 [sflag:s6], $0x8000  }
0x583: {  	s10 =	sshll.u32 @p1 s31, $0xF;
	s13 =	rddreg [dreg:$0x6]  }
0x584: {  	s10 =	sadd.s32 @p1 s13, s10  }
0x585: {  	[sflag:s6] =	ssyncset.done @p1 $0x0;
	s10 =	sshrl.u32 @p1 s10, $0x3  }
0x586: {  	[sflag:s6] =	ssyncadd.s32 @p1 $0xFFFF8000;
	s6 =	sadd.s32 @p1 s5, s10;
	s10 =	simm.s32 @p1 $0x14200  }
0x587: {  	[tilespmem:s10], [sflag:$0x4] =	stream.linear.gather @p1 [hbm4b:s6+s11], $0x200, $0x38;
	[tilespmem:$0x14400] =	vst v63  }
0x588: {  	s6 =	simm.s32 @!p1 $0x2  }
0x589: {  	_ =	swait.ge @!p1 [sflag:s6], $0x8000  }
0x58a: {  	[sflag:s6] =	ssyncset.done @!p1 $0x0  }
0x58b: {  	[sflag:s6] =	ssyncadd.s32 @!p1 $0xFFFF8000  }
0x58c: {  	_ =	swait.ge [sflag:s1], $0x1000  }
0x58d: {  	v12 =	vld [tilespmem:$0x1FCE0];
	_ =	sdelay $0x1  }
0x58e: {  	s11 =	simm.s32 $0x0  }
0x58f: {  	v2 =	vadd.s32 s11, v16;
	[sflag:s1] =	ssyncset.done $0x0  }
0x590: {  	v4 =	vand.u32 $0xF, v2;
	[sflag:s1] =	ssyncadd.s32 $0xFFFFF000  }
0x591: {  	_ =	swait.ge [sflag:s1], $0x1000;
	v6 =	vor.u32 v12, v4  }
0x592: {  	v8 =	vshll.u32 v2, $0x2;
	v14 =	vld [tilespmem:$0x1FCF0]  }
0x593: {  	v2 =	vand.u32 $0x7, v2;
	v8 =	vand.u32 $0x20, v8  }
0x594: {  	v2 =	vor.u32 v2, v8;
	[sflag:s1] =	ssyncset.done $0x0  }
0x595: {  	v2 =	vshll.u32 v2, $0x7;
	[sflag:s1] =	ssyncadd.s32 $0xFFFFF000  }
0x596: {  	v8 =	vor.u32 v16, v2;
	v6 =	vld.idx.msk [tilespmem:v6+s3+$0x0], $0xffff  }
0x597: {  	v10 =	vor.u32 v14, v4  }
0x598: {  	v16 =	vld [tilespmem:$0x1FD00];
	_ =	sdelay $0x2  }
0x599: {  	[tilespmem:v8+s8+$0x0] =	vst.idx.msk $0xffff, v6  }
0x59a: {  	v8 =	vor.u32 v33, v2;
	v6 =	vld.idx.msk [tilespmem:v10+s3+$0x0], $0xffff  }
0x59b: {  	v10 =	vor.u32 v16, v4  }
0x59c: {  	v18 =	vld [tilespmem:$0x1FD10];
	_ =	sdelay $0x2  }
0x59d: {  	[tilespmem:v8+s8+$0x0] =	vst.idx.msk $0xffff, v6  }
0x59e: {  	v8 =	vor.u32 v15, v2;
	v6 =	vld.idx.msk [tilespmem:v10+s3+$0x0], $0xffff  }
0x59f: {  	v10 =	vor.u32 v18, v4  }
0x5a0: {  	v20 =	vld [tilespmem:$0x1FD20];
	_ =	sdelay $0x2  }
0x5a1: {  	[tilespmem:v8+s8+$0x0] =	vst.idx.msk $0xffff, v6  }
0x5a2: {  	v8 =	vor.u32 v53, v2;
	v6 =	vld.idx.msk [tilespmem:v10+s3+$0x0], $0xffff  }
0x5a3: {  	v10 =	vor.u32 v20, v4  }
0x5a4: {  	v22 =	vld [tilespmem:$0x1FD30];
	_ =	sdelay $0x2  }
0x5a5: {  	[tilespmem:v8+s8+$0x0] =	vst.idx.msk $0xffff, v6  }
0x5a6: {  	v8 =	vor.u32 v55, v2;
	v6 =	vld.idx.msk [tilespmem:v10+s3+$0x0], $0xffff  }
0x5a7: {  	v10 =	vor.u32 v22, v4;
	_ =	sdelay $0x3  }
0x5a8: {  	v57 =	vmov v13;
	v24 =	vld [tilespmem:$0x1FD40];
	[tilespmem:v8+s8+$0x0] =	vst.idx.msk $0xffff, v6  }
0x5a9: {  	v8 =	vor.u32 v57, v2;
	v6 =	vld.idx.msk [tilespmem:v10+s3+$0x0], $0xffff;
	_ =	sdelay $0x3  }
0x5aa: {  	v26 =	vmov v23;
	v10 =	vor.u32 v24, v4  }
0x5ab: {  	v13 =	vmov v27;
	v27 =	vmov v26;
	[tilespmem:v8+s8+$0x0] =	vst.idx.msk $0xffff, v6;
	v8 =	vor.u32 v26, v2;
	v26 =	vld [tilespmem:$0x1FD50];
	_ =	sdelay $0x3  }
0x5ac: {  	v6 =	vld.idx.msk [tilespmem:v10+s3+$0x0], $0xffff  }
0x5ad: {  	v10 =	vor.u32 v26, v4;
	_ =	sdelay $0x3  }
0x5ae: {  	v28 =	vld [tilespmem:$0x1FD60];
	[tilespmem:v8+s8+$0x0] =	vst.idx.msk $0xffff, v6  }
0x5af: {  	v8 =	vor.u32 v0, v2;
	v6 =	vld.idx.msk [tilespmem:v10+s3+$0x0], $0xffff;
	_ =	sdelay $0x3  }
0x5b0: {  	v10 =	vor.u32 v28, v4  }
0x5b1: {  	v41 =	vmov v15;
	v15 =	vmov v30;
	[tilespmem:v8+s8+$0x0] =	vst.idx.msk $0xffff, v6;
	v8 =	vor.u32 v30, v2;
	v30 =	vld [tilespmem:$0x1FD70];
	_ =	sdelay $0x3  }
0x5b2: {  	v6 =	vld.idx.msk [tilespmem:v10+s3+$0x0], $0xffff  }
0x5b3: {  	v10 =	vor.u32 v30, v4  }
0x5b4: {  	v32 =	vld [tilespmem:$0x1FD80];
	_ =	sdelay $0x2  }
0x5b5: {  	[tilespmem:v8+s8+$0x0] =	vst.idx.msk $0xffff, v6  }
0x5b6: {  	v8 =	vor.u32 v13, v2;
	v6 =	vld.idx.msk [tilespmem:v10+s3+$0x0], $0xffff  }
0x5b7: {  	v10 =	vor.u32 v32, v4  }
0x5b8: {  	v34 =	vld [tilespmem:$0x1FD90];
	_ =	sdelay $0x2  }
0x5b9: {  	[tilespmem:v8+s8+$0x0] =	vst.idx.msk $0xffff, v6  }
0x5ba: {  	v8 =	vor.u32 v19, v2;
	v6 =	vld.idx.msk [tilespmem:v10+s3+$0x0], $0xffff  }
0x5bb: {  	v10 =	vor.u32 v34, v4  }
0x5bc: {  	v36 =	vld [tilespmem:$0x1FDA0];
	_ =	sdelay $0x2  }
0x5bd: {  	[tilespmem:v8+s8+$0x0] =	vst.idx.msk $0xffff, v6  }
0x5be: {  	v8 =	vor.u32 v3, v2;
	v6 =	vld.idx.msk [tilespmem:v10+s3+$0x0], $0xffff  }
0x5bf: {  	v10 =	vor.u32 v36, v4;
	_ =	sdelay $0x3  }
0x5c0: {  	v38 =	vld [tilespmem:$0x1FDB0];
	[tilespmem:v8+s8+$0x0] =	vst.idx.msk $0xffff, v6  }
0x5c1: {  	v8 =	vor.u32 v17, v2;
	v6 =	vld.idx.msk [tilespmem:v10+s3+$0x0], $0xffff;
	_ =	sdelay $0x3  }
0x5c2: {  	v10 =	vor.u32 v38, v4  }
0x5c3: {  	[tilespmem:v8+s8+$0x0] =	vst.idx.msk $0xffff, v6;
	v8 =	vor.u32 v40, v2;
	v40 =	vld [tilespmem:$0x1FDC0];
	_ =	sdelay $0x3  }
0x5c4: {  	v6 =	vld.idx.msk [tilespmem:v10+s3+$0x0], $0xffff  }
0x5c5: {  	v10 =	vor.u32 v40, v4;
	_ =	sdelay $0x3  }
0x5c6: {  	v42 =	vld [tilespmem:$0x1FDD0];
	[tilespmem:v8+s8+$0x0] =	vst.idx.msk $0xffff, v6  }
0x5c7: {  	v8 =	vor.u32 v39, v2;
	v6 =	vld.idx.msk [tilespmem:v10+s3+$0x0], $0xffff;
	_ =	sdelay $0x3  }
0x5c8: {  	v10 =	vor.u32 v42, v4  }
0x5c9: {  	[tilespmem:v8+s8+$0x0] =	vst.idx.msk $0xffff, v6;
	v8 =	vor.u32 v44, v2;
	v44 =	vld [tilespmem:$0x1FDE0];
	_ =	sdelay $0x3  }
0x5ca: {  	v6 =	vld.idx.msk [tilespmem:v10+s3+$0x0], $0xffff  }
0x5cb: {  	v10 =	vor.u32 v44, v4  }
0x5cc: {  	v46 =	vld [tilespmem:$0x1FC50];
	_ =	sdelay $0x2  }
0x5cd: {  	[tilespmem:v8+s8+$0x0] =	vst.idx.msk $0xffff, v6  }
0x5ce: {  	v8 =	vor.u32 v48, v2;
	v6 =	vld.idx.msk [tilespmem:v10+s3+$0x0], $0xffff  }
0x5cf: {  	v10 =	vor.u32 v46, v4  }
0x5d0: {  	v48 =	vld [tilespmem:$0x1FC60];
	_ =	sdelay $0x2  }
0x5d1: {  	[tilespmem:v8+s8+$0x0] =	vst.idx.msk $0xffff, v6  }
0x5d2: {  	v8 =	vor.u32 v37, v2;
	v6 =	vld.idx.msk [tilespmem:v10+s3+$0x0], $0xffff  }
0x5d3: {  	v10 =	vor.u32 v48, v4  }
0x5d4: {  	v50 =	vld [tilespmem:$0x1FC70];
	_ =	sdelay $0x2  }
0x5d5: {  	[tilespmem:v8+s8+$0x0] =	vst.idx.msk $0xffff, v6  }
0x5d6: {  	v8 =	vor.u32 v51, v2;
	v6 =	vld.idx.msk [tilespmem:v10+s3+$0x0], $0xffff  }
0x5d7: {  	v10 =	vor.u32 v50, v4  }
0x5d8: {  	v52 =	vld [tilespmem:$0x1FC80];
	_ =	sdelay $0x2  }
0x5d9: {  	[tilespmem:v8+s8+$0x0] =	vst.idx.msk $0xffff, v6  }
0x5da: {  	v8 =	vor.u32 v49, v2;
	v6 =	vld.idx.msk [tilespmem:v10+s3+$0x0], $0xffff  }
0x5db: {  	v10 =	vor.u32 v52, v4  }
0x5dc: {  	v54 =	vld [tilespmem:$0x1FDF0];
	_ =	sdelay $0x2  }
0x5dd: {  	v31 =	vmov v59;
	[tilespmem:v8+s8+$0x0] =	vst.idx.msk $0xffff, v6  }
0x5de: {  	v8 =	vor.u32 v31, v2;
	v6 =	vld.idx.msk [tilespmem:v10+s3+$0x0], $0xffff  }
0x5df: {  	v10 =	vor.u32 v54, v4  }
0x5e0: {  	v56 =	vld [tilespmem:$0x1FC90];
	_ =	sdelay $0x2  }
0x5e1: {  	[tilespmem:v8+s8+$0x0] =	vst.idx.msk $0xffff, v6  }
0x5e2: {  	v8 =	vor.u32 v11, v2;
	v6 =	vld.idx.msk [tilespmem:v10+s3+$0x0], $0xffff  }
0x5e3: {  	v10 =	vor.u32 v56, v4  }
0x5e4: {  	v58 =	vld [tilespmem:$0x1FCA0];
	_ =	sdelay $0x2  }
0x5e5: {  	[tilespmem:v8+s8+$0x0] =	vst.idx.msk $0xffff, v6  }
0x5e6: {  	v8 =	vor.u32 v21, v2;
	v6 =	vld.idx.msk [tilespmem:v10+s3+$0x0], $0xffff  }
0x5e7: {  	v10 =	vor.u32 v58, v4  }
0x5e8: {  	v60 =	vld [tilespmem:$0x1FE00];
	_ =	sdelay $0x2  }
0x5e9: {  	[tilespmem:v8+s8+$0x0] =	vst.idx.msk $0xffff, v6  }
0x5ea: {  	v8 =	vor.u32 v29, v2;
	v6 =	vld.idx.msk [tilespmem:v10+s3+$0x0], $0xffff  }
0x5eb: {  	v10 =	vor.u32 v60, v4  }
0x5ec: {  	v62 =	vld [tilespmem:$0x1FE10];
	_ =	sdelay $0x2  }
0x5ed: {  	[tilespmem:v8+s8+$0x0] =	vst.idx.msk $0xffff, v6  }
0x5ee: {  	v8 =	vor.u32 v35, v2;
	v6 =	vld.idx.msk [tilespmem:v10+s3+$0x0], $0xffff  }
0x5ef: {  	v10 =	vor.u32 v62, v4  }
0x5f0: {  	v1 =	vld [tilespmem:$0x1FE20];
	_ =	sdelay $0x2  }
0x5f1: {  	[tilespmem:v8+s8+$0x0] =	vst.idx.msk $0xffff, v6  }
0x5f2: {  	v8 =	vor.u32 v5, v2;
	v6 =	vld.idx.msk [tilespmem:v10+s3+$0x0], $0xffff  }
0x5f3: {  	v10 =	vor.u32 v1, v4  }
0x5f4: {  	v23 =	vmov v0;
	v0 =	vld [tilespmem:$0x1FE30];
	_ =	sdelay $0x2  }
0x5f5: {  	[tilespmem:v8+s8+$0x0] =	vst.idx.msk $0xffff, v6  }
0x5f6: {  	v8 =	vor.u32 v45, v2;
	v6 =	vld.idx.msk [tilespmem:v10+s3+$0x0], $0xffff  }
0x5f7: {  	v10 =	vor.u32 v0, v4  }
0x5f8: {  	v3 =	vld [tilespmem:$0x1FE40];
	_ =	sdelay $0x2  }
0x5f9: {  	[tilespmem:v8+s8+$0x0] =	vst.idx.msk $0xffff, v6  }
0x5fa: {  	v8 =	vor.u32 v7, v2;
	v6 =	vld.idx.msk [tilespmem:v10+s3+$0x0], $0xffff  }
0x5fb: {  	v10 =	vor.u32 v3, v4  }
0x5fc: {  	v17 =	vld [tilespmem:$0x1FE50];
	_ =	sdelay $0x2  }
0x5fd: {  	[tilespmem:v8+s8+$0x0] =	vst.idx.msk $0xffff, v6  }
0x5fe: {  	v8 =	vor.u32 v47, v2;
	v6 =	vld.idx.msk [tilespmem:v10+s3+$0x0], $0xffff  }
0x5ff: {  	v10 =	vor.u32 v17, v4  }
0x600: {  	v39 =	vmov v33;
	v33 =	vmov v13;
	v13 =	vld [tilespmem:$0x1FE60];
	_ =	sdelay $0x2  }
0x601: {  	v59 =	vmov v63;
	[tilespmem:v8+s8+$0x0] =	vst.idx.msk $0xffff, v6  }
0x602: {  	v8 =	vor.u32 v59, v2;
	v6 =	vld.idx.msk [tilespmem:v10+s3+$0x0], $0xffff  }
0x603: {  	v10 =	vor.u32 v13, v4  }
0x604: {  	v45 =	vmov v19;
	v19 =	vmov v15;
	v15 =	vld [tilespmem:$0x1FE70];
	_ =	sdelay $0x2  }
0x605: {  	v63 =	vmov v25;
	[tilespmem:v8+s8+$0x0] =	vst.idx.msk $0xffff, v6  }
0x606: {  	v8 =	vor.u32 v63, v2;
	v6 =	vld.idx.msk [tilespmem:v10+s3+$0x0], $0xffff  }
0x607: {  	v4 =	vor.u32 v15, v4;
	_ =	sdelay $0x1  }
0x608: {  	v43 =	vmov v31;
	_ =	sdelay $0x1  }
0x609: {  	v61 =	vmovc v55;
	v9 =	vmovc v57;
	v25 =	vmov v53;
	s13 =	simm.s32 $0x1;
	v31 =	vlaneseq.u32;
	v5 =	vmov v63;
	[tilespmem:v8+s8+$0x0] =	vst.idx.msk $0xffff, v6  }
0x60a: {  	s10 =	simm.s32 $0x2;
	v7 =	vmovc v41;
	v41 =	vmovc v43;
	v43 =	vmov v11;
	v47 =	vmov v29;
	v8 =	vadd.s32 s13, v31;
	v6 =	vld.idx.msk [tilespmem:v4+s3+$0x0], $0xffff  }
.LBB2_14:
0x60b: {  	v10 =	vld [tilespmem:$0x1FCD0];
	_ =	sdelay $0x4  }
0x60c: {  	v4 =	vand.u32 $0xF, v8;
	v2 =	vor.u32 v10, v2  }
0x60d: {  	v10 =	vor.u32 v12, v4  }
0x60e: {  	v12 =	vshll.u32 v8, $0x2  }
0x60f: {  	v8 =	vand.u32 $0x7, v8;
	v12 =	vand.u32 $0x20, v12  }
0x610: {  	v8 =	vor.u32 v8, v12  }
0x611: {  	[tilespmem:v2+s8+$0x0] =	vst.idx.msk $0xffff, v6;
	v2 =	vshll.u32 v8, $0x7  }
0x612: {  	v6 =	vld.idx.msk [tilespmem:v10+s3+$0x0], $0xffff;
	v8 =	vor.u32 v31, v2  }
0x613: {  	v10 =	vor.u32 v14, v4;
	_ =	sdelay $0x3  }
0x614: {  	[tilespmem:v8+s8+$0x0] =	vst.idx.msk $0xffff, v6  }
0x615: {  	v8 =	vor.u32 v39, v2;
	v6 =	vld.idx.msk [tilespmem:v10+s3+$0x0], $0xffff  }
0x616: {  	v10 =	vor.u32 v16, v4;
	_ =	sdelay $0x3  }
0x617: {  	[tilespmem:v8+s8+$0x0] =	vst.idx.msk $0xffff, v6  }
0x618: {  	v8 =	vor.u32 v7, v2;
	v6 =	vld.idx.msk [tilespmem:v10+s3+$0x0], $0xffff  }
0x619: {  	v10 =	vor.u32 v18, v4;
	_ =	sdelay $0x3  }
0x61a: {  	[tilespmem:v8+s8+$0x0] =	vst.idx.msk $0xffff, v6  }
0x61b: {  	v8 =	vor.u32 v25, v2;
	v6 =	vld.idx.msk [tilespmem:v10+s3+$0x0], $0xffff  }
0x61c: {  	v10 =	vor.u32 v20, v4;
	_ =	sdelay $0x3  }
0x61d: {  	[tilespmem:v8+s8+$0x0] =	vst.idx.msk $0xffff, v6  }
0x61e: {  	v8 =	vor.u32 v61, v2;
	v6 =	vld.idx.msk [tilespmem:v10+s3+$0x0], $0xffff  }
0x61f: {  	v10 =	vor.u32 v22, v4;
	_ =	sdelay $0x3  }
0x620: {  	[tilespmem:v8+s8+$0x0] =	vst.idx.msk $0xffff, v6  }
0x621: {  	v8 =	vor.u32 v9, v2;
	v6 =	vld.idx.msk [tilespmem:v10+s3+$0x0], $0xffff  }
0x622: {  	v10 =	vor.u32 v24, v4;
	_ =	sdelay $0x3  }
0x623: {  	[tilespmem:v8+s8+$0x0] =	vst.idx.msk $0xffff, v6  }
0x624: {  	v8 =	vor.u32 v27, v2;
	v6 =	vld.idx.msk [tilespmem:v10+s3+$0x0], $0xffff  }
0x625: {  	v10 =	vor.u32 v26, v4;
	_ =	sdelay $0x3  }
0x626: {  	[tilespmem:v8+s8+$0x0] =	vst.idx.msk $0xffff, v6  }
0x627: {  	v8 =	vor.u32 v23, v2;
	v6 =	vld.idx.msk [tilespmem:v10+s3+$0x0], $0xffff  }
0x628: {  	v10 =	vor.u32 v28, v4;
	_ =	sdelay $0x3  }
0x629: {  	[tilespmem:v8+s8+$0x0] =	vst.idx.msk $0xffff, v6  }
0x62a: {  	v8 =	vor.u32 v19, v2;
	v6 =	vld.idx.msk [tilespmem:v10+s3+$0x0], $0xffff  }
0x62b: {  	v10 =	vor.u32 v30, v4;
	_ =	sdelay $0x3  }
0x62c: {  	[tilespmem:v8+s8+$0x0] =	vst.idx.msk $0xffff, v6  }
0x62d: {  	v8 =	vor.u32 v33, v2;
	v6 =	vld.idx.msk [tilespmem:v10+s3+$0x0], $0xffff  }
0x62e: {  	v10 =	vor.u32 v32, v4;
	_ =	sdelay $0x3  }
0x62f: {  	[tilespmem:v8+s8+$0x0] =	vst.idx.msk $0xffff, v6  }
0x630: {  	v8 =	vor.u32 v45, v2;
	v6 =	vld.idx.msk [tilespmem:v10+s3+$0x0], $0xffff;
	_ =	sdelay $0x4  }
0x631: {  	v10 =	vor.u32 v34, v4;
	[tilespmem:v8+s8+$0x0] =	vst.idx.msk $0xffff, v6;
	v8 =	vld [tilespmem:$0x1FF10];
	_ =	sdelay $0x4  }
0x632: {  	v6 =	vld.idx.msk [tilespmem:v10+s3+$0x0], $0xffff;
	v8 =	vor.u32 v8, v2;
	_ =	sdelay $0x4  }
0x633: {  	v10 =	vor.u32 v36, v4;
	[tilespmem:v8+s8+$0x0] =	vst.idx.msk $0xffff, v6;
	v8 =	vld [tilespmem:$0x1FF00];
	_ =	sdelay $0x4  }
0x634: {  	v6 =	vld.idx.msk [tilespmem:v10+s3+$0x0], $0xffff;
	v8 =	vor.u32 v8, v2;
	_ =	sdelay $0x4  }
0x635: {  	v10 =	vor.u32 v38, v4;
	[tilespmem:v8+s8+$0x0] =	vst.idx.msk $0xffff, v6;
	v8 =	vld [tilespmem:$0x1FEF0];
	_ =	sdelay $0x4  }
0x636: {  	v6 =	vld.idx.msk [tilespmem:v10+s3+$0x0], $0xffff;
	v8 =	vor.u32 v8, v2;
	_ =	sdelay $0x4  }
0x637: {  	v10 =	vor.u32 v40, v4;
	[tilespmem:v8+s8+$0x0] =	vst.idx.msk $0xffff, v6;
	v8 =	vld [tilespmem:$0x1FEE0];
	_ =	sdelay $0x4  }
0x638: {  	v6 =	vld.idx.msk [tilespmem:v10+s3+$0x0], $0xffff;
	v8 =	vor.u32 v8, v2;
	_ =	sdelay $0x4  }
0x639: {  	v10 =	vor.u32 v42, v4;
	[tilespmem:v8+s8+$0x0] =	vst.idx.msk $0xffff, v6;
	v8 =	vld [tilespmem:$0x1FED0];
	_ =	sdelay $0x4  }
0x63a: {  	v6 =	vld.idx.msk [tilespmem:v10+s3+$0x0], $0xffff;
	v8 =	vor.u32 v8, v2;
	_ =	sdelay $0x4  }
0x63b: {  	v10 =	vor.u32 v44, v4;
	[tilespmem:v8+s8+$0x0] =	vst.idx.msk $0xffff, v6;
	v8 =	vld [tilespmem:$0x1FEC0];
	_ =	sdelay $0x4  }
0x63c: {  	v6 =	vld.idx.msk [tilespmem:v10+s3+$0x0], $0xffff;
	v8 =	vor.u32 v8, v2  }
0x63d: {  	v10 =	vor.u32 v46, v4;
	_ =	sdelay $0x3  }
0x63e: {  	[tilespmem:v8+s8+$0x0] =	vst.idx.msk $0xffff, v6  }
0x63f: {  	v8 =	vor.u32 v37, v2;
	v6 =	vld.idx.msk [tilespmem:v10+s3+$0x0], $0xffff  }
0x640: {  	v10 =	vor.u32 v48, v4;
	_ =	sdelay $0x3  }
0x641: {  	[tilespmem:v8+s8+$0x0] =	vst.idx.msk $0xffff, v6  }
0x642: {  	v8 =	vor.u32 v51, v2;
	v6 =	vld.idx.msk [tilespmem:v10+s3+$0x0], $0xffff  }
0x643: {  	v10 =	vor.u32 v50, v4;
	_ =	sdelay $0x3  }
0x644: {  	[tilespmem:v8+s8+$0x0] =	vst.idx.msk $0xffff, v6  }
0x645: {  	v8 =	vor.u32 v49, v2;
	v6 =	vld.idx.msk [tilespmem:v10+s3+$0x0], $0xffff  }
0x646: {  	v10 =	vor.u32 v52, v4;
	_ =	sdelay $0x3  }
0x647: {  	[tilespmem:v8+s8+$0x0] =	vst.idx.msk $0xffff, v6  }
0x648: {  	v8 =	vor.u32 v41, v2;
	v6 =	vld.idx.msk [tilespmem:v10+s3+$0x0], $0xffff  }
0x649: {  	v10 =	vor.u32 v54, v4;
	_ =	sdelay $0x3  }
0x64a: {  	[tilespmem:v8+s8+$0x0] =	vst.idx.msk $0xffff, v6  }
0x64b: {  	v8 =	vor.u32 v43, v2;
	v6 =	vld.idx.msk [tilespmem:v10+s3+$0x0], $0xffff  }
0x64c: {  	v10 =	vor.u32 v56, v4;
	_ =	sdelay $0x3  }
0x64d: {  	[tilespmem:v8+s8+$0x0] =	vst.idx.msk $0xffff, v6  }
0x64e: {  	v8 =	vor.u32 v21, v2;
	v6 =	vld.idx.msk [tilespmem:v10+s3+$0x0], $0xffff  }
0x64f: {  	v10 =	vor.u32 v58, v4;
	_ =	sdelay $0x3  }
0x650: {  	[tilespmem:v8+s8+$0x0] =	vst.idx.msk $0xffff, v6  }
0x651: {  	v8 =	vor.u32 v47, v2;
	v6 =	vld.idx.msk [tilespmem:v10+s3+$0x0], $0xffff  }
0x652: {  	v10 =	vor.u32 v60, v4;
	_ =	sdelay $0x3  }
0x653: {  	[tilespmem:v8+s8+$0x0] =	vst.idx.msk $0xffff, v6  }
0x654: {  	v8 =	vor.u32 v35, v2;
	v6 =	vld.idx.msk [tilespmem:v10+s3+$0x0], $0xffff;
	_ =	sdelay $0x4  }
0x655: {  	v10 =	vor.u32 v62, v4;
	[tilespmem:v8+s8+$0x0] =	vst.idx.msk $0xffff, v6;
	v8 =	vld [tilespmem:$0x1FEB0];
	_ =	sdelay $0x4  }
0x656: {  	v6 =	vld.idx.msk [tilespmem:v10+s3+$0x0], $0xffff;
	v8 =	vor.u32 v8, v2;
	_ =	sdelay $0x4  }
0x657: {  	v10 =	vor.u32 v1, v4;
	[tilespmem:v8+s8+$0x0] =	vst.idx.msk $0xffff, v6;
	v8 =	vld [tilespmem:$0x1FCB0];
	_ =	sdelay $0x4  }
0x658: {  	v6 =	vld.idx.msk [tilespmem:v10+s3+$0x0], $0xffff;
	v8 =	vor.u32 v8, v2;
	_ =	sdelay $0x4  }
0x659: {  	v10 =	vor.u32 v0, v4;
	[tilespmem:v8+s8+$0x0] =	vst.idx.msk $0xffff, v6;
	v8 =	vld [tilespmem:$0x1FCC0];
	_ =	sdelay $0x4  }
0x65a: {  	v6 =	vld.idx.msk [tilespmem:v10+s3+$0x0], $0xffff;
	v8 =	vor.u32 v8, v2;
	_ =	sdelay $0x4  }
0x65b: {  	v10 =	vor.u32 v3, v4;
	[tilespmem:v8+s8+$0x0] =	vst.idx.msk $0xffff, v6;
	v8 =	vld [tilespmem:$0x1FF30];
	_ =	sdelay $0x4  }
0x65c: {  	v6 =	vld.idx.msk [tilespmem:v10+s3+$0x0], $0xffff;
	v8 =	vor.u32 v8, v2  }
0x65d: {  	v10 =	vor.u32 v17, v4;
	_ =	sdelay $0x3  }
0x65e: {  	[tilespmem:v8+s8+$0x0] =	vst.idx.msk $0xffff, v6  }
0x65f: {  	v8 =	vor.u32 v59, v2;
	v6 =	vld.idx.msk [tilespmem:v10+s3+$0x0], $0xffff  }
0x660: {  	v10 =	vor.u32 v13, v4;
	_ =	sdelay $0x3  }
0x661: {  	[tilespmem:v8+s8+$0x0] =	vst.idx.msk $0xffff, v6  }
0x662: {  	v8 =	vor.u32 v5, v2;
	v6 =	vld.idx.msk [tilespmem:v10+s3+$0x0], $0xffff  }
0x663: {  	p1 =	sne.s32 s10, $0xF;
	v4 =	vor.u32 v15, v4  }
.Ltmp8:
0x664: {  	_ = 	snop;
	(pc) =	sbr.rel @p1 .LBB2_14-.Ltmp8, $3  }
0x665: {  	_ =	sdelay $0x1  }
0x666: {  	v12 =	vld [tilespmem:$0x1FCE0];
	[tilespmem:v8+s8+$0x0] =	vst.idx.msk $0xffff, v6  }
0x667: {  	v8 =	vadd.s32 s10, v31;
	s10 =	sadd.s32 $0x1, s10;
	v6 =	vld.idx.msk [tilespmem:v4+s3+$0x0], $0xffff  }
0x668: {  	v29 =	vmov v9;
	v9 =	vld [tilespmem:$0x1FCD0];
	_ =	sdelay $0x4  }
0x669: {  	v4 =	vand.u32 $0xF, v8;
	v2 =	vor.u32 v9, v2  }
0x66a: {  	v10 =	vor.u32 v12, v4  }
0x66b: {  	v12 =	vshll.u32 v8, $0x2  }
0x66c: {  	v8 =	vand.u32 $0x7, v8;
	v12 =	vand.u32 $0x20, v12  }
0x66d: {  	v8 =	vor.u32 v8, v12  }
0x66e: {  	[tilespmem:v2+s8+$0x0] =	vst.idx.msk $0xffff, v6;
	v2 =	vshll.u32 v8, $0x7  }
0x66f: {  	v6 =	vld.idx.msk [tilespmem:v10+s3+$0x0], $0xffff;
	v8 =	vor.u32 v31, v2  }
0x670: {  	v10 =	vor.u32 v14, v4;
	_ =	sdelay $0x3  }
0x671: {  	[tilespmem:v8+s8+$0x0] =	vst.idx.msk $0xffff, v6  }
0x672: {  	v8 =	vor.u32 v39, v2;
	v6 =	vld.idx.msk [tilespmem:v10+s3+$0x0], $0xffff  }
0x673: {  	v10 =	vor.u32 v16, v4;
	_ =	sdelay $0x3  }
0x674: {  	[tilespmem:v8+s8+$0x0] =	vst.idx.msk $0xffff, v6  }
0x675: {  	v8 =	vor.u32 v7, v2;
	v6 =	vld.idx.msk [tilespmem:v10+s3+$0x0], $0xffff  }
0x676: {  	v10 =	vor.u32 v18, v4;
	_ =	sdelay $0x3  }
0x677: {  	[tilespmem:v8+s8+$0x0] =	vst.idx.msk $0xffff, v6  }
0x678: {  	v8 =	vor.u32 v25, v2;
	v6 =	vld.idx.msk [tilespmem:v10+s3+$0x0], $0xffff  }
0x679: {  	v10 =	vor.u32 v20, v4;
	_ =	sdelay $0x3  }
0x67a: {  	[tilespmem:v8+s8+$0x0] =	vst.idx.msk $0xffff, v6  }
0x67b: {  	v8 =	vor.u32 v61, v2;
	v6 =	vld.idx.msk [tilespmem:v10+s3+$0x0], $0xffff  }
0x67c: {  	v10 =	vor.u32 v22, v4;
	_ =	sdelay $0x3  }
0x67d: {  	[tilespmem:v8+s8+$0x0] =	vst.idx.msk $0xffff, v6  }
0x67e: {  	v8 =	vor.u32 v29, v2;
	v6 =	vld.idx.msk [tilespmem:v10+s3+$0x0], $0xffff  }
0x67f: {  	v10 =	vor.u32 v24, v4;
	_ =	sdelay $0x3  }
0x680: {  	[tilespmem:v8+s8+$0x0] =	vst.idx.msk $0xffff, v6  }
0x681: {  	v8 =	vor.u32 v27, v2;
	v6 =	vld.idx.msk [tilespmem:v10+s3+$0x0], $0xffff  }
0x682: {  	v10 =	vor.u32 v26, v4;
	_ =	sdelay $0x3  }
0x683: {  	[tilespmem:v8+s8+$0x0] =	vst.idx.msk $0xffff, v6  }
0x684: {  	v8 =	vor.u32 v23, v2;
	v6 =	vld.idx.msk [tilespmem:v10+s3+$0x0], $0xffff  }
0x685: {  	v10 =	vor.u32 v28, v4;
	_ =	sdelay $0x3  }
0x686: {  	[tilespmem:v8+s8+$0x0] =	vst.idx.msk $0xffff, v6  }
0x687: {  	v8 =	vor.u32 v19, v2;
	v6 =	vld.idx.msk [tilespmem:v10+s3+$0x0], $0xffff  }
0x688: {  	v10 =	vor.u32 v30, v4;
	_ =	sdelay $0x3  }
0x689: {  	[tilespmem:v8+s8+$0x0] =	vst.idx.msk $0xffff, v6  }
0x68a: {  	v8 =	vor.u32 v33, v2;
	v6 =	vld.idx.msk [tilespmem:v10+s3+$0x0], $0xffff  }
0x68b: {  	v10 =	vor.u32 v32, v4;
	_ =	sdelay $0x3  }
0x68c: {  	[tilespmem:v8+s8+$0x0] =	vst.idx.msk $0xffff, v6  }
0x68d: {  	v8 =	vor.u32 v45, v2;
	v6 =	vld.idx.msk [tilespmem:v10+s3+$0x0], $0xffff  }
0x68e: {  	v53 =	vmov v29;
	v29 =	vld [tilespmem:$0x1FF10];
	v10 =	vor.u32 v34, v4;
	_ =	sdelay $0x3  }
0x68f: {  	[tilespmem:v8+s8+$0x0] =	vst.idx.msk $0xffff, v6  }
0x690: {  	v8 =	vor.u32 v29, v2;
	v6 =	vld.idx.msk [tilespmem:v10+s3+$0x0], $0xffff  }
0x691: {  	v57 =	vld [tilespmem:$0x1FF00];
	v10 =	vor.u32 v36, v4;
	_ =	sdelay $0x3  }
0x692: {  	[tilespmem:v8+s8+$0x0] =	vst.idx.msk $0xffff, v6  }
0x693: {  	v8 =	vor.u32 v57, v2;
	v6 =	vld.idx.msk [tilespmem:v10+s3+$0x0], $0xffff  }
0x694: {  	v12 =	vld [tilespmem:$0x1FEF0];
	v10 =	vor.u32 v38, v4;
	_ =	sdelay $0x3  }
0x695: {  	[tilespmem:v8+s8+$0x0] =	vst.idx.msk $0xffff, v6  }
0x696: {  	v8 =	vor.u32 v12, v2;
	v6 =	vld.idx.msk [tilespmem:v10+s3+$0x0], $0xffff  }
0x697: {  	v31 =	vld [tilespmem:$0x1FEE0];
	v10 =	vor.u32 v40, v4;
	_ =	sdelay $0x3  }
0x698: {  	[tilespmem:v8+s8+$0x0] =	vst.idx.msk $0xffff, v6  }
0x699: {  	v8 =	vor.u32 v31, v2;
	v6 =	vld.idx.msk [tilespmem:v10+s3+$0x0], $0xffff  }
0x69a: {  	v55 =	vld [tilespmem:$0x1FED0];
	v10 =	vor.u32 v42, v4;
	_ =	sdelay $0x3  }
0x69b: {  	[tilespmem:v8+s8+$0x0] =	vst.idx.msk $0xffff, v6  }
0x69c: {  	v8 =	vor.u32 v55, v2;
	v6 =	vld.idx.msk [tilespmem:v10+s3+$0x0], $0xffff  }
0x69d: {  	v63 =	vld [tilespmem:$0x1FEC0];
	v10 =	vor.u32 v44, v4;
	_ =	sdelay $0x3  }
0x69e: {  	[tilespmem:v8+s8+$0x0] =	vst.idx.msk $0xffff, v6  }
0x69f: {  	v8 =	vor.u32 v63, v2;
	v6 =	vld.idx.msk [tilespmem:v10+s3+$0x0], $0xffff  }
0x6a0: {  	v10 =	vor.u32 v46, v4;
	_ =	sdelay $0x3  }
0x6a1: {  	[tilespmem:v8+s8+$0x0] =	vst.idx.msk $0xffff, v6  }
0x6a2: {  	v8 =	vor.u32 v37, v2;
	v6 =	vld.idx.msk [tilespmem:v10+s3+$0x0], $0xffff  }
0x6a3: {  	v10 =	vor.u32 v48, v4;
	_ =	sdelay $0x3  }
0x6a4: {  	[tilespmem:v8+s8+$0x0] =	vst.idx.msk $0xffff, v6  }
0x6a5: {  	v8 =	vor.u32 v51, v2;
	v6 =	vld.idx.msk [tilespmem:v10+s3+$0x0], $0xffff  }
0x6a6: {  	v10 =	vor.u32 v50, v4;
	_ =	sdelay $0x3  }
0x6a7: {  	[tilespmem:v8+s8+$0x0] =	vst.idx.msk $0xffff, v6  }
0x6a8: {  	v8 =	vor.u32 v49, v2;
	v6 =	vld.idx.msk [tilespmem:v10+s3+$0x0], $0xffff  }
0x6a9: {  	v10 =	vor.u32 v52, v4;
	_ =	sdelay $0x3  }
0x6aa: {  	[tilespmem:v8+s8+$0x0] =	vst.idx.msk $0xffff, v6  }
0x6ab: {  	v8 =	vor.u32 v41, v2;
	v6 =	vld.idx.msk [tilespmem:v10+s3+$0x0], $0xffff  }
0x6ac: {  	v10 =	vor.u32 v54, v4;
	_ =	sdelay $0x3  }
0x6ad: {  	[tilespmem:v8+s8+$0x0] =	vst.idx.msk $0xffff, v6  }
0x6ae: {  	v8 =	vor.u32 v43, v2;
	v6 =	vld.idx.msk [tilespmem:v10+s3+$0x0], $0xffff  }
0x6af: {  	v10 =	vor.u32 v56, v4;
	_ =	sdelay $0x3  }
0x6b0: {  	[tilespmem:v8+s8+$0x0] =	vst.idx.msk $0xffff, v6  }
0x6b1: {  	v8 =	vor.u32 v21, v2;
	v6 =	vld.idx.msk [tilespmem:v10+s3+$0x0], $0xffff  }
0x6b2: {  	v10 =	vor.u32 v58, v4;
	_ =	sdelay $0x3  }
0x6b3: {  	[tilespmem:v8+s8+$0x0] =	vst.idx.msk $0xffff, v6  }
0x6b4: {  	v8 =	vor.u32 v47, v2;
	v6 =	vld.idx.msk [tilespmem:v10+s3+$0x0], $0xffff  }
0x6b5: {  	v10 =	vor.u32 v60, v4;
	_ =	sdelay $0x3  }
0x6b6: {  	[tilespmem:v8+s8+$0x0] =	vst.idx.msk $0xffff, v6  }
0x6b7: {  	v8 =	vor.u32 v35, v2;
	v6 =	vld.idx.msk [tilespmem:v10+s3+$0x0], $0xffff  }
0x6b8: {  	v30 =	vmov v23;
	v23 =	vld [tilespmem:$0x1FEB0];
	v10 =	vor.u32 v62, v4;
	_ =	sdelay $0x3  }
0x6b9: {  	[tilespmem:v8+s8+$0x0] =	vst.idx.msk $0xffff, v6  }
0x6ba: {  	v8 =	vor.u32 v23, v2;
	v6 =	vld.idx.msk [tilespmem:v10+s3+$0x0], $0xffff  }
0x6bb: {  	v10 =	vor.u32 v1, v4;
	v1 =	vld [tilespmem:$0x1FCB0];
	_ =	sdelay $0x3  }
0x6bc: {  	[tilespmem:v8+s8+$0x0] =	vst.idx.msk $0xffff, v6  }
0x6bd: {  	v8 =	vor.u32 v1, v2;
	v6 =	vld.idx.msk [tilespmem:v10+s3+$0x0], $0xffff  }
0x6be: {  	v62 =	vmov v45;
	v45 =	vld [tilespmem:$0x1FCC0];
	v10 =	vor.u32 v0, v4;
	_ =	sdelay $0x3  }
0x6bf: {  	[tilespmem:v8+s8+$0x0] =	vst.idx.msk $0xffff, v6  }
0x6c0: {  	v8 =	vor.u32 v45, v2;
	v6 =	vld.idx.msk [tilespmem:v10+s3+$0x0], $0xffff  }
0x6c1: {  	v0 =	vld [tilespmem:$0x1FF30];
	v10 =	vor.u32 v3, v4;
	_ =	sdelay $0x3  }
0x6c2: {  	[tilespmem:v8+s8+$0x0] =	vst.idx.msk $0xffff, v6  }
0x6c3: {  	v8 =	vor.u32 v0, v2;
	v6 =	vld.idx.msk [tilespmem:v10+s3+$0x0], $0xffff  }
0x6c4: {  	v10 =	vor.u32 v17, v4;
	_ =	sdelay $0x3  }
0x6c5: {  	[tilespmem:v8+s8+$0x0] =	vst.idx.msk $0xffff, v6  }
0x6c6: {  	v8 =	vor.u32 v59, v2;
	v6 =	vld.idx.msk [tilespmem:v10+s3+$0x0], $0xffff  }
0x6c7: {  	v10 =	vor.u32 v13, v4;
	_ =	sdelay $0x3  }
0x6c8: {  	[tilespmem:v8+s8+$0x0] =	vst.idx.msk $0xffff, v6  }
0x6c9: {  	v8 =	vor.u32 v5, v2;
	v6 =	vld.idx.msk [tilespmem:v10+s3+$0x0], $0xffff  }
0x6ca: {  	v4 =	vor.u32 v15, v4;
	_ =	sdelay $0x3  }
0x6cb: {  	[tilespmem:v8+s8+$0x0] =	vst.idx.msk $0xffff, v6  }
0x6cc: {  	v2 =	vor.u32 v9, v2;
	v4 =	vld.idx.msk [tilespmem:v4+s3+$0x0], $0xffff;
	_ =	sdelay $0x4  }
0x6cd: {  	s6 =	sadd.s32 s9, s18;
	s10 =	simm.s32 $0x0;
	[tilespmem:v2+s8+$0x0] =	vst.idx.msk $0xffff, v4  }
0x6ce: {  	[hbm4b:s6+s10] =	stream.linear.scatter [tilespmem:s8], [sflag:$0x5], $0x1000, $0x38;
	[tilespmem:$0x14400] =	vst v63  }
0x6cf: {  	s11 =	sadd.s32 s9, s19  }
0x6d0: {  	[hbm4b:s11+s10] =	stream.linear.scatter [tilespmem:s25], [sflag:$0x5], $0x1000, $0x38;
	[tilespmem:$0x14400] =	vst v63  }
0x6d1: {  	_ =	swait.ge [sflag:s29], $0x1000  }
0x6d2: {  	v14 =	vld [tilespmem:$0x1FA30];
	_ =	sdelay $0x1  }
0x6d3: {  	v3 =	vlaneseq.u32  }
0x6d4: {  	v2 =	vadd.s32 s10, v3;
	[sflag:s29] =	ssyncset.done $0x0  }
0x6d5: {  	v4 =	vand.u32 $0xF, v2;
	[sflag:s29] =	ssyncadd.s32 $0xFFFFF000  }
0x6d6: {  	_ =	swait.ge [sflag:s29], $0x1000;
	v6 =	vor.u32 v14, v4  }
0x6d7: {  	v8 =	vshll.u32 v2, $0x2;
	v16 =	vld [tilespmem:$0x1FA40]  }
0x6d8: {  	v2 =	vand.u32 $0x7, v2;
	v8 =	vand.u32 $0x20, v8  }
0x6d9: {  	v2 =	vor.u32 v2, v8;
	[sflag:s29] =	ssyncset.done $0x0  }
0x6da: {  	v2 =	vshll.u32 v2, $0x7;
	[sflag:s29] =	ssyncadd.s32 $0xFFFFF000  }
0x6db: {  	v8 =	vor.u32 v3, v2;
	v6 =	vld.idx.msk [tilespmem:v6+s3+$0x0], $0xffff  }
0x6dc: {  	v10 =	vor.u32 v16, v4  }
0x6dd: {  	v17 =	vld [tilespmem:$0x1FC20];
	_ =	sdelay $0x2  }
0x6de: {  	[tilespmem:v8+s7+$0x0] =	vst.idx.msk $0xffff, v6  }
0x6df: {  	v8 =	vor.u32 v39, v2;
	v6 =	vld.idx.msk [tilespmem:v10+s3+$0x0], $0xffff  }
0x6e0: {  	v10 =	vor.u32 v17, v4  }
0x6e1: {  	v20 =	vld [tilespmem:$0x1FC10];
	_ =	sdelay $0x2  }
0x6e2: {  	[tilespmem:v8+s7+$0x0] =	vst.idx.msk $0xffff, v6  }
0x6e3: {  	v8 =	vor.u32 v7, v2;
	v6 =	vld.idx.msk [tilespmem:v10+s3+$0x0], $0xffff  }
0x6e4: {  	v10 =	vor.u32 v20, v4  }
0x6e5: {  	v22 =	vld [tilespmem:$0x1FA60];
	_ =	sdelay $0x2  }
0x6e6: {  	[tilespmem:v8+s7+$0x0] =	vst.idx.msk $0xffff, v6  }
0x6e7: {  	v8 =	vor.u32 v25, v2;
	v6 =	vld.idx.msk [tilespmem:v10+s3+$0x0], $0xffff  }
0x6e8: {  	v10 =	vor.u32 v22, v4  }
0x6e9: {  	v24 =	vld [tilespmem:$0x1FA70];
	_ =	sdelay $0x2  }
0x6ea: {  	[tilespmem:v8+s7+$0x0] =	vst.idx.msk $0xffff, v6  }
0x6eb: {  	v8 =	vor.u32 v61, v2;
	v6 =	vld.idx.msk [tilespmem:v10+s3+$0x0], $0xffff  }
0x6ec: {  	v10 =	vor.u32 v24, v4  }
0x6ed: {  	v26 =	vld [tilespmem:$0x1FA80];
	_ =	sdelay $0x2  }
0x6ee: {  	[tilespmem:v8+s7+$0x0] =	vst.idx.msk $0xffff, v6  }
0x6ef: {  	v8 =	vor.u32 v53, v2;
	v6 =	vld.idx.msk [tilespmem:v10+s3+$0x0], $0xffff  }
0x6f0: {  	v10 =	vor.u32 v26, v4;
	_ =	sdelay $0x3  }
0x6f1: {  	v28 =	vld [tilespmem:$0x1FA90];
	[tilespmem:v8+s7+$0x0] =	vst.idx.msk $0xffff, v6  }
0x6f2: {  	v8 =	vor.u32 v27, v2;
	v6 =	vld.idx.msk [tilespmem:v10+s3+$0x0], $0xffff;
	_ =	sdelay $0x3  }
0x6f3: {  	v10 =	vor.u32 v28, v4  }
0x6f4: {  	v53 =	vmov v30;
	[tilespmem:v8+s7+$0x0] =	vst.idx.msk $0xffff, v6;
	v8 =	vor.u32 v30, v2;
	v30 =	vld [tilespmem:$0x1FAA0];
	_ =	sdelay $0x3  }
0x6f5: {  	v6 =	vld.idx.msk [tilespmem:v10+s3+$0x0], $0xffff  }
0x6f6: {  	v10 =	vor.u32 v30, v4  }
0x6f7: {  	v32 =	vld [tilespmem:$0x1FA50];
	_ =	sdelay $0x2  }
0x6f8: {  	[tilespmem:v8+s7+$0x0] =	vst.idx.msk $0xffff, v6  }
0x6f9: {  	v8 =	vor.u32 v19, v2;
	v6 =	vld.idx.msk [tilespmem:v10+s3+$0x0], $0xffff  }
0x6fa: {  	v10 =	vor.u32 v32, v4  }
0x6fb: {  	v34 =	vld [tilespmem:$0x1FAB0];
	_ =	sdelay $0x2  }
0x6fc: {  	[tilespmem:v8+s7+$0x0] =	vst.idx.msk $0xffff, v6  }
0x6fd: {  	v8 =	vor.u32 v33, v2;
	v6 =	vld.idx.msk [tilespmem:v10+s3+$0x0], $0xffff  }
0x6fe: {  	v10 =	vor.u32 v34, v4  }
0x6ff: {  	v36 =	vld [tilespmem:$0x1FAC0];
	_ =	sdelay $0x2  }
0x700: {  	[tilespmem:v8+s7+$0x0] =	vst.idx.msk $0xffff, v6  }
0x701: {  	v8 =	vor.u32 v62, v2;
	v6 =	vld.idx.msk [tilespmem:v10+s3+$0x0], $0xffff  }
0x702: {  	v10 =	vor.u32 v36, v4  }
0x703: {  	v38 =	vld [tilespmem:$0x1FAD0];
	_ =	sdelay $0x2  }
0x704: {  	[tilespmem:v8+s7+$0x0] =	vst.idx.msk $0xffff, v6  }
0x705: {  	v8 =	vor.u32 v29, v2;
	v6 =	vld.idx.msk [tilespmem:v10+s3+$0x0], $0xffff  }
0x706: {  	v10 =	vor.u32 v38, v4  }
0x707: {  	v40 =	vld [tilespmem:$0x1FBE0];
	_ =	sdelay $0x2  }
0x708: {  	[tilespmem:v8+s7+$0x0] =	vst.idx.msk $0xffff, v6  }
0x709: {  	v8 =	vor.u32 v57, v2;
	v6 =	vld.idx.msk [tilespmem:v10+s3+$0x0], $0xffff  }
0x70a: {  	v10 =	vor.u32 v40, v4  }
0x70b: {  	v42 =	vld [tilespmem:$0x1FB00];
	_ =	sdelay $0x2  }
0x70c: {  	[tilespmem:v8+s7+$0x0] =	vst.idx.msk $0xffff, v6  }
0x70d: {  	v8 =	vor.u32 v12, v2;
	v6 =	vld.idx.msk [tilespmem:v10+s3+$0x0], $0xffff  }
0x70e: {  	v10 =	vor.u32 v42, v4  }
0x70f: {  	v44 =	vld [tilespmem:$0x1FAE0];
	_ =	sdelay $0x2  }
0x710: {  	[tilespmem:v8+s7+$0x0] =	vst.idx.msk $0xffff, v6  }
0x711: {  	v8 =	vor.u32 v31, v2;
	v6 =	vld.idx.msk [tilespmem:v10+s3+$0x0], $0xffff  }
0x712: {  	v10 =	vor.u32 v44, v4  }
0x713: {  	v46 =	vld [tilespmem:$0x1FAF0];
	_ =	sdelay $0x2  }
0x714: {  	[tilespmem:v8+s7+$0x0] =	vst.idx.msk $0xffff, v6  }
0x715: {  	v8 =	vor.u32 v55, v2;
	v6 =	vld.idx.msk [tilespmem:v10+s3+$0x0], $0xffff  }
0x716: {  	v10 =	vor.u32 v46, v4  }
0x717: {  	v48 =	vld [tilespmem:$0x1FBC0];
	_ =	sdelay $0x2  }
0x718: {  	[tilespmem:v8+s7+$0x0] =	vst.idx.msk $0xffff, v6  }
0x719: {  	v8 =	vor.u32 v63, v2;
	v6 =	vld.idx.msk [tilespmem:v10+s3+$0x0], $0xffff  }
0x71a: {  	v10 =	vor.u32 v48, v4  }
0x71b: {  	v50 =	vld [tilespmem:$0x1FB10];
	_ =	sdelay $0x2  }
0x71c: {  	[tilespmem:v8+s7+$0x0] =	vst.idx.msk $0xffff, v6  }
0x71d: {  	v8 =	vor.u32 v37, v2;
	v6 =	vld.idx.msk [tilespmem:v10+s3+$0x0], $0xffff  }
0x71e: {  	v10 =	vor.u32 v50, v4  }
0x71f: {  	v52 =	vld [tilespmem:$0x1FBD0];
	_ =	sdelay $0x2  }
0x720: {  	v18 =	vmov v51;
	[tilespmem:v8+s7+$0x0] =	vst.idx.msk $0xffff, v6  }
0x721: {  	v8 =	vor.u32 v18, v2;
	v6 =	vld.idx.msk [tilespmem:v10+s3+$0x0], $0xffff  }
0x722: {  	v10 =	vor.u32 v52, v4  }
0x723: {  	v54 =	vld [tilespmem:$0x1FA20];
	_ =	sdelay $0x2  }
0x724: {  	[tilespmem:v8+s7+$0x0] =	vst.idx.msk $0xffff, v6  }
0x725: {  	v8 =	vor.u32 v49, v2;
	v6 =	vld.idx.msk [tilespmem:v10+s3+$0x0], $0xffff  }
0x726: {  	v10 =	vor.u32 v54, v4  }
0x727: {  	v56 =	vld [tilespmem:$0x1FBA0];
	_ =	sdelay $0x2  }
0x728: {  	[tilespmem:v8+s7+$0x0] =	vst.idx.msk $0xffff, v6  }
0x729: {  	v8 =	vor.u32 v41, v2;
	v6 =	vld.idx.msk [tilespmem:v10+s3+$0x0], $0xffff  }
0x72a: {  	v10 =	vor.u32 v56, v4  }
0x72b: {  	v58 =	vld [tilespmem:$0x1FB20];
	_ =	sdelay $0x2  }
0x72c: {  	[tilespmem:v8+s7+$0x0] =	vst.idx.msk $0xffff, v6  }
0x72d: {  	v8 =	vor.u32 v43, v2;
	v6 =	vld.idx.msk [tilespmem:v10+s3+$0x0], $0xffff  }
0x72e: {  	v10 =	vor.u32 v58, v4  }
0x72f: {  	v60 =	vld [tilespmem:$0x1FB30];
	_ =	sdelay $0x2  }
0x730: {  	[tilespmem:v8+s7+$0x0] =	vst.idx.msk $0xffff, v6  }
0x731: {  	v8 =	vor.u32 v21, v2;
	v6 =	vld.idx.msk [tilespmem:v10+s3+$0x0], $0xffff  }
0x732: {  	v10 =	vor.u32 v60, v4  }
0x733: {  	v62 =	vld [tilespmem:$0x1FB40];
	_ =	sdelay $0x2  }
0x734: {  	[tilespmem:v8+s7+$0x0] =	vst.idx.msk $0xffff, v6  }
0x735: {  	v8 =	vor.u32 v47, v2;
	v6 =	vld.idx.msk [tilespmem:v10+s3+$0x0], $0xffff  }
0x736: {  	v10 =	vor.u32 v62, v4  }
0x737: {  	v13 =	vmov v12;
	v12 =	vld [tilespmem:$0x1FB50];
	_ =	sdelay $0x2  }
0x738: {  	[tilespmem:v8+s7+$0x0] =	vst.idx.msk $0xffff, v6  }
0x739: {  	v8 =	vor.u32 v35, v2;
	v6 =	vld.idx.msk [tilespmem:v10+s3+$0x0], $0xffff  }
0x73a: {  	v10 =	vor.u32 v12, v4  }
0x73b: {  	v9 =	vld [tilespmem:$0x1FB60];
	_ =	sdelay $0x2  }
0x73c: {  	[tilespmem:v8+s7+$0x0] =	vst.idx.msk $0xffff, v6  }
0x73d: {  	v8 =	vor.u32 v23, v2;
	v6 =	vld.idx.msk [tilespmem:v10+s3+$0x0], $0xffff  }
0x73e: {  	v10 =	vor.u32 v9, v4  }
0x73f: {  	v15 =	vmov v31;
	v31 =	vmov v41;
	v41 =	vld [tilespmem:$0x1FB70];
	_ =	sdelay $0x2  }
0x740: {  	[tilespmem:v8+s7+$0x0] =	vst.idx.msk $0xffff, v6  }
0x741: {  	v8 =	vor.u32 v1, v2;
	v6 =	vld.idx.msk [tilespmem:v10+s3+$0x0], $0xffff  }
0x742: {  	v10 =	vor.u32 v41, v4  }
0x743: {  	v11 =	vmov v37;
	v37 =	vld [tilespmem:$0x1FBB0];
	_ =	sdelay $0x2  }
0x744: {  	[tilespmem:v8+s7+$0x0] =	vst.idx.msk $0xffff, v6  }
0x745: {  	v8 =	vor.u32 v45, v2;
	v6 =	vld.idx.msk [tilespmem:v10+s3+$0x0], $0xffff  }
0x746: {  	v10 =	vor.u32 v37, v4  }
0x747: {  	v45 =	vld [tilespmem:$0x1FB80];
	_ =	sdelay $0x2  }
0x748: {  	[tilespmem:v8+s7+$0x0] =	vst.idx.msk $0xffff, v6  }
0x749: {  	v8 =	vor.u32 v0, v2;
	v6 =	vld.idx.msk [tilespmem:v10+s3+$0x0], $0xffff  }
0x74a: {  	v10 =	vor.u32 v45, v4  }
0x74b: {  	v27 =	vld [tilespmem:$0x1FB90];
	_ =	sdelay $0x2  }
0x74c: {  	[tilespmem:v8+s7+$0x0] =	vst.idx.msk $0xffff, v6  }
0x74d: {  	v8 =	vor.u32 v59, v2;
	v6 =	vld.idx.msk [tilespmem:v10+s3+$0x0], $0xffff  }
0x74e: {  	v10 =	vor.u32 v27, v4  }
0x74f: {  	v51 =	vmov v49;
	v49 =	vld [tilespmem:$0x1FBF0];
	_ =	sdelay $0x2  }
0x750: {  	[tilespmem:v8+s7+$0x0] =	vst.idx.msk $0xffff, v6  }
0x751: {  	v8 =	vor.u32 v5, v2;
	v6 =	vld.idx.msk [tilespmem:v10+s3+$0x0], $0xffff  }
0x752: {  	v4 =	vor.u32 v49, v4;
	_ =	sdelay $0x1  }
0x753: {  	v3 =	vmov v55;
	v39 =	vmov v13;
	v13 =	vmov v57;
	v57 =	vld [tilespmem:$0x1FF70]  }
0x754: {  	s13 =	simm.s32 $0x1;
	v23 =	vmov v15;
	v15 =	vld [tilespmem:$0x1FFA0];
	v0 =	vlaneseq.u32  }
0x755: {  	v55 =	vmov v59;
	[tilespmem:v8+s7+$0x0] =	vst.idx.msk $0xffff, v6;
	v8 =	vadd.s32 s13, v0;
	v0 =	vld [tilespmem:$0x1FF60]  }
0x756: {  	s10 =	simm.s32 $0x2;
	v59 =	vmovc v5;
	v5 =	vmovc v33;
	v33 =	vmov v3;
	v3 =	vmov v11;
	v11 =	vmov v12;
	v6 =	vld.idx.msk [tilespmem:v4+s3+$0x0], $0xffff  }
.LBB2_16:
0x757: {  	v1 =	vld [tilespmem:$0x1FCD0];
	_ =	sdelay $0x4  }
0x758: {  	v4 =	vand.u32 $0xF, v8;
	v2 =	vor.u32 v1, v2  }
0x759: {  	v10 =	vor.u32 v14, v4  }
0x75a: {  	v12 =	vshll.u32 v8, $0x2  }
0x75b: {  	v8 =	vand.u32 $0x7, v8;
	v12 =	vand.u32 $0x20, v12  }
0x75c: {  	v8 =	vor.u32 v8, v12  }
0x75d: {  	v12 =	vlaneseq.u32;
	[tilespmem:v2+s7+$0x0] =	vst.idx.msk $0xffff, v6;
	v2 =	vshll.u32 v8, $0x7  }
0x75e: {  	v6 =	vld.idx.msk [tilespmem:v10+s3+$0x0], $0xffff;
	v8 =	vor.u32 v12, v2  }
0x75f: {  	v1 =	vld [tilespmem:$0x1FC30];
	v10 =	vor.u32 v16, v4;
	_ =	sdelay $0x3  }
0x760: {  	[tilespmem:v8+s7+$0x0] =	vst.idx.msk $0xffff, v6  }
0x761: {  	v8 =	vor.u32 v1, v2;
	v6 =	vld.idx.msk [tilespmem:v10+s3+$0x0], $0xffff  }
0x762: {  	v10 =	vor.u32 v17, v4;
	_ =	sdelay $0x3  }
0x763: {  	[tilespmem:v8+s7+$0x0] =	vst.idx.msk $0xffff, v6  }
0x764: {  	v8 =	vor.u32 v7, v2;
	v6 =	vld.idx.msk [tilespmem:v10+s3+$0x0], $0xffff  }
0x765: {  	v10 =	vor.u32 v20, v4;
	_ =	sdelay $0x3  }
0x766: {  	[tilespmem:v8+s7+$0x0] =	vst.idx.msk $0xffff, v6  }
0x767: {  	v8 =	vor.u32 v25, v2;
	v6 =	vld.idx.msk [tilespmem:v10+s3+$0x0], $0xffff  }
0x768: {  	v10 =	vor.u32 v22, v4;
	_ =	sdelay $0x3  }
0x769: {  	[tilespmem:v8+s7+$0x0] =	vst.idx.msk $0xffff, v6  }
0x76a: {  	v8 =	vor.u32 v61, v2;
	v6 =	vld.idx.msk [tilespmem:v10+s3+$0x0], $0xffff  }
0x76b: {  	v10 =	vor.u32 v24, v4;
	_ =	sdelay $0x3  }
0x76c: {  	[tilespmem:v8+s7+$0x0] =	vst.idx.msk $0xffff, v6  }
0x76d: {  	v8 =	vor.u32 v57, v2;
	v6 =	vld.idx.msk [tilespmem:v10+s3+$0x0], $0xffff  }
0x76e: {  	v10 =	vor.u32 v26, v4;
	_ =	sdelay $0x3  }
0x76f: {  	[tilespmem:v8+s7+$0x0] =	vst.idx.msk $0xffff, v6  }
0x770: {  	v8 =	vor.u32 v0, v2;
	v6 =	vld.idx.msk [tilespmem:v10+s3+$0x0], $0xffff  }
0x771: {  	v10 =	vor.u32 v28, v4;
	_ =	sdelay $0x3  }
0x772: {  	[tilespmem:v8+s7+$0x0] =	vst.idx.msk $0xffff, v6  }
0x773: {  	v8 =	vor.u32 v53, v2;
	v6 =	vld.idx.msk [tilespmem:v10+s3+$0x0], $0xffff  }
0x774: {  	v10 =	vor.u32 v30, v4;
	_ =	sdelay $0x3  }
0x775: {  	[tilespmem:v8+s7+$0x0] =	vst.idx.msk $0xffff, v6  }
0x776: {  	v8 =	vor.u32 v19, v2;
	v6 =	vld.idx.msk [tilespmem:v10+s3+$0x0], $0xffff  }
0x777: {  	v10 =	vor.u32 v32, v4;
	_ =	sdelay $0x3  }
0x778: {  	[tilespmem:v8+s7+$0x0] =	vst.idx.msk $0xffff, v6  }
0x779: {  	v8 =	vor.u32 v5, v2;
	v6 =	vld.idx.msk [tilespmem:v10+s3+$0x0], $0xffff  }
0x77a: {  	v10 =	vor.u32 v34, v4;
	_ =	sdelay $0x3  }
0x77b: {  	[tilespmem:v8+s7+$0x0] =	vst.idx.msk $0xffff, v6  }
0x77c: {  	v8 =	vor.u32 v15, v2;
	v6 =	vld.idx.msk [tilespmem:v10+s3+$0x0], $0xffff  }
0x77d: {  	v10 =	vor.u32 v36, v4;
	_ =	sdelay $0x3  }
0x77e: {  	[tilespmem:v8+s7+$0x0] =	vst.idx.msk $0xffff, v6  }
0x77f: {  	v8 =	vor.u32 v29, v2;
	v6 =	vld.idx.msk [tilespmem:v10+s3+$0x0], $0xffff  }
0x780: {  	v10 =	vor.u32 v38, v4;
	_ =	sdelay $0x3  }
0x781: {  	[tilespmem:v8+s7+$0x0] =	vst.idx.msk $0xffff, v6  }
0x782: {  	v8 =	vor.u32 v13, v2;
	v6 =	vld.idx.msk [tilespmem:v10+s3+$0x0], $0xffff  }
0x783: {  	v10 =	vor.u32 v40, v4;
	_ =	sdelay $0x3  }
0x784: {  	[tilespmem:v8+s7+$0x0] =	vst.idx.msk $0xffff, v6  }
0x785: {  	v8 =	vor.u32 v39, v2;
	v6 =	vld.idx.msk [tilespmem:v10+s3+$0x0], $0xffff  }
0x786: {  	v10 =	vor.u32 v42, v4;
	_ =	sdelay $0x3  }
0x787: {  	[tilespmem:v8+s7+$0x0] =	vst.idx.msk $0xffff, v6  }
0x788: {  	v8 =	vor.u32 v23, v2;
	v6 =	vld.idx.msk [tilespmem:v10+s3+$0x0], $0xffff  }
0x789: {  	v10 =	vor.u32 v44, v4;
	_ =	sdelay $0x3  }
0x78a: {  	[tilespmem:v8+s7+$0x0] =	vst.idx.msk $0xffff, v6  }
0x78b: {  	v8 =	vor.u32 v33, v2;
	v6 =	vld.idx.msk [tilespmem:v10+s3+$0x0], $0xffff  }
0x78c: {  	v10 =	vor.u32 v46, v4;
	_ =	sdelay $0x3  }
0x78d: {  	[tilespmem:v8+s7+$0x0] =	vst.idx.msk $0xffff, v6  }
0x78e: {  	v8 =	vor.u32 v63, v2;
	v6 =	vld.idx.msk [tilespmem:v10+s3+$0x0], $0xffff  }
0x78f: {  	v10 =	vor.u32 v48, v4;
	_ =	sdelay $0x3  }
0x790: {  	[tilespmem:v8+s7+$0x0] =	vst.idx.msk $0xffff, v6  }
0x791: {  	v8 =	vor.u32 v3, v2;
	v6 =	vld.idx.msk [tilespmem:v10+s3+$0x0], $0xffff  }
0x792: {  	v10 =	vor.u32 v50, v4;
	_ =	sdelay $0x3  }
0x793: {  	[tilespmem:v8+s7+$0x0] =	vst.idx.msk $0xffff, v6  }
0x794: {  	v8 =	vor.u32 v18, v2;
	v6 =	vld.idx.msk [tilespmem:v10+s3+$0x0], $0xffff  }
0x795: {  	v10 =	vor.u32 v52, v4;
	_ =	sdelay $0x3  }
0x796: {  	[tilespmem:v8+s7+$0x0] =	vst.idx.msk $0xffff, v6  }
0x797: {  	v8 =	vor.u32 v51, v2;
	v6 =	vld.idx.msk [tilespmem:v10+s3+$0x0], $0xffff  }
0x798: {  	v10 =	vor.u32 v54, v4;
	_ =	sdelay $0x3  }
0x799: {  	[tilespmem:v8+s7+$0x0] =	vst.idx.msk $0xffff, v6  }
0x79a: {  	v8 =	vor.u32 v31, v2;
	v6 =	vld.idx.msk [tilespmem:v10+s3+$0x0], $0xffff  }
0x79b: {  	v10 =	vor.u32 v56, v4;
	_ =	sdelay $0x3  }
0x79c: {  	[tilespmem:v8+s7+$0x0] =	vst.idx.msk $0xffff, v6  }
0x79d: {  	v8 =	vor.u32 v43, v2;
	v6 =	vld.idx.msk [tilespmem:v10+s3+$0x0], $0xffff  }
0x79e: {  	v10 =	vor.u32 v58, v4;
	_ =	sdelay $0x3  }
0x79f: {  	[tilespmem:v8+s7+$0x0] =	vst.idx.msk $0xffff, v6  }
0x7a0: {  	v8 =	vor.u32 v21, v2;
	v6 =	vld.idx.msk [tilespmem:v10+s3+$0x0], $0xffff  }
0x7a1: {  	v10 =	vor.u32 v60, v4;
	_ =	sdelay $0x3  }
0x7a2: {  	[tilespmem:v8+s7+$0x0] =	vst.idx.msk $0xffff, v6  }
0x7a3: {  	v8 =	vor.u32 v47, v2;
	v6 =	vld.idx.msk [tilespmem:v10+s3+$0x0], $0xffff  }
0x7a4: {  	v10 =	vor.u32 v62, v4;
	_ =	sdelay $0x3  }
0x7a5: {  	[tilespmem:v8+s7+$0x0] =	vst.idx.msk $0xffff, v6  }
0x7a6: {  	v8 =	vor.u32 v35, v2;
	v6 =	vld.idx.msk [tilespmem:v10+s3+$0x0], $0xffff  }
0x7a7: {  	v1 =	vld [tilespmem:$0x1FEB0];
	v10 =	vor.u32 v11, v4;
	_ =	sdelay $0x3  }
0x7a8: {  	[tilespmem:v8+s7+$0x0] =	vst.idx.msk $0xffff, v6  }
0x7a9: {  	v8 =	vor.u32 v1, v2;
	v6 =	vld.idx.msk [tilespmem:v10+s3+$0x0], $0xffff  }
0x7aa: {  	v1 =	vld [tilespmem:$0x1FCB0];
	v10 =	vor.u32 v9, v4;
	_ =	sdelay $0x3  }
0x7ab: {  	[tilespmem:v8+s7+$0x0] =	vst.idx.msk $0xffff, v6  }
0x7ac: {  	v8 =	vor.u32 v1, v2;
	v6 =	vld.idx.msk [tilespmem:v10+s3+$0x0], $0xffff  }
0x7ad: {  	v1 =	vld [tilespmem:$0x1FCC0];
	v10 =	vor.u32 v41, v4;
	_ =	sdelay $0x3  }
0x7ae: {  	[tilespmem:v8+s7+$0x0] =	vst.idx.msk $0xffff, v6  }
0x7af: {  	v8 =	vor.u32 v1, v2;
	v6 =	vld.idx.msk [tilespmem:v10+s3+$0x0], $0xffff  }
0x7b0: {  	v1 =	vld [tilespmem:$0x1FF30];
	v10 =	vor.u32 v37, v4;
	_ =	sdelay $0x3  }
0x7b1: {  	[tilespmem:v8+s7+$0x0] =	vst.idx.msk $0xffff, v6  }
0x7b2: {  	v8 =	vor.u32 v1, v2;
	v6 =	vld.idx.msk [tilespmem:v10+s3+$0x0], $0xffff  }
0x7b3: {  	v10 =	vor.u32 v45, v4;
	_ =	sdelay $0x3  }
0x7b4: {  	[tilespmem:v8+s7+$0x0] =	vst.idx.msk $0xffff, v6  }
0x7b5: {  	v8 =	vor.u32 v55, v2;
	v6 =	vld.idx.msk [tilespmem:v10+s3+$0x0], $0xffff  }
0x7b6: {  	v10 =	vor.u32 v27, v4;
	_ =	sdelay $0x3  }
0x7b7: {  	[tilespmem:v8+s7+$0x0] =	vst.idx.msk $0xffff, v6  }
0x7b8: {  	v8 =	vor.u32 v59, v2;
	v6 =	vld.idx.msk [tilespmem:v10+s3+$0x0], $0xffff  }
0x7b9: {  	p1 =	sne.s32 s10, $0xF;
	v4 =	vor.u32 v49, v4  }
.Ltmp9:
0x7ba: {  	_ = 	snop;
	(pc) =	sbr.rel @p1 .LBB2_16-.Ltmp9, $3  }
0x7bb: {  	_ =	sdelay $0x1  }
0x7bc: {  	[tilespmem:v8+s7+$0x0] =	vst.idx.msk $0xffff, v6  }
0x7bd: {  	v8 =	vadd.s32 s10, v12;
	s10 =	sadd.s32 $0x1, s10;
	v6 =	vld.idx.msk [tilespmem:v4+s3+$0x0], $0xffff  }
0x7be: {  	v1 =	vld [tilespmem:$0x1FCD0];
	_ =	sdelay $0x4  }
0x7bf: {  	v4 =	vand.u32 $0xF, v8;
	v2 =	vor.u32 v1, v2  }
0x7c0: {  	v10 =	vor.u32 v14, v4  }
0x7c1: {  	v12 =	vshll.u32 v8, $0x2  }
0x7c2: {  	v8 =	vand.u32 $0x7, v8;
	v12 =	vand.u32 $0x20, v12  }
0x7c3: {  	v8 =	vor.u32 v8, v12  }
0x7c4: {  	v1 =	vlaneseq.u32;
	[tilespmem:v2+s7+$0x0] =	vst.idx.msk $0xffff, v6;
	v2 =	vshll.u32 v8, $0x7  }
0x7c5: {  	v6 =	vld.idx.msk [tilespmem:v10+s3+$0x0], $0xffff;
	v8 =	vor.u32 v1, v2  }
0x7c6: {  	v10 =	vor.u32 v16, v4;
	v1 =	vld [tilespmem:$0x1FC30];
	_ =	sdelay $0x3  }
0x7c7: {  	[tilespmem:v8+s7+$0x0] =	vst.idx.msk $0xffff, v6  }
0x7c8: {  	v8 =	vor.u32 v1, v2;
	v6 =	vld.idx.msk [tilespmem:v10+s3+$0x0], $0xffff  }
0x7c9: {  	v10 =	vor.u32 v17, v4;
	_ =	sdelay $0x3  }
0x7ca: {  	[tilespmem:v8+s7+$0x0] =	vst.idx.msk $0xffff, v6  }
0x7cb: {  	v8 =	vor.u32 v7, v2;
	v6 =	vld.idx.msk [tilespmem:v10+s3+$0x0], $0xffff  }
0x7cc: {  	v10 =	vor.u32 v20, v4;
	_ =	sdelay $0x3  }
0x7cd: {  	[tilespmem:v8+s7+$0x0] =	vst.idx.msk $0xffff, v6  }
0x7ce: {  	v8 =	vor.u32 v25, v2;
	v6 =	vld.idx.msk [tilespmem:v10+s3+$0x0], $0xffff  }
0x7cf: {  	v10 =	vor.u32 v22, v4;
	_ =	sdelay $0x3  }
0x7d0: {  	[tilespmem:v8+s7+$0x0] =	vst.idx.msk $0xffff, v6  }
0x7d1: {  	v8 =	vor.u32 v61, v2;
	v6 =	vld.idx.msk [tilespmem:v10+s3+$0x0], $0xffff  }
0x7d2: {  	v10 =	vor.u32 v24, v4;
	_ =	sdelay $0x3  }
0x7d3: {  	[tilespmem:v8+s7+$0x0] =	vst.idx.msk $0xffff, v6  }
0x7d4: {  	v8 =	vor.u32 v57, v2;
	v6 =	vld.idx.msk [tilespmem:v10+s3+$0x0], $0xffff  }
0x7d5: {  	v10 =	vor.u32 v26, v4;
	_ =	sdelay $0x3  }
0x7d6: {  	[tilespmem:v8+s7+$0x0] =	vst.idx.msk $0xffff, v6  }
0x7d7: {  	v8 =	vor.u32 v0, v2;
	v6 =	vld.idx.msk [tilespmem:v10+s3+$0x0], $0xffff  }
0x7d8: {  	v10 =	vor.u32 v28, v4;
	_ =	sdelay $0x3  }
0x7d9: {  	[tilespmem:v8+s7+$0x0] =	vst.idx.msk $0xffff, v6  }
0x7da: {  	v8 =	vor.u32 v53, v2;
	v6 =	vld.idx.msk [tilespmem:v10+s3+$0x0], $0xffff  }
0x7db: {  	v10 =	vor.u32 v30, v4;
	_ =	sdelay $0x3  }
0x7dc: {  	[tilespmem:v8+s7+$0x0] =	vst.idx.msk $0xffff, v6  }
0x7dd: {  	v8 =	vor.u32 v19, v2;
	v6 =	vld.idx.msk [tilespmem:v10+s3+$0x0], $0xffff  }
0x7de: {  	v10 =	vor.u32 v32, v4;
	_ =	sdelay $0x3  }
0x7df: {  	[tilespmem:v8+s7+$0x0] =	vst.idx.msk $0xffff, v6  }
0x7e0: {  	v8 =	vor.u32 v5, v2;
	v6 =	vld.idx.msk [tilespmem:v10+s3+$0x0], $0xffff  }
0x7e1: {  	v10 =	vor.u32 v34, v4;
	_ =	sdelay $0x3  }
0x7e2: {  	[tilespmem:v8+s7+$0x0] =	vst.idx.msk $0xffff, v6  }
0x7e3: {  	v8 =	vor.u32 v15, v2;
	v6 =	vld.idx.msk [tilespmem:v10+s3+$0x0], $0xffff  }
0x7e4: {  	v10 =	vor.u32 v36, v4;
	_ =	sdelay $0x3  }
0x7e5: {  	[tilespmem:v8+s7+$0x0] =	vst.idx.msk $0xffff, v6  }
0x7e6: {  	v8 =	vor.u32 v29, v2;
	v6 =	vld.idx.msk [tilespmem:v10+s3+$0x0], $0xffff  }
0x7e7: {  	v10 =	vor.u32 v38, v4;
	_ =	sdelay $0x3  }
0x7e8: {  	[tilespmem:v8+s7+$0x0] =	vst.idx.msk $0xffff, v6  }
0x7e9: {  	v8 =	vor.u32 v13, v2;
	v6 =	vld.idx.msk [tilespmem:v10+s3+$0x0], $0xffff  }
0x7ea: {  	v10 =	vor.u32 v40, v4;
	_ =	sdelay $0x3  }
0x7eb: {  	[tilespmem:v8+s7+$0x0] =	vst.idx.msk $0xffff, v6  }
0x7ec: {  	v8 =	vor.u32 v39, v2;
	v6 =	vld.idx.msk [tilespmem:v10+s3+$0x0], $0xffff  }
0x7ed: {  	v10 =	vor.u32 v42, v4;
	_ =	sdelay $0x3  }
0x7ee: {  	[tilespmem:v8+s7+$0x0] =	vst.idx.msk $0xffff, v6  }
0x7ef: {  	v8 =	vor.u32 v23, v2;
	v6 =	vld.idx.msk [tilespmem:v10+s3+$0x0], $0xffff  }
0x7f0: {  	v10 =	vor.u32 v44, v4;
	_ =	sdelay $0x3  }
0x7f1: {  	[tilespmem:v8+s7+$0x0] =	vst.idx.msk $0xffff, v6  }
0x7f2: {  	v8 =	vor.u32 v33, v2;
	v6 =	vld.idx.msk [tilespmem:v10+s3+$0x0], $0xffff  }
0x7f3: {  	v10 =	vor.u32 v46, v4;
	_ =	sdelay $0x3  }
0x7f4: {  	[tilespmem:v8+s7+$0x0] =	vst.idx.msk $0xffff, v6  }
0x7f5: {  	v8 =	vor.u32 v63, v2;
	v6 =	vld.idx.msk [tilespmem:v10+s3+$0x0], $0xffff  }
0x7f6: {  	v10 =	vor.u32 v48, v4;
	_ =	sdelay $0x3  }
0x7f7: {  	[tilespmem:v8+s7+$0x0] =	vst.idx.msk $0xffff, v6  }
0x7f8: {  	v8 =	vor.u32 v3, v2;
	v6 =	vld.idx.msk [tilespmem:v10+s3+$0x0], $0xffff  }
0x7f9: {  	v10 =	vor.u32 v50, v4;
	_ =	sdelay $0x3  }
0x7fa: {  	[tilespmem:v8+s7+$0x0] =	vst.idx.msk $0xffff, v6  }
0x7fb: {  	v8 =	vor.u32 v18, v2;
	v6 =	vld.idx.msk [tilespmem:v10+s3+$0x0], $0xffff  }
0x7fc: {  	v10 =	vor.u32 v52, v4;
	_ =	sdelay $0x3  }
0x7fd: {  	[tilespmem:v8+s7+$0x0] =	vst.idx.msk $0xffff, v6  }
0x7fe: {  	v8 =	vor.u32 v51, v2;
	v6 =	vld.idx.msk [tilespmem:v10+s3+$0x0], $0xffff  }
0x7ff: {  	v10 =	vor.u32 v54, v4;
	_ =	sdelay $0x3  }
0x800: {  	[tilespmem:v8+s7+$0x0] =	vst.idx.msk $0xffff, v6  }
0x801: {  	v8 =	vor.u32 v31, v2;
	v6 =	vld.idx.msk [tilespmem:v10+s3+$0x0], $0xffff  }
0x802: {  	v10 =	vor.u32 v56, v4;
	_ =	sdelay $0x3  }
0x803: {  	[tilespmem:v8+s7+$0x0] =	vst.idx.msk $0xffff, v6  }
0x804: {  	v8 =	vor.u32 v43, v2;
	v6 =	vld.idx.msk [tilespmem:v10+s3+$0x0], $0xffff  }
0x805: {  	v10 =	vor.u32 v58, v4;
	_ =	sdelay $0x3  }
0x806: {  	[tilespmem:v8+s7+$0x0] =	vst.idx.msk $0xffff, v6  }
0x807: {  	v8 =	vor.u32 v21, v2;
	v6 =	vld.idx.msk [tilespmem:v10+s3+$0x0], $0xffff  }
0x808: {  	v10 =	vor.u32 v60, v4;
	_ =	sdelay $0x3  }
0x809: {  	[tilespmem:v8+s7+$0x0] =	vst.idx.msk $0xffff, v6  }
0x80a: {  	v8 =	vor.u32 v47, v2;
	v6 =	vld.idx.msk [tilespmem:v10+s3+$0x0], $0xffff  }
0x80b: {  	v10 =	vor.u32 v62, v4;
	_ =	sdelay $0x3  }
0x80c: {  	[tilespmem:v8+s7+$0x0] =	vst.idx.msk $0xffff, v6  }
0x80d: {  	v8 =	vor.u32 v35, v2;
	v6 =	vld.idx.msk [tilespmem:v10+s3+$0x0], $0xffff  }
0x80e: {  	v5 =	vld [tilespmem:$0x1FEB0];
	v10 =	vor.u32 v11, v4;
	_ =	sdelay $0x3  }
0x80f: {  	[tilespmem:v8+s7+$0x0] =	vst.idx.msk $0xffff, v6  }
0x810: {  	v8 =	vor.u32 v5, v2;
	v6 =	vld.idx.msk [tilespmem:v10+s3+$0x0], $0xffff  }
0x811: {  	v53 =	vld [tilespmem:$0x1FCB0];
	v10 =	vor.u32 v9, v4;
	_ =	sdelay $0x3  }
0x812: {  	[tilespmem:v8+s7+$0x0] =	vst.idx.msk $0xffff, v6  }
0x813: {  	v8 =	vor.u32 v53, v2;
	v6 =	vld.idx.msk [tilespmem:v10+s3+$0x0], $0xffff  }
0x814: {  	v56 =	vmov v43;
	v43 =	vld [tilespmem:$0x1FCC0];
	v10 =	vor.u32 v41, v4;
	_ =	sdelay $0x3  }
0x815: {  	[tilespmem:v8+s7+$0x0] =	vst.idx.msk $0xffff, v6  }
0x816: {  	v8 =	vor.u32 v43, v2;
	v6 =	vld.idx.msk [tilespmem:v10+s3+$0x0], $0xffff  }
0x817: {  	v14 =	vld [tilespmem:$0x1FF30];
	v10 =	vor.u32 v37, v4;
	_ =	sdelay $0x3  }
0x818: {  	[tilespmem:v8+s7+$0x0] =	vst.idx.msk $0xffff, v6  }
0x819: {  	v8 =	vor.u32 v14, v2;
	v6 =	vld.idx.msk [tilespmem:v10+s3+$0x0], $0xffff  }
0x81a: {  	v10 =	vor.u32 v45, v4;
	_ =	sdelay $0x3  }
0x81b: {  	[tilespmem:v8+s7+$0x0] =	vst.idx.msk $0xffff, v6  }
0x81c: {  	v8 =	vor.u32 v55, v2;
	v6 =	vld.idx.msk [tilespmem:v10+s3+$0x0], $0xffff  }
0x81d: {  	v10 =	vor.u32 v27, v4;
	_ =	sdelay $0x3  }
0x81e: {  	[tilespmem:v8+s7+$0x0] =	vst.idx.msk $0xffff, v6  }
0x81f: {  	v8 =	vor.u32 v59, v2;
	v6 =	vld.idx.msk [tilespmem:v10+s3+$0x0], $0xffff  }
0x820: {  	v21 =	vld [tilespmem:$0x1FCD0];
	v4 =	vor.u32 v49, v4;
	_ =	sdelay $0x3  }
0x821: {  	[tilespmem:v8+s7+$0x0] =	vst.idx.msk $0xffff, v6  }
0x822: {  	v2 =	vor.u32 v21, v2;
	v4 =	vld.idx.msk [tilespmem:v4+s3+$0x0], $0xffff;
	_ =	sdelay $0x4  }
0x823: {  	s6 =	sadd.s32 s9, s20;
	s10 =	simm.s32 $0x0;
	[tilespmem:v2+s7+$0x0] =	vst.idx.msk $0xffff, v4  }
0x824: {  	[hbm4b:s6+s10] =	stream.linear.scatter [tilespmem:s7], [sflag:$0x6], $0x1000, $0x38;
	[tilespmem:$0x14400] =	vst v63  }
0x825: {  	s11 =	sadd.s32 s9, s21  }
0x826: {  	[hbm4b:s11+s10] =	stream.linear.scatter [tilespmem:s30], [sflag:$0x6], $0x1000, $0x38;
	[tilespmem:$0x14400] =	vst v63  }
0x827: {  	_ =	swait.ge [sflag:s1], $0x1000  }
0x828: {  	v11 =	vld [tilespmem:$0x1F830];
	_ =	sdelay $0x1  }
0x829: {  	v5 =	vlaneseq.u32  }
0x82a: {  	v2 =	vadd.s32 s10, v5;
	[sflag:s1] =	ssyncset.done $0x0  }
0x82b: {  	v4 =	vand.u32 $0xF, v2;
	[sflag:s1] =	ssyncadd.s32 $0xFFFFF000  }
0x82c: {  	_ =	swait.ge [sflag:s1], $0x1000;
	v6 =	vor.u32 v11, v4  }
0x82d: {  	v8 =	vshll.u32 v2, $0x2;
	v16 =	vld [tilespmem:$0x1F840]  }
0x82e: {  	v2 =	vand.u32 $0x7, v2;
	v8 =	vand.u32 $0x20, v8  }
0x82f: {  	v2 =	vor.u32 v2, v8;
	[sflag:s1] =	ssyncset.done $0x0  }
0x830: {  	v2 =	vshll.u32 v2, $0x7;
	[sflag:s1] =	ssyncadd.s32 $0xFFFFF000  }
0x831: {  	v8 =	vor.u32 v5, v2;
	v6 =	vld.idx.msk [tilespmem:v6+s3+$0x0], $0xffff  }
0x832: {  	v10 =	vor.u32 v16, v4  }
0x833: {  	v17 =	vld [tilespmem:$0x1F850];
	_ =	sdelay $0x2  }
0x834: {  	[tilespmem:v8+s8+$0x0] =	vst.idx.msk $0xffff, v6  }
0x835: {  	v8 =	vor.u32 v1, v2;
	v6 =	vld.idx.msk [tilespmem:v10+s3+$0x0], $0xffff  }
0x836: {  	v10 =	vor.u32 v17, v4  }
0x837: {  	v20 =	vld [tilespmem:$0x1F860];
	_ =	sdelay $0x2  }
0x838: {  	v12 =	vmov v7;
	[tilespmem:v8+s8+$0x0] =	vst.idx.msk $0xffff, v6  }
0x839: {  	v8 =	vor.u32 v12, v2;
	v6 =	vld.idx.msk [tilespmem:v10+s3+$0x0], $0xffff  }
0x83a: {  	v25 =	vmov v29;
	v29 =	vmov v39;
	v39 =	vld [tilespmem:$0x1FF80];
	v10 =	vor.u32 v20, v4  }
0x83b: {  	v22 =	vld [tilespmem:$0x1F870];
	_ =	sdelay $0x2  }
0x83c: {  	[tilespmem:v8+s8+$0x0] =	vst.idx.msk $0xffff, v6  }
0x83d: {  	v8 =	vor.u32 v39, v2;
	v6 =	vld.idx.msk [tilespmem:v10+s3+$0x0], $0xffff  }
0x83e: {  	v15 =	vld [tilespmem:$0x1FFB0];
	v10 =	vor.u32 v22, v4  }
0x83f: {  	v24 =	vld [tilespmem:$0x1FC00];
	_ =	sdelay $0x2  }
0x840: {  	[tilespmem:v8+s8+$0x0] =	vst.idx.msk $0xffff, v6  }
0x841: {  	v8 =	vor.u32 v15, v2;
	v6 =	vld.idx.msk [tilespmem:v10+s3+$0x0], $0xffff  }
0x842: {  	v10 =	vor.u32 v24, v4  }
0x843: {  	v26 =	vld [tilespmem:$0x1F880];
	_ =	sdelay $0x2  }
0x844: {  	[tilespmem:v8+s8+$0x0] =	vst.idx.msk $0xffff, v6  }
0x845: {  	v8 =	vor.u32 v57, v2;
	v6 =	vld.idx.msk [tilespmem:v10+s3+$0x0], $0xffff  }
0x846: {  	v10 =	vor.u32 v26, v4  }
0x847: {  	v28 =	vld [tilespmem:$0x1F890];
	_ =	sdelay $0x2  }
0x848: {  	v61 =	vmov v0;
	[tilespmem:v8+s8+$0x0] =	vst.idx.msk $0xffff, v6  }
0x849: {  	v8 =	vor.u32 v61, v2;
	v6 =	vld.idx.msk [tilespmem:v10+s3+$0x0], $0xffff  }
0x84a: {  	v1 =	vld [tilespmem:$0x1FF90];
	v10 =	vor.u32 v28, v4  }
0x84b: {  	v30 =	vld [tilespmem:$0x1F8A0];
	_ =	sdelay $0x2  }
0x84c: {  	[tilespmem:v8+s8+$0x0] =	vst.idx.msk $0xffff, v6  }
0x84d: {  	v8 =	vor.u32 v1, v2;
	v6 =	vld.idx.msk [tilespmem:v10+s3+$0x0], $0xffff  }
0x84e: {  	v10 =	vor.u32 v30, v4  }
0x84f: {  	v32 =	vld [tilespmem:$0x1F8B0];
	_ =	sdelay $0x2  }
0x850: {  	v0 =	vmov v19;
	[tilespmem:v8+s8+$0x0] =	vst.idx.msk $0xffff, v6  }
0x851: {  	v8 =	vor.u32 v0, v2;
	v6 =	vld.idx.msk [tilespmem:v10+s3+$0x0], $0xffff  }
0x852: {  	v23 =	vld [tilespmem:$0x1FE80];
	v10 =	vor.u32 v32, v4  }
0x853: {  	v34 =	vld [tilespmem:$0x1F8C0];
	_ =	sdelay $0x2  }
0x854: {  	[tilespmem:v8+s8+$0x0] =	vst.idx.msk $0xffff, v6  }
0x855: {  	v8 =	vor.u32 v23, v2;
	v6 =	vld.idx.msk [tilespmem:v10+s3+$0x0], $0xffff  }
0x856: {  	v19 =	vmov v31;
	v31 =	vmov v61;
	v61 =	vld [tilespmem:$0x1FFA0];
	v10 =	vor.u32 v34, v4  }
0x857: {  	v35 =	vld [tilespmem:$0x1F8D0];
	_ =	sdelay $0x2  }
0x858: {  	[tilespmem:v8+s8+$0x0] =	vst.idx.msk $0xffff, v6  }
0x859: {  	v8 =	vor.u32 v61, v2;
	v6 =	vld.idx.msk [tilespmem:v10+s3+$0x0], $0xffff  }
0x85a: {  	v10 =	vor.u32 v35, v4  }
0x85b: {  	v38 =	vld [tilespmem:$0x1F8E0];
	_ =	sdelay $0x2  }
0x85c: {  	[tilespmem:v8+s8+$0x0] =	vst.idx.msk $0xffff, v6  }
0x85d: {  	v8 =	vor.u32 v25, v2;
	v6 =	vld.idx.msk [tilespmem:v10+s3+$0x0], $0xffff  }
0x85e: {  	v10 =	vor.u32 v38, v4  }
0x85f: {  	v40 =	vld [tilespmem:$0x1F8F0];
	_ =	sdelay $0x2  }
0x860: {  	v36 =	vmov v13;
	[tilespmem:v8+s8+$0x0] =	vst.idx.msk $0xffff, v6  }
0x861: {  	v8 =	vor.u32 v36, v2;
	v6 =	vld.idx.msk [tilespmem:v10+s3+$0x0], $0xffff  }
0x862: {  	v10 =	vor.u32 v40, v4  }
0x863: {  	v42 =	vld [tilespmem:$0x1F900];
	_ =	sdelay $0x2  }
0x864: {  	[tilespmem:v8+s8+$0x0] =	vst.idx.msk $0xffff, v6  }
0x865: {  	v8 =	vor.u32 v29, v2;
	v6 =	vld.idx.msk [tilespmem:v10+s3+$0x0], $0xffff  }
0x866: {  	v3 =	vmov v18;
	v18 =	vmov v51;
	v51 =	vld [tilespmem:$0x1FEE0];
	v10 =	vor.u32 v42, v4  }
0x867: {  	v44 =	vld [tilespmem:$0x1F910];
	_ =	sdelay $0x2  }
0x868: {  	[tilespmem:v8+s8+$0x0] =	vst.idx.msk $0xffff, v6  }
0x869: {  	v8 =	vor.u32 v51, v2;
	v6 =	vld.idx.msk [tilespmem:v10+s3+$0x0], $0xffff  }
0x86a: {  	v10 =	vor.u32 v44, v4  }
0x86b: {  	v46 =	vld [tilespmem:$0x1F920];
	_ =	sdelay $0x2  }
0x86c: {  	[tilespmem:v8+s8+$0x0] =	vst.idx.msk $0xffff, v6  }
0x86d: {  	v8 =	vor.u32 v33, v2;
	v6 =	vld.idx.msk [tilespmem:v10+s3+$0x0], $0xffff  }
0x86e: {  	v10 =	vor.u32 v46, v4  }
0x86f: {  	v48 =	vld [tilespmem:$0x1F930];
	_ =	sdelay $0x2  }
0x870: {  	[tilespmem:v8+s8+$0x0] =	vst.idx.msk $0xffff, v6  }
0x871: {  	v8 =	vor.u32 v63, v2;
	v6 =	vld.idx.msk [tilespmem:v10+s3+$0x0], $0xffff  }
0x872: {  	v5 =	vmov v0;
	v0 =	vld [tilespmem:$0x1FF40];
	v10 =	vor.u32 v48, v4  }
0x873: {  	v50 =	vld [tilespmem:$0x1F940];
	_ =	sdelay $0x2  }
0x874: {  	[tilespmem:v8+s8+$0x0] =	vst.idx.msk $0xffff, v6  }
0x875: {  	v8 =	vor.u32 v0, v2;
	v6 =	vld.idx.msk [tilespmem:v10+s3+$0x0], $0xffff  }
0x876: {  	v10 =	vor.u32 v50, v4  }
0x877: {  	v52 =	vld [tilespmem:$0x1F950];
	_ =	sdelay $0x2  }
0x878: {  	[tilespmem:v8+s8+$0x0] =	vst.idx.msk $0xffff, v6  }
0x879: {  	v8 =	vor.u32 v3, v2;
	v6 =	vld.idx.msk [tilespmem:v10+s3+$0x0], $0xffff  }
0x87a: {  	v10 =	vor.u32 v52, v4  }
0x87b: {  	v54 =	vld [tilespmem:$0x1F960];
	_ =	sdelay $0x2  }
0x87c: {  	[tilespmem:v8+s8+$0x0] =	vst.idx.msk $0xffff, v6  }
0x87d: {  	v8 =	vor.u32 v18, v2;
	v6 =	vld.idx.msk [tilespmem:v10+s3+$0x0], $0xffff  }
0x87e: {  	v10 =	vor.u32 v54, v4  }
0x87f: {  	v0 =	vld [tilespmem:$0x1F970];
	_ =	sdelay $0x2  }
0x880: {  	[tilespmem:v8+s8+$0x0] =	vst.idx.msk $0xffff, v6  }
0x881: {  	v8 =	vor.u32 v19, v2;
	v6 =	vld.idx.msk [tilespmem:v10+s3+$0x0], $0xffff  }
0x882: {  	v10 =	vor.u32 v0, v4  }
0x883: {  	v58 =	vld [tilespmem:$0x1F980];
	_ =	sdelay $0x2  }
0x884: {  	[tilespmem:v8+s8+$0x0] =	vst.idx.msk $0xffff, v6  }
0x885: {  	v8 =	vor.u32 v56, v2;
	v6 =	vld.idx.msk [tilespmem:v10+s3+$0x0], $0xffff  }
0x886: {  	v37 =	vld [tilespmem:$0x1FFC0];
	v10 =	vor.u32 v58, v4  }
0x887: {  	v60 =	vld [tilespmem:$0x1F990];
	_ =	sdelay $0x2  }
0x888: {  	[tilespmem:v8+s8+$0x0] =	vst.idx.msk $0xffff, v6  }
0x889: {  	v8 =	vor.u32 v37, v2;
	v6 =	vld.idx.msk [tilespmem:v10+s3+$0x0], $0xffff  }
0x88a: {  	v10 =	vor.u32 v60, v4  }
0x88b: {  	v62 =	vld [tilespmem:$0x1F9A0];
	_ =	sdelay $0x2  }
0x88c: {  	[tilespmem:v8+s8+$0x0] =	vst.idx.msk $0xffff, v6  }
0x88d: {  	v8 =	vor.u32 v47, v2;
	v6 =	vld.idx.msk [tilespmem:v10+s3+$0x0], $0xffff  }
0x88e: {  	v13 =	vmov v55;
	v55 =	vld [tilespmem:$0x1FFD0];
	v10 =	vor.u32 v62, v4  }
0x88f: {  	v18 =	vld [tilespmem:$0x1F9B0];
	_ =	sdelay $0x2  }
0x890: {  	[tilespmem:v8+s8+$0x0] =	vst.idx.msk $0xffff, v6  }
0x891: {  	v8 =	vor.u32 v55, v2;
	v6 =	vld.idx.msk [tilespmem:v10+s3+$0x0], $0xffff  }
0x892: {  	v3 =	vld [tilespmem:$0x1FEB0];
	v10 =	vor.u32 v18, v4  }
0x893: {  	v41 =	vld [tilespmem:$0x1F9C0];
	_ =	sdelay $0x2  }
0x894: {  	[tilespmem:v8+s8+$0x0] =	vst.idx.msk $0xffff, v6  }
0x895: {  	v8 =	vor.u32 v3, v2;
	v6 =	vld.idx.msk [tilespmem:v10+s3+$0x0], $0xffff  }
0x896: {  	v10 =	vor.u32 v41, v4  }
0x897: {  	v9 =	vld [tilespmem:$0x1F9D0];
	_ =	sdelay $0x2  }
0x898: {  	[tilespmem:v8+s8+$0x0] =	vst.idx.msk $0xffff, v6  }
0x899: {  	v8 =	vor.u32 v53, v2;
	v6 =	vld.idx.msk [tilespmem:v10+s3+$0x0], $0xffff  }
0x89a: {  	v10 =	vor.u32 v9, v4;
	_ =	sdelay $0x3  }
0x89b: {  	v27 =	vmov v57;
	v57 =	vld [tilespmem:$0x1F9E0];
	[tilespmem:v8+s8+$0x0] =	vst.idx.msk $0xffff, v6  }
0x89c: {  	v8 =	vor.u32 v43, v2;
	v6 =	vld.idx.msk [tilespmem:v10+s3+$0x0], $0xffff;
	_ =	sdelay $0x3  }
0x89d: {  	v10 =	vor.u32 v57, v4  }
0x89e: {  	v45 =	vmov v14;
	[tilespmem:v8+s8+$0x0] =	vst.idx.msk $0xffff, v6;
	v8 =	vor.u32 v14, v2;
	v14 =	vld [tilespmem:$0x1F9F0];
	_ =	sdelay $0x3  }
0x89f: {  	v6 =	vld.idx.msk [tilespmem:v10+s3+$0x0], $0xffff  }
0x8a0: {  	v10 =	vor.u32 v14, v4  }
0x8a1: {  	v19 =	vmov v56;
	v56 =	vld [tilespmem:$0x1FA00];
	_ =	sdelay $0x2  }
0x8a2: {  	[tilespmem:v8+s8+$0x0] =	vst.idx.msk $0xffff, v6  }
0x8a3: {  	v8 =	vor.u32 v13, v2;
	v6 =	vld.idx.msk [tilespmem:v10+s3+$0x0], $0xffff  }
0x8a4: {  	v10 =	vor.u32 v56, v4  }
0x8a5: {  	v49 =	vld [tilespmem:$0x1FA10];
	_ =	sdelay $0x2  }
0x8a6: {  	v7 =	vmov v59;
	[tilespmem:v8+s8+$0x0] =	vst.idx.msk $0xffff, v6  }
0x8a7: {  	v8 =	vor.u32 v7, v2;
	v6 =	vld.idx.msk [tilespmem:v10+s3+$0x0], $0xffff  }
0x8a8: {  	v4 =	vor.u32 v49, v4;
	_ =	sdelay $0x3  }
0x8a9: {  	s13 =	simm.s32 $0x1;
	v59 =	vmovc v13;
	v53 =	vmovc v45;
	v45 =	vld [tilespmem:$0x1FFF0];
	v13 =	vmov v7;
	v7 =	vmov v15;
	[tilespmem:v8+s8+$0x0] =	vst.idx.msk $0xffff, v6;
	v6 =	vlaneseq.u32  }
0x8aa: {  	v15 =	vmovc v1;
	v1 =	vmovc v21;
	v21 =	vmov v41;
	v8 =	vadd.s32 s13, v6;
	v6 =	vld.idx.msk [tilespmem:v4+s3+$0x0], $0xffff;
	v4 =	vmov v31  }
0x8ab: {  	s10 =	simm.s32 $0x2;
	v41 =	vmovc v19;
	v19 =	vld [tilespmem:$0x1FF50];
	v31 =	vmovc v36;
	v36 =	vmov v51;
	v51 =	vmov v43;
	v43 =	vmov v4  }
.LBB2_18:
0x8ac: {  	v4 =	vand.u32 $0xF, v8;
	v2 =	vor.u32 v1, v2  }
0x8ad: {  	v10 =	vor.u32 v11, v4  }
0x8ae: {  	v12 =	vshll.u32 v8, $0x2  }
0x8af: {  	v8 =	vand.u32 $0x7, v8;
	v12 =	vand.u32 $0x20, v12  }
0x8b0: {  	v8 =	vor.u32 v8, v12  }
0x8b1: {  	v12 =	vlaneseq.u32;
	[tilespmem:v2+s8+$0x0] =	vst.idx.msk $0xffff, v6;
	v2 =	vshll.u32 v8, $0x7  }
0x8b2: {  	v6 =	vld.idx.msk [tilespmem:v10+s3+$0x0], $0xffff;
	v8 =	vor.u32 v12, v2  }
0x8b3: {  	v3 =	vld [tilespmem:$0x1FC30];
	v10 =	vor.u32 v16, v4;
	_ =	sdelay $0x3  }
0x8b4: {  	[tilespmem:v8+s8+$0x0] =	vst.idx.msk $0xffff, v6  }
0x8b5: {  	v8 =	vor.u32 v3, v2;
	v6 =	vld.idx.msk [tilespmem:v10+s3+$0x0], $0xffff  }
0x8b6: {  	v10 =	vor.u32 v17, v4;
	_ =	sdelay $0x3  }
0x8b7: {  	[tilespmem:v8+s8+$0x0] =	vst.idx.msk $0xffff, v6  }
0x8b8: {  	v8 =	vor.u32 v19, v2;
	v6 =	vld.idx.msk [tilespmem:v10+s3+$0x0], $0xffff  }
0x8b9: {  	v10 =	vor.u32 v20, v4;
	_ =	sdelay $0x3  }
0x8ba: {  	[tilespmem:v8+s8+$0x0] =	vst.idx.msk $0xffff, v6  }
0x8bb: {  	v8 =	vor.u32 v39, v2;
	v6 =	vld.idx.msk [tilespmem:v10+s3+$0x0], $0xffff  }
0x8bc: {  	v10 =	vor.u32 v22, v4;
	_ =	sdelay $0x3  }
0x8bd: {  	[tilespmem:v8+s8+$0x0] =	vst.idx.msk $0xffff, v6  }
0x8be: {  	v8 =	vor.u32 v7, v2;
	v6 =	vld.idx.msk [tilespmem:v10+s3+$0x0], $0xffff  }
0x8bf: {  	v10 =	vor.u32 v24, v4;
	_ =	sdelay $0x3  }
0x8c0: {  	[tilespmem:v8+s8+$0x0] =	vst.idx.msk $0xffff, v6  }
0x8c1: {  	v8 =	vor.u32 v27, v2;
	v6 =	vld.idx.msk [tilespmem:v10+s3+$0x0], $0xffff  }
0x8c2: {  	v10 =	vor.u32 v26, v4;
	_ =	sdelay $0x3  }
0x8c3: {  	[tilespmem:v8+s8+$0x0] =	vst.idx.msk $0xffff, v6  }
0x8c4: {  	v8 =	vor.u32 v43, v2;
	v6 =	vld.idx.msk [tilespmem:v10+s3+$0x0], $0xffff  }
0x8c5: {  	v10 =	vor.u32 v28, v4;
	_ =	sdelay $0x3  }
0x8c6: {  	[tilespmem:v8+s8+$0x0] =	vst.idx.msk $0xffff, v6  }
0x8c7: {  	v8 =	vor.u32 v15, v2;
	v6 =	vld.idx.msk [tilespmem:v10+s3+$0x0], $0xffff  }
0x8c8: {  	v10 =	vor.u32 v30, v4;
	_ =	sdelay $0x3  }
0x8c9: {  	[tilespmem:v8+s8+$0x0] =	vst.idx.msk $0xffff, v6  }
0x8ca: {  	v8 =	vor.u32 v5, v2;
	v6 =	vld.idx.msk [tilespmem:v10+s3+$0x0], $0xffff  }
0x8cb: {  	v10 =	vor.u32 v32, v4;
	_ =	sdelay $0x3  }
0x8cc: {  	[tilespmem:v8+s8+$0x0] =	vst.idx.msk $0xffff, v6  }
0x8cd: {  	v8 =	vor.u32 v23, v2;
	v6 =	vld.idx.msk [tilespmem:v10+s3+$0x0], $0xffff  }
0x8ce: {  	v10 =	vor.u32 v34, v4;
	_ =	sdelay $0x3  }
0x8cf: {  	[tilespmem:v8+s8+$0x0] =	vst.idx.msk $0xffff, v6  }
0x8d0: {  	v8 =	vor.u32 v61, v2;
	v6 =	vld.idx.msk [tilespmem:v10+s3+$0x0], $0xffff  }
0x8d1: {  	v10 =	vor.u32 v35, v4;
	_ =	sdelay $0x3  }
0x8d2: {  	[tilespmem:v8+s8+$0x0] =	vst.idx.msk $0xffff, v6  }
0x8d3: {  	v8 =	vor.u32 v25, v2;
	v6 =	vld.idx.msk [tilespmem:v10+s3+$0x0], $0xffff  }
0x8d4: {  	v10 =	vor.u32 v38, v4;
	_ =	sdelay $0x3  }
0x8d5: {  	[tilespmem:v8+s8+$0x0] =	vst.idx.msk $0xffff, v6  }
0x8d6: {  	v8 =	vor.u32 v31, v2;
	v6 =	vld.idx.msk [tilespmem:v10+s3+$0x0], $0xffff  }
0x8d7: {  	v10 =	vor.u32 v40, v4;
	_ =	sdelay $0x3  }
0x8d8: {  	[tilespmem:v8+s8+$0x0] =	vst.idx.msk $0xffff, v6  }
0x8d9: {  	v8 =	vor.u32 v29, v2;
	v6 =	vld.idx.msk [tilespmem:v10+s3+$0x0], $0xffff  }
0x8da: {  	v10 =	vor.u32 v42, v4;
	_ =	sdelay $0x3  }
0x8db: {  	[tilespmem:v8+s8+$0x0] =	vst.idx.msk $0xffff, v6  }
0x8dc: {  	v8 =	vor.u32 v36, v2;
	v6 =	vld.idx.msk [tilespmem:v10+s3+$0x0], $0xffff  }
0x8dd: {  	v10 =	vor.u32 v44, v4;
	_ =	sdelay $0x3  }
0x8de: {  	[tilespmem:v8+s8+$0x0] =	vst.idx.msk $0xffff, v6  }
0x8df: {  	v8 =	vor.u32 v33, v2;
	v6 =	vld.idx.msk [tilespmem:v10+s3+$0x0], $0xffff  }
0x8e0: {  	v10 =	vor.u32 v46, v4;
	_ =	sdelay $0x3  }
0x8e1: {  	[tilespmem:v8+s8+$0x0] =	vst.idx.msk $0xffff, v6  }
0x8e2: {  	v8 =	vor.u32 v63, v2;
	v6 =	vld.idx.msk [tilespmem:v10+s3+$0x0], $0xffff  }
0x8e3: {  	v3 =	vld [tilespmem:$0x1FF40];
	v10 =	vor.u32 v48, v4;
	_ =	sdelay $0x3  }
0x8e4: {  	[tilespmem:v8+s8+$0x0] =	vst.idx.msk $0xffff, v6  }
0x8e5: {  	v8 =	vor.u32 v3, v2;
	v6 =	vld.idx.msk [tilespmem:v10+s3+$0x0], $0xffff  }
0x8e6: {  	v3 =	vld [tilespmem:$0x1FEA0];
	v10 =	vor.u32 v50, v4;
	_ =	sdelay $0x3  }
0x8e7: {  	[tilespmem:v8+s8+$0x0] =	vst.idx.msk $0xffff, v6  }
0x8e8: {  	v8 =	vor.u32 v3, v2;
	v6 =	vld.idx.msk [tilespmem:v10+s3+$0x0], $0xffff  }
0x8e9: {  	v3 =	vld [tilespmem:$0x1FE90];
	v10 =	vor.u32 v52, v4;
	_ =	sdelay $0x3  }
0x8ea: {  	[tilespmem:v8+s8+$0x0] =	vst.idx.msk $0xffff, v6  }
0x8eb: {  	v8 =	vor.u32 v3, v2;
	v6 =	vld.idx.msk [tilespmem:v10+s3+$0x0], $0xffff  }
0x8ec: {  	v10 =	vor.u32 v54, v4;
	_ =	sdelay $0x3  }
0x8ed: {  	[tilespmem:v8+s8+$0x0] =	vst.idx.msk $0xffff, v6  }
0x8ee: {  	v8 =	vor.u32 v45, v2;
	v6 =	vld.idx.msk [tilespmem:v10+s3+$0x0], $0xffff  }
0x8ef: {  	v10 =	vor.u32 v0, v4;
	_ =	sdelay $0x3  }
0x8f0: {  	[tilespmem:v8+s8+$0x0] =	vst.idx.msk $0xffff, v6  }
0x8f1: {  	v8 =	vor.u32 v41, v2;
	v6 =	vld.idx.msk [tilespmem:v10+s3+$0x0], $0xffff  }
0x8f2: {  	v10 =	vor.u32 v58, v4;
	_ =	sdelay $0x3  }
0x8f3: {  	[tilespmem:v8+s8+$0x0] =	vst.idx.msk $0xffff, v6  }
0x8f4: {  	v8 =	vor.u32 v37, v2;
	v6 =	vld.idx.msk [tilespmem:v10+s3+$0x0], $0xffff  }
0x8f5: {  	v10 =	vor.u32 v60, v4;
	_ =	sdelay $0x3  }
0x8f6: {  	[tilespmem:v8+s8+$0x0] =	vst.idx.msk $0xffff, v6  }
0x8f7: {  	v8 =	vor.u32 v47, v2;
	v6 =	vld.idx.msk [tilespmem:v10+s3+$0x0], $0xffff  }
0x8f8: {  	v10 =	vor.u32 v62, v4;
	_ =	sdelay $0x3  }
0x8f9: {  	[tilespmem:v8+s8+$0x0] =	vst.idx.msk $0xffff, v6  }
0x8fa: {  	v8 =	vor.u32 v55, v2;
	v6 =	vld.idx.msk [tilespmem:v10+s3+$0x0], $0xffff  }
0x8fb: {  	v3 =	vld [tilespmem:$0x1FEB0];
	v10 =	vor.u32 v18, v4;
	_ =	sdelay $0x3  }
0x8fc: {  	[tilespmem:v8+s8+$0x0] =	vst.idx.msk $0xffff, v6  }
0x8fd: {  	v8 =	vor.u32 v3, v2;
	v6 =	vld.idx.msk [tilespmem:v10+s3+$0x0], $0xffff  }
0x8fe: {  	v3 =	vld [tilespmem:$0x1FCB0];
	v10 =	vor.u32 v21, v4;
	_ =	sdelay $0x3  }
0x8ff: {  	[tilespmem:v8+s8+$0x0] =	vst.idx.msk $0xffff, v6  }
0x900: {  	v8 =	vor.u32 v3, v2;
	v6 =	vld.idx.msk [tilespmem:v10+s3+$0x0], $0xffff  }
0x901: {  	v10 =	vor.u32 v9, v4;
	_ =	sdelay $0x3  }
0x902: {  	[tilespmem:v8+s8+$0x0] =	vst.idx.msk $0xffff, v6  }
0x903: {  	v8 =	vor.u32 v51, v2;
	v6 =	vld.idx.msk [tilespmem:v10+s3+$0x0], $0xffff  }
0x904: {  	v10 =	vor.u32 v57, v4;
	_ =	sdelay $0x3  }
0x905: {  	[tilespmem:v8+s8+$0x0] =	vst.idx.msk $0xffff, v6  }
0x906: {  	v8 =	vor.u32 v53, v2;
	v6 =	vld.idx.msk [tilespmem:v10+s3+$0x0], $0xffff  }
0x907: {  	v10 =	vor.u32 v14, v4;
	_ =	sdelay $0x3  }
0x908: {  	[tilespmem:v8+s8+$0x0] =	vst.idx.msk $0xffff, v6  }
0x909: {  	v8 =	vor.u32 v59, v2;
	v6 =	vld.idx.msk [tilespmem:v10+s3+$0x0], $0xffff  }
0x90a: {  	v10 =	vor.u32 v56, v4;
	_ =	sdelay $0x3  }
0x90b: {  	[tilespmem:v8+s8+$0x0] =	vst.idx.msk $0xffff, v6  }
0x90c: {  	v8 =	vor.u32 v13, v2;
	v6 =	vld.idx.msk [tilespmem:v10+s3+$0x0], $0xffff  }
0x90d: {  	p1 =	sne.s32 s10, $0xF;
	v4 =	vor.u32 v49, v4  }
.Ltmp10:
0x90e: {  	_ = 	snop;
	(pc) =	sbr.rel @p1 .LBB2_18-.Ltmp10, $3  }
0x90f: {  	_ =	sdelay $0x1  }
0x910: {  	[tilespmem:v8+s8+$0x0] =	vst.idx.msk $0xffff, v6  }
0x911: {  	v8 =	vadd.s32 s10, v12;
	s10 =	sadd.s32 $0x1, s10;
	v6 =	vld.idx.msk [tilespmem:v4+s3+$0x0], $0xffff  }
0x912: {  	v4 =	vand.u32 $0xF, v8;
	v2 =	vor.u32 v1, v2  }
0x913: {  	v10 =	vor.u32 v11, v4  }
0x914: {  	v12 =	vshll.u32 v8, $0x2  }
0x915: {  	v8 =	vand.u32 $0x7, v8;
	v12 =	vand.u32 $0x20, v12  }
0x916: {  	v8 =	vor.u32 v8, v12  }
0x917: {  	v11 =	vlaneseq.u32;
	[tilespmem:v2+s8+$0x0] =	vst.idx.msk $0xffff, v6;
	v2 =	vshll.u32 v8, $0x7  }
0x918: {  	v6 =	vld.idx.msk [tilespmem:v10+s3+$0x0], $0xffff;
	v8 =	vor.u32 v11, v2  }
0x919: {  	v3 =	vld [tilespmem:$0x1FC30];
	v10 =	vor.u32 v16, v4;
	_ =	sdelay $0x3  }
0x91a: {  	[tilespmem:v8+s8+$0x0] =	vst.idx.msk $0xffff, v6  }
0x91b: {  	v8 =	vor.u32 v3, v2;
	v6 =	vld.idx.msk [tilespmem:v10+s3+$0x0], $0xffff  }
0x91c: {  	v10 =	vor.u32 v17, v4;
	_ =	sdelay $0x3  }
0x91d: {  	[tilespmem:v8+s8+$0x0] =	vst.idx.msk $0xffff, v6  }
0x91e: {  	v8 =	vor.u32 v19, v2;
	v6 =	vld.idx.msk [tilespmem:v10+s3+$0x0], $0xffff  }
0x91f: {  	v10 =	vor.u32 v20, v4;
	_ =	sdelay $0x3  }
0x920: {  	[tilespmem:v8+s8+$0x0] =	vst.idx.msk $0xffff, v6  }
0x921: {  	v8 =	vor.u32 v39, v2;
	v6 =	vld.idx.msk [tilespmem:v10+s3+$0x0], $0xffff  }
0x922: {  	v10 =	vor.u32 v22, v4;
	_ =	sdelay $0x3  }
0x923: {  	[tilespmem:v8+s8+$0x0] =	vst.idx.msk $0xffff, v6  }
0x924: {  	v8 =	vor.u32 v7, v2;
	v6 =	vld.idx.msk [tilespmem:v10+s3+$0x0], $0xffff  }
0x925: {  	v10 =	vor.u32 v24, v4;
	_ =	sdelay $0x3  }
0x926: {  	[tilespmem:v8+s8+$0x0] =	vst.idx.msk $0xffff, v6  }
0x927: {  	v8 =	vor.u32 v27, v2;
	v6 =	vld.idx.msk [tilespmem:v10+s3+$0x0], $0xffff  }
0x928: {  	v10 =	vor.u32 v26, v4;
	_ =	sdelay $0x3  }
0x929: {  	[tilespmem:v8+s8+$0x0] =	vst.idx.msk $0xffff, v6  }
0x92a: {  	v8 =	vor.u32 v43, v2;
	v6 =	vld.idx.msk [tilespmem:v10+s3+$0x0], $0xffff  }
0x92b: {  	v10 =	vor.u32 v28, v4;
	_ =	sdelay $0x3  }
0x92c: {  	[tilespmem:v8+s8+$0x0] =	vst.idx.msk $0xffff, v6  }
0x92d: {  	v8 =	vor.u32 v15, v2;
	v6 =	vld.idx.msk [tilespmem:v10+s3+$0x0], $0xffff  }
0x92e: {  	v10 =	vor.u32 v30, v4;
	_ =	sdelay $0x3  }
0x92f: {  	[tilespmem:v8+s8+$0x0] =	vst.idx.msk $0xffff, v6  }
0x930: {  	v8 =	vor.u32 v5, v2;
	v6 =	vld.idx.msk [tilespmem:v10+s3+$0x0], $0xffff  }
0x931: {  	v10 =	vor.u32 v32, v4;
	_ =	sdelay $0x3  }
0x932: {  	[tilespmem:v8+s8+$0x0] =	vst.idx.msk $0xffff, v6  }
0x933: {  	v8 =	vor.u32 v23, v2;
	v6 =	vld.idx.msk [tilespmem:v10+s3+$0x0], $0xffff  }
0x934: {  	v10 =	vor.u32 v34, v4;
	_ =	sdelay $0x3  }
0x935: {  	[tilespmem:v8+s8+$0x0] =	vst.idx.msk $0xffff, v6  }
0x936: {  	v8 =	vor.u32 v61, v2;
	v6 =	vld.idx.msk [tilespmem:v10+s3+$0x0], $0xffff  }
0x937: {  	v10 =	vor.u32 v35, v4;
	_ =	sdelay $0x3  }
0x938: {  	[tilespmem:v8+s8+$0x0] =	vst.idx.msk $0xffff, v6  }
0x939: {  	v8 =	vor.u32 v25, v2;
	v6 =	vld.idx.msk [tilespmem:v10+s3+$0x0], $0xffff  }
0x93a: {  	v10 =	vor.u32 v38, v4;
	_ =	sdelay $0x3  }
0x93b: {  	[tilespmem:v8+s8+$0x0] =	vst.idx.msk $0xffff, v6  }
0x93c: {  	v8 =	vor.u32 v31, v2;
	v6 =	vld.idx.msk [tilespmem:v10+s3+$0x0], $0xffff  }
0x93d: {  	v10 =	vor.u32 v40, v4;
	_ =	sdelay $0x3  }
0x93e: {  	[tilespmem:v8+s8+$0x0] =	vst.idx.msk $0xffff, v6  }
0x93f: {  	v8 =	vor.u32 v29, v2;
	v6 =	vld.idx.msk [tilespmem:v10+s3+$0x0], $0xffff  }
0x940: {  	v10 =	vor.u32 v42, v4;
	_ =	sdelay $0x3  }
0x941: {  	[tilespmem:v8+s8+$0x0] =	vst.idx.msk $0xffff, v6  }
0x942: {  	v8 =	vor.u32 v36, v2;
	v6 =	vld.idx.msk [tilespmem:v10+s3+$0x0], $0xffff  }
0x943: {  	v10 =	vor.u32 v44, v4;
	_ =	sdelay $0x3  }
0x944: {  	[tilespmem:v8+s8+$0x0] =	vst.idx.msk $0xffff, v6  }
0x945: {  	v8 =	vor.u32 v33, v2;
	v6 =	vld.idx.msk [tilespmem:v10+s3+$0x0], $0xffff  }
0x946: {  	v10 =	vor.u32 v46, v4;
	_ =	sdelay $0x3  }
0x947: {  	[tilespmem:v8+s8+$0x0] =	vst.idx.msk $0xffff, v6  }
0x948: {  	v8 =	vor.u32 v63, v2;
	v6 =	vld.idx.msk [tilespmem:v10+s3+$0x0], $0xffff  }
0x949: {  	v12 =	vld [tilespmem:$0x1FF40];
	v10 =	vor.u32 v48, v4;
	_ =	sdelay $0x3  }
0x94a: {  	[tilespmem:v8+s8+$0x0] =	vst.idx.msk $0xffff, v6  }
0x94b: {  	v8 =	vor.u32 v12, v2;
	v6 =	vld.idx.msk [tilespmem:v10+s3+$0x0], $0xffff  }
0x94c: {  	v44 =	vld [tilespmem:$0x1FEA0];
	v10 =	vor.u32 v50, v4;
	_ =	sdelay $0x3  }
0x94d: {  	[tilespmem:v8+s8+$0x0] =	vst.idx.msk $0xffff, v6  }
0x94e: {  	v8 =	vor.u32 v44, v2;
	v6 =	vld.idx.msk [tilespmem:v10+s3+$0x0], $0xffff  }
0x94f: {  	v46 =	vld [tilespmem:$0x1FE90];
	v10 =	vor.u32 v52, v4;
	_ =	sdelay $0x3  }
0x950: {  	[tilespmem:v8+s8+$0x0] =	vst.idx.msk $0xffff, v6  }
0x951: {  	v8 =	vor.u32 v46, v2;
	v6 =	vld.idx.msk [tilespmem:v10+s3+$0x0], $0xffff  }
0x952: {  	v10 =	vor.u32 v54, v4;
	_ =	sdelay $0x3  }
0x953: {  	[tilespmem:v8+s8+$0x0] =	vst.idx.msk $0xffff, v6  }
0x954: {  	v8 =	vor.u32 v45, v2;
	v6 =	vld.idx.msk [tilespmem:v10+s3+$0x0], $0xffff  }
0x955: {  	v10 =	vor.u32 v0, v4;
	_ =	sdelay $0x3  }
0x956: {  	[tilespmem:v8+s8+$0x0] =	vst.idx.msk $0xffff, v6  }
0x957: {  	v8 =	vor.u32 v41, v2;
	v6 =	vld.idx.msk [tilespmem:v10+s3+$0x0], $0xffff  }
0x958: {  	v10 =	vor.u32 v58, v4;
	_ =	sdelay $0x3  }
0x959: {  	[tilespmem:v8+s8+$0x0] =	vst.idx.msk $0xffff, v6  }
0x95a: {  	v8 =	vor.u32 v37, v2;
	v6 =	vld.idx.msk [tilespmem:v10+s3+$0x0], $0xffff  }
0x95b: {  	v10 =	vor.u32 v60, v4;
	_ =	sdelay $0x3  }
0x95c: {  	[tilespmem:v8+s8+$0x0] =	vst.idx.msk $0xffff, v6  }
0x95d: {  	v8 =	vor.u32 v47, v2;
	v6 =	vld.idx.msk [tilespmem:v10+s3+$0x0], $0xffff  }
0x95e: {  	v10 =	vor.u32 v62, v4;
	_ =	sdelay $0x3  }
0x95f: {  	[tilespmem:v8+s8+$0x0] =	vst.idx.msk $0xffff, v6  }
0x960: {  	v8 =	vor.u32 v55, v2;
	v6 =	vld.idx.msk [tilespmem:v10+s3+$0x0], $0xffff  }
0x961: {  	v58 =	vld [tilespmem:$0x1FEB0];
	v10 =	vor.u32 v18, v4;
	_ =	sdelay $0x3  }
0x962: {  	[tilespmem:v8+s8+$0x0] =	vst.idx.msk $0xffff, v6  }
0x963: {  	v8 =	vor.u32 v58, v2;
	v6 =	vld.idx.msk [tilespmem:v10+s3+$0x0], $0xffff  }
0x964: {  	v60 =	vld [tilespmem:$0x1FCB0];
	v10 =	vor.u32 v21, v4;
	_ =	sdelay $0x3  }
0x965: {  	[tilespmem:v8+s8+$0x0] =	vst.idx.msk $0xffff, v6  }
0x966: {  	v8 =	vor.u32 v60, v2;
	v6 =	vld.idx.msk [tilespmem:v10+s3+$0x0], $0xffff  }
0x967: {  	v10 =	vor.u32 v9, v4;
	_ =	sdelay $0x3  }
0x968: {  	[tilespmem:v8+s8+$0x0] =	vst.idx.msk $0xffff, v6  }
0x969: {  	v8 =	vor.u32 v51, v2;
	v6 =	vld.idx.msk [tilespmem:v10+s3+$0x0], $0xffff  }
0x96a: {  	v35 =	vld [tilespmem:$0x1FF30];
	v10 =	vor.u32 v57, v4;
	_ =	sdelay $0x3  }
0x96b: {  	[tilespmem:v8+s8+$0x0] =	vst.idx.msk $0xffff, v6  }
0x96c: {  	v8 =	vor.u32 v35, v2;
	v6 =	vld.idx.msk [tilespmem:v10+s3+$0x0], $0xffff  }
0x96d: {  	v10 =	vor.u32 v14, v4;
	_ =	sdelay $0x3  }
0x96e: {  	[tilespmem:v8+s8+$0x0] =	vst.idx.msk $0xffff, v6  }
0x96f: {  	v8 =	vor.u32 v59, v2;
	v6 =	vld.idx.msk [tilespmem:v10+s3+$0x0], $0xffff  }
0x970: {  	v10 =	vor.u32 v56, v4;
	_ =	sdelay $0x3  }
0x971: {  	[tilespmem:v8+s8+$0x0] =	vst.idx.msk $0xffff, v6  }
0x972: {  	v8 =	vor.u32 v13, v2;
	v6 =	vld.idx.msk [tilespmem:v10+s3+$0x0], $0xffff  }
0x973: {  	v4 =	vor.u32 v49, v4;
	_ =	sdelay $0x3  }
0x974: {  	[tilespmem:v8+s8+$0x0] =	vst.idx.msk $0xffff, v6  }
0x975: {  	v2 =	vor.u32 v1, v2;
	v4 =	vld.idx.msk [tilespmem:v4+s3+$0x0], $0xffff;
	_ =	sdelay $0x4  }
0x976: {  	s6 =	sadd.s32 s9, s22;
	s10 =	simm.s32 $0x0;
	[tilespmem:v2+s8+$0x0] =	vst.idx.msk $0xffff, v4  }
0x977: {  	[hbm4b:s6+s10] =	stream.linear.scatter [tilespmem:s8], [sflag:$0x5], $0x1000, $0x38;
	[tilespmem:$0x14400] =	vst v63  }
0x978: {  	s11 =	sadd.s32 s9, s23  }
0x979: {  	[hbm4b:s11+s10] =	stream.linear.scatter [tilespmem:s25], [sflag:$0x5], $0x1000, $0x38;
	[tilespmem:$0x14400] =	vst v63  }
0x97a: {  	_ =	swait.ge [sflag:s29], $0x1000  }
0x97b: {  	v9 =	vld [tilespmem:$0x1F630]  }
0x97c: {  	v2 =	vadd.s32 s10, v11  }
0x97d: {  	v8 =	vshll.u32 v2, $0x2  }
0x97e: {  	v4 =	vand.u32 $0xF, v2;
	v2 =	vand.u32 $0x7, v2;
	v8 =	vand.u32 $0x20, v8;
	[sflag:s29] =	ssyncset.done $0x0  }
0x97f: {  	v2 =	vor.u32 v2, v8;
	[sflag:s29] =	ssyncadd.s32 $0xFFFFF000  }
0x980: {  	v2 =	vshll.u32 v2, $0x7;
	_ =	swait.ge [sflag:s29], $0x1000;
	v6 =	vor.u32 v9, v4  }
0x981: {  	v8 =	vor.u32 v11, v2;
	v11 =	vld [tilespmem:$0x1F640];
	_ =	sdelay $0x1  }
0x982: {  	[sflag:s29] =	ssyncset.done $0x0  }
0x983: {  	[sflag:s29] =	ssyncadd.s32 $0xFFFFF000  }
0x984: {  	v6 =	vld.idx.msk [tilespmem:v6+s3+$0x0], $0xffff  }
0x985: {  	v10 =	vor.u32 v11, v4;
	_ =	sdelay $0x3  }
0x986: {  	v14 =	vld [tilespmem:$0x1F650];
	[tilespmem:v8+s7+$0x0] =	vst.idx.msk $0xffff, v6  }
0x987: {  	v8 =	vor.u32 v3, v2;
	v6 =	vld.idx.msk [tilespmem:v10+s3+$0x0], $0xffff;
	_ =	sdelay $0x3  }
0x988: {  	v16 =	vmov v19;
	v10 =	vor.u32 v14, v4  }
0x989: {  	v38 =	vmovc v29;
	v29 =	vmov v37;
	v37 =	vmov v16;
	[tilespmem:v8+s7+$0x0] =	vst.idx.msk $0xffff, v6;
	v8 =	vor.u32 v16, v2;
	v16 =	vld [tilespmem:$0x1F660];
	_ =	sdelay $0x3  }
0x98a: {  	v6 =	vld.idx.msk [tilespmem:v10+s3+$0x0], $0xffff  }
0x98b: {  	v10 =	vor.u32 v16, v4  }
0x98c: {  	v17 =	vld [tilespmem:$0x1F670];
	_ =	sdelay $0x2  }
0x98d: {  	[tilespmem:v8+s7+$0x0] =	vst.idx.msk $0xffff, v6  }
0x98e: {  	v8 =	vor.u32 v39, v2;
	v6 =	vld.idx.msk [tilespmem:v10+s3+$0x0], $0xffff  }
0x98f: {  	v10 =	vor.u32 v17, v4  }
0x990: {  	v18 =	vld [tilespmem:$0x1F680];
	_ =	sdelay $0x2  }
0x991: {  	[tilespmem:v8+s7+$0x0] =	vst.idx.msk $0xffff, v6  }
0x992: {  	v8 =	vor.u32 v7, v2;
	v6 =	vld.idx.msk [tilespmem:v10+s3+$0x0], $0xffff  }
0x993: {  	v10 =	vor.u32 v18, v4  }
0x994: {  	v20 =	vld [tilespmem:$0x1F690];
	_ =	sdelay $0x2  }
0x995: {  	[tilespmem:v8+s7+$0x0] =	vst.idx.msk $0xffff, v6  }
0x996: {  	v8 =	vor.u32 v27, v2;
	v6 =	vld.idx.msk [tilespmem:v10+s3+$0x0], $0xffff  }
0x997: {  	v10 =	vor.u32 v20, v4  }
0x998: {  	v21 =	vld [tilespmem:$0x1F6A0];
	_ =	sdelay $0x2  }
0x999: {  	[tilespmem:v8+s7+$0x0] =	vst.idx.msk $0xffff, v6  }
0x99a: {  	v8 =	vor.u32 v43, v2;
	v6 =	vld.idx.msk [tilespmem:v10+s3+$0x0], $0xffff  }
0x99b: {  	v10 =	vor.u32 v21, v4  }
0x99c: {  	v22 =	vld [tilespmem:$0x1F6B0];
	_ =	sdelay $0x2  }
0x99d: {  	[tilespmem:v8+s7+$0x0] =	vst.idx.msk $0xffff, v6  }
0x99e: {  	v8 =	vor.u32 v15, v2;
	v6 =	vld.idx.msk [tilespmem:v10+s3+$0x0], $0xffff  }
0x99f: {  	v10 =	vor.u32 v22, v4  }
0x9a0: {  	v24 =	vld [tilespmem:$0x1F6C0];
	_ =	sdelay $0x2  }
0x9a1: {  	[tilespmem:v8+s7+$0x0] =	vst.idx.msk $0xffff, v6  }
0x9a2: {  	v8 =	vor.u32 v5, v2;
	v6 =	vld.idx.msk [tilespmem:v10+s3+$0x0], $0xffff  }
0x9a3: {  	v10 =	vor.u32 v24, v4  }
0x9a4: {  	v26 =	vld [tilespmem:$0x1F6D0];
	_ =	sdelay $0x2  }
0x9a5: {  	[tilespmem:v8+s7+$0x0] =	vst.idx.msk $0xffff, v6  }
0x9a6: {  	v8 =	vor.u32 v23, v2;
	v6 =	vld.idx.msk [tilespmem:v10+s3+$0x0], $0xffff  }
0x9a7: {  	v10 =	vor.u32 v26, v4  }
0x9a8: {  	v28 =	vld [tilespmem:$0x1F6E0];
	_ =	sdelay $0x2  }
0x9a9: {  	[tilespmem:v8+s7+$0x0] =	vst.idx.msk $0xffff, v6  }
0x9aa: {  	v8 =	vor.u32 v61, v2;
	v6 =	vld.idx.msk [tilespmem:v10+s3+$0x0], $0xffff  }
0x9ab: {  	v10 =	vor.u32 v28, v4  }
0x9ac: {  	v30 =	vld [tilespmem:$0x1F6F0];
	_ =	sdelay $0x2  }
0x9ad: {  	v32 =	vmov v25;
	[tilespmem:v8+s7+$0x0] =	vst.idx.msk $0xffff, v6  }
0x9ae: {  	v8 =	vor.u32 v32, v2;
	v6 =	vld.idx.msk [tilespmem:v10+s3+$0x0], $0xffff  }
0x9af: {  	v10 =	vor.u32 v30, v4  }
0x9b0: {  	v43 =	vmov v32;
	v32 =	vld [tilespmem:$0x1F700];
	_ =	sdelay $0x2  }
0x9b1: {  	[tilespmem:v8+s7+$0x0] =	vst.idx.msk $0xffff, v6  }
0x9b2: {  	v8 =	vor.u32 v31, v2;
	v6 =	vld.idx.msk [tilespmem:v10+s3+$0x0], $0xffff  }
0x9b3: {  	v10 =	vor.u32 v32, v4;
	_ =	sdelay $0x3  }
0x9b4: {  	v34 =	vld [tilespmem:$0x1F710];
	[tilespmem:v8+s7+$0x0] =	vst.idx.msk $0xffff, v6  }
0x9b5: {  	v8 =	vor.u32 v38, v2;
	v6 =	vld.idx.msk [tilespmem:v10+s3+$0x0], $0xffff;
	_ =	sdelay $0x3  }
0x9b6: {  	v10 =	vor.u32 v34, v4  }
0x9b7: {  	v0 =	vmov v36;
	[tilespmem:v8+s7+$0x0] =	vst.idx.msk $0xffff, v6;
	v8 =	vor.u32 v36, v2;
	v36 =	vld [tilespmem:$0x1F720];
	_ =	sdelay $0x3  }
0x9b8: {  	v6 =	vld.idx.msk [tilespmem:v10+s3+$0x0], $0xffff  }
0x9b9: {  	v10 =	vor.u32 v36, v4;
	_ =	sdelay $0x3  }
0x9ba: {  	v40 =	vmov v63;
	v63 =	vmov v5;
	v5 =	vmov v38;
	v38 =	vld [tilespmem:$0x1F730];
	[tilespmem:v8+s7+$0x0] =	vst.idx.msk $0xffff, v6  }
0x9bb: {  	v8 =	vor.u32 v33, v2;
	v6 =	vld.idx.msk [tilespmem:v10+s3+$0x0], $0xffff;
	_ =	sdelay $0x3  }
0x9bc: {  	v10 =	vor.u32 v38, v4  }
0x9bd: {  	v3 =	vmov v40;
	[tilespmem:v8+s7+$0x0] =	vst.idx.msk $0xffff, v6;
	v8 =	vor.u32 v40, v2;
	v40 =	vld [tilespmem:$0x1F740];
	_ =	sdelay $0x3  }
0x9be: {  	v6 =	vld.idx.msk [tilespmem:v10+s3+$0x0], $0xffff  }
0x9bf: {  	v10 =	vor.u32 v40, v4  }
0x9c0: {  	v42 =	vld [tilespmem:$0x1F750];
	_ =	sdelay $0x2  }
0x9c1: {  	[tilespmem:v8+s7+$0x0] =	vst.idx.msk $0xffff, v6  }
0x9c2: {  	v8 =	vor.u32 v12, v2;
	v6 =	vld.idx.msk [tilespmem:v10+s3+$0x0], $0xffff  }
0x9c3: {  	v10 =	vor.u32 v42, v4;
	_ =	sdelay $0x3  }
0x9c4: {  	[tilespmem:v8+s7+$0x0] =	vst.idx.msk $0xffff, v6;
	v8 =	vor.u32 v44, v2;
	v44 =	vld [tilespmem:$0x1F760]  }
0x9c5: {  	v6 =	vld.idx.msk [tilespmem:v10+s3+$0x0], $0xffff;
	_ =	sdelay $0x3  }
0x9c6: {  	v10 =	vor.u32 v44, v4  }
0x9c7: {  	[tilespmem:v8+s7+$0x0] =	vst.idx.msk $0xffff, v6;
	v8 =	vor.u32 v46, v2;
	v46 =	vld [tilespmem:$0x1F770];
	_ =	sdelay $0x3  }
0x9c8: {  	v6 =	vld.idx.msk [tilespmem:v10+s3+$0x0], $0xffff  }
0x9c9: {  	v10 =	vor.u32 v46, v4  }
0x9ca: {  	v48 =	vld [tilespmem:$0x1F780];
	_ =	sdelay $0x2  }
0x9cb: {  	[tilespmem:v8+s7+$0x0] =	vst.idx.msk $0xffff, v6  }
0x9cc: {  	v8 =	vor.u32 v45, v2;
	v6 =	vld.idx.msk [tilespmem:v10+s3+$0x0], $0xffff  }
0x9cd: {  	v10 =	vor.u32 v48, v4  }
0x9ce: {  	v50 =	vld [tilespmem:$0x1F790];
	_ =	sdelay $0x2  }
0x9cf: {  	[tilespmem:v8+s7+$0x0] =	vst.idx.msk $0xffff, v6  }
0x9d0: {  	v8 =	vor.u32 v41, v2;
	v6 =	vld.idx.msk [tilespmem:v10+s3+$0x0], $0xffff  }
0x9d1: {  	v10 =	vor.u32 v50, v4  }
0x9d2: {  	v52 =	vld [tilespmem:$0x1F7A0];
	_ =	sdelay $0x2  }
0x9d3: {  	[tilespmem:v8+s7+$0x0] =	vst.idx.msk $0xffff, v6  }
0x9d4: {  	v8 =	vor.u32 v29, v2;
	v6 =	vld.idx.msk [tilespmem:v10+s3+$0x0], $0xffff  }
0x9d5: {  	v10 =	vor.u32 v52, v4  }
0x9d6: {  	v54 =	vld [tilespmem:$0x1F7B0];
	_ =	sdelay $0x2  }
0x9d7: {  	[tilespmem:v8+s7+$0x0] =	vst.idx.msk $0xffff, v6  }
0x9d8: {  	v8 =	vor.u32 v47, v2;
	v6 =	vld.idx.msk [tilespmem:v10+s3+$0x0], $0xffff  }
0x9d9: {  	v10 =	vor.u32 v54, v4  }
0x9da: {  	v56 =	vld [tilespmem:$0x1F7C0];
	_ =	sdelay $0x2  }
0x9db: {  	[tilespmem:v8+s7+$0x0] =	vst.idx.msk $0xffff, v6  }
0x9dc: {  	v8 =	vor.u32 v55, v2;
	v6 =	vld.idx.msk [tilespmem:v10+s3+$0x0], $0xffff  }
0x9dd: {  	v10 =	vor.u32 v56, v4  }
0x9de: {  	v25 =	vmov v45;
	v45 =	vld [tilespmem:$0x1F7D0];
	_ =	sdelay $0x2  }
0x9df: {  	[tilespmem:v8+s7+$0x0] =	vst.idx.msk $0xffff, v6  }
0x9e0: {  	v8 =	vor.u32 v58, v2;
	v6 =	vld.idx.msk [tilespmem:v10+s3+$0x0], $0xffff  }
0x9e1: {  	v10 =	vor.u32 v45, v4  }
0x9e2: {  	v19 =	vmov v41;
	v41 =	vld [tilespmem:$0x1F7E0];
	_ =	sdelay $0x2  }
0x9e3: {  	[tilespmem:v8+s7+$0x0] =	vst.idx.msk $0xffff, v6  }
0x9e4: {  	v8 =	vor.u32 v60, v2;
	v6 =	vld.idx.msk [tilespmem:v10+s3+$0x0], $0xffff  }
0x9e5: {  	v10 =	vor.u32 v41, v4  }
0x9e6: {  	v62 =	vmov v47;
	v47 =	vld [tilespmem:$0x1F7F0];
	_ =	sdelay $0x2  }
0x9e7: {  	v53 =	vmov v51;
	[tilespmem:v8+s7+$0x0] =	vst.idx.msk $0xffff, v6  }
0x9e8: {  	v8 =	vor.u32 v53, v2;
	v6 =	vld.idx.msk [tilespmem:v10+s3+$0x0], $0xffff  }
0x9e9: {  	v10 =	vor.u32 v47, v4  }
0x9ea: {  	v12 =	vld [tilespmem:$0x1F800];
	_ =	sdelay $0x2  }
0x9eb: {  	[tilespmem:v8+s7+$0x0] =	vst.idx.msk $0xffff, v6  }
0x9ec: {  	v8 =	vor.u32 v35, v2;
	v6 =	vld.idx.msk [tilespmem:v10+s3+$0x0], $0xffff  }
0x9ed: {  	v10 =	vor.u32 v12, v4;
	_ =	sdelay $0x3  }
0x9ee: {  	v49 =	vld [tilespmem:$0x1F810];
	[tilespmem:v8+s7+$0x0] =	vst.idx.msk $0xffff, v6  }
0x9ef: {  	v8 =	vor.u32 v59, v2;
	v6 =	vld.idx.msk [tilespmem:v10+s3+$0x0], $0xffff;
	_ =	sdelay $0x3  }
0x9f0: {  	v57 =	vmov v13;
	v10 =	vor.u32 v49, v4  }
0x9f1: {  	v27 =	vmov v61;
	v61 =	vmov v57;
	[tilespmem:v8+s7+$0x0] =	vst.idx.msk $0xffff, v6;
	v8 =	vor.u32 v57, v2;
	v57 =	vld [tilespmem:$0x1F820];
	_ =	sdelay $0x3  }
0x9f2: {  	v6 =	vld.idx.msk [tilespmem:v10+s3+$0x0], $0xffff  }
0x9f3: {  	v4 =	vor.u32 v57, v4;
	_ =	sdelay $0x1  }
0x9f4: {  	v13 =	vmovc v39;
	v39 =	vmov v33;
	v7 =	vmov v15;
	v15 =	vld [tilespmem:$0x1FFB0];
	v33 =	vmov v35  }
0x9f5: {  	v51 =	vmovc v23;
	v23 =	vld [tilespmem:$0x1FF70];
	v58 =	vmovc v29;
	v29 =	vmov v27;
	v27 =	vmov v43;
	v60 =	vmov v25  }
0x9f6: {  	s13 =	simm.s32 $0x1;
	v25 =	vmovc v51;
	v35 =	vmovc v37;
	v37 =	vmov v53;
	v10 =	vmov v19;
	v19 =	vld [tilespmem:$0x1FF60];
	[tilespmem:v8+s7+$0x0] =	vst.idx.msk $0xffff, v6;
	v6 =	vlaneseq.u32  }
0x9f7: {  	s10 =	simm.s32 $0x2;
	v53 =	vmovc v33;
	v33 =	vmovc v5;
	v5 =	vmov v12;
	v43 =	vmov v10;
	v8 =	vadd.s32 s13, v6;
	v6 =	vld.idx.msk [tilespmem:v4+s3+$0x0], $0xffff  }
.LBB2_20:
0x9f8: {  	v4 =	vand.u32 $0xF, v8;
	v2 =	vor.u32 v1, v2  }
0x9f9: {  	v10 =	vor.u32 v9, v4  }
0x9fa: {  	v12 =	vshll.u32 v8, $0x2  }
0x9fb: {  	v8 =	vand.u32 $0x7, v8;
	v12 =	vand.u32 $0x20, v12  }
0x9fc: {  	v8 =	vor.u32 v8, v12  }
0x9fd: {  	v12 =	vlaneseq.u32;
	[tilespmem:v2+s7+$0x0] =	vst.idx.msk $0xffff, v6;
	v2 =	vshll.u32 v8, $0x7  }
0x9fe: {  	v6 =	vld.idx.msk [tilespmem:v10+s3+$0x0], $0xffff;
	v8 =	vor.u32 v12, v2;
	_ =	sdelay $0x4  }
0x9ff: {  	v10 =	vor.u32 v11, v4;
	[tilespmem:v8+s7+$0x0] =	vst.idx.msk $0xffff, v6;
	v8 =	vld [tilespmem:$0x1FC30];
	_ =	sdelay $0x4  }
0xa00: {  	v6 =	vld.idx.msk [tilespmem:v10+s3+$0x0], $0xffff;
	v8 =	vor.u32 v8, v2  }
0xa01: {  	v10 =	vor.u32 v14, v4;
	_ =	sdelay $0x3  }
0xa02: {  	[tilespmem:v8+s7+$0x0] =	vst.idx.msk $0xffff, v6  }
0xa03: {  	v8 =	vor.u32 v35, v2;
	v6 =	vld.idx.msk [tilespmem:v10+s3+$0x0], $0xffff  }
0xa04: {  	v10 =	vor.u32 v16, v4;
	_ =	sdelay $0x3  }
0xa05: {  	[tilespmem:v8+s7+$0x0] =	vst.idx.msk $0xffff, v6  }
0xa06: {  	v8 =	vor.u32 v13, v2;
	v6 =	vld.idx.msk [tilespmem:v10+s3+$0x0], $0xffff  }
0xa07: {  	v10 =	vor.u32 v17, v4;
	_ =	sdelay $0x3  }
0xa08: {  	[tilespmem:v8+s7+$0x0] =	vst.idx.msk $0xffff, v6  }
0xa09: {  	v8 =	vor.u32 v15, v2;
	v6 =	vld.idx.msk [tilespmem:v10+s3+$0x0], $0xffff  }
0xa0a: {  	v10 =	vor.u32 v18, v4;
	_ =	sdelay $0x3  }
0xa0b: {  	[tilespmem:v8+s7+$0x0] =	vst.idx.msk $0xffff, v6  }
0xa0c: {  	v8 =	vor.u32 v23, v2;
	v6 =	vld.idx.msk [tilespmem:v10+s3+$0x0], $0xffff  }
0xa0d: {  	v10 =	vor.u32 v20, v4;
	_ =	sdelay $0x3  }
0xa0e: {  	[tilespmem:v8+s7+$0x0] =	vst.idx.msk $0xffff, v6  }
0xa0f: {  	v8 =	vor.u32 v19, v2;
	v6 =	vld.idx.msk [tilespmem:v10+s3+$0x0], $0xffff  }
0xa10: {  	v10 =	vor.u32 v21, v4;
	_ =	sdelay $0x3  }
0xa11: {  	[tilespmem:v8+s7+$0x0] =	vst.idx.msk $0xffff, v6  }
0xa12: {  	v8 =	vor.u32 v7, v2;
	v6 =	vld.idx.msk [tilespmem:v10+s3+$0x0], $0xffff  }
0xa13: {  	v10 =	vor.u32 v22, v4;
	_ =	sdelay $0x3  }
0xa14: {  	[tilespmem:v8+s7+$0x0] =	vst.idx.msk $0xffff, v6  }
0xa15: {  	v8 =	vor.u32 v63, v2;
	v6 =	vld.idx.msk [tilespmem:v10+s3+$0x0], $0xffff  }
0xa16: {  	v10 =	vor.u32 v24, v4;
	_ =	sdelay $0x3  }
0xa17: {  	[tilespmem:v8+s7+$0x0] =	vst.idx.msk $0xffff, v6  }
0xa18: {  	v8 =	vor.u32 v25, v2;
	v6 =	vld.idx.msk [tilespmem:v10+s3+$0x0], $0xffff  }
0xa19: {  	v10 =	vor.u32 v26, v4;
	_ =	sdelay $0x3  }
0xa1a: {  	[tilespmem:v8+s7+$0x0] =	vst.idx.msk $0xffff, v6  }
0xa1b: {  	v8 =	vor.u32 v29, v2;
	v6 =	vld.idx.msk [tilespmem:v10+s3+$0x0], $0xffff  }
0xa1c: {  	v10 =	vor.u32 v28, v4;
	_ =	sdelay $0x3  }
0xa1d: {  	[tilespmem:v8+s7+$0x0] =	vst.idx.msk $0xffff, v6  }
0xa1e: {  	v8 =	vor.u32 v27, v2;
	v6 =	vld.idx.msk [tilespmem:v10+s3+$0x0], $0xffff  }
0xa1f: {  	v10 =	vor.u32 v30, v4;
	_ =	sdelay $0x3  }
0xa20: {  	[tilespmem:v8+s7+$0x0] =	vst.idx.msk $0xffff, v6  }
0xa21: {  	v8 =	vor.u32 v31, v2;
	v6 =	vld.idx.msk [tilespmem:v10+s3+$0x0], $0xffff  }
0xa22: {  	v10 =	vor.u32 v32, v4;
	_ =	sdelay $0x3  }
0xa23: {  	[tilespmem:v8+s7+$0x0] =	vst.idx.msk $0xffff, v6  }
0xa24: {  	v8 =	vor.u32 v33, v2;
	v6 =	vld.idx.msk [tilespmem:v10+s3+$0x0], $0xffff  }
0xa25: {  	v10 =	vor.u32 v34, v4;
	_ =	sdelay $0x3  }
0xa26: {  	[tilespmem:v8+s7+$0x0] =	vst.idx.msk $0xffff, v6  }
0xa27: {  	v8 =	vor.u32 v0, v2;
	v6 =	vld.idx.msk [tilespmem:v10+s3+$0x0], $0xffff  }
0xa28: {  	v10 =	vor.u32 v36, v4;
	_ =	sdelay $0x3  }
0xa29: {  	[tilespmem:v8+s7+$0x0] =	vst.idx.msk $0xffff, v6  }
0xa2a: {  	v8 =	vor.u32 v39, v2;
	v6 =	vld.idx.msk [tilespmem:v10+s3+$0x0], $0xffff  }
0xa2b: {  	v10 =	vor.u32 v38, v4;
	_ =	sdelay $0x3  }
0xa2c: {  	[tilespmem:v8+s7+$0x0] =	vst.idx.msk $0xffff, v6  }
0xa2d: {  	v8 =	vor.u32 v3, v2;
	v6 =	vld.idx.msk [tilespmem:v10+s3+$0x0], $0xffff;
	_ =	sdelay $0x4  }
0xa2e: {  	v10 =	vor.u32 v40, v4;
	[tilespmem:v8+s7+$0x0] =	vst.idx.msk $0xffff, v6;
	v8 =	vld [tilespmem:$0x1FF40];
	_ =	sdelay $0x4  }
0xa2f: {  	v6 =	vld.idx.msk [tilespmem:v10+s3+$0x0], $0xffff;
	v8 =	vor.u32 v8, v2;
	_ =	sdelay $0x4  }
0xa30: {  	v10 =	vor.u32 v42, v4;
	[tilespmem:v8+s7+$0x0] =	vst.idx.msk $0xffff, v6;
	v8 =	vld [tilespmem:$0x1FEA0];
	_ =	sdelay $0x4  }
0xa31: {  	v6 =	vld.idx.msk [tilespmem:v10+s3+$0x0], $0xffff;
	v8 =	vor.u32 v8, v2;
	_ =	sdelay $0x4  }
0xa32: {  	v10 =	vor.u32 v44, v4;
	[tilespmem:v8+s7+$0x0] =	vst.idx.msk $0xffff, v6;
	v8 =	vld [tilespmem:$0x1FE90];
	_ =	sdelay $0x4  }
0xa33: {  	v6 =	vld.idx.msk [tilespmem:v10+s3+$0x0], $0xffff;
	v8 =	vor.u32 v8, v2  }
0xa34: {  	v10 =	vor.u32 v46, v4;
	_ =	sdelay $0x3  }
0xa35: {  	[tilespmem:v8+s7+$0x0] =	vst.idx.msk $0xffff, v6  }
0xa36: {  	v8 =	vor.u32 v60, v2;
	v6 =	vld.idx.msk [tilespmem:v10+s3+$0x0], $0xffff  }
0xa37: {  	v10 =	vor.u32 v48, v4;
	_ =	sdelay $0x3  }
0xa38: {  	[tilespmem:v8+s7+$0x0] =	vst.idx.msk $0xffff, v6  }
0xa39: {  	v8 =	vor.u32 v43, v2;
	v6 =	vld.idx.msk [tilespmem:v10+s3+$0x0], $0xffff  }
0xa3a: {  	v10 =	vor.u32 v50, v4;
	_ =	sdelay $0x3  }
0xa3b: {  	[tilespmem:v8+s7+$0x0] =	vst.idx.msk $0xffff, v6  }
0xa3c: {  	v8 =	vor.u32 v58, v2;
	v6 =	vld.idx.msk [tilespmem:v10+s3+$0x0], $0xffff  }
0xa3d: {  	v10 =	vor.u32 v52, v4;
	_ =	sdelay $0x3  }
0xa3e: {  	[tilespmem:v8+s7+$0x0] =	vst.idx.msk $0xffff, v6  }
0xa3f: {  	v8 =	vor.u32 v62, v2;
	v6 =	vld.idx.msk [tilespmem:v10+s3+$0x0], $0xffff  }
0xa40: {  	v10 =	vor.u32 v54, v4;
	_ =	sdelay $0x3  }
0xa41: {  	[tilespmem:v8+s7+$0x0] =	vst.idx.msk $0xffff, v6  }
0xa42: {  	v8 =	vor.u32 v55, v2;
	v6 =	vld.idx.msk [tilespmem:v10+s3+$0x0], $0xffff;
	_ =	sdelay $0x4  }
0xa43: {  	v10 =	vor.u32 v56, v4;
	[tilespmem:v8+s7+$0x0] =	vst.idx.msk $0xffff, v6;
	v8 =	vld [tilespmem:$0x1FEB0];
	_ =	sdelay $0x4  }
0xa44: {  	v6 =	vld.idx.msk [tilespmem:v10+s3+$0x0], $0xffff;
	v8 =	vor.u32 v8, v2;
	_ =	sdelay $0x4  }
0xa45: {  	v10 =	vor.u32 v45, v4;
	[tilespmem:v8+s7+$0x0] =	vst.idx.msk $0xffff, v6;
	v8 =	vld [tilespmem:$0x1FCB0];
	_ =	sdelay $0x4  }
0xa46: {  	v6 =	vld.idx.msk [tilespmem:v10+s3+$0x0], $0xffff;
	v8 =	vor.u32 v8, v2  }
0xa47: {  	v10 =	vor.u32 v41, v4;
	_ =	sdelay $0x3  }
0xa48: {  	[tilespmem:v8+s7+$0x0] =	vst.idx.msk $0xffff, v6  }
0xa49: {  	v8 =	vor.u32 v37, v2;
	v6 =	vld.idx.msk [tilespmem:v10+s3+$0x0], $0xffff  }
0xa4a: {  	v10 =	vor.u32 v47, v4;
	_ =	sdelay $0x3  }
0xa4b: {  	[tilespmem:v8+s7+$0x0] =	vst.idx.msk $0xffff, v6  }
0xa4c: {  	v8 =	vor.u32 v53, v2;
	v6 =	vld.idx.msk [tilespmem:v10+s3+$0x0], $0xffff  }
0xa4d: {  	v10 =	vor.u32 v5, v4;
	_ =	sdelay $0x3  }
0xa4e: {  	[tilespmem:v8+s7+$0x0] =	vst.idx.msk $0xffff, v6  }
0xa4f: {  	v8 =	vor.u32 v59, v2;
	v6 =	vld.idx.msk [tilespmem:v10+s3+$0x0], $0xffff  }
0xa50: {  	v10 =	vor.u32 v49, v4;
	_ =	sdelay $0x3  }
0xa51: {  	[tilespmem:v8+s7+$0x0] =	vst.idx.msk $0xffff, v6  }
0xa52: {  	v8 =	vor.u32 v61, v2;
	v6 =	vld.idx.msk [tilespmem:v10+s3+$0x0], $0xffff  }
0xa53: {  	p1 =	sne.s32 s10, $0xF;
	v4 =	vor.u32 v57, v4  }
.Ltmp11:
0xa54: {  	_ = 	snop;
	(pc) =	sbr.rel @p1 .LBB2_20-.Ltmp11, $3  }
0xa55: {  	_ =	sdelay $0x1  }
0xa56: {  	[tilespmem:v8+s7+$0x0] =	vst.idx.msk $0xffff, v6  }
0xa57: {  	v10 =	vlaneseq.u32;
	v8 =	vadd.s32 s10, v12;
	s10 =	sadd.s32 $0x1, s10;
	v6 =	vld.idx.msk [tilespmem:v4+s3+$0x0], $0xffff  }
0xa58: {  	v4 =	vand.u32 $0xF, v8;
	v2 =	vor.u32 v1, v2  }
0xa59: {  	v9 =	vor.u32 v9, v4  }
0xa5a: {  	v12 =	vshll.u32 v8, $0x2  }
0xa5b: {  	v8 =	vand.u32 $0x7, v8;
	v12 =	vand.u32 $0x20, v12  }
0xa5c: {  	v8 =	vor.u32 v8, v12  }
0xa5d: {  	[tilespmem:v2+s7+$0x0] =	vst.idx.msk $0xffff, v6;
	v2 =	vshll.u32 v8, $0x7  }
0xa5e: {  	v6 =	vld.idx.msk [tilespmem:v9+s3+$0x0], $0xffff;
	v8 =	vor.u32 v10, v2;
	_ =	sdelay $0x4  }
0xa5f: {  	v10 =	vor.u32 v11, v4;
	[tilespmem:v8+s7+$0x0] =	vst.idx.msk $0xffff, v6;
	v8 =	vld [tilespmem:$0x1FC30];
	_ =	sdelay $0x4  }
0xa60: {  	v6 =	vld.idx.msk [tilespmem:v10+s3+$0x0], $0xffff;
	v8 =	vor.u32 v8, v2  }
0xa61: {  	v10 =	vor.u32 v14, v4;
	_ =	sdelay $0x3  }
0xa62: {  	[tilespmem:v8+s7+$0x0] =	vst.idx.msk $0xffff, v6  }
0xa63: {  	v8 =	vor.u32 v35, v2;
	v6 =	vld.idx.msk [tilespmem:v10+s3+$0x0], $0xffff  }
0xa64: {  	v10 =	vor.u32 v16, v4;
	_ =	sdelay $0x3  }
0xa65: {  	[tilespmem:v8+s7+$0x0] =	vst.idx.msk $0xffff, v6  }
0xa66: {  	v8 =	vor.u32 v13, v2;
	v6 =	vld.idx.msk [tilespmem:v10+s3+$0x0], $0xffff  }
0xa67: {  	v10 =	vor.u32 v17, v4;
	_ =	sdelay $0x3  }
0xa68: {  	[tilespmem:v8+s7+$0x0] =	vst.idx.msk $0xffff, v6  }
0xa69: {  	v8 =	vor.u32 v15, v2;
	v6 =	vld.idx.msk [tilespmem:v10+s3+$0x0], $0xffff  }
0xa6a: {  	v10 =	vor.u32 v18, v4;
	_ =	sdelay $0x3  }
0xa6b: {  	[tilespmem:v8+s7+$0x0] =	vst.idx.msk $0xffff, v6  }
0xa6c: {  	v8 =	vor.u32 v23, v2;
	v6 =	vld.idx.msk [tilespmem:v10+s3+$0x0], $0xffff  }
0xa6d: {  	v10 =	vor.u32 v20, v4;
	_ =	sdelay $0x3  }
0xa6e: {  	[tilespmem:v8+s7+$0x0] =	vst.idx.msk $0xffff, v6  }
0xa6f: {  	v8 =	vor.u32 v19, v2;
	v6 =	vld.idx.msk [tilespmem:v10+s3+$0x0], $0xffff  }
0xa70: {  	v10 =	vor.u32 v21, v4;
	_ =	sdelay $0x3  }
0xa71: {  	[tilespmem:v8+s7+$0x0] =	vst.idx.msk $0xffff, v6  }
0xa72: {  	v8 =	vor.u32 v7, v2;
	v6 =	vld.idx.msk [tilespmem:v10+s3+$0x0], $0xffff  }
0xa73: {  	v10 =	vor.u32 v22, v4;
	_ =	sdelay $0x3  }
0xa74: {  	[tilespmem:v8+s7+$0x0] =	vst.idx.msk $0xffff, v6  }
0xa75: {  	v8 =	vor.u32 v63, v2;
	v6 =	vld.idx.msk [tilespmem:v10+s3+$0x0], $0xffff  }
0xa76: {  	v10 =	vor.u32 v24, v4;
	_ =	sdelay $0x3  }
0xa77: {  	[tilespmem:v8+s7+$0x0] =	vst.idx.msk $0xffff, v6  }
0xa78: {  	v8 =	vor.u32 v25, v2;
	v6 =	vld.idx.msk [tilespmem:v10+s3+$0x0], $0xffff  }
0xa79: {  	v10 =	vor.u32 v26, v4;
	_ =	sdelay $0x3  }
0xa7a: {  	[tilespmem:v8+s7+$0x0] =	vst.idx.msk $0xffff, v6  }
0xa7b: {  	v8 =	vor.u32 v29, v2;
	v6 =	vld.idx.msk [tilespmem:v10+s3+$0x0], $0xffff  }
0xa7c: {  	v10 =	vor.u32 v28, v4;
	_ =	sdelay $0x3  }
0xa7d: {  	[tilespmem:v8+s7+$0x0] =	vst.idx.msk $0xffff, v6  }
0xa7e: {  	v8 =	vor.u32 v27, v2;
	v6 =	vld.idx.msk [tilespmem:v10+s3+$0x0], $0xffff  }
0xa7f: {  	v10 =	vor.u32 v30, v4;
	_ =	sdelay $0x3  }
0xa80: {  	[tilespmem:v8+s7+$0x0] =	vst.idx.msk $0xffff, v6  }
0xa81: {  	v8 =	vor.u32 v31, v2;
	v6 =	vld.idx.msk [tilespmem:v10+s3+$0x0], $0xffff  }
0xa82: {  	v10 =	vor.u32 v32, v4;
	_ =	sdelay $0x3  }
0xa83: {  	[tilespmem:v8+s7+$0x0] =	vst.idx.msk $0xffff, v6  }
0xa84: {  	v8 =	vor.u32 v33, v2;
	v6 =	vld.idx.msk [tilespmem:v10+s3+$0x0], $0xffff  }
0xa85: {  	v10 =	vor.u32 v34, v4;
	_ =	sdelay $0x3  }
0xa86: {  	[tilespmem:v8+s7+$0x0] =	vst.idx.msk $0xffff, v6  }
0xa87: {  	v8 =	vor.u32 v0, v2;
	v6 =	vld.idx.msk [tilespmem:v10+s3+$0x0], $0xffff  }
0xa88: {  	v10 =	vor.u32 v36, v4;
	_ =	sdelay $0x3  }
0xa89: {  	[tilespmem:v8+s7+$0x0] =	vst.idx.msk $0xffff, v6  }
0xa8a: {  	v8 =	vor.u32 v39, v2;
	v6 =	vld.idx.msk [tilespmem:v10+s3+$0x0], $0xffff  }
0xa8b: {  	v10 =	vor.u32 v38, v4;
	_ =	sdelay $0x3  }
0xa8c: {  	[tilespmem:v8+s7+$0x0] =	vst.idx.msk $0xffff, v6  }
0xa8d: {  	v8 =	vor.u32 v3, v2;
	v6 =	vld.idx.msk [tilespmem:v10+s3+$0x0], $0xffff  }
0xa8e: {  	v11 =	vmov v35;
	v35 =	vld [tilespmem:$0x1FF40];
	v10 =	vor.u32 v40, v4;
	_ =	sdelay $0x3  }
0xa8f: {  	[tilespmem:v8+s7+$0x0] =	vst.idx.msk $0xffff, v6  }
0xa90: {  	v8 =	vor.u32 v35, v2;
	v6 =	vld.idx.msk [tilespmem:v10+s3+$0x0], $0xffff  }
0xa91: {  	v17 =	vld [tilespmem:$0x1FEA0];
	v10 =	vor.u32 v42, v4;
	_ =	sdelay $0x3  }
0xa92: {  	[tilespmem:v8+s7+$0x0] =	vst.idx.msk $0xffff, v6  }
0xa93: {  	v8 =	vor.u32 v17, v2;
	v6 =	vld.idx.msk [tilespmem:v10+s3+$0x0], $0xffff  }
0xa94: {  	v21 =	vmov v25;
	v25 =	vld [tilespmem:$0x1FE90];
	v10 =	vor.u32 v44, v4;
	_ =	sdelay $0x3  }
0xa95: {  	[tilespmem:v8+s7+$0x0] =	vst.idx.msk $0xffff, v6  }
0xa96: {  	v8 =	vor.u32 v25, v2;
	v6 =	vld.idx.msk [tilespmem:v10+s3+$0x0], $0xffff  }
0xa97: {  	v10 =	vor.u32 v46, v4;
	_ =	sdelay $0x3  }
0xa98: {  	[tilespmem:v8+s7+$0x0] =	vst.idx.msk $0xffff, v6  }
0xa99: {  	v8 =	vor.u32 v60, v2;
	v6 =	vld.idx.msk [tilespmem:v10+s3+$0x0], $0xffff  }
0xa9a: {  	v10 =	vor.u32 v48, v4;
	_ =	sdelay $0x3  }
0xa9b: {  	[tilespmem:v8+s7+$0x0] =	vst.idx.msk $0xffff, v6  }
0xa9c: {  	v8 =	vor.u32 v43, v2;
	v6 =	vld.idx.msk [tilespmem:v10+s3+$0x0], $0xffff  }
0xa9d: {  	v10 =	vor.u32 v50, v4;
	_ =	sdelay $0x3  }
0xa9e: {  	[tilespmem:v8+s7+$0x0] =	vst.idx.msk $0xffff, v6  }
0xa9f: {  	v8 =	vor.u32 v58, v2;
	v6 =	vld.idx.msk [tilespmem:v10+s3+$0x0], $0xffff  }
0xaa0: {  	v10 =	vor.u32 v52, v4;
	_ =	sdelay $0x3  }
0xaa1: {  	[tilespmem:v8+s7+$0x0] =	vst.idx.msk $0xffff, v6  }
0xaa2: {  	v8 =	vor.u32 v62, v2;
	v6 =	vld.idx.msk [tilespmem:v10+s3+$0x0], $0xffff  }
0xaa3: {  	v10 =	vor.u32 v54, v4;
	_ =	sdelay $0x3  }
0xaa4: {  	[tilespmem:v8+s7+$0x0] =	vst.idx.msk $0xffff, v6  }
0xaa5: {  	v8 =	vor.u32 v55, v2;
	v6 =	vld.idx.msk [tilespmem:v10+s3+$0x0], $0xffff  }
0xaa6: {  	v51 =	vmov v1;
	v1 =	vld [tilespmem:$0x1FEB0];
	v10 =	vor.u32 v56, v4;
	_ =	sdelay $0x3  }
0xaa7: {  	[tilespmem:v8+s7+$0x0] =	vst.idx.msk $0xffff, v6  }
0xaa8: {  	v8 =	vor.u32 v1, v2;
	v6 =	vld.idx.msk [tilespmem:v10+s3+$0x0], $0xffff  }
0xaa9: {  	v36 =	vmov v1;
	v1 =	vld [tilespmem:$0x1FCB0];
	v10 =	vor.u32 v45, v4;
	_ =	sdelay $0x3  }
0xaaa: {  	[tilespmem:v8+s7+$0x0] =	vst.idx.msk $0xffff, v6  }
0xaab: {  	v8 =	vor.u32 v1, v2;
	v6 =	vld.idx.msk [tilespmem:v10+s3+$0x0], $0xffff  }
0xaac: {  	v10 =	vor.u32 v41, v4;
	_ =	sdelay $0x3  }
0xaad: {  	[tilespmem:v8+s7+$0x0] =	vst.idx.msk $0xffff, v6  }
0xaae: {  	v8 =	vor.u32 v37, v2;
	v6 =	vld.idx.msk [tilespmem:v10+s3+$0x0], $0xffff  }
0xaaf: {  	v10 =	vor.u32 v47, v4;
	_ =	sdelay $0x3  }
0xab0: {  	[tilespmem:v8+s7+$0x0] =	vst.idx.msk $0xffff, v6  }
0xab1: {  	v20 =	vmovc v19;
	v19 =	vmovc v7;
	v7 =	vmov v0;
	v0 =	vmov v5;
	v8 =	vor.u32 v53, v2;
	v6 =	vld.idx.msk [tilespmem:v10+s3+$0x0], $0xffff  }
0xab2: {  	v10 =	vor.u32 v0, v4;
	_ =	sdelay $0x3  }
0xab3: {  	[tilespmem:v8+s7+$0x0] =	vst.idx.msk $0xffff, v6  }
0xab4: {  	v8 =	vor.u32 v59, v2;
	v6 =	vld.idx.msk [tilespmem:v10+s3+$0x0], $0xffff  }
0xab5: {  	v10 =	vor.u32 v49, v4;
	_ =	sdelay $0x3  }
0xab6: {  	[tilespmem:v8+s7+$0x0] =	vst.idx.msk $0xffff, v6  }
0xab7: {  	v8 =	vor.u32 v61, v2;
	v6 =	vld.idx.msk [tilespmem:v10+s3+$0x0], $0xffff  }
0xab8: {  	v1 =	vor.u32 v57, v4;
	_ =	sdelay $0x3  }
0xab9: {  	[tilespmem:v8+s7+$0x0] =	vst.idx.msk $0xffff, v6  }
0xaba: {  	v2 =	vor.u32 v51, v2;
	v1 =	vld.idx.msk [tilespmem:v1+s3+$0x0], $0xffff;
	_ =	sdelay $0x3  }
.Ltmp12:
0xabb: {  	_ = 	snop;
	(pc) =	sbr.rel @p0 .LBB2_23-.Ltmp12, $4  }
0xabc: {  	s6 =	sadd.s32 s9, s24;
	v12 =	vmov v13;
	v9 =	vmov v60;
	v14 =	vmov v62;
	[tilespmem:v2+s7+$0x0] =	vst.idx.msk $0xffff, v1  }
0xabd: {  	v16 =	vmovc v59;
	v13 =	vmovc v15;
	v15 =	vmov v23;
	v23 =	vmov v43;
	v22 =	vmov v27;
	[hbm4b:s6+s2] =	stream.linear.scatter [tilespmem:s7], [sflag:$0x6], $0x1000, $0x38;
	[tilespmem:$0x14400] =	vst v63  }
0xabe: {  	s13 =	sadd.s32 s9, s26;
	v26 =	vmovc v29;
	v29 =	vmovc v33;
	v27 =	vmov v31;
	v30 =	vmov v55;
	v5 =	vmov v58  }
0xabf: {  	v48 =	vmovc v17;
	v41 =	vmovc v7;
	v7 =	vmov v53;
	v8 =	vmov v3;
	v1 =	vmov v39;
	[hbm4b:s13+s2] =	stream.linear.scatter [tilespmem:s30], [sflag:$0x6], $0x1000, $0x38;
	[tilespmem:$0x14400] =	vst v63  }
0xac0: {  	_ =	swait.ge [sflag:s0], $0x200  }
0xac1: {  	v33 =	vld [tilespmem:$0x1FCE0]  }
0xac2: {  	v63 =	vld [tilespmem:$0x1FCF0]  }
0xac3: {  	v18 =	vld [tilespmem:$0x1FD00]  }
0xac4: {  	v42 =	vld [tilespmem:$0x1FD10]  }
0xac5: {  	v39 =	vld [tilespmem:$0x1FD20]  }
0xac6: {  	v46 =	vld [tilespmem:$0x1FD30]  }
0xac7: {  	v44 =	vld [tilespmem:$0x1FD40]  }
0xac8: {  	v50 =	vld [tilespmem:$0x1FD50]  }
0xac9: {  	v49 =	vld [tilespmem:$0x1FD60]  }
0xaca: {  	v52 =	vld [tilespmem:$0x1FD70]  }
0xacb: {  	v51 =	vld [tilespmem:$0x1FD80]  }
0xacc: {  	v55 =	vld [tilespmem:$0x1FD90]  }
0xacd: {  	v54 =	vld [tilespmem:$0x1FDA0]  }
0xace: {  	v58 =	vld [tilespmem:$0x1FDB0]  }
0xacf: {  	v56 =	vld [tilespmem:$0x1FDC0]  }
0xad0: {  	v62 =	vld [tilespmem:$0x1FDD0]  }
0xad1: {  	v60 =	vld [tilespmem:$0x1FDE0]  }
0xad2: {  	v40 =	vld [tilespmem:$0x1FE20]  }
.Ltmp13:
0xad3: {  	v0 =	vld [tilespmem:$0x1FE30];
	(pc) =	sbr.rel .LBB2_2-.Ltmp13, $4  }
0xad4: {  	v3 =	vld [tilespmem:$0x1FE40]  }
0xad5: {  	s6 =	simm.s32 $0x14200;
	v43 =	vmovc v5;
	v59 =	vmovc v9;
	v47 =	vmov v14;
	v31 =	vmov v12;
	v5 =	vmov v13;
	[sflag:s0] =	ssyncset.done $0x0;
	v17 =	vld [tilespmem:$0x1FE50]  }
0xad6: {  	s9 =	simm.s32 $0x200;
	s31 =	sadd.s32 $0x1, s31;
	v38 =	vmovc v20;
	v9 =	vmovc v15;
	v10 =	vmov v21;
	v21 =	vmov v29;
	v53 =	vmov v23;
	v45 =	vld [tilespmem:$0x1FE70];
	[sflag:s0] =	ssyncadd.s32 $0xFFFFFE00  }
0xad7: {  	v57 =	vmovc v36;
	v24 =	vmovc v11;
	v20 =	vmov v1;
	v15 =	vmov v8;
	v11 =	vmov v25;
	v28 =	vld [tilespmem:$0x1FE60];
	[tilespmem:s3], [sflag:$0x2] =	stream.indirect.gather [hbm4b:s4+s9], $0x40, s6, s9, $0xb8  }
.LBB2_24:
0xad8: {  	_ =	sfence.sel $0x180000  }
0xad9: {  	[bflag:$0x0] =	sbarrier.arrive $0xFFFF  }
0xada: {  	_ =	strace $0x90000047  }
0xadb: {  	s0 =	stileid.u32;
	[bflag:$0x2] =	sbarrier.arrive $0xFFFF  }
0xadc: {  	p0 =	sne.s32 s0, $0x0;
	s0 =	rddreg [dreg:$0x2]  }
0xadd: {  	s0 =	sadd.s32 @!p0 $0x100000, s0  }
0xade: {  	[sflag:s0] =	ssyncadd.tile.s32 @!p0 $0x1;
	_ =	shalt  }
.Lfunc_end2:
_tile_overlayer_lowered:
.L_overlay_start_2:
0xadf: {  	(tag) =	ssettag $0x2  }
0xae0: {  	s0 =	rddreg [dreg:$0x0];
	s2 =	stileid.u32  }
0xae1: {  	s1 =	rddreg [dreg:$0x1];
	p0 =	sne.s32 s2, $0x0  }
0xae2: {  	s3 =	rddreg [dreg:$0x2];
	[bflag:$0x3] =	sbarrier.arrive $0xFFFF;
	s2 =	simm.s32 @!p0 $0x1C07  }
0xae3: {  	[timem:s3], [sflag:s2] =	dma.local @!p0 [hbm:s0], s1  }
0xae4: {  	s0 =	simm.s32 @!p0 $0x7  }
0xae5: {  	_ =	swait.ge @!p0 [sflag:s0], s1  }
0xae6: {  	s1 =	ssub.s32 @!p0 $0x0, s1;
	[sflag:s0] =	ssyncset.done @!p0 $0x0  }
0xae7: {  	[sflag:s0] =	ssyncadd.s32 @!p0 s1  }
0xae8: {  	[bflag:$0x3] =	sbarrier.arrive $0xFFFF  }
0xae9: {  	_ =	shalt  }

</sc_bundles>
